<compile_context>
chip_gen: v7x
topology: tpu7x:2x2x1
jax: 0.10.2.dev20260603
libtpu: 0.0.44.dev20260713+nightly
codegen_flags: <defaults>
</compile_context>

<pallas_src>
import functools

import jax
import jax.numpy as jnp
from jax import lax
from jax.experimental import pallas as pl
from jax.experimental.pallas import tpu as pltpu
from jax.experimental.pallas import tpu_sc as plsc

N = 10000
D = 128
H = 128
E = 320000

NPAD = 10240
NHALF = NPAD // 2
NSUB = 16
EW = E // NSUB
CHUNK = 128
NBUF = 8
GCH = 32
GCHUNKS = 4 * 161
TRASH = 128
DROWS = 48
ACC_ROWS = NHALF + TRASH
ZROWS_PER_TILE = ACC_ROWS // NSUB
WROWS_PER_TILE = NHALF // NSUB
LCHUNKS = 161
LBUF = LCHUNKS * CHUNK
RBLK = 1024
GRID = NPAD // RBLK

_HIGH = lax.Precision.HIGHEST


def _ln(h, scale, bias):
    mu = jnp.mean(h, axis=-1, keepdims=True)
    var = jnp.mean((h - mu) ** 2, axis=-1, keepdims=True)
    return (h - mu) * lax.rsqrt(var + 1e-5) * scale + bias



def _tc_in_body(x_ref, wi_ref, bi_ref, s_ref, b_ref, h_ref, z_ref):
    h = jax.nn.gelu(
        jnp.dot(x_ref[...], wi_ref[...], preferred_element_type=jnp.float32,
                precision=_HIGH) + bi_ref[...])
    h_ref[...] = h
    z_ref[...] = _ln(h, s_ref[...], b_ref[...])


def _agg_block(p_ref, d_ref):
    deg = jnp.maximum(d_ref[...], 1.0)
    return p_ref[...] / deg


def _ffn(z, agg, h, w1a, w1b, b1, w2, b2):
    u = jax.nn.gelu(
        jnp.dot(z, w1a[...], preferred_element_type=jnp.float32, precision=_HIGH)
        + jnp.dot(agg, w1b[...], preferred_element_type=jnp.float32, precision=_HIGH)
        + b1[...])
    return h + jnp.dot(u, w2[...], preferred_element_type=jnp.float32,
                       precision=_HIGH) + b2[...]


def _tc_blk_body(h_ref, z_ref, p_ref, d_ref, w1a, w1b, b1, w2, b2, s_ref, b_ref,
                 h_out, z_out):
    agg = _agg_block(p_ref, d_ref)
    h2 = _ffn(z_ref[...], agg, h_ref[...], w1a, w1b, b1, w2, b2)
    h_out[...] = h2
    z_out[...] = _ln(h2, s_ref[...], b_ref[...])


def _tc_fin_body(h_ref, z_ref, p_ref, d_ref, w1a, w1b, b1, w2, b2, so, bo,
                 wo, bco, out_ref):
    agg = _agg_block(p_ref, d_ref)
    h2 = _ffn(z_ref[...], agg, h_ref[...], w1a, w1b, b1, w2, b2)
    hn = _ln(h2, so[...], bo[...])
    out_ref[...] = jnp.sum(hn * wo[...], axis=-1, keepdims=True) + bco[0, 0]


def _row_spec(i):
    return (i, 0)


def _rep_spec(i):
    return (0, 0)


_WSPEC = pl.BlockSpec((D, H), _rep_spec)
_VSPEC = pl.BlockSpec((1, H), _rep_spec)
_RSPEC = pl.BlockSpec((RBLK, H), _row_spec)
_DSPEC = pl.BlockSpec((RBLK, 1), _row_spec)

_HSHAPE = jax.ShapeDtypeStruct((NPAD, H), jnp.float32)

_tc_in = pl.pallas_call(
    _tc_in_body,
    grid=(GRID,),
    in_specs=[_RSPEC, _WSPEC, _VSPEC, _VSPEC, _VSPEC],
    out_specs=[_RSPEC, _RSPEC],
    out_shape=[_HSHAPE, _HSHAPE],
)

_tc_blk = pl.pallas_call(
    _tc_blk_body,
    grid=(GRID,),
    in_specs=[_RSPEC, _RSPEC, _RSPEC, _DSPEC,
              _WSPEC, _WSPEC, _VSPEC, _WSPEC, _VSPEC, _VSPEC, _VSPEC],
    out_specs=[_RSPEC, _RSPEC],
    out_shape=[_HSHAPE, _HSHAPE],
)

_tc_fin = pl.pallas_call(
    _tc_fin_body,
    grid=(GRID,),
    in_specs=[_RSPEC, _RSPEC, _RSPEC, _DSPEC,
              _WSPEC, _WSPEC, _VSPEC, _WSPEC, _VSPEC, _VSPEC, _VSPEC,
              _VSPEC, pl.BlockSpec((1, 1), _rep_spec)],
    out_specs=[pl.BlockSpec((RBLK, 1), _row_spec)],
    out_shape=[jax.ShapeDtypeStruct((NPAD, 1), jnp.float32)],
)



def _sc_bin_body(src_hbm, dst_hbm, bsrc_out, bdst_out, cnt_out, deg_out,
                 src_all, dst_all, src_l, dst_l, deg_l, cnt_v):
    c = lax.axis_index("c")
    s = lax.axis_index("s")

    z16 = jnp.zeros((16,), jnp.float32)

    def fill_degl(r, carry):
        for j in range(H // 16):
            deg_l[r, pl.ds(j * 16, 16)] = z16
        return carry

    lax.fori_loop(0, DROWS, fill_degl, 0)

    pltpu.sync_copy(src_hbm.at[s], src_all)
    pltpu.sync_copy(dst_hbm.at[s], dst_all)

    lo = c * NHALF
    lov = jnp.broadcast_to(lo, (16,))
    nhv = jnp.full((16,), NHALF, jnp.int32)
    zv16 = jnp.zeros((16,), jnp.int32)
    onev = jnp.full((16,), 1, jnp.int32)
    c127 = jnp.full((16,), CHUNK - 1, jnp.int32)
    fone = jnp.ones((16,), jnp.float32)
    i16 = lax.iota(jnp.int32, 16)

    def bin_body(i, off):
        sv = src_all[pl.ds(16 * i, 16)]
        dv = dst_all[pl.ds(16 * i, 16)]
        u = dv - lov
        keep = (u >= zv16) & (u < nhv)
        mi = jnp.where(keep, onev, zv16)
        keyv = mi * 32 + i16
        _, svs = plsc.sort_key_val(keyv, sv, descending=True)
        _, uvs = plsc.sort_key_val(keyv, u, descending=True)
        pos = jnp.broadcast_to(off, (16,)) + i16
        pr = lax.shift_right_logical(pos, 7)
        pc = pos & c127
        plsc.store_scatter(src_l, [pr, pc], svs)
        plsc.store_scatter(dst_l, [pr, pc], uvs)
        uj = jnp.where(keep, u, nhv + i16)
        plsc.addupdate_scatter(deg_l, [lax.shift_right_logical(uj, 7),
                                       uj & c127], fone)
        return off + plsc.all_reduce_population_count(keep)[0]

    cnt = lax.fori_loop(0, EW // 16, bin_body, 0)

    ti = NHALF + i16
    zi = jnp.zeros((16,), jnp.int32)
    for k in range(3 * CHUNK // 16):
        posk = jnp.broadcast_to(cnt + 16 * k, (16,)) + i16
        pr = lax.shift_right_logical(posk, 7)
        pc = posk & c127
        plsc.store_scatter(src_l, [pr, pc], zi)
        plsc.store_scatter(dst_l, [pr, pc], ti + 16 * (k % 8))

    cnt_v[pl.ds(0, 16)] = jnp.broadcast_to(cnt, (16,))

    pltpu.sync_copy(src_l, bsrc_out.at[c, s])
    pltpu.sync_copy(dst_l, bdst_out.at[c, s])
    pltpu.sync_copy(cnt_v, cnt_out.at[c, s])
    pltpu.sync_copy(deg_l, deg_out.at[c, s])


@functools.cache
def _get_sc_bin():
  return pl.kernel(
    _sc_bin_body,
    out_type=[jax.ShapeDtypeStruct((2, NSUB, LCHUNKS, CHUNK), jnp.int32),
              jax.ShapeDtypeStruct((2, NSUB, LCHUNKS, CHUNK), jnp.int32),
              jax.ShapeDtypeStruct((2, NSUB, 16), jnp.int32),
              jax.ShapeDtypeStruct((2, NSUB, DROWS, CHUNK), jnp.float32)],
    mesh=plsc.VectorSubcoreMesh(core_axis_name="c", subcore_axis_name="s",
                                num_cores=2, num_subcores=NSUB),
    scratch_types=[
        pltpu.VMEM((EW,), jnp.int32),
        pltpu.VMEM((EW,), jnp.int32),
        pltpu.VMEM((LCHUNKS, CHUNK), jnp.int32),
        pltpu.VMEM((LCHUNKS, CHUNK), jnp.int32),
        pltpu.VMEM((DROWS, CHUNK), jnp.float32),
        pltpu.VMEM((16,), jnp.int32),
    ],
    compiler_params=pltpu.CompilerParams(use_tc_tiling_on_sc=False,
                                         needs_layout_passes=False),
  )


def _sc_gs_body(z_hbm, bsrc_hbm, bdst_hbm, cnt_hbm, agg_out,
                src_l, dst_l, cnt_stage, rows_v, zero_v, agg_s, sems):
    sem_g = sems[:NBUF]
    sem_s = sems[NBUF:]
    c = lax.axis_index("c")
    s = lax.axis_index("s")

    z16 = jnp.zeros((16,), jnp.float32)

    def fill_zero(r, carry):
        for j in range(H // 16):
            zero_v[r, pl.ds(j * 16, 16)] = z16
        return carry

    lax.fori_loop(0, zero_v.shape[0], fill_zero, 0)

    pltpu.sync_copy(bsrc_hbm.at[c, s], src_l)
    pltpu.sync_copy(bdst_hbm.at[c, s], dst_l)
    pltpu.sync_copy(cnt_hbm.at[c, s], cnt_stage)
    cnt = cnt_stage[pl.ds(0, 16)][0]

    nchunk = jnp.maximum((cnt + GCH - 1) // GCH, NBUF)
    niter = (nchunk + NBUF - 1) // NBUF
    total = niter * NBUF

    def g_start(b, j):
        pltpu.async_copy(z_hbm.at[src_l.at[j]], rows_v.at[b], sem_g[b])

    def g_wait(b):
        pltpu.make_async_copy(z_hbm.at[src_l.at[0]], rows_v.at[b],
                              sem_g[b]).wait()

    def s_start(b, j):
        pltpu.async_copy(rows_v.at[b], agg_s.at[dst_l.at[j]], sem_s[b],
                         add=True)

    def s_wait(b):
        pltpu.make_async_copy(rows_v.at[b], agg_s.at[dst_l.at[0]],
                              sem_s[b]).wait()

    for b in range(NBUF):
        g_start(b, b)

    zbase = s * ZROWS_PER_TILE

    def zero_blk(j, carry):
        pltpu.sync_copy(zero_v, agg_s.at[pl.ds(zbase + j * 64, 64)])
        return carry

    lax.fori_loop(0, ZROWS_PER_TILE // 64, zero_blk, 0)
    rem = ZROWS_PER_TILE % 64
    if rem:
        off = zbase + (ZROWS_PER_TILE // 64) * 64
        pltpu.sync_copy(zero_v.at[pl.ds(0, rem)], agg_s.at[pl.ds(off, rem)])

    plsc.subcore_barrier()

    def body(i, carry):
        for b in range(NBUF):
            j = NBUF * i + b
            g_wait(b)
            s_start(b, j)
        for b in range(NBUF):
            j = NBUF * i + b
            s_wait(b)

            @pl.when(j + NBUF < total)
            def _():
                g_start(b, j + NBUF)
        return carry

    lax.fori_loop(0, niter, body, 0)

    plsc.subcore_barrier()

    wbase = s * WROWS_PER_TILE
    gbase = c * NHALF + wbase
    pltpu.sync_copy(agg_s.at[pl.ds(wbase, WROWS_PER_TILE)],
                    agg_out.at[pl.ds(gbase, WROWS_PER_TILE)])


@functools.cache
def _get_sc_gs():
  return pl.kernel(
    _sc_gs_body,
    out_type=[jax.ShapeDtypeStruct((NPAD, H), jnp.float32)],
    mesh=plsc.VectorSubcoreMesh(core_axis_name="c", subcore_axis_name="s",
                                num_cores=2, num_subcores=NSUB),
    scratch_types=[
        pltpu.VMEM((GCHUNKS, GCH), jnp.int32),
        pltpu.VMEM((GCHUNKS, GCH), jnp.int32),
        pltpu.VMEM((16,), jnp.int32),
        pltpu.VMEM((NBUF, GCH, H), jnp.float32),
        pltpu.VMEM((64, H), jnp.float32),
        pltpu.VMEM_SHARED((ACC_ROWS, H), jnp.float32),
        [pltpu.SemaphoreType.DMA] * (2 * NBUF),
    ],
    compiler_params=pltpu.CompilerParams(use_tc_tiling_on_sc=False),
  )


def _tc_deg_body(d_ref, out_ref):
    d = jnp.sum(d_ref[0], axis=0)
    out_ref[0] = d[:NHALF // CHUNK]


_tc_deg = pl.pallas_call(
    _tc_deg_body,
    grid=(2,),
    in_specs=[pl.BlockSpec((1, NSUB, DROWS, CHUNK), lambda i: (i, 0, 0, 0))],
    out_specs=[pl.BlockSpec((1, NHALF // CHUNK, CHUNK), lambda i: (i, 0, 0))],
    out_shape=[jax.ShapeDtypeStruct((2, NHALF // CHUNK, CHUNK), jnp.float32)],
)



def kernel(x, edge_index, W_in, b_in, ln_scale, ln_bias, ff1_W, ff1_b, ff2_W,
           ff2_b, out_ln_scale, out_ln_bias, W_out, b_out):
    xp = jnp.zeros((NPAD, D), jnp.float32).at[:N].set(x)
    src2 = edge_index[0].reshape(NSUB, EW)
    dst2 = edge_index[1].reshape(NSUB, EW)

    v = lambda a: a.reshape(1, H)

    bsrc, bdst, cnts, degr = _get_sc_bin()(src2, dst2)
    degp = _tc_deg(degr)[0].reshape(NPAD, 1)
    h, z = _tc_in(xp, W_in, v(b_in), v(ln_scale[0]), v(ln_bias[0]))
    bsrc = bsrc.reshape(2, NSUB, GCHUNKS, GCH)
    bdst = bdst.reshape(2, NSUB, GCHUNKS, GCH)
    aggp, = _get_sc_gs()(z, bsrc, bdst, cnts)
    h, z = _tc_blk(h, z, aggp, degp, ff1_W[0][:H], ff1_W[0][H:], v(ff1_b[0]),
                   ff2_W[0], v(ff2_b[0]), v(ln_scale[1]), v(ln_bias[1]))
    aggp, = _get_sc_gs()(z, bsrc, bdst, cnts)
    outp, = _tc_fin(h, z, aggp, degp, ff1_W[1][:H], ff1_W[1][H:], v(ff1_b[1]),
                    ff2_W[1], v(ff2_b[1]), v(out_ln_scale), v(out_ln_bias),
                    W_out.reshape(1, H), b_out.reshape(1, 1))
    return outp[:N, 0]

# --- scband reference (transcript-rebuilt; emitter-appended) ---
"""Pipeline reference for scband-single-input-gnn-48352741818715 (READ-ONLY COPY).

The authoritative reference and input builder live on the scoring server;
editing this copy changes nothing except your own understanding.
"""

import jax, jax.numpy as jnp
import numpy as np

N = 10000
E = 320000
D = 128
H = 128
NBLK = 2


def layer_norm(h, scale, bias, eps=1e-5):
    mu = jnp.mean(h, axis=-1, keepdims=True)
    var = jnp.var(h, axis=-1, keepdims=True)
    return (h - mu) / jnp.sqrt(var + eps) * scale + bias


def setup_inputs(seed: int = 0) -> dict:
    key = jax.random.key(seed)
    ks = jax.random.split(key, 10)
    x = jax.random.normal(ks[0], (N, D), dtype=jnp.float32)
    edge_index = jax.random.randint(ks[1], (2, E), 0, N, dtype=jnp.int32)
    W_in = jax.random.normal(ks[2], (D, H), dtype=jnp.float32) * 0.05
    b_in = jnp.zeros((H,), dtype=jnp.float32)
    ln_scale = jnp.ones((NBLK, H), dtype=jnp.float32)
    ln_bias = jnp.zeros((NBLK, H), dtype=jnp.float32)
    ff1_W = jax.random.normal(ks[3], (NBLK, 2 * H, H), dtype=jnp.float32) * 0.05
    ff1_b = jnp.zeros((NBLK, H), dtype=jnp.float32)
    ff2_W = jax.random.normal(ks[4], (NBLK, H, H), dtype=jnp.float32) * 0.05
    ff2_b = jnp.zeros((NBLK, H), dtype=jnp.float32)
    out_ln_scale = jnp.ones((H,), dtype=jnp.float32)
    out_ln_bias = jnp.zeros((H,), dtype=jnp.float32)
    W_out = jax.random.normal(ks[5], (H, 1), dtype=jnp.float32) * 0.05
    b_out = jnp.zeros((1,), dtype=jnp.float32)
    return {"x": x, "edge_index": edge_index, "W_in": W_in, "b_in": b_in,
            "ln_scale": ln_scale, "ln_bias": ln_bias, "ff1_W": ff1_W, "ff1_b": ff1_b,
            "ff2_W": ff2_W, "ff2_b": ff2_b, "out_ln_scale": out_ln_scale,
            "out_ln_bias": out_ln_bias, "W_out": W_out, "b_out": b_out}


def reference(x, edge_index, W_in, b_in, ln_scale, ln_bias, ff1_W, ff1_b,
              ff2_W, ff2_b, out_ln_scale, out_ln_bias, W_out, b_out):
    src = edge_index[0]
    dst = edge_index[1]
    deg = jnp.maximum(
        jax.ops.segment_sum(jnp.ones((E,), dtype=jnp.float32), dst, num_segments=N),
        1.0)
    # features preparator is identity (no PLR, no learnable node embeddings)
    h = jax.nn.gelu(x @ W_in + b_in)
    for i in range(NBLK):
        z = layer_norm(h, ln_scale[i], ln_bias[i])
        # mean neighborhood aggregation (message passing): gather src, scatter-add to dst
        msgs = jnp.take(z, src, axis=0)
        agg = jax.ops.segment_sum(msgs, dst, num_segments=N) / deg[:, None]
        # sep=True: concatenate self representation with aggregated neighbors
        cat = jnp.concatenate([z, agg], axis=-1)
        ff = jax.nn.gelu(cat @ ff1_W[i] + ff1_b[i]) @ ff2_W[i] + ff2_b[i]
        h = h + ff
    h = layer_norm(h, out_ln_scale, out_ln_bias)
    out = (h @ W_out + b_out).squeeze(-1)
    return out

if __name__ == "__main__":
    import jax
    _d = setup_inputs()
    print(jax.jit(kernel)(*tuple(_d.values())))

</pallas_src>

<mosaic_0001>
#map = affine_map<(d0, d1) -> (0, 0)>
#map1 = affine_map<(d0, d1) -> (0, 0, 0, 0)>
#map2 = affine_map<(d0, d1) -> (0, 0, 0)>
module attributes {stable_mosaic.version = 14 : i64} {
  func.func @_sc_bin_body(%arg0: i32, %arg1: i32, %arg2: memref<16x20000xi32, #tpu.memory_space<hbm>>, %arg3: memref<16x20000xi32, #tpu.memory_space<hbm>>, %arg4: memref<2x16x161x128xi32, #tpu.memory_space<hbm>>, %arg5: memref<2x16x161x128xi32, #tpu.memory_space<hbm>>, %arg6: memref<2x16x16xi32, #tpu.memory_space<hbm>>, %arg7: memref<2x16x48x128xf32, #tpu.memory_space<hbm>>, %arg8: memref<20000xi32, #tpu.memory_space<vmem>>, %arg9: memref<20000xi32, #tpu.memory_space<vmem>>, %arg10: memref<161x128xi32, #tpu.memory_space<vmem>>, %arg11: memref<161x128xi32, #tpu.memory_space<vmem>>, %arg12: memref<48x128xf32, #tpu.memory_space<vmem>>, %arg13: memref<16xi32, #tpu.memory_space<vmem>>) attributes {dimension_semantics = [#tpu.dimension_semantics<core_parallel>, #tpu.dimension_semantics<subcore_parallel>], iteration_bounds = array<i64: 2, 16>, scalar_prefetch = 0 : i64, scratch_operands = 6 : i64, tpu.core_type = #tpu.core_type<sc_vector_subcore>, window_params = [{transform_indices = #map}, {transform_indices = #map}, {transform_indices = #map1}, {transform_indices = #map1}, {transform_indices = #map2}, {transform_indices = #map1}]} {
    %broadcast_in_dim3A = arith.constant 0.000000e+00 : f32
    %broadcast_in_dim3A_0 = vector.broadcast %broadcast_in_dim3A : f32 to vector<16xf32>
    %scan3A = arith.constant 0 : i32
    %scan3A_1 = arith.constant 0 : i32
    %scan3A_2 = arith.constant 48 : i32
    %scan3A_3 = arith.addi %scan3A_1, %scan3A_2 : i32
    %scan3A_4 = arith.constant 1 : i32
    scf.for %scan3A_293 = %scan3A_1 to %scan3A_3 step %scan3A_4  : i32 {
      %swap3A_294 = arith.index_cast %scan3A_293 : i32 to index
      %swap3A_295 = arith.constant 0 : index
      %swap3A_296 = tpu.vector_load %arg12[%swap3A_294, %swap3A_295] {strides = array<i32>} : memref<48x128xf32, #tpu.memory_space<vmem>>, vector<16xf32>,
      tpu.vector_store %arg12[%swap3A_294, %swap3A_295], %broadcast_in_dim3A_0 {strides = array<i32>} : memref<48x128xf32, #tpu.memory_space<vmem>>, vector<16xf32>,
      %swap3A_297 = arith.index_cast %scan3A_293 : i32 to index
      %swap3A_298 = arith.constant 16 : index
      %swap3A_299 = tpu.vector_load %arg12[%swap3A_297, %swap3A_298] {strides = array<i32>} : memref<48x128xf32, #tpu.memory_space<vmem>>, vector<16xf32>,
      tpu.vector_store %arg12[%swap3A_297, %swap3A_298], %broadcast_in_dim3A_0 {strides = array<i32>} : memref<48x128xf32, #tpu.memory_space<vmem>>, vector<16xf32>,
      %swap3A_300 = arith.index_cast %scan3A_293 : i32 to index
      %swap3A_301 = arith.constant 32 : index
      %swap3A_302 = tpu.vector_load %arg12[%swap3A_300, %swap3A_301] {strides = array<i32>} : memref<48x128xf32, #tpu.memory_space<vmem>>, vector<16xf32>,
      tpu.vector_store %arg12[%swap3A_300, %swap3A_301], %broadcast_in_dim3A_0 {strides = array<i32>} : memref<48x128xf32, #tpu.memory_space<vmem>>, vector<16xf32>,
      %swap3A_303 = arith.index_cast %scan3A_293 : i32 to index
      %swap3A_304 = arith.constant 48 : index
      %swap3A_305 = tpu.vector_load %arg12[%swap3A_303, %swap3A_304] {strides = array<i32>} : memref<48x128xf32, #tpu.memory_space<vmem>>, vector<16xf32>,
      tpu.vector_store %arg12[%swap3A_303, %swap3A_304], %broadcast_in_dim3A_0 {strides = array<i32>} : memref<48x128xf32, #tpu.memory_space<vmem>>, vector<16xf32>,
      %swap3A_306 = arith.index_cast %scan3A_293 : i32 to index
      %swap3A_307 = arith.constant 64 : index
      %swap3A_308 = tpu.vector_load %arg12[%swap3A_306, %swap3A_307] {strides = array<i32>} : memref<48x128xf32, #tpu.memory_space<vmem>>, vector<16xf32>,
      tpu.vector_store %arg12[%swap3A_306, %swap3A_307], %broadcast_in_dim3A_0 {strides = array<i32>} : memref<48x128xf32, #tpu.memory_space<vmem>>, vector<16xf32>,
      %swap3A_309 = arith.index_cast %scan3A_293 : i32 to index
      %swap3A_310 = arith.constant 80 : index
      %swap3A_311 = tpu.vector_load %arg12[%swap3A_309, %swap3A_310] {strides = array<i32>} : memref<48x128xf32, #tpu.memory_space<vmem>>, vector<16xf32>,
      tpu.vector_store %arg12[%swap3A_309, %swap3A_310], %broadcast_in_dim3A_0 {strides = array<i32>} : memref<48x128xf32, #tpu.memory_space<vmem>>, vector<16xf32>,
      %swap3A_312 = arith.index_cast %scan3A_293 : i32 to index
      %swap3A_313 = arith.constant 96 : index
      %swap3A_314 = tpu.vector_load %arg12[%swap3A_312, %swap3A_313] {strides = array<i32>} : memref<48x128xf32, #tpu.memory_space<vmem>>, vector<16xf32>,
      tpu.vector_store %arg12[%swap3A_312, %swap3A_313], %broadcast_in_dim3A_0 {strides = array<i32>} : memref<48x128xf32, #tpu.memory_space<vmem>>, vector<16xf32>,
      %swap3A_315 = arith.index_cast %scan3A_293 : i32 to index
      %swap3A_316 = arith.constant 112 : index
      %swap3A_317 = tpu.vector_load %arg12[%swap3A_315, %swap3A_316] {strides = array<i32>} : memref<48x128xf32, #tpu.memory_space<vmem>>, vector<16xf32>,
      tpu.vector_store %arg12[%swap3A_315, %swap3A_316], %broadcast_in_dim3A_0 {strides = array<i32>} : memref<48x128xf32, #tpu.memory_space<vmem>>, vector<16xf32>,
    }
    %scan3A_5 = arith.constant 48 : i32
    "tpu.region"() ({
      %run_scoped3A = tpu.sem_alloc : memref<!tpu.dma_semaphore, #tpu.memory_space<semaphore_mem>>
      %dma_start3A = arith.constant 0 : i32
      %dma_start3A_293 = tpu.memref_slice %arg2[%arg1, %dma_start3A] : memref<16x20000xi32, #tpu.memory_space<hbm>> -> memref<1x20000xi32, #tpu.memory_space<hbm>>
      %dma_start3A_294 = tpu.memref_squeeze %dma_start3A_293 : memref<1x20000xi32, #tpu.memory_space<hbm>> -> memref<20000xi32, #tpu.memory_space<hbm>>
      %dma_start3A_295 = arith.constant 0 : i32
      %dma_start3A_296 = tpu.memref_slice %arg2[%arg1, %dma_start3A_295] : memref<16x20000xi32, #tpu.memory_space<hbm>> -> memref<1x20000xi32, #tpu.memory_space<hbm>>
      %dma_start3A_297 = tpu.memref_squeeze %dma_start3A_296 : memref<1x20000xi32, #tpu.memory_space<hbm>> -> memref<20000xi32, #tpu.memory_space<hbm>>
      tpu.enqueue_dma source(%dma_start3A_297 : memref<20000xi32, #tpu.memory_space<hbm>>) target(%arg8 : memref<20000xi32, #tpu.memory_space<vmem>>) target_semaphore(%run_scoped3A : memref<!tpu.dma_semaphore, #tpu.memory_space<semaphore_mem>>)
      %dma_wait3A = arith.constant 0 : i32
      %dma_wait3A_298 = tpu.memref_slice %arg2[%arg1, %dma_wait3A] : memref<16x20000xi32, #tpu.memory_space<hbm>> -> memref<1x20000xi32, #tpu.memory_space<hbm>>
      %dma_wait3A_299 = tpu.memref_squeeze %dma_wait3A_298 : memref<1x20000xi32, #tpu.memory_space<hbm>> -> memref<20000xi32, #tpu.memory_space<hbm>>
      %dma_wait3A_300 = arith.constant 0 : i32
      %dma_wait3A_301 = tpu.memref_slice %arg2[%arg1, %dma_wait3A_300] : memref<16x20000xi32, #tpu.memory_space<hbm>> -> memref<1x20000xi32, #tpu.memory_space<hbm>>
      %dma_wait3A_302 = tpu.memref_squeeze %dma_wait3A_301 : memref<1x20000xi32, #tpu.memory_space<hbm>> -> memref<20000xi32, #tpu.memory_space<hbm>>
      tpu.wait_dma2 semaphore(%run_scoped3A : memref<!tpu.dma_semaphore, #tpu.memory_space<semaphore_mem>>) src(%dma_wait3A_302 : memref<20000xi32, #tpu.memory_space<hbm>>) dst(%arg8 : memref<20000xi32, #tpu.memory_space<vmem>>)
      tpu.yield
    }) : () -> ()
    "tpu.region"() ({
      %run_scoped3A = tpu.sem_alloc : memref<!tpu.dma_semaphore, #tpu.memory_space<semaphore_mem>>
      %dma_start3A = arith.constant 0 : i32
      %dma_start3A_293 = tpu.memref_slice %arg3[%arg1, %dma_start3A] : memref<16x20000xi32, #tpu.memory_space<hbm>> -> memref<1x20000xi32, #tpu.memory_space<hbm>>
      %dma_start3A_294 = tpu.memref_squeeze %dma_start3A_293 : memref<1x20000xi32, #tpu.memory_space<hbm>> -> memref<20000xi32, #tpu.memory_space<hbm>>
      %dma_start3A_295 = arith.constant 0 : i32
      %dma_start3A_296 = tpu.memref_slice %arg3[%arg1, %dma_start3A_295] : memref<16x20000xi32, #tpu.memory_space<hbm>> -> memref<1x20000xi32, #tpu.memory_space<hbm>>
      %dma_start3A_297 = tpu.memref_squeeze %dma_start3A_296 : memref<1x20000xi32, #tpu.memory_space<hbm>> -> memref<20000xi32, #tpu.memory_space<hbm>>
      tpu.enqueue_dma source(%dma_start3A_297 : memref<20000xi32, #tpu.memory_space<hbm>>) target(%arg9 : memref<20000xi32, #tpu.memory_space<vmem>>) target_semaphore(%run_scoped3A : memref<!tpu.dma_semaphore, #tpu.memory_space<semaphore_mem>>)
      %dma_wait3A = arith.constant 0 : i32
      %dma_wait3A_298 = tpu.memref_slice %arg3[%arg1, %dma_wait3A] : memref<16x20000xi32, #tpu.memory_space<hbm>> -> memref<1x20000xi32, #tpu.memory_space<hbm>>
      %dma_wait3A_299 = tpu.memref_squeeze %dma_wait3A_298 : memref<1x20000xi32, #tpu.memory_space<hbm>> -> memref<20000xi32, #tpu.memory_space<hbm>>
      %dma_wait3A_300 = arith.constant 0 : i32
      %dma_wait3A_301 = tpu.memref_slice %arg3[%arg1, %dma_wait3A_300] : memref<16x20000xi32, #tpu.memory_space<hbm>> -> memref<1x20000xi32, #tpu.memory_space<hbm>>
      %dma_wait3A_302 = tpu.memref_squeeze %dma_wait3A_301 : memref<1x20000xi32, #tpu.memory_space<hbm>> -> memref<20000xi32, #tpu.memory_space<hbm>>
      tpu.wait_dma2 semaphore(%run_scoped3A : memref<!tpu.dma_semaphore, #tpu.memory_space<semaphore_mem>>) src(%dma_wait3A_302 : memref<20000xi32, #tpu.memory_space<hbm>>) dst(%arg9 : memref<20000xi32, #tpu.memory_space<vmem>>)
      tpu.yield
    }) : () -> ()
    %mul3A = arith.constant 5120 : i32
    %mul3A_6 = arith.muli %arg0, %mul3A : i32
    %broadcast_in_dim3A_7 = vector.broadcast %mul3A_6 : i32 to vector<16xi32>
    %broadcast_in_dim3A_8 = arith.constant 5120 : i32
    %broadcast_in_dim3A_9 = vector.broadcast %broadcast_in_dim3A_8 : i32 to vector<16xi32>
    %broadcast_in_dim3A_10 = arith.constant 0 : i32
    %broadcast_in_dim3A_11 = vector.broadcast %broadcast_in_dim3A_10 : i32 to vector<16xi32>
    %broadcast_in_dim3A_12 = arith.constant 1 : i32
    %broadcast_in_dim3A_13 = vector.broadcast %broadcast_in_dim3A_12 : i32 to vector<16xi32>
    %broadcast_in_dim3A_14 = arith.constant 127 : i32
    %broadcast_in_dim3A_15 = vector.broadcast %broadcast_in_dim3A_14 : i32 to vector<16xi32>
    %broadcast_in_dim3A_16 = arith.constant 1.000000e+00 : f32
    %broadcast_in_dim3A_17 = vector.broadcast %broadcast_in_dim3A_16 : f32 to vector<16xf32>
    %iota3A = tpu.iota {dimensions = array<i32: 0>} : vector<16xi32>
    %scan3A_18 = arith.constant 0 : i32
    %scan3A_19 = arith.constant 0 : i32
    %scan3A_20 = arith.constant 1250 : i32
    %scan3A_21 = arith.addi %scan3A_19, %scan3A_20 : i32
    %scan3A_22 = arith.constant 1 : i32
    %scan3A_23 = scf.for %scan3A_293 = %scan3A_19 to %scan3A_21 step %scan3A_22 iter_args(%scan3A_294 = %scan3A_18) -> (i32)  : i32 {
      %mul3A_295 = arith.constant 16 : i32
      %mul3A_296 = arith.muli %mul3A_295, %scan3A_293 : i32
      %get3A = arith.index_cast %mul3A_296 : i32 to index
      %get3A_297 = tpu.vector_load %arg8[%get3A] {strides = array<i32>} : memref<20000xi32, #tpu.memory_space<vmem>>, vector<16xi32>,
      %mul3A_298 = arith.constant 16 : i32
      %mul3A_299 = arith.muli %mul3A_298, %scan3A_293 : i32
      %get3A_300 = arith.index_cast %mul3A_299 : i32 to index
      %get3A_301 = tpu.vector_load %arg9[%get3A_300] {strides = array<i32>} : memref<20000xi32, #tpu.memory_space<vmem>>, vector<16xi32>,
      %sub3A = arith.subi %get3A_301, %broadcast_in_dim3A_7 : vector<16xi32>
      %ge3A = arith.cmpi sge, %sub3A, %broadcast_in_dim3A_11 : vector<16xi32>
      %lt3A = arith.cmpi slt, %sub3A, %broadcast_in_dim3A_9 : vector<16xi32>
      %and3A_302 = arith.andi %ge3A, %lt3A : vector<16xi1>
      %select_n3A = arith.select %and3A_302, %broadcast_in_dim3A_13, %broadcast_in_dim3A_11 : vector<16xi1>, vector<16xi32>
      %mul3A_303 = arith.constant 32 : i32
      %mul3A_304 = vector.broadcast %mul3A_303 : i32 to vector<16xi32>
      %mul3A_305 = arith.muli %select_n3A, %mul3A_304 : vector<16xi32>
      %add3A_306 = arith.addi %mul3A_305, %iota3A : vector<16xi32>
      %masked_sort3A = arith.constant dense<true> : vector<16xi1>
      %masked_sort3A_307 = arith.constant -2147483648 : i32
      %masked_sort3A_308 = vector.broadcast %masked_sort3A_307 : i32 to vector<16xi32>
      %masked_sort3A_309 = arith.xori %add3A_306, %masked_sort3A_308 : vector<16xi32>
      %masked_sort3A_310, %masked_sort3A_311, %masked_sort3A_312 = tpu.sort %masked_sort3A_309, %get3A_297 masked %masked_sort3A {descending = true} : (vector<16xi32>, vector<16xi32>, vector<16xi1>) -> (vector<16xi1>, vector<16xi32>, vector<16xi32>)
      %masked_sort3A_313 = arith.xori %masked_sort3A_311, %masked_sort3A_308 : vector<16xi32>
      %masked_sort3A_314 = arith.constant dense<true> : vector<16xi1>
      %masked_sort3A_315 = arith.constant -2147483648 : i32
      %masked_sort3A_316 = vector.broadcast %masked_sort3A_315 : i32 to vector<16xi32>
      %masked_sort3A_317 = arith.xori %add3A_306, %masked_sort3A_316 : vector<16xi32>
      %masked_sort3A_318, %masked_sort3A_319, %masked_sort3A_320 = tpu.sort %masked_sort3A_317, %sub3A masked %masked_sort3A_314 {descending = true} : (vector<16xi32>, vector<16xi32>, vector<16xi1>) -> (vector<16xi1>, vector<16xi32>, vector<16xi32>)
      %masked_sort3A_321 = arith.xori %masked_sort3A_319, %masked_sort3A_316 : vector<16xi32>
      %broadcast_in_dim3A_322 = vector.broadcast %scan3A_294 : i32 to vector<16xi32>
      %add3A_323 = arith.addi %broadcast_in_dim3A_322, %iota3A : vector<16xi32>
      %shift_right_logical3A_324 = arith.constant 7 : i32
      %shift_right_logical3A_325 = vector.broadcast %shift_right_logical3A_324 : i32 to vector<16xi32>
      %shift_right_logical3A_326 = arith.shrui %add3A_323, %shift_right_logical3A_325 : vector<16xi32>
      %and3A_327 = arith.andi %add3A_323, %broadcast_in_dim3A_15 : vector<16xi32>
      tpu.vector_store_idx %arg10[%shift_right_logical3A_326, %and3A_327], %masked_sort3A_312 : memref<161x128xi32, #tpu.memory_space<vmem>>[vector<16xi32>, vector<16xi32>], vector<16xi32>,
      tpu.vector_store_idx %arg11[%shift_right_logical3A_326, %and3A_327], %masked_sort3A_320 : memref<161x128xi32, #tpu.memory_space<vmem>>[vector<16xi32>, vector<16xi32>], vector<16xi32>,
      %add3A_328 = arith.addi %broadcast_in_dim3A_9, %iota3A : vector<16xi32>
      %select_n3A_329 = arith.select %and3A_302, %sub3A, %add3A_328 : vector<16xi1>, vector<16xi32>
      %shift_right_logical3A_330 = arith.constant 7 : i32
      %shift_right_logical3A_331 = vector.broadcast %shift_right_logical3A_330 : i32 to vector<16xi32>
      %shift_right_logical3A_332 = arith.shrui %select_n3A_329, %shift_right_logical3A_331 : vector<16xi32>
      %and3A_333 = arith.andi %select_n3A_329, %broadcast_in_dim3A_15 : vector<16xi32>
      tpu.vector_store_idx %arg12[%shift_right_logical3A_332, %and3A_333], %broadcast_in_dim3A_17 {add = true} : memref<48x128xf32, #tpu.memory_space<vmem>>[vector<16xi32>, vector<16xi32>], vector<16xf32>,
      %all_reduce_population_count3A = tpu.all_reduce %and3A_302 {dim = 0 : i64, kind = #tpu.reduction_kind<sum>} : vector<16xi1> -> vector<16xi32>
      %slice3A = vector.extract_strided_slice %all_reduce_population_count3A {offsets = [0], sizes = [1], strides = [1]} : vector<16xi32> to vector<1xi32>
      %squeeze3A = vector.extract %slice3A[0] : i32 from vector<1xi32>
      %add3A_334 = arith.addi %scan3A_294, %squeeze3A : i32
      scf.yield %add3A_334 : i32
    }
    %scan3A_24 = arith.constant 1250 : i32
    %add3A = arith.constant 5120 : i32
    %add3A_25 = vector.broadcast %add3A : i32 to vector<16xi32>
    %add3A_26 = arith.addi %add3A_25, %iota3A : vector<16xi32>
    %broadcast_in_dim3A_27 = arith.constant 0 : i32
    %broadcast_in_dim3A_28 = vector.broadcast %broadcast_in_dim3A_27 : i32 to vector<16xi32>
    %add3A_29 = arith.constant 0 : i32
    %add3A_30 = arith.addi %scan3A_23, %add3A_29 : i32
    %broadcast_in_dim3A_31 = vector.broadcast %add3A_30 : i32 to vector<16xi32>
    %add3A_32 = arith.addi %broadcast_in_dim3A_31, %iota3A : vector<16xi32>
    %shift_right_logical3A = arith.constant 7 : i32
    %shift_right_logical3A_33 = vector.broadcast %shift_right_logical3A : i32 to vector<16xi32>
    %shift_right_logical3A_34 = arith.shrui %add3A_32, %shift_right_logical3A_33 : vector<16xi32>
    %and3A = arith.andi %add3A_32, %broadcast_in_dim3A_15 : vector<16xi32>
    tpu.vector_store_idx %arg10[%shift_right_logical3A_34, %and3A], %broadcast_in_dim3A_28 : memref<161x128xi32, #tpu.memory_space<vmem>>[vector<16xi32>, vector<16xi32>], vector<16xi32>,
    %add3A_35 = arith.constant 0 : i32
    %add3A_36 = vector.broadcast %add3A_35 : i32 to vector<16xi32>
    %add3A_37 = arith.addi %add3A_26, %add3A_36 : vector<16xi32>
    tpu.vector_store_idx %arg11[%shift_right_logical3A_34, %and3A], %add3A_37 : memref<161x128xi32, #tpu.memory_space<vmem>>[vector<16xi32>, vector<16xi32>], vector<16xi32>,
    %add3A_38 = arith.constant 16 : i32
    %add3A_39 = arith.addi %scan3A_23, %add3A_38 : i32
    %broadcast_in_dim3A_40 = vector.broadcast %add3A_39 : i32 to vector<16xi32>
    %add3A_41 = arith.addi %broadcast_in_dim3A_40, %iota3A : vector<16xi32>
    %shift_right_logical3A_42 = arith.constant 7 : i32
    %shift_right_logical3A_43 = vector.broadcast %shift_right_logical3A_42 : i32 to vector<16xi32>
    %shift_right_logical3A_44 = arith.shrui %add3A_41, %shift_right_logical3A_43 : vector<16xi32>
    %and3A_45 = arith.andi %add3A_41, %broadcast_in_dim3A_15 : vector<16xi32>
    tpu.vector_store_idx %arg10[%shift_right_logical3A_44, %and3A_45], %broadcast_in_dim3A_28 : memref<161x128xi32, #tpu.memory_space<vmem>>[vector<16xi32>, vector<16xi32>], vector<16xi32>,
    %add3A_46 = arith.constant 16 : i32
    %add3A_47 = vector.broadcast %add3A_46 : i32 to vector<16xi32>
    %add3A_48 = arith.addi %add3A_26, %add3A_47 : vector<16xi32>
    tpu.vector_store_idx %arg11[%shift_right_logical3A_44, %and3A_45], %add3A_48 : memref<161x128xi32, #tpu.memory_space<vmem>>[vector<16xi32>, vector<16xi32>], vector<16xi32>,
    %add3A_49 = arith.constant 32 : i32
    %add3A_50 = arith.addi %scan3A_23, %add3A_49 : i32
    %broadcast_in_dim3A_51 = vector.broadcast %add3A_50 : i32 to vector<16xi32>
    %add3A_52 = arith.addi %broadcast_in_dim3A_51, %iota3A : vector<16xi32>
    %shift_right_logical3A_53 = arith.constant 7 : i32
    %shift_right_logical3A_54 = vector.broadcast %shift_right_logical3A_53 : i32 to vector<16xi32>
    %shift_right_logical3A_55 = arith.shrui %add3A_52, %shift_right_logical3A_54 : vector<16xi32>
    %and3A_56 = arith.andi %add3A_52, %broadcast_in_dim3A_15 : vector<16xi32>
    tpu.vector_store_idx %arg10[%shift_right_logical3A_55, %and3A_56], %broadcast_in_dim3A_28 : memref<161x128xi32, #tpu.memory_space<vmem>>[vector<16xi32>, vector<16xi32>], vector<16xi32>,
    %add3A_57 = arith.constant 32 : i32
    %add3A_58 = vector.broadcast %add3A_57 : i32 to vector<16xi32>
    %add3A_59 = arith.addi %add3A_26, %add3A_58 : vector<16xi32>
    tpu.vector_store_idx %arg11[%shift_right_logical3A_55, %and3A_56], %add3A_59 : memref<161x128xi32, #tpu.memory_space<vmem>>[vector<16xi32>, vector<16xi32>], vector<16xi32>,
    %add3A_60 = arith.constant 48 : i32
    %add3A_61 = arith.addi %scan3A_23, %add3A_60 : i32
    %broadcast_in_dim3A_62 = vector.broadcast %add3A_61 : i32 to vector<16xi32>
    %add3A_63 = arith.addi %broadcast_in_dim3A_62, %iota3A : vector<16xi32>
    %shift_right_logical3A_64 = arith.constant 7 : i32
    %shift_right_logical3A_65 = vector.broadcast %shift_right_logical3A_64 : i32 to vector<16xi32>
    %shift_right_logical3A_66 = arith.shrui %add3A_63, %shift_right_logical3A_65 : vector<16xi32>
    %and3A_67 = arith.andi %add3A_63, %broadcast_in_dim3A_15 : vector<16xi32>
    tpu.vector_store_idx %arg10[%shift_right_logical3A_66, %and3A_67], %broadcast_in_dim3A_28 : memref<161x128xi32, #tpu.memory_space<vmem>>[vector<16xi32>, vector<16xi32>], vector<16xi32>,
    %add3A_68 = arith.constant 48 : i32
    %add3A_69 = vector.broadcast %add3A_68 : i32 to vector<16xi32>
    %add3A_70 = arith.addi %add3A_26, %add3A_69 : vector<16xi32>
    tpu.vector_store_idx %arg11[%shift_right_logical3A_66, %and3A_67], %add3A_70 : memref<161x128xi32, #tpu.memory_space<vmem>>[vector<16xi32>, vector<16xi32>], vector<16xi32>,
    %add3A_71 = arith.constant 64 : i32
    %add3A_72 = arith.addi %scan3A_23, %add3A_71 : i32
    %broadcast_in_dim3A_73 = vector.broadcast %add3A_72 : i32 to vector<16xi32>
    %add3A_74 = arith.addi %broadcast_in_dim3A_73, %iota3A : vector<16xi32>
    %shift_right_logical3A_75 = arith.constant 7 : i32
    %shift_right_logical3A_76 = vector.broadcast %shift_right_logical3A_75 : i32 to vector<16xi32>
    %shift_right_logical3A_77 = arith.shrui %add3A_74, %shift_right_logical3A_76 : vector<16xi32>
    %and3A_78 = arith.andi %add3A_74, %broadcast_in_dim3A_15 : vector<16xi32>
    tpu.vector_store_idx %arg10[%shift_right_logical3A_77, %and3A_78], %broadcast_in_dim3A_28 : memref<161x128xi32, #tpu.memory_space<vmem>>[vector<16xi32>, vector<16xi32>], vector<16xi32>,
    %add3A_79 = arith.constant 64 : i32
    %add3A_80 = vector.broadcast %add3A_79 : i32 to vector<16xi32>
    %add3A_81 = arith.addi %add3A_26, %add3A_80 : vector<16xi32>
    tpu.vector_store_idx %arg11[%shift_right_logical3A_77, %and3A_78], %add3A_81 : memref<161x128xi32, #tpu.memory_space<vmem>>[vector<16xi32>, vector<16xi32>], vector<16xi32>,
    %add3A_82 = arith.constant 80 : i32
    %add3A_83 = arith.addi %scan3A_23, %add3A_82 : i32
    %broadcast_in_dim3A_84 = vector.broadcast %add3A_83 : i32 to vector<16xi32>
    %add3A_85 = arith.addi %broadcast_in_dim3A_84, %iota3A : vector<16xi32>
    %shift_right_logical3A_86 = arith.constant 7 : i32
    %shift_right_logical3A_87 = vector.broadcast %shift_right_logical3A_86 : i32 to vector<16xi32>
    %shift_right_logical3A_88 = arith.shrui %add3A_85, %shift_right_logical3A_87 : vector<16xi32>
    %and3A_89 = arith.andi %add3A_85, %broadcast_in_dim3A_15 : vector<16xi32>
    tpu.vector_store_idx %arg10[%shift_right_logical3A_88, %and3A_89], %broadcast_in_dim3A_28 : memref<161x128xi32, #tpu.memory_space<vmem>>[vector<16xi32>, vector<16xi32>], vector<16xi32>,
    %add3A_90 = arith.constant 80 : i32
    %add3A_91 = vector.broadcast %add3A_90 : i32 to vector<16xi32>
    %add3A_92 = arith.addi %add3A_26, %add3A_91 : vector<16xi32>
    tpu.vector_store_idx %arg11[%shift_right_logical3A_88, %and3A_89], %add3A_92 : memref<161x128xi32, #tpu.memory_space<vmem>>[vector<16xi32>, vector<16xi32>], vector<16xi32>,
    %add3A_93 = arith.constant 96 : i32
    %add3A_94 = arith.addi %scan3A_23, %add3A_93 : i32
    %broadcast_in_dim3A_95 = vector.broadcast %add3A_94 : i32 to vector<16xi32>
    %add3A_96 = arith.addi %broadcast_in_dim3A_95, %iota3A : vector<16xi32>
    %shift_right_logical3A_97 = arith.constant 7 : i32
    %shift_right_logical3A_98 = vector.broadcast %shift_right_logical3A_97 : i32 to vector<16xi32>
    %shift_right_logical3A_99 = arith.shrui %add3A_96, %shift_right_logical3A_98 : vector<16xi32>
    %and3A_100 = arith.andi %add3A_96, %broadcast_in_dim3A_15 : vector<16xi32>
    tpu.vector_store_idx %arg10[%shift_right_logical3A_99, %and3A_100], %broadcast_in_dim3A_28 : memref<161x128xi32, #tpu.memory_space<vmem>>[vector<16xi32>, vector<16xi32>], vector<16xi32>,
    %add3A_101 = arith.constant 96 : i32
    %add3A_102 = vector.broadcast %add3A_101 : i32 to vector<16xi32>
    %add3A_103 = arith.addi %add3A_26, %add3A_102 : vector<16xi32>
    tpu.vector_store_idx %arg11[%shift_right_logical3A_99, %and3A_100], %add3A_103 : memref<161x128xi32, #tpu.memory_space<vmem>>[vector<16xi32>, vector<16xi32>], vector<16xi32>,
    %add3A_104 = arith.constant 112 : i32
    %add3A_105 = arith.addi %scan3A_23, %add3A_104 : i32
    %broadcast_in_dim3A_106 = vector.broadcast %add3A_105 : i32 to vector<16xi32>
    %add3A_107 = arith.addi %broadcast_in_dim3A_106, %iota3A : vector<16xi32>
    %shift_right_logical3A_108 = arith.constant 7 : i32
    %shift_right_logical3A_109 = vector.broadcast %shift_right_logical3A_108 : i32 to vector<16xi32>
    %shift_right_logical3A_110 = arith.shrui %add3A_107, %shift_right_logical3A_109 : vector<16xi32>
    %and3A_111 = arith.andi %add3A_107, %broadcast_in_dim3A_15 : vector<16xi32>
    tpu.vector_store_idx %arg10[%shift_right_logical3A_110, %and3A_111], %broadcast_in_dim3A_28 : memref<161x128xi32, #tpu.memory_space<vmem>>[vector<16xi32>, vector<16xi32>], vector<16xi32>,
    %add3A_112 = arith.constant 112 : i32
    %add3A_113 = vector.broadcast %add3A_112 : i32 to vector<16xi32>
    %add3A_114 = arith.addi %add3A_26, %add3A_113 : vector<16xi32>
    tpu.vector_store_idx %arg11[%shift_right_logical3A_110, %and3A_111], %add3A_114 : memref<161x128xi32, #tpu.memory_space<vmem>>[vector<16xi32>, vector<16xi32>], vector<16xi32>,
    %add3A_115 = arith.constant 128 : i32
    %add3A_116 = arith.addi %scan3A_23, %add3A_115 : i32
    %broadcast_in_dim3A_117 = vector.broadcast %add3A_116 : i32 to vector<16xi32>
    %add3A_118 = arith.addi %broadcast_in_dim3A_117, %iota3A : vector<16xi32>
    %shift_right_logical3A_119 = arith.constant 7 : i32
    %shift_right_logical3A_120 = vector.broadcast %shift_right_logical3A_119 : i32 to vector<16xi32>
    %shift_right_logical3A_121 = arith.shrui %add3A_118, %shift_right_logical3A_120 : vector<16xi32>
    %and3A_122 = arith.andi %add3A_118, %broadcast_in_dim3A_15 : vector<16xi32>
    tpu.vector_store_idx %arg10[%shift_right_logical3A_121, %and3A_122], %broadcast_in_dim3A_28 : memref<161x128xi32, #tpu.memory_space<vmem>>[vector<16xi32>, vector<16xi32>], vector<16xi32>,
    %add3A_123 = arith.constant 0 : i32
    %add3A_124 = vector.broadcast %add3A_123 : i32 to vector<16xi32>
    %add3A_125 = arith.addi %add3A_26, %add3A_124 : vector<16xi32>
    tpu.vector_store_idx %arg11[%shift_right_logical3A_121, %and3A_122], %add3A_125 : memref<161x128xi32, #tpu.memory_space<vmem>>[vector<16xi32>, vector<16xi32>], vector<16xi32>,
    %add3A_126 = arith.constant 144 : i32
    %add3A_127 = arith.addi %scan3A_23, %add3A_126 : i32
    %broadcast_in_dim3A_128 = vector.broadcast %add3A_127 : i32 to vector<16xi32>
    %add3A_129 = arith.addi %broadcast_in_dim3A_128, %iota3A : vector<16xi32>
    %shift_right_logical3A_130 = arith.constant 7 : i32
    %shift_right_logical3A_131 = vector.broadcast %shift_right_logical3A_130 : i32 to vector<16xi32>
    %shift_right_logical3A_132 = arith.shrui %add3A_129, %shift_right_logical3A_131 : vector<16xi32>
    %and3A_133 = arith.andi %add3A_129, %broadcast_in_dim3A_15 : vector<16xi32>
    tpu.vector_store_idx %arg10[%shift_right_logical3A_132, %and3A_133], %broadcast_in_dim3A_28 : memref<161x128xi32, #tpu.memory_space<vmem>>[vector<16xi32>, vector<16xi32>], vector<16xi32>,
    %add3A_134 = arith.constant 16 : i32
    %add3A_135 = vector.broadcast %add3A_134 : i32 to vector<16xi32>
    %add3A_136 = arith.addi %add3A_26, %add3A_135 : vector<16xi32>
    tpu.vector_store_idx %arg11[%shift_right_logical3A_132, %and3A_133], %add3A_136 : memref<161x128xi32, #tpu.memory_space<vmem>>[vector<16xi32>, vector<16xi32>], vector<16xi32>,
    %add3A_137 = arith.constant 160 : i32
    %add3A_138 = arith.addi %scan3A_23, %add3A_137 : i32
    %broadcast_in_dim3A_139 = vector.broadcast %add3A_138 : i32 to vector<16xi32>
    %add3A_140 = arith.addi %broadcast_in_dim3A_139, %iota3A : vector<16xi32>
    %shift_right_logical3A_141 = arith.constant 7 : i32
    %shift_right_logical3A_142 = vector.broadcast %shift_right_logical3A_141 : i32 to vector<16xi32>
    %shift_right_logical3A_143 = arith.shrui %add3A_140, %shift_right_logical3A_142 : vector<16xi32>
    %and3A_144 = arith.andi %add3A_140, %broadcast_in_dim3A_15 : vector<16xi32>
    tpu.vector_store_idx %arg10[%shift_right_logical3A_143, %and3A_144], %broadcast_in_dim3A_28 : memref<161x128xi32, #tpu.memory_space<vmem>>[vector<16xi32>, vector<16xi32>], vector<16xi32>,
    %add3A_145 = arith.constant 32 : i32
    %add3A_146 = vector.broadcast %add3A_145 : i32 to vector<16xi32>
    %add3A_147 = arith.addi %add3A_26, %add3A_146 : vector<16xi32>
    tpu.vector_store_idx %arg11[%shift_right_logical3A_143, %and3A_144], %add3A_147 : memref<161x128xi32, #tpu.memory_space<vmem>>[vector<16xi32>, vector<16xi32>], vector<16xi32>,
    %add3A_148 = arith.constant 176 : i32
    %add3A_149 = arith.addi %scan3A_23, %add3A_148 : i32
    %broadcast_in_dim3A_150 = vector.broadcast %add3A_149 : i32 to vector<16xi32>
    %add3A_151 = arith.addi %broadcast_in_dim3A_150, %iota3A : vector<16xi32>
    %shift_right_logical3A_152 = arith.constant 7 : i32
    %shift_right_logical3A_153 = vector.broadcast %shift_right_logical3A_152 : i32 to vector<16xi32>
    %shift_right_logical3A_154 = arith.shrui %add3A_151, %shift_right_logical3A_153 : vector<16xi32>
    %and3A_155 = arith.andi %add3A_151, %broadcast_in_dim3A_15 : vector<16xi32>
    tpu.vector_store_idx %arg10[%shift_right_logical3A_154, %and3A_155], %broadcast_in_dim3A_28 : memref<161x128xi32, #tpu.memory_space<vmem>>[vector<16xi32>, vector<16xi32>], vector<16xi32>,
    %add3A_156 = arith.constant 48 : i32
    %add3A_157 = vector.broadcast %add3A_156 : i32 to vector<16xi32>
    %add3A_158 = arith.addi %add3A_26, %add3A_157 : vector<16xi32>
    tpu.vector_store_idx %arg11[%shift_right_logical3A_154, %and3A_155], %add3A_158 : memref<161x128xi32, #tpu.memory_space<vmem>>[vector<16xi32>, vector<16xi32>], vector<16xi32>,
    %add3A_159 = arith.constant 192 : i32
    %add3A_160 = arith.addi %scan3A_23, %add3A_159 : i32
    %broadcast_in_dim3A_161 = vector.broadcast %add3A_160 : i32 to vector<16xi32>
    %add3A_162 = arith.addi %broadcast_in_dim3A_161, %iota3A : vector<16xi32>
    %shift_right_logical3A_163 = arith.constant 7 : i32
    %shift_right_logical3A_164 = vector.broadcast %shift_right_logical3A_163 : i32 to vector<16xi32>
    %shift_right_logical3A_165 = arith.shrui %add3A_162, %shift_right_logical3A_164 : vector<16xi32>
    %and3A_166 = arith.andi %add3A_162, %broadcast_in_dim3A_15 : vector<16xi32>
    tpu.vector_store_idx %arg10[%shift_right_logical3A_165, %and3A_166], %broadcast_in_dim3A_28 : memref<161x128xi32, #tpu.memory_space<vmem>>[vector<16xi32>, vector<16xi32>], vector<16xi32>,
    %add3A_167 = arith.constant 64 : i32
    %add3A_168 = vector.broadcast %add3A_167 : i32 to vector<16xi32>
    %add3A_169 = arith.addi %add3A_26, %add3A_168 : vector<16xi32>
    tpu.vector_store_idx %arg11[%shift_right_logical3A_165, %and3A_166], %add3A_169 : memref<161x128xi32, #tpu.memory_space<vmem>>[vector<16xi32>, vector<16xi32>], vector<16xi32>,
    %add3A_170 = arith.constant 208 : i32
    %add3A_171 = arith.addi %scan3A_23, %add3A_170 : i32
    %broadcast_in_dim3A_172 = vector.broadcast %add3A_171 : i32 to vector<16xi32>
    %add3A_173 = arith.addi %broadcast_in_dim3A_172, %iota3A : vector<16xi32>
    %shift_right_logical3A_174 = arith.constant 7 : i32
    %shift_right_logical3A_175 = vector.broadcast %shift_right_logical3A_174 : i32 to vector<16xi32>
    %shift_right_logical3A_176 = arith.shrui %add3A_173, %shift_right_logical3A_175 : vector<16xi32>
    %and3A_177 = arith.andi %add3A_173, %broadcast_in_dim3A_15 : vector<16xi32>
    tpu.vector_store_idx %arg10[%shift_right_logical3A_176, %and3A_177], %broadcast_in_dim3A_28 : memref<161x128xi32, #tpu.memory_space<vmem>>[vector<16xi32>, vector<16xi32>], vector<16xi32>,
    %add3A_178 = arith.constant 80 : i32
    %add3A_179 = vector.broadcast %add3A_178 : i32 to vector<16xi32>
    %add3A_180 = arith.addi %add3A_26, %add3A_179 : vector<16xi32>
    tpu.vector_store_idx %arg11[%shift_right_logical3A_176, %and3A_177], %add3A_180 : memref<161x128xi32, #tpu.memory_space<vmem>>[vector<16xi32>, vector<16xi32>], vector<16xi32>,
    %add3A_181 = arith.constant 224 : i32
    %add3A_182 = arith.addi %scan3A_23, %add3A_181 : i32
    %broadcast_in_dim3A_183 = vector.broadcast %add3A_182 : i32 to vector<16xi32>
    %add3A_184 = arith.addi %broadcast_in_dim3A_183, %iota3A : vector<16xi32>
    %shift_right_logical3A_185 = arith.constant 7 : i32
    %shift_right_logical3A_186 = vector.broadcast %shift_right_logical3A_185 : i32 to vector<16xi32>
    %shift_right_logical3A_187 = arith.shrui %add3A_184, %shift_right_logical3A_186 : vector<16xi32>
    %and3A_188 = arith.andi %add3A_184, %broadcast_in_dim3A_15 : vector<16xi32>
    tpu.vector_store_idx %arg10[%shift_right_logical3A_187, %and3A_188], %broadcast_in_dim3A_28 : memref<161x128xi32, #tpu.memory_space<vmem>>[vector<16xi32>, vector<16xi32>], vector<16xi32>,
    %add3A_189 = arith.constant 96 : i32
    %add3A_190 = vector.broadcast %add3A_189 : i32 to vector<16xi32>
    %add3A_191 = arith.addi %add3A_26, %add3A_190 : vector<16xi32>
    tpu.vector_store_idx %arg11[%shift_right_logical3A_187, %and3A_188], %add3A_191 : memref<161x128xi32, #tpu.memory_space<vmem>>[vector<16xi32>, vector<16xi32>], vector<16xi32>,
    %add3A_192 = arith.constant 240 : i32
    %add3A_193 = arith.addi %scan3A_23, %add3A_192 : i32
    %broadcast_in_dim3A_194 = vector.broadcast %add3A_193 : i32 to vector<16xi32>
    %add3A_195 = arith.addi %broadcast_in_dim3A_194, %iota3A : vector<16xi32>
    %shift_right_logical3A_196 = arith.constant 7 : i32
    %shift_right_logical3A_197 = vector.broadcast %shift_right_logical3A_196 : i32 to vector<16xi32>
    %shift_right_logical3A_198 = arith.shrui %add3A_195, %shift_right_logical3A_197 : vector<16xi32>
    %and3A_199 = arith.andi %add3A_195, %broadcast_in_dim3A_15 : vector<16xi32>
    tpu.vector_store_idx %arg10[%shift_right_logical3A_198, %and3A_199], %broadcast_in_dim3A_28 : memref<161x128xi32, #tpu.memory_space<vmem>>[vector<16xi32>, vector<16xi32>], vector<16xi32>,
    %add3A_200 = arith.constant 112 : i32
    %add3A_201 = vector.broadcast %add3A_200 : i32 to vector<16xi32>
    %add3A_202 = arith.addi %add3A_26, %add3A_201 : vector<16xi32>
    tpu.vector_store_idx %arg11[%shift_right_logical3A_198, %and3A_199], %add3A_202 : memref<161x128xi32, #tpu.memory_space<vmem>>[vector<16xi32>, vector<16xi32>], vector<16xi32>,
    %add3A_203 = arith.constant 256 : i32
    %add3A_204 = arith.addi %scan3A_23, %add3A_203 : i32
    %broadcast_in_dim3A_205 = vector.broadcast %add3A_204 : i32 to vector<16xi32>
    %add3A_206 = arith.addi %broadcast_in_dim3A_205, %iota3A : vector<16xi32>
    %shift_right_logical3A_207 = arith.constant 7 : i32
    %shift_right_logical3A_208 = vector.broadcast %shift_right_logical3A_207 : i32 to vector<16xi32>
    %shift_right_logical3A_209 = arith.shrui %add3A_206, %shift_right_logical3A_208 : vector<16xi32>
    %and3A_210 = arith.andi %add3A_206, %broadcast_in_dim3A_15 : vector<16xi32>
    tpu.vector_store_idx %arg10[%shift_right_logical3A_209, %and3A_210], %broadcast_in_dim3A_28 : memref<161x128xi32, #tpu.memory_space<vmem>>[vector<16xi32>, vector<16xi32>], vector<16xi32>,
    %add3A_211 = arith.constant 0 : i32
    %add3A_212 = vector.broadcast %add3A_211 : i32 to vector<16xi32>
    %add3A_213 = arith.addi %add3A_26, %add3A_212 : vector<16xi32>
    tpu.vector_store_idx %arg11[%shift_right_logical3A_209, %and3A_210], %add3A_213 : memref<161x128xi32, #tpu.memory_space<vmem>>[vector<16xi32>, vector<16xi32>], vector<16xi32>,
    %add3A_214 = arith.constant 272 : i32
    %add3A_215 = arith.addi %scan3A_23, %add3A_214 : i32
    %broadcast_in_dim3A_216 = vector.broadcast %add3A_215 : i32 to vector<16xi32>
    %add3A_217 = arith.addi %broadcast_in_dim3A_216, %iota3A : vector<16xi32>
    %shift_right_logical3A_218 = arith.constant 7 : i32
    %shift_right_logical3A_219 = vector.broadcast %shift_right_logical3A_218 : i32 to vector<16xi32>
    %shift_right_logical3A_220 = arith.shrui %add3A_217, %shift_right_logical3A_219 : vector<16xi32>
    %and3A_221 = arith.andi %add3A_217, %broadcast_in_dim3A_15 : vector<16xi32>
    tpu.vector_store_idx %arg10[%shift_right_logical3A_220, %and3A_221], %broadcast_in_dim3A_28 : memref<161x128xi32, #tpu.memory_space<vmem>>[vector<16xi32>, vector<16xi32>], vector<16xi32>,
    %add3A_222 = arith.constant 16 : i32
    %add3A_223 = vector.broadcast %add3A_222 : i32 to vector<16xi32>
    %add3A_224 = arith.addi %add3A_26, %add3A_223 : vector<16xi32>
    tpu.vector_store_idx %arg11[%shift_right_logical3A_220, %and3A_221], %add3A_224 : memref<161x128xi32, #tpu.memory_space<vmem>>[vector<16xi32>, vector<16xi32>], vector<16xi32>,
    %add3A_225 = arith.constant 288 : i32
    %add3A_226 = arith.addi %scan3A_23, %add3A_225 : i32
    %broadcast_in_dim3A_227 = vector.broadcast %add3A_226 : i32 to vector<16xi32>
    %add3A_228 = arith.addi %broadcast_in_dim3A_227, %iota3A : vector<16xi32>
    %shift_right_logical3A_229 = arith.constant 7 : i32
    %shift_right_logical3A_230 = vector.broadcast %shift_right_logical3A_229 : i32 to vector<16xi32>
    %shift_right_logical3A_231 = arith.shrui %add3A_228, %shift_right_logical3A_230 : vector<16xi32>
    %and3A_232 = arith.andi %add3A_228, %broadcast_in_dim3A_15 : vector<16xi32>
    tpu.vector_store_idx %arg10[%shift_right_logical3A_231, %and3A_232], %broadcast_in_dim3A_28 : memref<161x128xi32, #tpu.memory_space<vmem>>[vector<16xi32>, vector<16xi32>], vector<16xi32>,
    %add3A_233 = arith.constant 32 : i32
    %add3A_234 = vector.broadcast %add3A_233 : i32 to vector<16xi32>
    %add3A_235 = arith.addi %add3A_26, %add3A_234 : vector<16xi32>
    tpu.vector_store_idx %arg11[%shift_right_logical3A_231, %and3A_232], %add3A_235 : memref<161x128xi32, #tpu.memory_space<vmem>>[vector<16xi32>, vector<16xi32>], vector<16xi32>,
    %add3A_236 = arith.constant 304 : i32
    %add3A_237 = arith.addi %scan3A_23, %add3A_236 : i32
    %broadcast_in_dim3A_238 = vector.broadcast %add3A_237 : i32 to vector<16xi32>
    %add3A_239 = arith.addi %broadcast_in_dim3A_238, %iota3A : vector<16xi32>
    %shift_right_logical3A_240 = arith.constant 7 : i32
    %shift_right_logical3A_241 = vector.broadcast %shift_right_logical3A_240 : i32 to vector<16xi32>
    %shift_right_logical3A_242 = arith.shrui %add3A_239, %shift_right_logical3A_241 : vector<16xi32>
    %and3A_243 = arith.andi %add3A_239, %broadcast_in_dim3A_15 : vector<16xi32>
    tpu.vector_store_idx %arg10[%shift_right_logical3A_242, %and3A_243], %broadcast_in_dim3A_28 : memref<161x128xi32, #tpu.memory_space<vmem>>[vector<16xi32>, vector<16xi32>], vector<16xi32>,
    %add3A_244 = arith.constant 48 : i32
    %add3A_245 = vector.broadcast %add3A_244 : i32 to vector<16xi32>
    %add3A_246 = arith.addi %add3A_26, %add3A_245 : vector<16xi32>
    tpu.vector_store_idx %arg11[%shift_right_logical3A_242, %and3A_243], %add3A_246 : memref<161x128xi32, #tpu.memory_space<vmem>>[vector<16xi32>, vector<16xi32>], vector<16xi32>,
    %add3A_247 = arith.constant 320 : i32
    %add3A_248 = arith.addi %scan3A_23, %add3A_247 : i32
    %broadcast_in_dim3A_249 = vector.broadcast %add3A_248 : i32 to vector<16xi32>
    %add3A_250 = arith.addi %broadcast_in_dim3A_249, %iota3A : vector<16xi32>
    %shift_right_logical3A_251 = arith.constant 7 : i32
    %shift_right_logical3A_252 = vector.broadcast %shift_right_logical3A_251 : i32 to vector<16xi32>
    %shift_right_logical3A_253 = arith.shrui %add3A_250, %shift_right_logical3A_252 : vector<16xi32>
    %and3A_254 = arith.andi %add3A_250, %broadcast_in_dim3A_15 : vector<16xi32>
    tpu.vector_store_idx %arg10[%shift_right_logical3A_253, %and3A_254], %broadcast_in_dim3A_28 : memref<161x128xi32, #tpu.memory_space<vmem>>[vector<16xi32>, vector<16xi32>], vector<16xi32>,
    %add3A_255 = arith.constant 64 : i32
    %add3A_256 = vector.broadcast %add3A_255 : i32 to vector<16xi32>
    %add3A_257 = arith.addi %add3A_26, %add3A_256 : vector<16xi32>
    tpu.vector_store_idx %arg11[%shift_right_logical3A_253, %and3A_254], %add3A_257 : memref<161x128xi32, #tpu.memory_space<vmem>>[vector<16xi32>, vector<16xi32>], vector<16xi32>,
    %add3A_258 = arith.constant 336 : i32
    %add3A_259 = arith.addi %scan3A_23, %add3A_258 : i32
    %broadcast_in_dim3A_260 = vector.broadcast %add3A_259 : i32 to vector<16xi32>
    %add3A_261 = arith.addi %broadcast_in_dim3A_260, %iota3A : vector<16xi32>
    %shift_right_logical3A_262 = arith.constant 7 : i32
    %shift_right_logical3A_263 = vector.broadcast %shift_right_logical3A_262 : i32 to vector<16xi32>
    %shift_right_logical3A_264 = arith.shrui %add3A_261, %shift_right_logical3A_263 : vector<16xi32>
    %and3A_265 = arith.andi %add3A_261, %broadcast_in_dim3A_15 : vector<16xi32>
    tpu.vector_store_idx %arg10[%shift_right_logical3A_264, %and3A_265], %broadcast_in_dim3A_28 : memref<161x128xi32, #tpu.memory_space<vmem>>[vector<16xi32>, vector<16xi32>], vector<16xi32>,
    %add3A_266 = arith.constant 80 : i32
    %add3A_267 = vector.broadcast %add3A_266 : i32 to vector<16xi32>
    %add3A_268 = arith.addi %add3A_26, %add3A_267 : vector<16xi32>
    tpu.vector_store_idx %arg11[%shift_right_logical3A_264, %and3A_265], %add3A_268 : memref<161x128xi32, #tpu.memory_space<vmem>>[vector<16xi32>, vector<16xi32>], vector<16xi32>,
    %add3A_269 = arith.constant 352 : i32
    %add3A_270 = arith.addi %scan3A_23, %add3A_269 : i32
    %broadcast_in_dim3A_271 = vector.broadcast %add3A_270 : i32 to vector<16xi32>
    %add3A_272 = arith.addi %broadcast_in_dim3A_271, %iota3A : vector<16xi32>
    %shift_right_logical3A_273 = arith.constant 7 : i32
    %shift_right_logical3A_274 = vector.broadcast %shift_right_logical3A_273 : i32 to vector<16xi32>
    %shift_right_logical3A_275 = arith.shrui %add3A_272, %shift_right_logical3A_274 : vector<16xi32>
    %and3A_276 = arith.andi %add3A_272, %broadcast_in_dim3A_15 : vector<16xi32>
    tpu.vector_store_idx %arg10[%shift_right_logical3A_275, %and3A_276], %broadcast_in_dim3A_28 : memref<161x128xi32, #tpu.memory_space<vmem>>[vector<16xi32>, vector<16xi32>], vector<16xi32>,
    %add3A_277 = arith.constant 96 : i32
    %add3A_278 = vector.broadcast %add3A_277 : i32 to vector<16xi32>
    %add3A_279 = arith.addi %add3A_26, %add3A_278 : vector<16xi32>
    tpu.vector_store_idx %arg11[%shift_right_logical3A_275, %and3A_276], %add3A_279 : memref<161x128xi32, #tpu.memory_space<vmem>>[vector<16xi32>, vector<16xi32>], vector<16xi32>,
    %add3A_280 = arith.constant 368 : i32
    %add3A_281 = arith.addi %scan3A_23, %add3A_280 : i32
    %broadcast_in_dim3A_282 = vector.broadcast %add3A_281 : i32 to vector<16xi32>
    %add3A_283 = arith.addi %broadcast_in_dim3A_282, %iota3A : vector<16xi32>
    %shift_right_logical3A_284 = arith.constant 7 : i32
    %shift_right_logical3A_285 = vector.broadcast %shift_right_logical3A_284 : i32 to vector<16xi32>
    %shift_right_logical3A_286 = arith.shrui %add3A_283, %shift_right_logical3A_285 : vector<16xi32>
    %and3A_287 = arith.andi %add3A_283, %broadcast_in_dim3A_15 : vector<16xi32>
    tpu.vector_store_idx %arg10[%shift_right_logical3A_286, %and3A_287], %broadcast_in_dim3A_28 : memref<161x128xi32, #tpu.memory_space<vmem>>[vector<16xi32>, vector<16xi32>], vector<16xi32>,
    %add3A_288 = arith.constant 112 : i32
    %add3A_289 = vector.broadcast %add3A_288 : i32 to vector<16xi32>
    %add3A_290 = arith.addi %add3A_26, %add3A_289 : vector<16xi32>
    tpu.vector_store_idx %arg11[%shift_right_logical3A_286, %and3A_287], %add3A_290 : memref<161x128xi32, #tpu.memory_space<vmem>>[vector<16xi32>, vector<16xi32>], vector<16xi32>,
    %broadcast_in_dim3A_291 = vector.broadcast %scan3A_23 : i32 to vector<16xi32>
    %swap3A = arith.constant 0 : index
    %swap3A_292 = tpu.vector_load %arg13[%swap3A] {strides = array<i32>} : memref<16xi32, #tpu.memory_space<vmem>>, vector<16xi32>,
    tpu.vector_store %arg13[%swap3A], %broadcast_in_dim3A_291 {strides = array<i32>} : memref<16xi32, #tpu.memory_space<vmem>>, vector<16xi32>,
    "tpu.region"() ({
      %run_scoped3A = tpu.sem_alloc : memref<!tpu.dma_semaphore, #tpu.memory_space<semaphore_mem>>
      %dma_start3A = arith.constant 0 : i32
      %dma_start3A_293 = arith.constant 0 : i32
      %dma_start3A_294 = tpu.memref_slice %arg4[%arg0, %arg1, %dma_start3A, %dma_start3A_293] : memref<2x16x161x128xi32, #tpu.memory_space<hbm>> -> memref<1x1x161x128xi32, #tpu.memory_space<hbm>>
      %dma_start3A_295 = tpu.memref_squeeze %dma_start3A_294 : memref<1x1x161x128xi32, #tpu.memory_space<hbm>> -> memref<161x128xi32, #tpu.memory_space<hbm>>
      %dma_start3A_296 = arith.constant 0 : i32
      %dma_start3A_297 = arith.constant 0 : i32
      %dma_start3A_298 = tpu.memref_slice %arg4[%arg0, %arg1, %dma_start3A_296, %dma_start3A_297] : memref<2x16x161x128xi32, #tpu.memory_space<hbm>> -> memref<1x1x161x128xi32, #tpu.memory_space<hbm>>
      %dma_start3A_299 = tpu.memref_squeeze %dma_start3A_298 : memref<1x1x161x128xi32, #tpu.memory_space<hbm>> -> memref<161x128xi32, #tpu.memory_space<hbm>>
      tpu.enqueue_dma source(%arg10 : memref<161x128xi32, #tpu.memory_space<vmem>>) target(%dma_start3A_299 : memref<161x128xi32, #tpu.memory_space<hbm>>) target_semaphore(%run_scoped3A : memref<!tpu.dma_semaphore, #tpu.memory_space<semaphore_mem>>)
      %dma_wait3A = arith.constant 0 : i32
      %dma_wait3A_300 = arith.constant 0 : i32
      %dma_wait3A_301 = tpu.memref_slice %arg4[%arg0, %arg1, %dma_wait3A, %dma_wait3A_300] : memref<2x16x161x128xi32, #tpu.memory_space<hbm>> -> memref<1x1x161x128xi32, #tpu.memory_space<hbm>>
      %dma_wait3A_302 = tpu.memref_squeeze %dma_wait3A_301 : memref<1x1x161x128xi32, #tpu.memory_space<hbm>> -> memref<161x128xi32, #tpu.memory_space<hbm>>
      %dma_wait3A_303 = arith.constant 0 : i32
      %dma_wait3A_304 = arith.constant 0 : i32
      %dma_wait3A_305 = tpu.memref_slice %arg4[%arg0, %arg1, %dma_wait3A_303, %dma_wait3A_304] : memref<2x16x161x128xi32, #tpu.memory_space<hbm>> -> memref<1x1x161x128xi32, #tpu.memory_space<hbm>>
      %dma_wait3A_306 = tpu.memref_squeeze %dma_wait3A_305 : memref<1x1x161x128xi32, #tpu.memory_space<hbm>> -> memref<161x128xi32, #tpu.memory_space<hbm>>
      tpu.wait_dma2 semaphore(%run_scoped3A : memref<!tpu.dma_semaphore, #tpu.memory_space<semaphore_mem>>) src(%arg10 : memref<161x128xi32, #tpu.memory_space<vmem>>) dst(%dma_wait3A_306 : memref<161x128xi32, #tpu.memory_space<hbm>>)
      tpu.yield
    }) : () -> ()
    "tpu.region"() ({
      %run_scoped3A = tpu.sem_alloc : memref<!tpu.dma_semaphore, #tpu.memory_space<semaphore_mem>>
      %dma_start3A = arith.constant 0 : i32
      %dma_start3A_293 = arith.constant 0 : i32
      %dma_start3A_294 = tpu.memref_slice %arg5[%arg0, %arg1, %dma_start3A, %dma_start3A_293] : memref<2x16x161x128xi32, #tpu.memory_space<hbm>> -> memref<1x1x161x128xi32, #tpu.memory_space<hbm>>
      %dma_start3A_295 = tpu.memref_squeeze %dma_start3A_294 : memref<1x1x161x128xi32, #tpu.memory_space<hbm>> -> memref<161x128xi32, #tpu.memory_space<hbm>>
      %dma_start3A_296 = arith.constant 0 : i32
      %dma_start3A_297 = arith.constant 0 : i32
      %dma_start3A_298 = tpu.memref_slice %arg5[%arg0, %arg1, %dma_start3A_296, %dma_start3A_297] : memref<2x16x161x128xi32, #tpu.memory_space<hbm>> -> memref<1x1x161x128xi32, #tpu.memory_space<hbm>>
      %dma_start3A_299 = tpu.memref_squeeze %dma_start3A_298 : memref<1x1x161x128xi32, #tpu.memory_space<hbm>> -> memref<161x128xi32, #tpu.memory_space<hbm>>
      tpu.enqueue_dma source(%arg11 : memref<161x128xi32, #tpu.memory_space<vmem>>) target(%dma_start3A_299 : memref<161x128xi32, #tpu.memory_space<hbm>>) target_semaphore(%run_scoped3A : memref<!tpu.dma_semaphore, #tpu.memory_space<semaphore_mem>>)
      %dma_wait3A = arith.constant 0 : i32
      %dma_wait3A_300 = arith.constant 0 : i32
      %dma_wait3A_301 = tpu.memref_slice %arg5[%arg0, %arg1, %dma_wait3A, %dma_wait3A_300] : memref<2x16x161x128xi32, #tpu.memory_space<hbm>> -> memref<1x1x161x128xi32, #tpu.memory_space<hbm>>
      %dma_wait3A_302 = tpu.memref_squeeze %dma_wait3A_301 : memref<1x1x161x128xi32, #tpu.memory_space<hbm>> -> memref<161x128xi32, #tpu.memory_space<hbm>>
      %dma_wait3A_303 = arith.constant 0 : i32
      %dma_wait3A_304 = arith.constant 0 : i32
      %dma_wait3A_305 = tpu.memref_slice %arg5[%arg0, %arg1, %dma_wait3A_303, %dma_wait3A_304] : memref<2x16x161x128xi32, #tpu.memory_space<hbm>> -> memref<1x1x161x128xi32, #tpu.memory_space<hbm>>
      %dma_wait3A_306 = tpu.memref_squeeze %dma_wait3A_305 : memref<1x1x161x128xi32, #tpu.memory_space<hbm>> -> memref<161x128xi32, #tpu.memory_space<hbm>>
      tpu.wait_dma2 semaphore(%run_scoped3A : memref<!tpu.dma_semaphore, #tpu.memory_space<semaphore_mem>>) src(%arg11 : memref<161x128xi32, #tpu.memory_space<vmem>>) dst(%dma_wait3A_306 : memref<161x128xi32, #tpu.memory_space<hbm>>)
      tpu.yield
    }) : () -> ()
    "tpu.region"() ({
      %run_scoped3A = tpu.sem_alloc : memref<!tpu.dma_semaphore, #tpu.memory_space<semaphore_mem>>
      %dma_start3A = arith.constant 0 : i32
      %dma_start3A_293 = tpu.memref_slice %arg6[%arg0, %arg1, %dma_start3A] : memref<2x16x16xi32, #tpu.memory_space<hbm>> -> memref<1x1x16xi32, #tpu.memory_space<hbm>>
      %dma_start3A_294 = tpu.memref_squeeze %dma_start3A_293 : memref<1x1x16xi32, #tpu.memory_space<hbm>> -> memref<16xi32, #tpu.memory_space<hbm>>
      %dma_start3A_295 = arith.constant 0 : i32
      %dma_start3A_296 = tpu.memref_slice %arg6[%arg0, %arg1, %dma_start3A_295] : memref<2x16x16xi32, #tpu.memory_space<hbm>> -> memref<1x1x16xi32, #tpu.memory_space<hbm>>
      %dma_start3A_297 = tpu.memref_squeeze %dma_start3A_296 : memref<1x1x16xi32, #tpu.memory_space<hbm>> -> memref<16xi32, #tpu.memory_space<hbm>>
      tpu.enqueue_dma source(%arg13 : memref<16xi32, #tpu.memory_space<vmem>>) target(%dma_start3A_297 : memref<16xi32, #tpu.memory_space<hbm>>) target_semaphore(%run_scoped3A : memref<!tpu.dma_semaphore, #tpu.memory_space<semaphore_mem>>)
      %dma_wait3A = arith.constant 0 : i32
      %dma_wait3A_298 = tpu.memref_slice %arg6[%arg0, %arg1, %dma_wait3A] : memref<2x16x16xi32, #tpu.memory_space<hbm>> -> memref<1x1x16xi32, #tpu.memory_space<hbm>>
      %dma_wait3A_299 = tpu.memref_squeeze %dma_wait3A_298 : memref<1x1x16xi32, #tpu.memory_space<hbm>> -> memref<16xi32, #tpu.memory_space<hbm>>
      %dma_wait3A_300 = arith.constant 0 : i32
      %dma_wait3A_301 = tpu.memref_slice %arg6[%arg0, %arg1, %dma_wait3A_300] : memref<2x16x16xi32, #tpu.memory_space<hbm>> -> memref<1x1x16xi32, #tpu.memory_space<hbm>>
      %dma_wait3A_302 = tpu.memref_squeeze %dma_wait3A_301 : memref<1x1x16xi32, #tpu.memory_space<hbm>> -> memref<16xi32, #tpu.memory_space<hbm>>
      tpu.wait_dma2 semaphore(%run_scoped3A : memref<!tpu.dma_semaphore, #tpu.memory_space<semaphore_mem>>) src(%arg13 : memref<16xi32, #tpu.memory_space<vmem>>) dst(%dma_wait3A_302 : memref<16xi32, #tpu.memory_space<hbm>>)
      tpu.yield
    }) : () -> ()
    "tpu.region"() ({
      %run_scoped3A = tpu.sem_alloc : memref<!tpu.dma_semaphore, #tpu.memory_space<semaphore_mem>>
      %dma_start3A = arith.constant 0 : i32
      %dma_start3A_293 = arith.constant 0 : i32
      %dma_start3A_294 = tpu.memref_slice %arg7[%arg0, %arg1, %dma_start3A, %dma_start3A_293] : memref<2x16x48x128xf32, #tpu.memory_space<hbm>> -> memref<1x1x48x128xf32, #tpu.memory_space<hbm>>
      %dma_start3A_295 = tpu.memref_squeeze %dma_start3A_294 : memref<1x1x48x128xf32, #tpu.memory_space<hbm>> -> memref<48x128xf32, #tpu.memory_space<hbm>>
      %dma_start3A_296 = arith.constant 0 : i32
      %dma_start3A_297 = arith.constant 0 : i32
      %dma_start3A_298 = tpu.memref_slice %arg7[%arg0, %arg1, %dma_start3A_296, %dma_start3A_297] : memref<2x16x48x128xf32, #tpu.memory_space<hbm>> -> memref<1x1x48x128xf32, #tpu.memory_space<hbm>>
      %dma_start3A_299 = tpu.memref_squeeze %dma_start3A_298 : memref<1x1x48x128xf32, #tpu.memory_space<hbm>> -> memref<48x128xf32, #tpu.memory_space<hbm>>
      tpu.enqueue_dma source(%arg12 : memref<48x128xf32, #tpu.memory_space<vmem>>) target(%dma_start3A_299 : memref<48x128xf32, #tpu.memory_space<hbm>>) target_semaphore(%run_scoped3A : memref<!tpu.dma_semaphore, #tpu.memory_space<semaphore_mem>>)
      %dma_wait3A = arith.constant 0 : i32
      %dma_wait3A_300 = arith.constant 0 : i32
      %dma_wait3A_301 = tpu.memref_slice %arg7[%arg0, %arg1, %dma_wait3A, %dma_wait3A_300] : memref<2x16x48x128xf32, #tpu.memory_space<hbm>> -> memref<1x1x48x128xf32, #tpu.memory_space<hbm>>
      %dma_wait3A_302 = tpu.memref_squeeze %dma_wait3A_301 : memref<1x1x48x128xf32, #tpu.memory_space<hbm>> -> memref<48x128xf32, #tpu.memory_space<hbm>>
      %dma_wait3A_303 = arith.constant 0 : i32
      %dma_wait3A_304 = arith.constant 0 : i32
      %dma_wait3A_305 = tpu.memref_slice %arg7[%arg0, %arg1, %dma_wait3A_303, %dma_wait3A_304] : memref<2x16x48x128xf32, #tpu.memory_space<hbm>> -> memref<1x1x48x128xf32, #tpu.memory_space<hbm>>
      %dma_wait3A_306 = tpu.memref_squeeze %dma_wait3A_305 : memref<1x1x48x128xf32, #tpu.memory_space<hbm>> -> memref<48x128xf32, #tpu.memory_space<hbm>>
      tpu.wait_dma2 semaphore(%run_scoped3A : memref<!tpu.dma_semaphore, #tpu.memory_space<semaphore_mem>>) src(%arg12 : memref<48x128xf32, #tpu.memory_space<vmem>>) dst(%dma_wait3A_306 : memref<48x128xf32, #tpu.memory_space<hbm>>)
      tpu.yield
    }) : () -> ()
    return
  }
}

#map = affine_map<(d0, d1) -> (0, 0)>
#map1 = affine_map<(d0, d1) -> (0, 0, 0, 0)>
#map2 = affine_map<(d0, d1) -> (0, 0, 0)>
module attributes {stable_mosaic.version = 14 : i64} {
  func.func @_sc_gs_body(%arg0: i32, %arg1: i32, %arg2: memref<10240x128xf32, #tpu.memory_space<hbm>>, %arg3: memref<2x16x644x32xi32, #tpu.memory_space<hbm>>, %arg4: memref<2x16x644x32xi32, #tpu.memory_space<hbm>>, %arg5: memref<2x16x16xi32, #tpu.memory_space<hbm>>, %arg6: memref<10240x128xf32, #tpu.memory_space<hbm>>, %arg7: memref<644x32xi32, #tpu.memory_space<vmem>>, %arg8: memref<644x32xi32, #tpu.memory_space<vmem>>, %arg9: memref<16xi32, #tpu.memory_space<vmem>>, %arg10: memref<8x32x128xf32, #tpu.memory_space<vmem>>, %arg11: memref<64x128xf32, #tpu.memory_space<vmem>>, %arg12: memref<5248x128xf32, #tpu.memory_space<vmem_shared>>, %arg13: memref<!tpu.dma_semaphore, #tpu.memory_space<semaphore_mem>>, %arg14: memref<!tpu.dma_semaphore, #tpu.memory_space<semaphore_mem>>, %arg15: memref<!tpu.dma_semaphore, #tpu.memory_space<semaphore_mem>>, %arg16: memref<!tpu.dma_semaphore, #tpu.memory_space<semaphore_mem>>, %arg17: memref<!tpu.dma_semaphore, #tpu.memory_space<semaphore_mem>>, %arg18: memref<!tpu.dma_semaphore, #tpu.memory_space<semaphore_mem>>, %arg19: memref<!tpu.dma_semaphore, #tpu.memory_space<semaphore_mem>>, %arg20: memref<!tpu.dma_semaphore, #tpu.memory_space<semaphore_mem>>, %arg21: memref<!tpu.dma_semaphore, #tpu.memory_space<semaphore_mem>>, %arg22: memref<!tpu.dma_semaphore, #tpu.memory_space<semaphore_mem>>, %arg23: memref<!tpu.dma_semaphore, #tpu.memory_space<semaphore_mem>>, %arg24: memref<!tpu.dma_semaphore, #tpu.memory_space<semaphore_mem>>, %arg25: memref<!tpu.dma_semaphore, #tpu.memory_space<semaphore_mem>>, %arg26: memref<!tpu.dma_semaphore, #tpu.memory_space<semaphore_mem>>, %arg27: memref<!tpu.dma_semaphore, #tpu.memory_space<semaphore_mem>>, %arg28: memref<!tpu.dma_semaphore, #tpu.memory_space<semaphore_mem>>) attributes {dimension_semantics = [#tpu.dimension_semantics<core_parallel>, #tpu.dimension_semantics<subcore_parallel>], iteration_bounds = array<i64: 2, 16>, scalar_prefetch = 0 : i64, scratch_operands = 22 : i64, tpu.core_type = #tpu.core_type<sc_vector_subcore>, window_params = [{transform_indices = #map}, {transform_indices = #map1}, {transform_indices = #map1}, {transform_indices = #map2}, {transform_indices = #map}]} {
    %broadcast_in_dim3A = arith.constant 0.000000e+00 : f32
    %broadcast_in_dim3A_0 = vector.broadcast %broadcast_in_dim3A : f32 to vector<16xf32>
    %scan3A = arith.constant 0 : i32
    %scan3A_1 = arith.constant 0 : i32
    %scan3A_2 = arith.constant 64 : i32
    %scan3A_3 = arith.addi %scan3A_1, %scan3A_2 : i32
    %scan3A_4 = arith.constant 1 : i32
    scf.for %scan3A_177 = %scan3A_1 to %scan3A_3 step %scan3A_4  : i32 {
      %swap3A = arith.index_cast %scan3A_177 : i32 to index
      %swap3A_178 = arith.constant 0 : index
      %swap3A_179 = tpu.vector_load %arg11[%swap3A, %swap3A_178] {strides = array<i32>} : memref<64x128xf32, #tpu.memory_space<vmem>>, vector<1x16xf32>,
      %swap3A_180 = vector.shape_cast %swap3A_179 : vector<1x16xf32> to vector<16xf32>
      %swap3A_181 = vector.shape_cast %broadcast_in_dim3A_0 : vector<16xf32> to vector<1x16xf32>
      tpu.vector_store %arg11[%swap3A, %swap3A_178], %swap3A_181 {strides = array<i32>} : memref<64x128xf32, #tpu.memory_space<vmem>>, vector<1x16xf32>,
      %swap3A_182 = arith.index_cast %scan3A_177 : i32 to index
      %swap3A_183 = arith.constant 16 : index
      %swap3A_184 = tpu.vector_load %arg11[%swap3A_182, %swap3A_183] {strides = array<i32>} : memref<64x128xf32, #tpu.memory_space<vmem>>, vector<1x16xf32>,
      %swap3A_185 = vector.shape_cast %swap3A_184 : vector<1x16xf32> to vector<16xf32>
      %swap3A_186 = vector.shape_cast %broadcast_in_dim3A_0 : vector<16xf32> to vector<1x16xf32>
      tpu.vector_store %arg11[%swap3A_182, %swap3A_183], %swap3A_186 {strides = array<i32>} : memref<64x128xf32, #tpu.memory_space<vmem>>, vector<1x16xf32>,
      %swap3A_187 = arith.index_cast %scan3A_177 : i32 to index
      %swap3A_188 = arith.constant 32 : index
      %swap3A_189 = tpu.vector_load %arg11[%swap3A_187, %swap3A_188] {strides = array<i32>} : memref<64x128xf32, #tpu.memory_space<vmem>>, vector<1x16xf32>,
      %swap3A_190 = vector.shape_cast %swap3A_189 : vector<1x16xf32> to vector<16xf32>
      %swap3A_191 = vector.shape_cast %broadcast_in_dim3A_0 : vector<16xf32> to vector<1x16xf32>
      tpu.vector_store %arg11[%swap3A_187, %swap3A_188], %swap3A_191 {strides = array<i32>} : memref<64x128xf32, #tpu.memory_space<vmem>>, vector<1x16xf32>,
      %swap3A_192 = arith.index_cast %scan3A_177 : i32 to index
      %swap3A_193 = arith.constant 48 : index
      %swap3A_194 = tpu.vector_load %arg11[%swap3A_192, %swap3A_193] {strides = array<i32>} : memref<64x128xf32, #tpu.memory_space<vmem>>, vector<1x16xf32>,
      %swap3A_195 = vector.shape_cast %swap3A_194 : vector<1x16xf32> to vector<16xf32>
      %swap3A_196 = vector.shape_cast %broadcast_in_dim3A_0 : vector<16xf32> to vector<1x16xf32>
      tpu.vector_store %arg11[%swap3A_192, %swap3A_193], %swap3A_196 {strides = array<i32>} : memref<64x128xf32, #tpu.memory_space<vmem>>, vector<1x16xf32>,
      %swap3A_197 = arith.index_cast %scan3A_177 : i32 to index
      %swap3A_198 = arith.constant 64 : index
      %swap3A_199 = tpu.vector_load %arg11[%swap3A_197, %swap3A_198] {strides = array<i32>} : memref<64x128xf32, #tpu.memory_space<vmem>>, vector<1x16xf32>,
      %swap3A_200 = vector.shape_cast %swap3A_199 : vector<1x16xf32> to vector<16xf32>
      %swap3A_201 = vector.shape_cast %broadcast_in_dim3A_0 : vector<16xf32> to vector<1x16xf32>
      tpu.vector_store %arg11[%swap3A_197, %swap3A_198], %swap3A_201 {strides = array<i32>} : memref<64x128xf32, #tpu.memory_space<vmem>>, vector<1x16xf32>,
      %swap3A_202 = arith.index_cast %scan3A_177 : i32 to index
      %swap3A_203 = arith.constant 80 : index
      %swap3A_204 = tpu.vector_load %arg11[%swap3A_202, %swap3A_203] {strides = array<i32>} : memref<64x128xf32, #tpu.memory_space<vmem>>, vector<1x16xf32>,
      %swap3A_205 = vector.shape_cast %swap3A_204 : vector<1x16xf32> to vector<16xf32>
      %swap3A_206 = vector.shape_cast %broadcast_in_dim3A_0 : vector<16xf32> to vector<1x16xf32>
      tpu.vector_store %arg11[%swap3A_202, %swap3A_203], %swap3A_206 {strides = array<i32>} : memref<64x128xf32, #tpu.memory_space<vmem>>, vector<1x16xf32>,
      %swap3A_207 = arith.index_cast %scan3A_177 : i32 to index
      %swap3A_208 = arith.constant 96 : index
      %swap3A_209 = tpu.vector_load %arg11[%swap3A_207, %swap3A_208] {strides = array<i32>} : memref<64x128xf32, #tpu.memory_space<vmem>>, vector<1x16xf32>,
      %swap3A_210 = vector.shape_cast %swap3A_209 : vector<1x16xf32> to vector<16xf32>
      %swap3A_211 = vector.shape_cast %broadcast_in_dim3A_0 : vector<16xf32> to vector<1x16xf32>
      tpu.vector_store %arg11[%swap3A_207, %swap3A_208], %swap3A_211 {strides = array<i32>} : memref<64x128xf32, #tpu.memory_space<vmem>>, vector<1x16xf32>,
      %swap3A_212 = arith.index_cast %scan3A_177 : i32 to index
      %swap3A_213 = arith.constant 112 : index
      %swap3A_214 = tpu.vector_load %arg11[%swap3A_212, %swap3A_213] {strides = array<i32>} : memref<64x128xf32, #tpu.memory_space<vmem>>, vector<1x16xf32>,
      %swap3A_215 = vector.shape_cast %swap3A_214 : vector<1x16xf32> to vector<16xf32>
      %swap3A_216 = vector.shape_cast %broadcast_in_dim3A_0 : vector<16xf32> to vector<1x16xf32>
      tpu.vector_store %arg11[%swap3A_212, %swap3A_213], %swap3A_216 {strides = array<i32>} : memref<64x128xf32, #tpu.memory_space<vmem>>, vector<1x16xf32>,
    }
    %scan3A_5 = arith.constant 64 : i32
    "tpu.region"() ({
      %run_scoped3A = tpu.sem_alloc : memref<!tpu.dma_semaphore, #tpu.memory_space<semaphore_mem>>
      %dma_start3A_177 = arith.constant 0 : i32
      %dma_start3A_178 = arith.constant 0 : i32
      %dma_start3A_179 = tpu.memref_slice %arg3[%arg0, %arg1, %dma_start3A_177, %dma_start3A_178] : memref<2x16x644x32xi32, #tpu.memory_space<hbm>> -> memref<1x1x644x32xi32, #tpu.memory_space<hbm>>
      %dma_start3A_180 = tpu.memref_squeeze %dma_start3A_179 : memref<1x1x644x32xi32, #tpu.memory_space<hbm>> -> memref<644x32xi32, #tpu.memory_space<hbm>>
      %dma_start3A_181 = arith.constant 0 : i32
      %dma_start3A_182 = arith.constant 0 : i32
      %dma_start3A_183 = tpu.memref_slice %arg3[%arg0, %arg1, %dma_start3A_181, %dma_start3A_182] : memref<2x16x644x32xi32, #tpu.memory_space<hbm>> -> memref<1x1x644x32xi32, #tpu.memory_space<hbm>>
      %dma_start3A_184 = tpu.memref_squeeze %dma_start3A_183 : memref<1x1x644x32xi32, #tpu.memory_space<hbm>> -> memref<644x32xi32, #tpu.memory_space<hbm>>
      tpu.enqueue_dma source(%dma_start3A_184 : memref<644x32xi32, #tpu.memory_space<hbm>>) target(%arg7 : memref<644x32xi32, #tpu.memory_space<vmem>>) target_semaphore(%run_scoped3A : memref<!tpu.dma_semaphore, #tpu.memory_space<semaphore_mem>>)
      %dma_wait3A = arith.constant 0 : i32
      %dma_wait3A_185 = arith.constant 0 : i32
      %dma_wait3A_186 = tpu.memref_slice %arg3[%arg0, %arg1, %dma_wait3A, %dma_wait3A_185] : memref<2x16x644x32xi32, #tpu.memory_space<hbm>> -> memref<1x1x644x32xi32, #tpu.memory_space<hbm>>
      %dma_wait3A_187 = tpu.memref_squeeze %dma_wait3A_186 : memref<1x1x644x32xi32, #tpu.memory_space<hbm>> -> memref<644x32xi32, #tpu.memory_space<hbm>>
      %dma_wait3A_188 = arith.constant 0 : i32
      %dma_wait3A_189 = arith.constant 0 : i32
      %dma_wait3A_190 = tpu.memref_slice %arg3[%arg0, %arg1, %dma_wait3A_188, %dma_wait3A_189] : memref<2x16x644x32xi32, #tpu.memory_space<hbm>> -> memref<1x1x644x32xi32, #tpu.memory_space<hbm>>
      %dma_wait3A_191 = tpu.memref_squeeze %dma_wait3A_190 : memref<1x1x644x32xi32, #tpu.memory_space<hbm>> -> memref<644x32xi32, #tpu.memory_space<hbm>>
      tpu.wait_dma2 semaphore(%run_scoped3A : memref<!tpu.dma_semaphore, #tpu.memory_space<semaphore_mem>>) src(%dma_wait3A_191 : memref<644x32xi32, #tpu.memory_space<hbm>>) dst(%arg7 : memref<644x32xi32, #tpu.memory_space<vmem>>)
      tpu.yield
    }) : () -> ()
    "tpu.region"() ({
      %run_scoped3A = tpu.sem_alloc : memref<!tpu.dma_semaphore, #tpu.memory_space<semaphore_mem>>
      %dma_start3A_177 = arith.constant 0 : i32
      %dma_start3A_178 = arith.constant 0 : i32
      %dma_start3A_179 = tpu.memref_slice %arg4[%arg0, %arg1, %dma_start3A_177, %dma_start3A_178] : memref<2x16x644x32xi32, #tpu.memory_space<hbm>> -> memref<1x1x644x32xi32, #tpu.memory_space<hbm>>
      %dma_start3A_180 = tpu.memref_squeeze %dma_start3A_179 : memref<1x1x644x32xi32, #tpu.memory_space<hbm>> -> memref<644x32xi32, #tpu.memory_space<hbm>>
      %dma_start3A_181 = arith.constant 0 : i32
      %dma_start3A_182 = arith.constant 0 : i32
      %dma_start3A_183 = tpu.memref_slice %arg4[%arg0, %arg1, %dma_start3A_181, %dma_start3A_182] : memref<2x16x644x32xi32, #tpu.memory_space<hbm>> -> memref<1x1x644x32xi32, #tpu.memory_space<hbm>>
      %dma_start3A_184 = tpu.memref_squeeze %dma_start3A_183 : memref<1x1x644x32xi32, #tpu.memory_space<hbm>> -> memref<644x32xi32, #tpu.memory_space<hbm>>
      tpu.enqueue_dma source(%dma_start3A_184 : memref<644x32xi32, #tpu.memory_space<hbm>>) target(%arg8 : memref<644x32xi32, #tpu.memory_space<vmem>>) target_semaphore(%run_scoped3A : memref<!tpu.dma_semaphore, #tpu.memory_space<semaphore_mem>>)
      %dma_wait3A = arith.constant 0 : i32
      %dma_wait3A_185 = arith.constant 0 : i32
      %dma_wait3A_186 = tpu.memref_slice %arg4[%arg0, %arg1, %dma_wait3A, %dma_wait3A_185] : memref<2x16x644x32xi32, #tpu.memory_space<hbm>> -> memref<1x1x644x32xi32, #tpu.memory_space<hbm>>
      %dma_wait3A_187 = tpu.memref_squeeze %dma_wait3A_186 : memref<1x1x644x32xi32, #tpu.memory_space<hbm>> -> memref<644x32xi32, #tpu.memory_space<hbm>>
      %dma_wait3A_188 = arith.constant 0 : i32
      %dma_wait3A_189 = arith.constant 0 : i32
      %dma_wait3A_190 = tpu.memref_slice %arg4[%arg0, %arg1, %dma_wait3A_188, %dma_wait3A_189] : memref<2x16x644x32xi32, #tpu.memory_space<hbm>> -> memref<1x1x644x32xi32, #tpu.memory_space<hbm>>
      %dma_wait3A_191 = tpu.memref_squeeze %dma_wait3A_190 : memref<1x1x644x32xi32, #tpu.memory_space<hbm>> -> memref<644x32xi32, #tpu.memory_space<hbm>>
      tpu.wait_dma2 semaphore(%run_scoped3A : memref<!tpu.dma_semaphore, #tpu.memory_space<semaphore_mem>>) src(%dma_wait3A_191 : memref<644x32xi32, #tpu.memory_space<hbm>>) dst(%arg8 : memref<644x32xi32, #tpu.memory_space<vmem>>)
      tpu.yield
    }) : () -> ()
    "tpu.region"() ({
      %run_scoped3A = tpu.sem_alloc : memref<!tpu.dma_semaphore, #tpu.memory_space<semaphore_mem>>
      %dma_start3A_177 = arith.constant 0 : i32
      %dma_start3A_178 = tpu.memref_slice %arg5[%arg0, %arg1, %dma_start3A_177] : memref<2x16x16xi32, #tpu.memory_space<hbm>> -> memref<1x1x16xi32, #tpu.memory_space<hbm>>
      %dma_start3A_179 = tpu.memref_squeeze %dma_start3A_178 : memref<1x1x16xi32, #tpu.memory_space<hbm>> -> memref<16xi32, #tpu.memory_space<hbm>>
      %dma_start3A_180 = arith.constant 0 : i32
      %dma_start3A_181 = tpu.memref_slice %arg5[%arg0, %arg1, %dma_start3A_180] : memref<2x16x16xi32, #tpu.memory_space<hbm>> -> memref<1x1x16xi32, #tpu.memory_space<hbm>>
      %dma_start3A_182 = tpu.memref_squeeze %dma_start3A_181 : memref<1x1x16xi32, #tpu.memory_space<hbm>> -> memref<16xi32, #tpu.memory_space<hbm>>
      tpu.enqueue_dma source(%dma_start3A_182 : memref<16xi32, #tpu.memory_space<hbm>>) target(%arg9 : memref<16xi32, #tpu.memory_space<vmem>>) target_semaphore(%run_scoped3A : memref<!tpu.dma_semaphore, #tpu.memory_space<semaphore_mem>>)
      %dma_wait3A = arith.constant 0 : i32
      %dma_wait3A_183 = tpu.memref_slice %arg5[%arg0, %arg1, %dma_wait3A] : memref<2x16x16xi32, #tpu.memory_space<hbm>> -> memref<1x1x16xi32, #tpu.memory_space<hbm>>
      %dma_wait3A_184 = tpu.memref_squeeze %dma_wait3A_183 : memref<1x1x16xi32, #tpu.memory_space<hbm>> -> memref<16xi32, #tpu.memory_space<hbm>>
      %dma_wait3A_185 = arith.constant 0 : i32
      %dma_wait3A_186 = tpu.memref_slice %arg5[%arg0, %arg1, %dma_wait3A_185] : memref<2x16x16xi32, #tpu.memory_space<hbm>> -> memref<1x1x16xi32, #tpu.memory_space<hbm>>
      %dma_wait3A_187 = tpu.memref_squeeze %dma_wait3A_186 : memref<1x1x16xi32, #tpu.memory_space<hbm>> -> memref<16xi32, #tpu.memory_space<hbm>>
      tpu.wait_dma2 semaphore(%run_scoped3A : memref<!tpu.dma_semaphore, #tpu.memory_space<semaphore_mem>>) src(%dma_wait3A_187 : memref<16xi32, #tpu.memory_space<hbm>>) dst(%arg9 : memref<16xi32, #tpu.memory_space<vmem>>)
      tpu.yield
    }) : () -> ()
    %get3A = arith.constant 0 : index
    %get3A_6 = tpu.vector_load %arg9[%get3A] {strides = array<i32>} : memref<16xi32, #tpu.memory_space<vmem>>, vector<16xi32>,
    %get3A_7 = vector.shape_cast %get3A_6 : vector<16xi32> to vector<16xi32>
    %slice3A = vector.extract_strided_slice %get3A_7 {offsets = [0], sizes = [1], strides = [1]} : vector<16xi32> to vector<1xi32>
    %squeeze3A = vector.extract %slice3A[0] : i32 from vector<1xi32>
    %add3A = arith.constant 32 : i32
    %add3A_8 = arith.addi %squeeze3A, %add3A : i32
    %sub3A = arith.constant 1 : i32
    %sub3A_9 = arith.subi %add3A_8, %sub3A : i32
    %jit3A = arith.constant 32 : i32
    %div3A = arith.divsi %sub3A_9, %jit3A : i32
    %sign3A = arith.constant 0 : i32
    %sign3A_10 = arith.cmpi sgt, %sub3A_9, %sign3A : i32
    %sign3A_11 = arith.extui %sign3A_10 : i1 to i32
    %sign3A_12 = arith.constant 0 : i32
    %sign3A_13 = arith.cmpi slt, %sub3A_9, %sign3A_12 : i32
    %sign3A_14 = arith.extui %sign3A_13 : i1 to i32
    %sign3A_15 = arith.subi %sign3A_11, %sign3A_14 : i32
    %sign3A_16 = arith.constant 0 : i32
    %sign3A_17 = arith.cmpi sgt, %jit3A, %sign3A_16 : i32
    %sign3A_18 = arith.extui %sign3A_17 : i1 to i32
    %sign3A_19 = arith.constant 0 : i32
    %sign3A_20 = arith.cmpi slt, %jit3A, %sign3A_19 : i32
    %sign3A_21 = arith.extui %sign3A_20 : i1 to i32
    %sign3A_22 = arith.subi %sign3A_18, %sign3A_21 : i32
    %ne3A = arith.cmpi ne, %sign3A_15, %sign3A_22 : i32
    %rem3A = arith.remsi %sub3A_9, %jit3A : i32
    %ne3A_23 = arith.constant 0 : i32
    %ne3A_24 = arith.cmpi ne, %rem3A, %ne3A_23 : i32
    %and3A = arith.andi %ne3A, %ne3A_24 : i1
    %sub3A_25 = arith.constant 1 : i32
    %sub3A_26 = arith.subi %div3A, %sub3A_25 : i32
    %select_n3A = arith.select %and3A, %sub3A_26, %div3A : i32
    %max3A = arith.constant 8 : i32
    %max3A_27 = arith.maxsi %select_n3A, %max3A : i32
    %add3A_28 = arith.constant 8 : i32
    %add3A_29 = arith.addi %max3A_27, %add3A_28 : i32
    %sub3A_30 = arith.constant 1 : i32
    %sub3A_31 = arith.subi %add3A_29, %sub3A_30 : i32
    %jit3A_32 = arith.constant 8 : i32
    %div3A_33 = arith.divsi %sub3A_31, %jit3A_32 : i32
    %sign3A_34 = arith.constant 0 : i32
    %sign3A_35 = arith.cmpi sgt, %sub3A_31, %sign3A_34 : i32
    %sign3A_36 = arith.extui %sign3A_35 : i1 to i32
    %sign3A_37 = arith.constant 0 : i32
    %sign3A_38 = arith.cmpi slt, %sub3A_31, %sign3A_37 : i32
    %sign3A_39 = arith.extui %sign3A_38 : i1 to i32
    %sign3A_40 = arith.subi %sign3A_36, %sign3A_39 : i32
    %sign3A_41 = arith.constant 0 : i32
    %sign3A_42 = arith.cmpi sgt, %jit3A_32, %sign3A_41 : i32
    %sign3A_43 = arith.extui %sign3A_42 : i1 to i32
    %sign3A_44 = arith.constant 0 : i32
    %sign3A_45 = arith.cmpi slt, %jit3A_32, %sign3A_44 : i32
    %sign3A_46 = arith.extui %sign3A_45 : i1 to i32
    %sign3A_47 = arith.subi %sign3A_43, %sign3A_46 : i32
    %ne3A_48 = arith.cmpi ne, %sign3A_40, %sign3A_47 : i32
    %rem3A_49 = arith.remsi %sub3A_31, %jit3A_32 : i32
    %ne3A_50 = arith.constant 0 : i32
    %ne3A_51 = arith.cmpi ne, %rem3A_49, %ne3A_50 : i32
    %and3A_52 = arith.andi %ne3A_48, %ne3A_51 : i1
    %sub3A_53 = arith.constant 1 : i32
    %sub3A_54 = arith.subi %div3A_33, %sub3A_53 : i32
    %select_n3A_55 = arith.select %and3A_52, %sub3A_54, %div3A_33 : i32
    %mul3A = arith.constant 8 : i32
    %mul3A_56 = arith.muli %select_n3A_55, %mul3A : i32
    %dma_start3A = arith.constant 0 : i32
    %dma_start3A_57 = arith.constant 0 : i32
    %dma_start3A_58 = arith.constant 0 : i32
    %dma_start3A_59 = arith.constant 0 : i32
    %dma_start3A_60 = tpu.memref_slice %arg10[%dma_start3A_57, %dma_start3A_58, %dma_start3A_59] : memref<8x32x128xf32, #tpu.memory_space<vmem>> -> memref<1x32x128xf32, #tpu.memory_space<vmem>>
    %dma_start3A_61 = tpu.memref_squeeze %dma_start3A_60 : memref<1x32x128xf32, #tpu.memory_space<vmem>> -> memref<32x128xf32, #tpu.memory_space<vmem>>
    %dma_start3A_62 = arith.constant 0 : i32
    %dma_start3A_63 = tpu.memref_slice %arg7[%dma_start3A, %dma_start3A_62] : memref<644x32xi32, #tpu.memory_space<vmem>> -> memref<1x32xi32, #tpu.memory_space<vmem>>
    %dma_start3A_64 = tpu.memref_squeeze %dma_start3A_63 : memref<1x32xi32, #tpu.memory_space<vmem>> -> memref<32xi32, #tpu.memory_space<vmem>>
    %dma_start3A_65 = arith.constant 0 : i32
    %dma_start3A_66 = arith.constant 0 : i32
    %dma_start3A_67 = tpu.memref_slice %arg2[%dma_start3A_65, %dma_start3A_66] : memref<10240x128xf32, #tpu.memory_space<hbm>> -> memref<10240x128xf32, #tpu.memory_space<hbm>>
    tpu.enqueue_indirect_dma source(%dma_start3A_67 : memref<10240x128xf32, #tpu.memory_space<hbm>>) target(%dma_start3A_61 : memref<32x128xf32, #tpu.memory_space<vmem>>) offsets(%dma_start3A_64 : memref<32xi32, #tpu.memory_space<vmem>>) semaphore(%arg13 : memref<!tpu.dma_semaphore, #tpu.memory_space<semaphore_mem>>)
    %dma_start3A_68 = arith.constant 1 : i32
    %dma_start3A_69 = arith.constant 1 : i32
    %dma_start3A_70 = arith.constant 0 : i32
    %dma_start3A_71 = arith.constant 0 : i32
    %dma_start3A_72 = tpu.memref_slice %arg10[%dma_start3A_69, %dma_start3A_70, %dma_start3A_71] : memref<8x32x128xf32, #tpu.memory_space<vmem>> -> memref<1x32x128xf32, #tpu.memory_space<vmem>>
    %dma_start3A_73 = tpu.memref_squeeze %dma_start3A_72 : memref<1x32x128xf32, #tpu.memory_space<vmem>> -> memref<32x128xf32, #tpu.memory_space<vmem>>
    %dma_start3A_74 = arith.constant 0 : i32
    %dma_start3A_75 = tpu.memref_slice %arg7[%dma_start3A_68, %dma_start3A_74] : memref<644x32xi32, #tpu.memory_space<vmem>> -> memref<1x32xi32, #tpu.memory_space<vmem>>
    %dma_start3A_76 = tpu.memref_squeeze %dma_start3A_75 : memref<1x32xi32, #tpu.memory_space<vmem>> -> memref<32xi32, #tpu.memory_space<vmem>>
    %dma_start3A_77 = arith.constant 0 : i32
    %dma_start3A_78 = arith.constant 0 : i32
    %dma_start3A_79 = tpu.memref_slice %arg2[%dma_start3A_77, %dma_start3A_78] : memref<10240x128xf32, #tpu.memory_space<hbm>> -> memref<10240x128xf32, #tpu.memory_space<hbm>>
    tpu.enqueue_indirect_dma source(%dma_start3A_79 : memref<10240x128xf32, #tpu.memory_space<hbm>>) target(%dma_start3A_73 : memref<32x128xf32, #tpu.memory_space<vmem>>) offsets(%dma_start3A_76 : memref<32xi32, #tpu.memory_space<vmem>>) semaphore(%arg14 : memref<!tpu.dma_semaphore, #tpu.memory_space<semaphore_mem>>)
    %dma_start3A_80 = arith.constant 2 : i32
    %dma_start3A_81 = arith.constant 2 : i32
    %dma_start3A_82 = arith.constant 0 : i32
    %dma_start3A_83 = arith.constant 0 : i32
    %dma_start3A_84 = tpu.memref_slice %arg10[%dma_start3A_81, %dma_start3A_82, %dma_start3A_83] : memref<8x32x128xf32, #tpu.memory_space<vmem>> -> memref<1x32x128xf32, #tpu.memory_space<vmem>>
    %dma_start3A_85 = tpu.memref_squeeze %dma_start3A_84 : memref<1x32x128xf32, #tpu.memory_space<vmem>> -> memref<32x128xf32, #tpu.memory_space<vmem>>
    %dma_start3A_86 = arith.constant 0 : i32
    %dma_start3A_87 = tpu.memref_slice %arg7[%dma_start3A_80, %dma_start3A_86] : memref<644x32xi32, #tpu.memory_space<vmem>> -> memref<1x32xi32, #tpu.memory_space<vmem>>
    %dma_start3A_88 = tpu.memref_squeeze %dma_start3A_87 : memref<1x32xi32, #tpu.memory_space<vmem>> -> memref<32xi32, #tpu.memory_space<vmem>>
    %dma_start3A_89 = arith.constant 0 : i32
    %dma_start3A_90 = arith.constant 0 : i32
    %dma_start3A_91 = tpu.memref_slice %arg2[%dma_start3A_89, %dma_start3A_90] : memref<10240x128xf32, #tpu.memory_space<hbm>> -> memref<10240x128xf32, #tpu.memory_space<hbm>>
    tpu.enqueue_indirect_dma source(%dma_start3A_91 : memref<10240x128xf32, #tpu.memory_space<hbm>>) target(%dma_start3A_85 : memref<32x128xf32, #tpu.memory_space<vmem>>) offsets(%dma_start3A_88 : memref<32xi32, #tpu.memory_space<vmem>>) semaphore(%arg15 : memref<!tpu.dma_semaphore, #tpu.memory_space<semaphore_mem>>)
    %dma_start3A_92 = arith.constant 3 : i32
    %dma_start3A_93 = arith.constant 3 : i32
    %dma_start3A_94 = arith.constant 0 : i32
    %dma_start3A_95 = arith.constant 0 : i32
    %dma_start3A_96 = tpu.memref_slice %arg10[%dma_start3A_93, %dma_start3A_94, %dma_start3A_95] : memref<8x32x128xf32, #tpu.memory_space<vmem>> -> memref<1x32x128xf32, #tpu.memory_space<vmem>>
    %dma_start3A_97 = tpu.memref_squeeze %dma_start3A_96 : memref<1x32x128xf32, #tpu.memory_space<vmem>> -> memref<32x128xf32, #tpu.memory_space<vmem>>
    %dma_start3A_98 = arith.constant 0 : i32
    %dma_start3A_99 = tpu.memref_slice %arg7[%dma_start3A_92, %dma_start3A_98] : memref<644x32xi32, #tpu.memory_space<vmem>> -> memref<1x32xi32, #tpu.memory_space<vmem>>
    %dma_start3A_100 = tpu.memref_squeeze %dma_start3A_99 : memref<1x32xi32, #tpu.memory_space<vmem>> -> memref<32xi32, #tpu.memory_space<vmem>>
    %dma_start3A_101 = arith.constant 0 : i32
    %dma_start3A_102 = arith.constant 0 : i32
    %dma_start3A_103 = tpu.memref_slice %arg2[%dma_start3A_101, %dma_start3A_102] : memref<10240x128xf32, #tpu.memory_space<hbm>> -> memref<10240x128xf32, #tpu.memory_space<hbm>>
    tpu.enqueue_indirect_dma source(%dma_start3A_103 : memref<10240x128xf32, #tpu.memory_space<hbm>>) target(%dma_start3A_97 : memref<32x128xf32, #tpu.memory_space<vmem>>) offsets(%dma_start3A_100 : memref<32xi32, #tpu.memory_space<vmem>>) semaphore(%arg16 : memref<!tpu.dma_semaphore, #tpu.memory_space<semaphore_mem>>)
    %dma_start3A_104 = arith.constant 4 : i32
    %dma_start3A_105 = arith.constant 4 : i32
    %dma_start3A_106 = arith.constant 0 : i32
    %dma_start3A_107 = arith.constant 0 : i32
    %dma_start3A_108 = tpu.memref_slice %arg10[%dma_start3A_105, %dma_start3A_106, %dma_start3A_107] : memref<8x32x128xf32, #tpu.memory_space<vmem>> -> memref<1x32x128xf32, #tpu.memory_space<vmem>>
    %dma_start3A_109 = tpu.memref_squeeze %dma_start3A_108 : memref<1x32x128xf32, #tpu.memory_space<vmem>> -> memref<32x128xf32, #tpu.memory_space<vmem>>
    %dma_start3A_110 = arith.constant 0 : i32
    %dma_start3A_111 = tpu.memref_slice %arg7[%dma_start3A_104, %dma_start3A_110] : memref<644x32xi32, #tpu.memory_space<vmem>> -> memref<1x32xi32, #tpu.memory_space<vmem>>
    %dma_start3A_112 = tpu.memref_squeeze %dma_start3A_111 : memref<1x32xi32, #tpu.memory_space<vmem>> -> memref<32xi32, #tpu.memory_space<vmem>>
    %dma_start3A_113 = arith.constant 0 : i32
    %dma_start3A_114 = arith.constant 0 : i32
    %dma_start3A_115 = tpu.memref_slice %arg2[%dma_start3A_113, %dma_start3A_114] : memref<10240x128xf32, #tpu.memory_space<hbm>> -> memref<10240x128xf32, #tpu.memory_space<hbm>>
    tpu.enqueue_indirect_dma source(%dma_start3A_115 : memref<10240x128xf32, #tpu.memory_space<hbm>>) target(%dma_start3A_109 : memref<32x128xf32, #tpu.memory_space<vmem>>) offsets(%dma_start3A_112 : memref<32xi32, #tpu.memory_space<vmem>>) semaphore(%arg17 : memref<!tpu.dma_semaphore, #tpu.memory_space<semaphore_mem>>)
    %dma_start3A_116 = arith.constant 5 : i32
    %dma_start3A_117 = arith.constant 5 : i32
    %dma_start3A_118 = arith.constant 0 : i32
    %dma_start3A_119 = arith.constant 0 : i32
    %dma_start3A_120 = tpu.memref_slice %arg10[%dma_start3A_117, %dma_start3A_118, %dma_start3A_119] : memref<8x32x128xf32, #tpu.memory_space<vmem>> -> memref<1x32x128xf32, #tpu.memory_space<vmem>>
    %dma_start3A_121 = tpu.memref_squeeze %dma_start3A_120 : memref<1x32x128xf32, #tpu.memory_space<vmem>> -> memref<32x128xf32, #tpu.memory_space<vmem>>
    %dma_start3A_122 = arith.constant 0 : i32
    %dma_start3A_123 = tpu.memref_slice %arg7[%dma_start3A_116, %dma_start3A_122] : memref<644x32xi32, #tpu.memory_space<vmem>> -> memref<1x32xi32, #tpu.memory_space<vmem>>
    %dma_start3A_124 = tpu.memref_squeeze %dma_start3A_123 : memref<1x32xi32, #tpu.memory_space<vmem>> -> memref<32xi32, #tpu.memory_space<vmem>>
    %dma_start3A_125 = arith.constant 0 : i32
    %dma_start3A_126 = arith.constant 0 : i32
    %dma_start3A_127 = tpu.memref_slice %arg2[%dma_start3A_125, %dma_start3A_126] : memref<10240x128xf32, #tpu.memory_space<hbm>> -> memref<10240x128xf32, #tpu.memory_space<hbm>>
    tpu.enqueue_indirect_dma source(%dma_start3A_127 : memref<10240x128xf32, #tpu.memory_space<hbm>>) target(%dma_start3A_121 : memref<32x128xf32, #tpu.memory_space<vmem>>) offsets(%dma_start3A_124 : memref<32xi32, #tpu.memory_space<vmem>>) semaphore(%arg18 : memref<!tpu.dma_semaphore, #tpu.memory_space<semaphore_mem>>)
    %dma_start3A_128 = arith.constant 6 : i32
    %dma_start3A_129 = arith.constant 6 : i32
    %dma_start3A_130 = arith.constant 0 : i32
    %dma_start3A_131 = arith.constant 0 : i32
    %dma_start3A_132 = tpu.memref_slice %arg10[%dma_start3A_129, %dma_start3A_130, %dma_start3A_131] : memref<8x32x128xf32, #tpu.memory_space<vmem>> -> memref<1x32x128xf32, #tpu.memory_space<vmem>>
    %dma_start3A_133 = tpu.memref_squeeze %dma_start3A_132 : memref<1x32x128xf32, #tpu.memory_space<vmem>> -> memref<32x128xf32, #tpu.memory_space<vmem>>
    %dma_start3A_134 = arith.constant 0 : i32
    %dma_start3A_135 = tpu.memref_slice %arg7[%dma_start3A_128, %dma_start3A_134] : memref<644x32xi32, #tpu.memory_space<vmem>> -> memref<1x32xi32, #tpu.memory_space<vmem>>
    %dma_start3A_136 = tpu.memref_squeeze %dma_start3A_135 : memref<1x32xi32, #tpu.memory_space<vmem>> -> memref<32xi32, #tpu.memory_space<vmem>>
    %dma_start3A_137 = arith.constant 0 : i32
    %dma_start3A_138 = arith.constant 0 : i32
    %dma_start3A_139 = tpu.memref_slice %arg2[%dma_start3A_137, %dma_start3A_138] : memref<10240x128xf32, #tpu.memory_space<hbm>> -> memref<10240x128xf32, #tpu.memory_space<hbm>>
    tpu.enqueue_indirect_dma source(%dma_start3A_139 : memref<10240x128xf32, #tpu.memory_space<hbm>>) target(%dma_start3A_133 : memref<32x128xf32, #tpu.memory_space<vmem>>) offsets(%dma_start3A_136 : memref<32xi32, #tpu.memory_space<vmem>>) semaphore(%arg19 : memref<!tpu.dma_semaphore, #tpu.memory_space<semaphore_mem>>)
    %dma_start3A_140 = arith.constant 7 : i32
    %dma_start3A_141 = arith.constant 7 : i32
    %dma_start3A_142 = arith.constant 0 : i32
    %dma_start3A_143 = arith.constant 0 : i32
    %dma_start3A_144 = tpu.memref_slice %arg10[%dma_start3A_141, %dma_start3A_142, %dma_start3A_143] : memref<8x32x128xf32, #tpu.memory_space<vmem>> -> memref<1x32x128xf32, #tpu.memory_space<vmem>>
    %dma_start3A_145 = tpu.memref_squeeze %dma_start3A_144 : memref<1x32x128xf32, #tpu.memory_space<vmem>> -> memref<32x128xf32, #tpu.memory_space<vmem>>
    %dma_start3A_146 = arith.constant 0 : i32
    %dma_start3A_147 = tpu.memref_slice %arg7[%dma_start3A_140, %dma_start3A_146] : memref<644x32xi32, #tpu.memory_space<vmem>> -> memref<1x32xi32, #tpu.memory_space<vmem>>
    %dma_start3A_148 = tpu.memref_squeeze %dma_start3A_147 : memref<1x32xi32, #tpu.memory_space<vmem>> -> memref<32xi32, #tpu.memory_space<vmem>>
    %dma_start3A_149 = arith.constant 0 : i32
    %dma_start3A_150 = arith.constant 0 : i32
    %dma_start3A_151 = tpu.memref_slice %arg2[%dma_start3A_149, %dma_start3A_150] : memref<10240x128xf32, #tpu.memory_space<hbm>> -> memref<10240x128xf32, #tpu.memory_space<hbm>>
    tpu.enqueue_indirect_dma source(%dma_start3A_151 : memref<10240x128xf32, #tpu.memory_space<hbm>>) target(%dma_start3A_145 : memref<32x128xf32, #tpu.memory_space<vmem>>) offsets(%dma_start3A_148 : memref<32xi32, #tpu.memory_space<vmem>>) semaphore(%arg20 : memref<!tpu.dma_semaphore, #tpu.memory_space<semaphore_mem>>)
    %mul3A_152 = arith.constant 328 : i32
    %mul3A_153 = arith.muli %arg1, %mul3A_152 : i32
    %scan3A_154 = arith.constant 0 : i32
    %scan3A_155 = arith.constant 0 : i32
    %scan3A_156 = arith.constant 5 : i32
    %scan3A_157 = arith.addi %scan3A_155, %scan3A_156 : i32
    %scan3A_158 = arith.constant 1 : i32
    scf.for %scan3A_177 = %scan3A_155 to %scan3A_157 step %scan3A_158  : i32 {
      %mul3A_178 = arith.constant 64 : i32
      %mul3A_179 = arith.muli %scan3A_177, %mul3A_178 : i32
      %add3A_180 = arith.addi %mul3A_153, %mul3A_179 : i32
      "tpu.region"() ({
        %run_scoped3A = tpu.sem_alloc : memref<!tpu.dma_semaphore, #tpu.memory_space<semaphore_mem>>
        %dma_start3A_181 = arith.constant 0 : i32
        %dma_start3A_182 = tpu.memref_slice %arg12[%add3A_180, %dma_start3A_181] : memref<5248x128xf32, #tpu.memory_space<vmem_shared>> -> memref<64x128xf32, #tpu.memory_space<vmem_shared>>
        %dma_start3A_183 = arith.constant 0 : i32
        %dma_start3A_184 = tpu.memref_slice %arg12[%add3A_180, %dma_start3A_183] : memref<5248x128xf32, #tpu.memory_space<vmem_shared>> -> memref<64x128xf32, #tpu.memory_space<vmem_shared>>
        tpu.enqueue_dma source(%arg11 : memref<64x128xf32, #tpu.memory_space<vmem>>) target(%dma_start3A_184 : memref<64x128xf32, #tpu.memory_space<vmem_shared>>) target_semaphore(%run_scoped3A : memref<!tpu.dma_semaphore, #tpu.memory_space<semaphore_mem>>)
        %dma_wait3A = arith.constant 0 : i32
        %dma_wait3A_185 = tpu.memref_slice %arg12[%add3A_180, %dma_wait3A] : memref<5248x128xf32, #tpu.memory_space<vmem_shared>> -> memref<64x128xf32, #tpu.memory_space<vmem_shared>>
        %dma_wait3A_186 = arith.constant 0 : i32
        %dma_wait3A_187 = tpu.memref_slice %arg12[%add3A_180, %dma_wait3A_186] : memref<5248x128xf32, #tpu.memory_space<vmem_shared>> -> memref<64x128xf32, #tpu.memory_space<vmem_shared>>
        tpu.wait_dma2 semaphore(%run_scoped3A : memref<!tpu.dma_semaphore, #tpu.memory_space<semaphore_mem>>) src(%arg11 : memref<64x128xf32, #tpu.memory_space<vmem>>) dst(%dma_wait3A_187 : memref<64x128xf32, #tpu.memory_space<vmem_shared>>)
        tpu.yield
      }) : () -> ()
    }
    %scan3A_159 = arith.constant 5 : i32
    %add3A_160 = arith.constant 320 : i32
    %add3A_161 = arith.addi %mul3A_153, %add3A_160 : i32
    "tpu.region"() ({
      %run_scoped3A = tpu.sem_alloc : memref<!tpu.dma_semaphore, #tpu.memory_space<semaphore_mem>>
      %dma_start3A_177 = arith.constant 0 : i32
      %dma_start3A_178 = arith.constant 0 : i32
      %dma_start3A_179 = tpu.memref_slice %arg11[%dma_start3A_177, %dma_start3A_178] : memref<64x128xf32, #tpu.memory_space<vmem>> -> memref<8x128xf32, #tpu.memory_space<vmem>>
      %dma_start3A_180 = arith.constant 0 : i32
      %dma_start3A_181 = tpu.memref_slice %arg12[%add3A_161, %dma_start3A_180] : memref<5248x128xf32, #tpu.memory_space<vmem_shared>> -> memref<8x128xf32, #tpu.memory_space<vmem_shared>>
      %dma_start3A_182 = arith.constant 0 : i32
      %dma_start3A_183 = tpu.memref_slice %arg12[%add3A_161, %dma_start3A_182] : memref<5248x128xf32, #tpu.memory_space<vmem_shared>> -> memref<8x128xf32, #tpu.memory_space<vmem_shared>>
      %dma_start3A_184 = arith.constant 0 : i32
      %dma_start3A_185 = arith.constant 0 : i32
      %dma_start3A_186 = tpu.memref_slice %arg11[%dma_start3A_184, %dma_start3A_185] : memref<64x128xf32, #tpu.memory_space<vmem>> -> memref<8x128xf32, #tpu.memory_space<vmem>>
      tpu.enqueue_dma source(%dma_start3A_186 : memref<8x128xf32, #tpu.memory_space<vmem>>) target(%dma_start3A_183 : memref<8x128xf32, #tpu.memory_space<vmem_shared>>) target_semaphore(%run_scoped3A : memref<!tpu.dma_semaphore, #tpu.memory_space<semaphore_mem>>)
      %dma_wait3A = arith.constant 0 : i32
      %dma_wait3A_187 = arith.constant 0 : i32
      %dma_wait3A_188 = tpu.memref_slice %arg11[%dma_wait3A, %dma_wait3A_187] : memref<64x128xf32, #tpu.memory_space<vmem>> -> memref<8x128xf32, #tpu.memory_space<vmem>>
      %dma_wait3A_189 = arith.constant 0 : i32
      %dma_wait3A_190 = tpu.memref_slice %arg12[%add3A_161, %dma_wait3A_189] : memref<5248x128xf32, #tpu.memory_space<vmem_shared>> -> memref<8x128xf32, #tpu.memory_space<vmem_shared>>
      %dma_wait3A_191 = arith.constant 0 : i32
      %dma_wait3A_192 = tpu.memref_slice %arg12[%add3A_161, %dma_wait3A_191] : memref<5248x128xf32, #tpu.memory_space<vmem_shared>> -> memref<8x128xf32, #tpu.memory_space<vmem_shared>>
      %dma_wait3A_193 = arith.constant 0 : i32
      %dma_wait3A_194 = arith.constant 0 : i32
      %dma_wait3A_195 = tpu.memref_slice %arg11[%dma_wait3A_193, %dma_wait3A_194] : memref<64x128xf32, #tpu.memory_space<vmem>> -> memref<8x128xf32, #tpu.memory_space<vmem>>
      tpu.wait_dma2 semaphore(%run_scoped3A : memref<!tpu.dma_semaphore, #tpu.memory_space<semaphore_mem>>) src(%dma_wait3A_195 : memref<8x128xf32, #tpu.memory_space<vmem>>) dst(%dma_wait3A_192 : memref<8x128xf32, #tpu.memory_space<vmem_shared>>)
      tpu.yield
    }) : () -> ()
    %barrier3A = arith.constant 0 : index
    tpu.barrier barrier_id(%barrier3A)
    %while3A = arith.constant 0 : i32
    %while3A_162 = arith.constant 0 : i32
    %while3A_163 = arith.subi %select_n3A_55, %while3A_162 : i32
    %while3A_164 = arith.addi %while3A_162, %while3A_163 : i32
    %while3A_165 = arith.constant 1 : i32
    %while3A_166 = arith.divsi %while3A_163, %while3A_165 : i32
    %while3A_167 = arith.muli %while3A_166, %while3A_165 : i32
    %while3A_168 = arith.addi %while3A_162, %while3A_167 : i32
    %while3A_169 = arith.constant 1 : i32
    scf.for %while3A_177 = %while3A_162 to %while3A_168 step %while3A_169  : i32 {
      %mul3A_178 = arith.constant 8 : i32
      %mul3A_179 = arith.muli %mul3A_178, %while3A_177 : i32
      %add3A_180 = arith.constant 0 : i32
      %add3A_181 = arith.addi %mul3A_179, %add3A_180 : i32
      %dma_wait3A = arith.constant 0 : i32
      %dma_wait3A_182 = arith.constant 0 : i32
      %dma_wait3A_183 = arith.constant 0 : i32
      %dma_wait3A_184 = arith.constant 0 : i32
      %dma_wait3A_185 = tpu.memref_slice %arg10[%dma_wait3A_182, %dma_wait3A_183, %dma_wait3A_184] : memref<8x32x128xf32, #tpu.memory_space<vmem>> -> memref<1x32x128xf32, #tpu.memory_space<vmem>>
      %dma_wait3A_186 = tpu.memref_squeeze %dma_wait3A_185 : memref<1x32x128xf32, #tpu.memory_space<vmem>> -> memref<32x128xf32, #tpu.memory_space<vmem>>
      %dma_wait3A_187 = arith.constant 0 : i32
      %dma_wait3A_188 = tpu.memref_slice %arg7[%dma_wait3A, %dma_wait3A_187] : memref<644x32xi32, #tpu.memory_space<vmem>> -> memref<1x32xi32, #tpu.memory_space<vmem>>
      %dma_wait3A_189 = tpu.memref_squeeze %dma_wait3A_188 : memref<1x32xi32, #tpu.memory_space<vmem>> -> memref<32xi32, #tpu.memory_space<vmem>>
      %dma_wait3A_190 = arith.constant 0 : i32
      %dma_wait3A_191 = arith.constant 0 : i32
      %dma_wait3A_192 = tpu.memref_slice %arg2[%dma_wait3A_190, %dma_wait3A_191] : memref<10240x128xf32, #tpu.memory_space<hbm>> -> memref<10240x128xf32, #tpu.memory_space<hbm>>
      tpu.wait_indirect_dma semaphore(%arg13 : memref<!tpu.dma_semaphore, #tpu.memory_space<semaphore_mem>>) src(%dma_wait3A_192 : memref<10240x128xf32, #tpu.memory_space<hbm>>) dst(%dma_wait3A_186 : memref<32x128xf32, #tpu.memory_space<vmem>>)
      %dma_start3A_193 = arith.constant 0 : i32
      %dma_start3A_194 = arith.constant 0 : i32
      %dma_start3A_195 = arith.constant 0 : i32
      %dma_start3A_196 = tpu.memref_slice %arg10[%dma_start3A_193, %dma_start3A_194, %dma_start3A_195] : memref<8x32x128xf32, #tpu.memory_space<vmem>> -> memref<1x32x128xf32, #tpu.memory_space<vmem>>
      %dma_start3A_197 = tpu.memref_squeeze %dma_start3A_196 : memref<1x32x128xf32, #tpu.memory_space<vmem>> -> memref<32x128xf32, #tpu.memory_space<vmem>>
      %dma_start3A_198 = arith.constant 0 : i32
      %dma_start3A_199 = tpu.memref_slice %arg8[%add3A_181, %dma_start3A_198] : memref<644x32xi32, #tpu.memory_space<vmem>> -> memref<1x32xi32, #tpu.memory_space<vmem>>
      %dma_start3A_200 = tpu.memref_squeeze %dma_start3A_199 : memref<1x32xi32, #tpu.memory_space<vmem>> -> memref<32xi32, #tpu.memory_space<vmem>>
      %dma_start3A_201 = arith.constant 0 : i32
      %dma_start3A_202 = arith.constant 0 : i32
      %dma_start3A_203 = tpu.memref_slice %arg12[%dma_start3A_201, %dma_start3A_202] : memref<5248x128xf32, #tpu.memory_space<vmem_shared>> -> memref<5248x128xf32, #tpu.memory_space<vmem_shared>>
      tpu.enqueue_indirect_dma source(%dma_start3A_197 : memref<32x128xf32, #tpu.memory_space<vmem>>) target(%dma_start3A_203 : memref<5248x128xf32, #tpu.memory_space<vmem_shared>>) offsets(%dma_start3A_200 : memref<32xi32, #tpu.memory_space<vmem>>) semaphore(%arg21 : memref<!tpu.dma_semaphore, #tpu.memory_space<semaphore_mem>>) {add = true}
      %mul3A_204 = arith.constant 8 : i32
      %mul3A_205 = arith.muli %mul3A_204, %while3A_177 : i32
      %add3A_206 = arith.constant 1 : i32
      %add3A_207 = arith.addi %mul3A_205, %add3A_206 : i32
      %dma_wait3A_208 = arith.constant 0 : i32
      %dma_wait3A_209 = arith.constant 1 : i32
      %dma_wait3A_210 = arith.constant 0 : i32
      %dma_wait3A_211 = arith.constant 0 : i32
      %dma_wait3A_212 = tpu.memref_slice %arg10[%dma_wait3A_209, %dma_wait3A_210, %dma_wait3A_211] : memref<8x32x128xf32, #tpu.memory_space<vmem>> -> memref<1x32x128xf32, #tpu.memory_space<vmem>>
      %dma_wait3A_213 = tpu.memref_squeeze %dma_wait3A_212 : memref<1x32x128xf32, #tpu.memory_space<vmem>> -> memref<32x128xf32, #tpu.memory_space<vmem>>
      %dma_wait3A_214 = arith.constant 0 : i32
      %dma_wait3A_215 = tpu.memref_slice %arg7[%dma_wait3A_208, %dma_wait3A_214] : memref<644x32xi32, #tpu.memory_space<vmem>> -> memref<1x32xi32, #tpu.memory_space<vmem>>
      %dma_wait3A_216 = tpu.memref_squeeze %dma_wait3A_215 : memref<1x32xi32, #tpu.memory_space<vmem>> -> memref<32xi32, #tpu.memory_space<vmem>>
      %dma_wait3A_217 = arith.constant 0 : i32
      %dma_wait3A_218 = arith.constant 0 : i32
      %dma_wait3A_219 = tpu.memref_slice %arg2[%dma_wait3A_217, %dma_wait3A_218] : memref<10240x128xf32, #tpu.memory_space<hbm>> -> memref<10240x128xf32, #tpu.memory_space<hbm>>
      tpu.wait_indirect_dma semaphore(%arg14 : memref<!tpu.dma_semaphore, #tpu.memory_space<semaphore_mem>>) src(%dma_wait3A_219 : memref<10240x128xf32, #tpu.memory_space<hbm>>) dst(%dma_wait3A_213 : memref<32x128xf32, #tpu.memory_space<vmem>>)
      %dma_start3A_220 = arith.constant 1 : i32
      %dma_start3A_221 = arith.constant 0 : i32
      %dma_start3A_222 = arith.constant 0 : i32
      %dma_start3A_223 = tpu.memref_slice %arg10[%dma_start3A_220, %dma_start3A_221, %dma_start3A_222] : memref<8x32x128xf32, #tpu.memory_space<vmem>> -> memref<1x32x128xf32, #tpu.memory_space<vmem>>
      %dma_start3A_224 = tpu.memref_squeeze %dma_start3A_223 : memref<1x32x128xf32, #tpu.memory_space<vmem>> -> memref<32x128xf32, #tpu.memory_space<vmem>>
      %dma_start3A_225 = arith.constant 0 : i32
      %dma_start3A_226 = tpu.memref_slice %arg8[%add3A_207, %dma_start3A_225] : memref<644x32xi32, #tpu.memory_space<vmem>> -> memref<1x32xi32, #tpu.memory_space<vmem>>
      %dma_start3A_227 = tpu.memref_squeeze %dma_start3A_226 : memref<1x32xi32, #tpu.memory_space<vmem>> -> memref<32xi32, #tpu.memory_space<vmem>>
      %dma_start3A_228 = arith.constant 0 : i32
      %dma_start3A_229 = arith.constant 0 : i32
      %dma_start3A_230 = tpu.memref_slice %arg12[%dma_start3A_228, %dma_start3A_229] : memref<5248x128xf32, #tpu.memory_space<vmem_shared>> -> memref<5248x128xf32, #tpu.memory_space<vmem_shared>>
      tpu.enqueue_indirect_dma source(%dma_start3A_224 : memref<32x128xf32, #tpu.memory_space<vmem>>) target(%dma_start3A_230 : memref<5248x128xf32, #tpu.memory_space<vmem_shared>>) offsets(%dma_start3A_227 : memref<32xi32, #tpu.memory_space<vmem>>) semaphore(%arg22 : memref<!tpu.dma_semaphore, #tpu.memory_space<semaphore_mem>>) {add = true}
      %mul3A_231 = arith.constant 8 : i32
      %mul3A_232 = arith.muli %mul3A_231, %while3A_177 : i32
      %add3A_233 = arith.constant 2 : i32
      %add3A_234 = arith.addi %mul3A_232, %add3A_233 : i32
      %dma_wait3A_235 = arith.constant 0 : i32
      %dma_wait3A_236 = arith.constant 2 : i32
      %dma_wait3A_237 = arith.constant 0 : i32
      %dma_wait3A_238 = arith.constant 0 : i32
      %dma_wait3A_239 = tpu.memref_slice %arg10[%dma_wait3A_236, %dma_wait3A_237, %dma_wait3A_238] : memref<8x32x128xf32, #tpu.memory_space<vmem>> -> memref<1x32x128xf32, #tpu.memory_space<vmem>>
      %dma_wait3A_240 = tpu.memref_squeeze %dma_wait3A_239 : memref<1x32x128xf32, #tpu.memory_space<vmem>> -> memref<32x128xf32, #tpu.memory_space<vmem>>
      %dma_wait3A_241 = arith.constant 0 : i32
      %dma_wait3A_242 = tpu.memref_slice %arg7[%dma_wait3A_235, %dma_wait3A_241] : memref<644x32xi32, #tpu.memory_space<vmem>> -> memref<1x32xi32, #tpu.memory_space<vmem>>
      %dma_wait3A_243 = tpu.memref_squeeze %dma_wait3A_242 : memref<1x32xi32, #tpu.memory_space<vmem>> -> memref<32xi32, #tpu.memory_space<vmem>>
      %dma_wait3A_244 = arith.constant 0 : i32
      %dma_wait3A_245 = arith.constant 0 : i32
      %dma_wait3A_246 = tpu.memref_slice %arg2[%dma_wait3A_244, %dma_wait3A_245] : memref<10240x128xf32, #tpu.memory_space<hbm>> -> memref<10240x128xf32, #tpu.memory_space<hbm>>
      tpu.wait_indirect_dma semaphore(%arg15 : memref<!tpu.dma_semaphore, #tpu.memory_space<semaphore_mem>>) src(%dma_wait3A_246 : memref<10240x128xf32, #tpu.memory_space<hbm>>) dst(%dma_wait3A_240 : memref<32x128xf32, #tpu.memory_space<vmem>>)
      %dma_start3A_247 = arith.constant 2 : i32
      %dma_start3A_248 = arith.constant 0 : i32
      %dma_start3A_249 = arith.constant 0 : i32
      %dma_start3A_250 = tpu.memref_slice %arg10[%dma_start3A_247, %dma_start3A_248, %dma_start3A_249] : memref<8x32x128xf32, #tpu.memory_space<vmem>> -> memref<1x32x128xf32, #tpu.memory_space<vmem>>
      %dma_start3A_251 = tpu.memref_squeeze %dma_start3A_250 : memref<1x32x128xf32, #tpu.memory_space<vmem>> -> memref<32x128xf32, #tpu.memory_space<vmem>>
      %dma_start3A_252 = arith.constant 0 : i32
      %dma_start3A_253 = tpu.memref_slice %arg8[%add3A_234, %dma_start3A_252] : memref<644x32xi32, #tpu.memory_space<vmem>> -> memref<1x32xi32, #tpu.memory_space<vmem>>
      %dma_start3A_254 = tpu.memref_squeeze %dma_start3A_253 : memref<1x32xi32, #tpu.memory_space<vmem>> -> memref<32xi32, #tpu.memory_space<vmem>>
      %dma_start3A_255 = arith.constant 0 : i32
      %dma_start3A_256 = arith.constant 0 : i32
      %dma_start3A_257 = tpu.memref_slice %arg12[%dma_start3A_255, %dma_start3A_256] : memref<5248x128xf32, #tpu.memory_space<vmem_shared>> -> memref<5248x128xf32, #tpu.memory_space<vmem_shared>>
      tpu.enqueue_indirect_dma source(%dma_start3A_251 : memref<32x128xf32, #tpu.memory_space<vmem>>) target(%dma_start3A_257 : memref<5248x128xf32, #tpu.memory_space<vmem_shared>>) offsets(%dma_start3A_254 : memref<32xi32, #tpu.memory_space<vmem>>) semaphore(%arg23 : memref<!tpu.dma_semaphore, #tpu.memory_space<semaphore_mem>>) {add = true}
      %mul3A_258 = arith.constant 8 : i32
      %mul3A_259 = arith.muli %mul3A_258, %while3A_177 : i32
      %add3A_260 = arith.constant 3 : i32
      %add3A_261 = arith.addi %mul3A_259, %add3A_260 : i32
      %dma_wait3A_262 = arith.constant 0 : i32
      %dma_wait3A_263 = arith.constant 3 : i32
      %dma_wait3A_264 = arith.constant 0 : i32
      %dma_wait3A_265 = arith.constant 0 : i32
      %dma_wait3A_266 = tpu.memref_slice %arg10[%dma_wait3A_263, %dma_wait3A_264, %dma_wait3A_265] : memref<8x32x128xf32, #tpu.memory_space<vmem>> -> memref<1x32x128xf32, #tpu.memory_space<vmem>>
      %dma_wait3A_267 = tpu.memref_squeeze %dma_wait3A_266 : memref<1x32x128xf32, #tpu.memory_space<vmem>> -> memref<32x128xf32, #tpu.memory_space<vmem>>
      %dma_wait3A_268 = arith.constant 0 : i32
      %dma_wait3A_269 = tpu.memref_slice %arg7[%dma_wait3A_262, %dma_wait3A_268] : memref<644x32xi32, #tpu.memory_space<vmem>> -> memref<1x32xi32, #tpu.memory_space<vmem>>
      %dma_wait3A_270 = tpu.memref_squeeze %dma_wait3A_269 : memref<1x32xi32, #tpu.memory_space<vmem>> -> memref<32xi32, #tpu.memory_space<vmem>>
      %dma_wait3A_271 = arith.constant 0 : i32
      %dma_wait3A_272 = arith.constant 0 : i32
      %dma_wait3A_273 = tpu.memref_slice %arg2[%dma_wait3A_271, %dma_wait3A_272] : memref<10240x128xf32, #tpu.memory_space<hbm>> -> memref<10240x128xf32, #tpu.memory_space<hbm>>
      tpu.wait_indirect_dma semaphore(%arg16 : memref<!tpu.dma_semaphore, #tpu.memory_space<semaphore_mem>>) src(%dma_wait3A_273 : memref<10240x128xf32, #tpu.memory_space<hbm>>) dst(%dma_wait3A_267 : memref<32x128xf32, #tpu.memory_space<vmem>>)
      %dma_start3A_274 = arith.constant 3 : i32
      %dma_start3A_275 = arith.constant 0 : i32
      %dma_start3A_276 = arith.constant 0 : i32
      %dma_start3A_277 = tpu.memref_slice %arg10[%dma_start3A_274, %dma_start3A_275, %dma_start3A_276] : memref<8x32x128xf32, #tpu.memory_space<vmem>> -> memref<1x32x128xf32, #tpu.memory_space<vmem>>
      %dma_start3A_278 = tpu.memref_squeeze %dma_start3A_277 : memref<1x32x128xf32, #tpu.memory_space<vmem>> -> memref<32x128xf32, #tpu.memory_space<vmem>>
      %dma_start3A_279 = arith.constant 0 : i32
      %dma_start3A_280 = tpu.memref_slice %arg8[%add3A_261, %dma_start3A_279] : memref<644x32xi32, #tpu.memory_space<vmem>> -> memref<1x32xi32, #tpu.memory_space<vmem>>
      %dma_start3A_281 = tpu.memref_squeeze %dma_start3A_280 : memref<1x32xi32, #tpu.memory_space<vmem>> -> memref<32xi32, #tpu.memory_space<vmem>>
      %dma_start3A_282 = arith.constant 0 : i32
      %dma_start3A_283 = arith.constant 0 : i32
      %dma_start3A_284 = tpu.memref_slice %arg12[%dma_start3A_282, %dma_start3A_283] : memref<5248x128xf32, #tpu.memory_space<vmem_shared>> -> memref<5248x128xf32, #tpu.memory_space<vmem_shared>>
      tpu.enqueue_indirect_dma source(%dma_start3A_278 : memref<32x128xf32, #tpu.memory_space<vmem>>) target(%dma_start3A_284 : memref<5248x128xf32, #tpu.memory_space<vmem_shared>>) offsets(%dma_start3A_281 : memref<32xi32, #tpu.memory_space<vmem>>) semaphore(%arg24 : memref<!tpu.dma_semaphore, #tpu.memory_space<semaphore_mem>>) {add = true}
      %mul3A_285 = arith.constant 8 : i32
      %mul3A_286 = arith.muli %mul3A_285, %while3A_177 : i32
      %add3A_287 = arith.constant 4 : i32
      %add3A_288 = arith.addi %mul3A_286, %add3A_287 : i32
      %dma_wait3A_289 = arith.constant 0 : i32
      %dma_wait3A_290 = arith.constant 4 : i32
      %dma_wait3A_291 = arith.constant 0 : i32
      %dma_wait3A_292 = arith.constant 0 : i32
      %dma_wait3A_293 = tpu.memref_slice %arg10[%dma_wait3A_290, %dma_wait3A_291, %dma_wait3A_292] : memref<8x32x128xf32, #tpu.memory_space<vmem>> -> memref<1x32x128xf32, #tpu.memory_space<vmem>>
      %dma_wait3A_294 = tpu.memref_squeeze %dma_wait3A_293 : memref<1x32x128xf32, #tpu.memory_space<vmem>> -> memref<32x128xf32, #tpu.memory_space<vmem>>
      %dma_wait3A_295 = arith.constant 0 : i32
      %dma_wait3A_296 = tpu.memref_slice %arg7[%dma_wait3A_289, %dma_wait3A_295] : memref<644x32xi32, #tpu.memory_space<vmem>> -> memref<1x32xi32, #tpu.memory_space<vmem>>
      %dma_wait3A_297 = tpu.memref_squeeze %dma_wait3A_296 : memref<1x32xi32, #tpu.memory_space<vmem>> -> memref<32xi32, #tpu.memory_space<vmem>>
      %dma_wait3A_298 = arith.constant 0 : i32
      %dma_wait3A_299 = arith.constant 0 : i32
      %dma_wait3A_300 = tpu.memref_slice %arg2[%dma_wait3A_298, %dma_wait3A_299] : memref<10240x128xf32, #tpu.memory_space<hbm>> -> memref<10240x128xf32, #tpu.memory_space<hbm>>
      tpu.wait_indirect_dma semaphore(%arg17 : memref<!tpu.dma_semaphore, #tpu.memory_space<semaphore_mem>>) src(%dma_wait3A_300 : memref<10240x128xf32, #tpu.memory_space<hbm>>) dst(%dma_wait3A_294 : memref<32x128xf32, #tpu.memory_space<vmem>>)
      %dma_start3A_301 = arith.constant 4 : i32
      %dma_start3A_302 = arith.constant 0 : i32
      %dma_start3A_303 = arith.constant 0 : i32
      %dma_start3A_304 = tpu.memref_slice %arg10[%dma_start3A_301, %dma_start3A_302, %dma_start3A_303] : memref<8x32x128xf32, #tpu.memory_space<vmem>> -> memref<1x32x128xf32, #tpu.memory_space<vmem>>
      %dma_start3A_305 = tpu.memref_squeeze %dma_start3A_304 : memref<1x32x128xf32, #tpu.memory_space<vmem>> -> memref<32x128xf32, #tpu.memory_space<vmem>>
      %dma_start3A_306 = arith.constant 0 : i32
      %dma_start3A_307 = tpu.memref_slice %arg8[%add3A_288, %dma_start3A_306] : memref<644x32xi32, #tpu.memory_space<vmem>> -> memref<1x32xi32, #tpu.memory_space<vmem>>
      %dma_start3A_308 = tpu.memref_squeeze %dma_start3A_307 : memref<1x32xi32, #tpu.memory_space<vmem>> -> memref<32xi32, #tpu.memory_space<vmem>>
      %dma_start3A_309 = arith.constant 0 : i32
      %dma_start3A_310 = arith.constant 0 : i32
      %dma_start3A_311 = tpu.memref_slice %arg12[%dma_start3A_309, %dma_start3A_310] : memref<5248x128xf32, #tpu.memory_space<vmem_shared>> -> memref<5248x128xf32, #tpu.memory_space<vmem_shared>>
      tpu.enqueue_indirect_dma source(%dma_start3A_305 : memref<32x128xf32, #tpu.memory_space<vmem>>) target(%dma_start3A_311 : memref<5248x128xf32, #tpu.memory_space<vmem_shared>>) offsets(%dma_start3A_308 : memref<32xi32, #tpu.memory_space<vmem>>) semaphore(%arg25 : memref<!tpu.dma_semaphore, #tpu.memory_space<semaphore_mem>>) {add = true}
      %mul3A_312 = arith.constant 8 : i32
      %mul3A_313 = arith.muli %mul3A_312, %while3A_177 : i32
      %add3A_314 = arith.constant 5 : i32
      %add3A_315 = arith.addi %mul3A_313, %add3A_314 : i32
      %dma_wait3A_316 = arith.constant 0 : i32
      %dma_wait3A_317 = arith.constant 5 : i32
      %dma_wait3A_318 = arith.constant 0 : i32
      %dma_wait3A_319 = arith.constant 0 : i32
      %dma_wait3A_320 = tpu.memref_slice %arg10[%dma_wait3A_317, %dma_wait3A_318, %dma_wait3A_319] : memref<8x32x128xf32, #tpu.memory_space<vmem>> -> memref<1x32x128xf32, #tpu.memory_space<vmem>>
      %dma_wait3A_321 = tpu.memref_squeeze %dma_wait3A_320 : memref<1x32x128xf32, #tpu.memory_space<vmem>> -> memref<32x128xf32, #tpu.memory_space<vmem>>
      %dma_wait3A_322 = arith.constant 0 : i32
      %dma_wait3A_323 = tpu.memref_slice %arg7[%dma_wait3A_316, %dma_wait3A_322] : memref<644x32xi32, #tpu.memory_space<vmem>> -> memref<1x32xi32, #tpu.memory_space<vmem>>
      %dma_wait3A_324 = tpu.memref_squeeze %dma_wait3A_323 : memref<1x32xi32, #tpu.memory_space<vmem>> -> memref<32xi32, #tpu.memory_space<vmem>>
      %dma_wait3A_325 = arith.constant 0 : i32
      %dma_wait3A_326 = arith.constant 0 : i32
      %dma_wait3A_327 = tpu.memref_slice %arg2[%dma_wait3A_325, %dma_wait3A_326] : memref<10240x128xf32, #tpu.memory_space<hbm>> -> memref<10240x128xf32, #tpu.memory_space<hbm>>
      tpu.wait_indirect_dma semaphore(%arg18 : memref<!tpu.dma_semaphore, #tpu.memory_space<semaphore_mem>>) src(%dma_wait3A_327 : memref<10240x128xf32, #tpu.memory_space<hbm>>) dst(%dma_wait3A_321 : memref<32x128xf32, #tpu.memory_space<vmem>>)
      %dma_start3A_328 = arith.constant 5 : i32
      %dma_start3A_329 = arith.constant 0 : i32
      %dma_start3A_330 = arith.constant 0 : i32
      %dma_start3A_331 = tpu.memref_slice %arg10[%dma_start3A_328, %dma_start3A_329, %dma_start3A_330] : memref<8x32x128xf32, #tpu.memory_space<vmem>> -> memref<1x32x128xf32, #tpu.memory_space<vmem>>
      %dma_start3A_332 = tpu.memref_squeeze %dma_start3A_331 : memref<1x32x128xf32, #tpu.memory_space<vmem>> -> memref<32x128xf32, #tpu.memory_space<vmem>>
      %dma_start3A_333 = arith.constant 0 : i32
      %dma_start3A_334 = tpu.memref_slice %arg8[%add3A_315, %dma_start3A_333] : memref<644x32xi32, #tpu.memory_space<vmem>> -> memref<1x32xi32, #tpu.memory_space<vmem>>
      %dma_start3A_335 = tpu.memref_squeeze %dma_start3A_334 : memref<1x32xi32, #tpu.memory_space<vmem>> -> memref<32xi32, #tpu.memory_space<vmem>>
      %dma_start3A_336 = arith.constant 0 : i32
      %dma_start3A_337 = arith.constant 0 : i32
      %dma_start3A_338 = tpu.memref_slice %arg12[%dma_start3A_336, %dma_start3A_337] : memref<5248x128xf32, #tpu.memory_space<vmem_shared>> -> memref<5248x128xf32, #tpu.memory_space<vmem_shared>>
      tpu.enqueue_indirect_dma source(%dma_start3A_332 : memref<32x128xf32, #tpu.memory_space<vmem>>) target(%dma_start3A_338 : memref<5248x128xf32, #tpu.memory_space<vmem_shared>>) offsets(%dma_start3A_335 : memref<32xi32, #tpu.memory_space<vmem>>) semaphore(%arg26 : memref<!tpu.dma_semaphore, #tpu.memory_space<semaphore_mem>>) {add = true}
      %mul3A_339 = arith.constant 8 : i32
      %mul3A_340 = arith.muli %mul3A_339, %while3A_177 : i32
      %add3A_341 = arith.constant 6 : i32
      %add3A_342 = arith.addi %mul3A_340, %add3A_341 : i32
      %dma_wait3A_343 = arith.constant 0 : i32
      %dma_wait3A_344 = arith.constant 6 : i32
      %dma_wait3A_345 = arith.constant 0 : i32
      %dma_wait3A_346 = arith.constant 0 : i32
      %dma_wait3A_347 = tpu.memref_slice %arg10[%dma_wait3A_344, %dma_wait3A_345, %dma_wait3A_346] : memref<8x32x128xf32, #tpu.memory_space<vmem>> -> memref<1x32x128xf32, #tpu.memory_space<vmem>>
      %dma_wait3A_348 = tpu.memref_squeeze %dma_wait3A_347 : memref<1x32x128xf32, #tpu.memory_space<vmem>> -> memref<32x128xf32, #tpu.memory_space<vmem>>
      %dma_wait3A_349 = arith.constant 0 : i32
      %dma_wait3A_350 = tpu.memref_slice %arg7[%dma_wait3A_343, %dma_wait3A_349] : memref<644x32xi32, #tpu.memory_space<vmem>> -> memref<1x32xi32, #tpu.memory_space<vmem>>
      %dma_wait3A_351 = tpu.memref_squeeze %dma_wait3A_350 : memref<1x32xi32, #tpu.memory_space<vmem>> -> memref<32xi32, #tpu.memory_space<vmem>>
      %dma_wait3A_352 = arith.constant 0 : i32
      %dma_wait3A_353 = arith.constant 0 : i32
      %dma_wait3A_354 = tpu.memref_slice %arg2[%dma_wait3A_352, %dma_wait3A_353] : memref<10240x128xf32, #tpu.memory_space<hbm>> -> memref<10240x128xf32, #tpu.memory_space<hbm>>
      tpu.wait_indirect_dma semaphore(%arg19 : memref<!tpu.dma_semaphore, #tpu.memory_space<semaphore_mem>>) src(%dma_wait3A_354 : memref<10240x128xf32, #tpu.memory_space<hbm>>) dst(%dma_wait3A_348 : memref<32x128xf32, #tpu.memory_space<vmem>>)
      %dma_start3A_355 = arith.constant 6 : i32
      %dma_start3A_356 = arith.constant 0 : i32
      %dma_start3A_357 = arith.constant 0 : i32
      %dma_start3A_358 = tpu.memref_slice %arg10[%dma_start3A_355, %dma_start3A_356, %dma_start3A_357] : memref<8x32x128xf32, #tpu.memory_space<vmem>> -> memref<1x32x128xf32, #tpu.memory_space<vmem>>
      %dma_start3A_359 = tpu.memref_squeeze %dma_start3A_358 : memref<1x32x128xf32, #tpu.memory_space<vmem>> -> memref<32x128xf32, #tpu.memory_space<vmem>>
      %dma_start3A_360 = arith.constant 0 : i32
      %dma_start3A_361 = tpu.memref_slice %arg8[%add3A_342, %dma_start3A_360] : memref<644x32xi32, #tpu.memory_space<vmem>> -> memref<1x32xi32, #tpu.memory_space<vmem>>
      %dma_start3A_362 = tpu.memref_squeeze %dma_start3A_361 : memref<1x32xi32, #tpu.memory_space<vmem>> -> memref<32xi32, #tpu.memory_space<vmem>>
      %dma_start3A_363 = arith.constant 0 : i32
      %dma_start3A_364 = arith.constant 0 : i32
      %dma_start3A_365 = tpu.memref_slice %arg12[%dma_start3A_363, %dma_start3A_364] : memref<5248x128xf32, #tpu.memory_space<vmem_shared>> -> memref<5248x128xf32, #tpu.memory_space<vmem_shared>>
      tpu.enqueue_indirect_dma source(%dma_start3A_359 : memref<32x128xf32, #tpu.memory_space<vmem>>) target(%dma_start3A_365 : memref<5248x128xf32, #tpu.memory_space<vmem_shared>>) offsets(%dma_start3A_362 : memref<32xi32, #tpu.memory_space<vmem>>) semaphore(%arg27 : memref<!tpu.dma_semaphore, #tpu.memory_space<semaphore_mem>>) {add = true}
      %mul3A_366 = arith.constant 8 : i32
      %mul3A_367 = arith.muli %mul3A_366, %while3A_177 : i32
      %add3A_368 = arith.constant 7 : i32
      %add3A_369 = arith.addi %mul3A_367, %add3A_368 : i32
      %dma_wait3A_370 = arith.constant 0 : i32
      %dma_wait3A_371 = arith.constant 7 : i32
      %dma_wait3A_372 = arith.constant 0 : i32
      %dma_wait3A_373 = arith.constant 0 : i32
      %dma_wait3A_374 = tpu.memref_slice %arg10[%dma_wait3A_371, %dma_wait3A_372, %dma_wait3A_373] : memref<8x32x128xf32, #tpu.memory_space<vmem>> -> memref<1x32x128xf32, #tpu.memory_space<vmem>>
      %dma_wait3A_375 = tpu.memref_squeeze %dma_wait3A_374 : memref<1x32x128xf32, #tpu.memory_space<vmem>> -> memref<32x128xf32, #tpu.memory_space<vmem>>
      %dma_wait3A_376 = arith.constant 0 : i32
      %dma_wait3A_377 = tpu.memref_slice %arg7[%dma_wait3A_370, %dma_wait3A_376] : memref<644x32xi32, #tpu.memory_space<vmem>> -> memref<1x32xi32, #tpu.memory_space<vmem>>
      %dma_wait3A_378 = tpu.memref_squeeze %dma_wait3A_377 : memref<1x32xi32, #tpu.memory_space<vmem>> -> memref<32xi32, #tpu.memory_space<vmem>>
      %dma_wait3A_379 = arith.constant 0 : i32
      %dma_wait3A_380 = arith.constant 0 : i32
      %dma_wait3A_381 = tpu.memref_slice %arg2[%dma_wait3A_379, %dma_wait3A_380] : memref<10240x128xf32, #tpu.memory_space<hbm>> -> memref<10240x128xf32, #tpu.memory_space<hbm>>
      tpu.wait_indirect_dma semaphore(%arg20 : memref<!tpu.dma_semaphore, #tpu.memory_space<semaphore_mem>>) src(%dma_wait3A_381 : memref<10240x128xf32, #tpu.memory_space<hbm>>) dst(%dma_wait3A_375 : memref<32x128xf32, #tpu.memory_space<vmem>>)
      %dma_start3A_382 = arith.constant 7 : i32
      %dma_start3A_383 = arith.constant 0 : i32
      %dma_start3A_384 = arith.constant 0 : i32
      %dma_start3A_385 = tpu.memref_slice %arg10[%dma_start3A_382, %dma_start3A_383, %dma_start3A_384] : memref<8x32x128xf32, #tpu.memory_space<vmem>> -> memref<1x32x128xf32, #tpu.memory_space<vmem>>
      %dma_start3A_386 = tpu.memref_squeeze %dma_start3A_385 : memref<1x32x128xf32, #tpu.memory_space<vmem>> -> memref<32x128xf32, #tpu.memory_space<vmem>>
      %dma_start3A_387 = arith.constant 0 : i32
      %dma_start3A_388 = tpu.memref_slice %arg8[%add3A_369, %dma_start3A_387] : memref<644x32xi32, #tpu.memory_space<vmem>> -> memref<1x32xi32, #tpu.memory_space<vmem>>
      %dma_start3A_389 = tpu.memref_squeeze %dma_start3A_388 : memref<1x32xi32, #tpu.memory_space<vmem>> -> memref<32xi32, #tpu.memory_space<vmem>>
      %dma_start3A_390 = arith.constant 0 : i32
      %dma_start3A_391 = arith.constant 0 : i32
      %dma_start3A_392 = tpu.memref_slice %arg12[%dma_start3A_390, %dma_start3A_391] : memref<5248x128xf32, #tpu.memory_space<vmem_shared>> -> memref<5248x128xf32, #tpu.memory_space<vmem_shared>>
      tpu.enqueue_indirect_dma source(%dma_start3A_386 : memref<32x128xf32, #tpu.memory_space<vmem>>) target(%dma_start3A_392 : memref<5248x128xf32, #tpu.memory_space<vmem_shared>>) offsets(%dma_start3A_389 : memref<32xi32, #tpu.memory_space<vmem>>) semaphore(%arg28 : memref<!tpu.dma_semaphore, #tpu.memory_space<semaphore_mem>>) {add = true}
      %mul3A_393 = arith.constant 8 : i32
      %mul3A_394 = arith.muli %mul3A_393, %while3A_177 : i32
      %add3A_395 = arith.constant 0 : i32
      %add3A_396 = arith.addi %mul3A_394, %add3A_395 : i32
      %dma_wait3A_397 = arith.constant 0 : i32
      %dma_wait3A_398 = arith.constant 0 : i32
      %dma_wait3A_399 = arith.constant 0 : i32
      %dma_wait3A_400 = arith.constant 0 : i32
      %dma_wait3A_401 = tpu.memref_slice %arg10[%dma_wait3A_397, %dma_wait3A_399, %dma_wait3A_400] : memref<8x32x128xf32, #tpu.memory_space<vmem>> -> memref<1x32x128xf32, #tpu.memory_space<vmem>>
      %dma_wait3A_402 = tpu.memref_squeeze %dma_wait3A_401 : memref<1x32x128xf32, #tpu.memory_space<vmem>> -> memref<32x128xf32, #tpu.memory_space<vmem>>
      %dma_wait3A_403 = arith.constant 0 : i32
      %dma_wait3A_404 = tpu.memref_slice %arg8[%dma_wait3A_398, %dma_wait3A_403] : memref<644x32xi32, #tpu.memory_space<vmem>> -> memref<1x32xi32, #tpu.memory_space<vmem>>
      %dma_wait3A_405 = tpu.memref_squeeze %dma_wait3A_404 : memref<1x32xi32, #tpu.memory_space<vmem>> -> memref<32xi32, #tpu.memory_space<vmem>>
      %dma_wait3A_406 = arith.constant 0 : i32
      %dma_wait3A_407 = arith.constant 0 : i32
      %dma_wait3A_408 = tpu.memref_slice %arg12[%dma_wait3A_406, %dma_wait3A_407] : memref<5248x128xf32, #tpu.memory_space<vmem_shared>> -> memref<5248x128xf32, #tpu.memory_space<vmem_shared>>
      tpu.wait_indirect_dma semaphore(%arg21 : memref<!tpu.dma_semaphore, #tpu.memory_space<semaphore_mem>>) src(%dma_wait3A_402 : memref<32x128xf32, #tpu.memory_space<vmem>>) dst(%dma_wait3A_408 : memref<5248x128xf32, #tpu.memory_space<vmem_shared>>)
      %add3A_409 = arith.constant 8 : i32
      %add3A_410 = arith.addi %add3A_396, %add3A_409 : i32
      %lt3A = arith.cmpi slt, %add3A_410, %mul3A_56 : i32
      %convert_element_type3A = arith.extui %lt3A : i1 to i32
      %cond3A = arith.constant 0 : i32
      %cond3A_411 = arith.cmpi ne, %convert_element_type3A, %cond3A : i32
      scf.if %cond3A_411 {
        %add3A_566 = arith.constant 8 : i32
        %add3A_567 = arith.addi %add3A_396, %add3A_566 : i32
        %dma_start3A_568 = arith.constant 0 : i32
        %dma_start3A_569 = arith.constant 0 : i32
        %dma_start3A_570 = arith.constant 0 : i32
        %dma_start3A_571 = tpu.memref_slice %arg10[%dma_start3A_568, %dma_start3A_569, %dma_start3A_570] : memref<8x32x128xf32, #tpu.memory_space<vmem>> -> memref<1x32x128xf32, #tpu.memory_space<vmem>>
        %dma_start3A_572 = tpu.memref_squeeze %dma_start3A_571 : memref<1x32x128xf32, #tpu.memory_space<vmem>> -> memref<32x128xf32, #tpu.memory_space<vmem>>
        %dma_start3A_573 = arith.constant 0 : i32
        %dma_start3A_574 = tpu.memref_slice %arg7[%add3A_567, %dma_start3A_573] : memref<644x32xi32, #tpu.memory_space<vmem>> -> memref<1x32xi32, #tpu.memory_space<vmem>>
        %dma_start3A_575 = tpu.memref_squeeze %dma_start3A_574 : memref<1x32xi32, #tpu.memory_space<vmem>> -> memref<32xi32, #tpu.memory_space<vmem>>
        %dma_start3A_576 = arith.constant 0 : i32
        %dma_start3A_577 = arith.constant 0 : i32
        %dma_start3A_578 = tpu.memref_slice %arg2[%dma_start3A_576, %dma_start3A_577] : memref<10240x128xf32, #tpu.memory_space<hbm>> -> memref<10240x128xf32, #tpu.memory_space<hbm>>
        tpu.enqueue_indirect_dma source(%dma_start3A_578 : memref<10240x128xf32, #tpu.memory_space<hbm>>) target(%dma_start3A_572 : memref<32x128xf32, #tpu.memory_space<vmem>>) offsets(%dma_start3A_575 : memref<32xi32, #tpu.memory_space<vmem>>) semaphore(%arg13 : memref<!tpu.dma_semaphore, #tpu.memory_space<semaphore_mem>>)
      } else {
      }
      %mul3A_412 = arith.constant 8 : i32
      %mul3A_413 = arith.muli %mul3A_412, %while3A_177 : i32
      %add3A_414 = arith.constant 1 : i32
      %add3A_415 = arith.addi %mul3A_413, %add3A_414 : i32
      %dma_wait3A_416 = arith.constant 1 : i32
      %dma_wait3A_417 = arith.constant 0 : i32
      %dma_wait3A_418 = arith.constant 0 : i32
      %dma_wait3A_419 = arith.constant 0 : i32
      %dma_wait3A_420 = tpu.memref_slice %arg10[%dma_wait3A_416, %dma_wait3A_418, %dma_wait3A_419] : memref<8x32x128xf32, #tpu.memory_space<vmem>> -> memref<1x32x128xf32, #tpu.memory_space<vmem>>
      %dma_wait3A_421 = tpu.memref_squeeze %dma_wait3A_420 : memref<1x32x128xf32, #tpu.memory_space<vmem>> -> memref<32x128xf32, #tpu.memory_space<vmem>>
      %dma_wait3A_422 = arith.constant 0 : i32
      %dma_wait3A_423 = tpu.memref_slice %arg8[%dma_wait3A_417, %dma_wait3A_422] : memref<644x32xi32, #tpu.memory_space<vmem>> -> memref<1x32xi32, #tpu.memory_space<vmem>>
      %dma_wait3A_424 = tpu.memref_squeeze %dma_wait3A_423 : memref<1x32xi32, #tpu.memory_space<vmem>> -> memref<32xi32, #tpu.memory_space<vmem>>
      %dma_wait3A_425 = arith.constant 0 : i32
      %dma_wait3A_426 = arith.constant 0 : i32
      %dma_wait3A_427 = tpu.memref_slice %arg12[%dma_wait3A_425, %dma_wait3A_426] : memref<5248x128xf32, #tpu.memory_space<vmem_shared>> -> memref<5248x128xf32, #tpu.memory_space<vmem_shared>>
      tpu.wait_indirect_dma semaphore(%arg22 : memref<!tpu.dma_semaphore, #tpu.memory_space<semaphore_mem>>) src(%dma_wait3A_421 : memref<32x128xf32, #tpu.memory_space<vmem>>) dst(%dma_wait3A_427 : memref<5248x128xf32, #tpu.memory_space<vmem_shared>>)
      %add3A_428 = arith.constant 8 : i32
      %add3A_429 = arith.addi %add3A_415, %add3A_428 : i32
      %lt3A_430 = arith.cmpi slt, %add3A_429, %mul3A_56 : i32
      %convert_element_type3A_431 = arith.extui %lt3A_430 : i1 to i32
      %cond3A_432 = arith.constant 0 : i32
      %cond3A_433 = arith.cmpi ne, %convert_element_type3A_431, %cond3A_432 : i32
      scf.if %cond3A_433 {
        %add3A_566 = arith.constant 8 : i32
        %add3A_567 = arith.addi %add3A_415, %add3A_566 : i32
        %dma_start3A_568 = arith.constant 1 : i32
        %dma_start3A_569 = arith.constant 0 : i32
        %dma_start3A_570 = arith.constant 0 : i32
        %dma_start3A_571 = tpu.memref_slice %arg10[%dma_start3A_568, %dma_start3A_569, %dma_start3A_570] : memref<8x32x128xf32, #tpu.memory_space<vmem>> -> memref<1x32x128xf32, #tpu.memory_space<vmem>>
        %dma_start3A_572 = tpu.memref_squeeze %dma_start3A_571 : memref<1x32x128xf32, #tpu.memory_space<vmem>> -> memref<32x128xf32, #tpu.memory_space<vmem>>
        %dma_start3A_573 = arith.constant 0 : i32
        %dma_start3A_574 = tpu.memref_slice %arg7[%add3A_567, %dma_start3A_573] : memref<644x32xi32, #tpu.memory_space<vmem>> -> memref<1x32xi32, #tpu.memory_space<vmem>>
        %dma_start3A_575 = tpu.memref_squeeze %dma_start3A_574 : memref<1x32xi32, #tpu.memory_space<vmem>> -> memref<32xi32, #tpu.memory_space<vmem>>
        %dma_start3A_576 = arith.constant 0 : i32
        %dma_start3A_577 = arith.constant 0 : i32
        %dma_start3A_578 = tpu.memref_slice %arg2[%dma_start3A_576, %dma_start3A_577] : memref<10240x128xf32, #tpu.memory_space<hbm>> -> memref<10240x128xf32, #tpu.memory_space<hbm>>
        tpu.enqueue_indirect_dma source(%dma_start3A_578 : memref<10240x128xf32, #tpu.memory_space<hbm>>) target(%dma_start3A_572 : memref<32x128xf32, #tpu.memory_space<vmem>>) offsets(%dma_start3A_575 : memref<32xi32, #tpu.memory_space<vmem>>) semaphore(%arg14 : memref<!tpu.dma_semaphore, #tpu.memory_space<semaphore_mem>>)
      } else {
      }
      %mul3A_434 = arith.constant 8 : i32
      %mul3A_435 = arith.muli %mul3A_434, %while3A_177 : i32
      %add3A_436 = arith.constant 2 : i32
      %add3A_437 = arith.addi %mul3A_435, %add3A_436 : i32
      %dma_wait3A_438 = arith.constant 2 : i32
      %dma_wait3A_439 = arith.constant 0 : i32
      %dma_wait3A_440 = arith.constant 0 : i32
      %dma_wait3A_441 = arith.constant 0 : i32
      %dma_wait3A_442 = tpu.memref_slice %arg10[%dma_wait3A_438, %dma_wait3A_440, %dma_wait3A_441] : memref<8x32x128xf32, #tpu.memory_space<vmem>> -> memref<1x32x128xf32, #tpu.memory_space<vmem>>
      %dma_wait3A_443 = tpu.memref_squeeze %dma_wait3A_442 : memref<1x32x128xf32, #tpu.memory_space<vmem>> -> memref<32x128xf32, #tpu.memory_space<vmem>>
      %dma_wait3A_444 = arith.constant 0 : i32
      %dma_wait3A_445 = tpu.memref_slice %arg8[%dma_wait3A_439, %dma_wait3A_444] : memref<644x32xi32, #tpu.memory_space<vmem>> -> memref<1x32xi32, #tpu.memory_space<vmem>>
      %dma_wait3A_446 = tpu.memref_squeeze %dma_wait3A_445 : memref<1x32xi32, #tpu.memory_space<vmem>> -> memref<32xi32, #tpu.memory_space<vmem>>
      %dma_wait3A_447 = arith.constant 0 : i32
      %dma_wait3A_448 = arith.constant 0 : i32
      %dma_wait3A_449 = tpu.memref_slice %arg12[%dma_wait3A_447, %dma_wait3A_448] : memref<5248x128xf32, #tpu.memory_space<vmem_shared>> -> memref<5248x128xf32, #tpu.memory_space<vmem_shared>>
      tpu.wait_indirect_dma semaphore(%arg23 : memref<!tpu.dma_semaphore, #tpu.memory_space<semaphore_mem>>) src(%dma_wait3A_443 : memref<32x128xf32, #tpu.memory_space<vmem>>) dst(%dma_wait3A_449 : memref<5248x128xf32, #tpu.memory_space<vmem_shared>>)
      %add3A_450 = arith.constant 8 : i32
      %add3A_451 = arith.addi %add3A_437, %add3A_450 : i32
      %lt3A_452 = arith.cmpi slt, %add3A_451, %mul3A_56 : i32
      %convert_element_type3A_453 = arith.extui %lt3A_452 : i1 to i32
      %cond3A_454 = arith.constant 0 : i32
      %cond3A_455 = arith.cmpi ne, %convert_element_type3A_453, %cond3A_454 : i32
      scf.if %cond3A_455 {
        %add3A_566 = arith.constant 8 : i32
        %add3A_567 = arith.addi %add3A_437, %add3A_566 : i32
        %dma_start3A_568 = arith.constant 2 : i32
        %dma_start3A_569 = arith.constant 0 : i32
        %dma_start3A_570 = arith.constant 0 : i32
        %dma_start3A_571 = tpu.memref_slice %arg10[%dma_start3A_568, %dma_start3A_569, %dma_start3A_570] : memref<8x32x128xf32, #tpu.memory_space<vmem>> -> memref<1x32x128xf32, #tpu.memory_space<vmem>>
        %dma_start3A_572 = tpu.memref_squeeze %dma_start3A_571 : memref<1x32x128xf32, #tpu.memory_space<vmem>> -> memref<32x128xf32, #tpu.memory_space<vmem>>
        %dma_start3A_573 = arith.constant 0 : i32
        %dma_start3A_574 = tpu.memref_slice %arg7[%add3A_567, %dma_start3A_573] : memref<644x32xi32, #tpu.memory_space<vmem>> -> memref<1x32xi32, #tpu.memory_space<vmem>>
        %dma_start3A_575 = tpu.memref_squeeze %dma_start3A_574 : memref<1x32xi32, #tpu.memory_space<vmem>> -> memref<32xi32, #tpu.memory_space<vmem>>
        %dma_start3A_576 = arith.constant 0 : i32
        %dma_start3A_577 = arith.constant 0 : i32
        %dma_start3A_578 = tpu.memref_slice %arg2[%dma_start3A_576, %dma_start3A_577] : memref<10240x128xf32, #tpu.memory_space<hbm>> -> memref<10240x128xf32, #tpu.memory_space<hbm>>
        tpu.enqueue_indirect_dma source(%dma_start3A_578 : memref<10240x128xf32, #tpu.memory_space<hbm>>) target(%dma_start3A_572 : memref<32x128xf32, #tpu.memory_space<vmem>>) offsets(%dma_start3A_575 : memref<32xi32, #tpu.memory_space<vmem>>) semaphore(%arg15 : memref<!tpu.dma_semaphore, #tpu.memory_space<semaphore_mem>>)
      } else {
      }
      %mul3A_456 = arith.constant 8 : i32
      %mul3A_457 = arith.muli %mul3A_456, %while3A_177 : i32
      %add3A_458 = arith.constant 3 : i32
      %add3A_459 = arith.addi %mul3A_457, %add3A_458 : i32
      %dma_wait3A_460 = arith.constant 3 : i32
      %dma_wait3A_461 = arith.constant 0 : i32
      %dma_wait3A_462 = arith.constant 0 : i32
      %dma_wait3A_463 = arith.constant 0 : i32
      %dma_wait3A_464 = tpu.memref_slice %arg10[%dma_wait3A_460, %dma_wait3A_462, %dma_wait3A_463] : memref<8x32x128xf32, #tpu.memory_space<vmem>> -> memref<1x32x128xf32, #tpu.memory_space<vmem>>
      %dma_wait3A_465 = tpu.memref_squeeze %dma_wait3A_464 : memref<1x32x128xf32, #tpu.memory_space<vmem>> -> memref<32x128xf32, #tpu.memory_space<vmem>>
      %dma_wait3A_466 = arith.constant 0 : i32
      %dma_wait3A_467 = tpu.memref_slice %arg8[%dma_wait3A_461, %dma_wait3A_466] : memref<644x32xi32, #tpu.memory_space<vmem>> -> memref<1x32xi32, #tpu.memory_space<vmem>>
      %dma_wait3A_468 = tpu.memref_squeeze %dma_wait3A_467 : memref<1x32xi32, #tpu.memory_space<vmem>> -> memref<32xi32, #tpu.memory_space<vmem>>
      %dma_wait3A_469 = arith.constant 0 : i32
      %dma_wait3A_470 = arith.constant 0 : i32
      %dma_wait3A_471 = tpu.memref_slice %arg12[%dma_wait3A_469, %dma_wait3A_470] : memref<5248x128xf32, #tpu.memory_space<vmem_shared>> -> memref<5248x128xf32, #tpu.memory_space<vmem_shared>>
      tpu.wait_indirect_dma semaphore(%arg24 : memref<!tpu.dma_semaphore, #tpu.memory_space<semaphore_mem>>) src(%dma_wait3A_465 : memref<32x128xf32, #tpu.memory_space<vmem>>) dst(%dma_wait3A_471 : memref<5248x128xf32, #tpu.memory_space<vmem_shared>>)
      %add3A_472 = arith.constant 8 : i32
      %add3A_473 = arith.addi %add3A_459, %add3A_472 : i32
      %lt3A_474 = arith.cmpi slt, %add3A_473, %mul3A_56 : i32
      %convert_element_type3A_475 = arith.extui %lt3A_474 : i1 to i32
      %cond3A_476 = arith.constant 0 : i32
      %cond3A_477 = arith.cmpi ne, %convert_element_type3A_475, %cond3A_476 : i32
      scf.if %cond3A_477 {
        %add3A_566 = arith.constant 8 : i32
        %add3A_567 = arith.addi %add3A_459, %add3A_566 : i32
        %dma_start3A_568 = arith.constant 3 : i32
        %dma_start3A_569 = arith.constant 0 : i32
        %dma_start3A_570 = arith.constant 0 : i32
        %dma_start3A_571 = tpu.memref_slice %arg10[%dma_start3A_568, %dma_start3A_569, %dma_start3A_570] : memref<8x32x128xf32, #tpu.memory_space<vmem>> -> memref<1x32x128xf32, #tpu.memory_space<vmem>>
        %dma_start3A_572 = tpu.memref_squeeze %dma_start3A_571 : memref<1x32x128xf32, #tpu.memory_space<vmem>> -> memref<32x128xf32, #tpu.memory_space<vmem>>
        %dma_start3A_573 = arith.constant 0 : i32
        %dma_start3A_574 = tpu.memref_slice %arg7[%add3A_567, %dma_start3A_573] : memref<644x32xi32, #tpu.memory_space<vmem>> -> memref<1x32xi32, #tpu.memory_space<vmem>>
        %dma_start3A_575 = tpu.memref_squeeze %dma_start3A_574 : memref<1x32xi32, #tpu.memory_space<vmem>> -> memref<32xi32, #tpu.memory_space<vmem>>
        %dma_start3A_576 = arith.constant 0 : i32
        %dma_start3A_577 = arith.constant 0 : i32
        %dma_start3A_578 = tpu.memref_slice %arg2[%dma_start3A_576, %dma_start3A_577] : memref<10240x128xf32, #tpu.memory_space<hbm>> -> memref<10240x128xf32, #tpu.memory_space<hbm>>
        tpu.enqueue_indirect_dma source(%dma_start3A_578 : memref<10240x128xf32, #tpu.memory_space<hbm>>) target(%dma_start3A_572 : memref<32x128xf32, #tpu.memory_space<vmem>>) offsets(%dma_start3A_575 : memref<32xi32, #tpu.memory_space<vmem>>) semaphore(%arg16 : memref<!tpu.dma_semaphore, #tpu.memory_space<semaphore_mem>>)
      } else {
      }
      %mul3A_478 = arith.constant 8 : i32
      %mul3A_479 = arith.muli %mul3A_478, %while3A_177 : i32
      %add3A_480 = arith.constant 4 : i32
      %add3A_481 = arith.addi %mul3A_479, %add3A_480 : i32
      %dma_wait3A_482 = arith.constant 4 : i32
      %dma_wait3A_483 = arith.constant 0 : i32
      %dma_wait3A_484 = arith.constant 0 : i32
      %dma_wait3A_485 = arith.constant 0 : i32
      %dma_wait3A_486 = tpu.memref_slice %arg10[%dma_wait3A_482, %dma_wait3A_484, %dma_wait3A_485] : memref<8x32x128xf32, #tpu.memory_space<vmem>> -> memref<1x32x128xf32, #tpu.memory_space<vmem>>
      %dma_wait3A_487 = tpu.memref_squeeze %dma_wait3A_486 : memref<1x32x128xf32, #tpu.memory_space<vmem>> -> memref<32x128xf32, #tpu.memory_space<vmem>>
      %dma_wait3A_488 = arith.constant 0 : i32
      %dma_wait3A_489 = tpu.memref_slice %arg8[%dma_wait3A_483, %dma_wait3A_488] : memref<644x32xi32, #tpu.memory_space<vmem>> -> memref<1x32xi32, #tpu.memory_space<vmem>>
      %dma_wait3A_490 = tpu.memref_squeeze %dma_wait3A_489 : memref<1x32xi32, #tpu.memory_space<vmem>> -> memref<32xi32, #tpu.memory_space<vmem>>
      %dma_wait3A_491 = arith.constant 0 : i32
      %dma_wait3A_492 = arith.constant 0 : i32
      %dma_wait3A_493 = tpu.memref_slice %arg12[%dma_wait3A_491, %dma_wait3A_492] : memref<5248x128xf32, #tpu.memory_space<vmem_shared>> -> memref<5248x128xf32, #tpu.memory_space<vmem_shared>>
      tpu.wait_indirect_dma semaphore(%arg25 : memref<!tpu.dma_semaphore, #tpu.memory_space<semaphore_mem>>) src(%dma_wait3A_487 : memref<32x128xf32, #tpu.memory_space<vmem>>) dst(%dma_wait3A_493 : memref<5248x128xf32, #tpu.memory_space<vmem_shared>>)
      %add3A_494 = arith.constant 8 : i32
      %add3A_495 = arith.addi %add3A_481, %add3A_494 : i32
      %lt3A_496 = arith.cmpi slt, %add3A_495, %mul3A_56 : i32
      %convert_element_type3A_497 = arith.extui %lt3A_496 : i1 to i32
      %cond3A_498 = arith.constant 0 : i32
      %cond3A_499 = arith.cmpi ne, %convert_element_type3A_497, %cond3A_498 : i32
      scf.if %cond3A_499 {
        %add3A_566 = arith.constant 8 : i32
        %add3A_567 = arith.addi %add3A_481, %add3A_566 : i32
        %dma_start3A_568 = arith.constant 4 : i32
        %dma_start3A_569 = arith.constant 0 : i32
        %dma_start3A_570 = arith.constant 0 : i32
        %dma_start3A_571 = tpu.memref_slice %arg10[%dma_start3A_568, %dma_start3A_569, %dma_start3A_570] : memref<8x32x128xf32, #tpu.memory_space<vmem>> -> memref<1x32x128xf32, #tpu.memory_space<vmem>>
        %dma_start3A_572 = tpu.memref_squeeze %dma_start3A_571 : memref<1x32x128xf32, #tpu.memory_space<vmem>> -> memref<32x128xf32, #tpu.memory_space<vmem>>
        %dma_start3A_573 = arith.constant 0 : i32
        %dma_start3A_574 = tpu.memref_slice %arg7[%add3A_567, %dma_start3A_573] : memref<644x32xi32, #tpu.memory_space<vmem>> -> memref<1x32xi32, #tpu.memory_space<vmem>>
        %dma_start3A_575 = tpu.memref_squeeze %dma_start3A_574 : memref<1x32xi32, #tpu.memory_space<vmem>> -> memref<32xi32, #tpu.memory_space<vmem>>
        %dma_start3A_576 = arith.constant 0 : i32
        %dma_start3A_577 = arith.constant 0 : i32
        %dma_start3A_578 = tpu.memref_slice %arg2[%dma_start3A_576, %dma_start3A_577] : memref<10240x128xf32, #tpu.memory_space<hbm>> -> memref<10240x128xf32, #tpu.memory_space<hbm>>
        tpu.enqueue_indirect_dma source(%dma_start3A_578 : memref<10240x128xf32, #tpu.memory_space<hbm>>) target(%dma_start3A_572 : memref<32x128xf32, #tpu.memory_space<vmem>>) offsets(%dma_start3A_575 : memref<32xi32, #tpu.memory_space<vmem>>) semaphore(%arg17 : memref<!tpu.dma_semaphore, #tpu.memory_space<semaphore_mem>>)
      } else {
      }
      %mul3A_500 = arith.constant 8 : i32
      %mul3A_501 = arith.muli %mul3A_500, %while3A_177 : i32
      %add3A_502 = arith.constant 5 : i32
      %add3A_503 = arith.addi %mul3A_501, %add3A_502 : i32
      %dma_wait3A_504 = arith.constant 5 : i32
      %dma_wait3A_505 = arith.constant 0 : i32
      %dma_wait3A_506 = arith.constant 0 : i32
      %dma_wait3A_507 = arith.constant 0 : i32
      %dma_wait3A_508 = tpu.memref_slice %arg10[%dma_wait3A_504, %dma_wait3A_506, %dma_wait3A_507] : memref<8x32x128xf32, #tpu.memory_space<vmem>> -> memref<1x32x128xf32, #tpu.memory_space<vmem>>
      %dma_wait3A_509 = tpu.memref_squeeze %dma_wait3A_508 : memref<1x32x128xf32, #tpu.memory_space<vmem>> -> memref<32x128xf32, #tpu.memory_space<vmem>>
      %dma_wait3A_510 = arith.constant 0 : i32
      %dma_wait3A_511 = tpu.memref_slice %arg8[%dma_wait3A_505, %dma_wait3A_510] : memref<644x32xi32, #tpu.memory_space<vmem>> -> memref<1x32xi32, #tpu.memory_space<vmem>>
      %dma_wait3A_512 = tpu.memref_squeeze %dma_wait3A_511 : memref<1x32xi32, #tpu.memory_space<vmem>> -> memref<32xi32, #tpu.memory_space<vmem>>
      %dma_wait3A_513 = arith.constant 0 : i32
      %dma_wait3A_514 = arith.constant 0 : i32
      %dma_wait3A_515 = tpu.memref_slice %arg12[%dma_wait3A_513, %dma_wait3A_514] : memref<5248x128xf32, #tpu.memory_space<vmem_shared>> -> memref<5248x128xf32, #tpu.memory_space<vmem_shared>>
      tpu.wait_indirect_dma semaphore(%arg26 : memref<!tpu.dma_semaphore, #tpu.memory_space<semaphore_mem>>) src(%dma_wait3A_509 : memref<32x128xf32, #tpu.memory_space<vmem>>) dst(%dma_wait3A_515 : memref<5248x128xf32, #tpu.memory_space<vmem_shared>>)
      %add3A_516 = arith.constant 8 : i32
      %add3A_517 = arith.addi %add3A_503, %add3A_516 : i32
      %lt3A_518 = arith.cmpi slt, %add3A_517, %mul3A_56 : i32
      %convert_element_type3A_519 = arith.extui %lt3A_518 : i1 to i32
      %cond3A_520 = arith.constant 0 : i32
      %cond3A_521 = arith.cmpi ne, %convert_element_type3A_519, %cond3A_520 : i32
      scf.if %cond3A_521 {
        %add3A_566 = arith.constant 8 : i32
        %add3A_567 = arith.addi %add3A_503, %add3A_566 : i32
        %dma_start3A_568 = arith.constant 5 : i32
        %dma_start3A_569 = arith.constant 0 : i32
        %dma_start3A_570 = arith.constant 0 : i32
        %dma_start3A_571 = tpu.memref_slice %arg10[%dma_start3A_568, %dma_start3A_569, %dma_start3A_570] : memref<8x32x128xf32, #tpu.memory_space<vmem>> -> memref<1x32x128xf32, #tpu.memory_space<vmem>>
        %dma_start3A_572 = tpu.memref_squeeze %dma_start3A_571 : memref<1x32x128xf32, #tpu.memory_space<vmem>> -> memref<32x128xf32, #tpu.memory_space<vmem>>
        %dma_start3A_573 = arith.constant 0 : i32
        %dma_start3A_574 = tpu.memref_slice %arg7[%add3A_567, %dma_start3A_573] : memref<644x32xi32, #tpu.memory_space<vmem>> -> memref<1x32xi32, #tpu.memory_space<vmem>>
        %dma_start3A_575 = tpu.memref_squeeze %dma_start3A_574 : memref<1x32xi32, #tpu.memory_space<vmem>> -> memref<32xi32, #tpu.memory_space<vmem>>
        %dma_start3A_576 = arith.constant 0 : i32
        %dma_start3A_577 = arith.constant 0 : i32
        %dma_start3A_578 = tpu.memref_slice %arg2[%dma_start3A_576, %dma_start3A_577] : memref<10240x128xf32, #tpu.memory_space<hbm>> -> memref<10240x128xf32, #tpu.memory_space<hbm>>
        tpu.enqueue_indirect_dma source(%dma_start3A_578 : memref<10240x128xf32, #tpu.memory_space<hbm>>) target(%dma_start3A_572 : memref<32x128xf32, #tpu.memory_space<vmem>>) offsets(%dma_start3A_575 : memref<32xi32, #tpu.memory_space<vmem>>) semaphore(%arg18 : memref<!tpu.dma_semaphore, #tpu.memory_space<semaphore_mem>>)
      } else {
      }
      %mul3A_522 = arith.constant 8 : i32
      %mul3A_523 = arith.muli %mul3A_522, %while3A_177 : i32
      %add3A_524 = arith.constant 6 : i32
      %add3A_525 = arith.addi %mul3A_523, %add3A_524 : i32
      %dma_wait3A_526 = arith.constant 6 : i32
      %dma_wait3A_527 = arith.constant 0 : i32
      %dma_wait3A_528 = arith.constant 0 : i32
      %dma_wait3A_529 = arith.constant 0 : i32
      %dma_wait3A_530 = tpu.memref_slice %arg10[%dma_wait3A_526, %dma_wait3A_528, %dma_wait3A_529] : memref<8x32x128xf32, #tpu.memory_space<vmem>> -> memref<1x32x128xf32, #tpu.memory_space<vmem>>
      %dma_wait3A_531 = tpu.memref_squeeze %dma_wait3A_530 : memref<1x32x128xf32, #tpu.memory_space<vmem>> -> memref<32x128xf32, #tpu.memory_space<vmem>>
      %dma_wait3A_532 = arith.constant 0 : i32
      %dma_wait3A_533 = tpu.memref_slice %arg8[%dma_wait3A_527, %dma_wait3A_532] : memref<644x32xi32, #tpu.memory_space<vmem>> -> memref<1x32xi32, #tpu.memory_space<vmem>>
      %dma_wait3A_534 = tpu.memref_squeeze %dma_wait3A_533 : memref<1x32xi32, #tpu.memory_space<vmem>> -> memref<32xi32, #tpu.memory_space<vmem>>
      %dma_wait3A_535 = arith.constant 0 : i32
      %dma_wait3A_536 = arith.constant 0 : i32
      %dma_wait3A_537 = tpu.memref_slice %arg12[%dma_wait3A_535, %dma_wait3A_536] : memref<5248x128xf32, #tpu.memory_space<vmem_shared>> -> memref<5248x128xf32, #tpu.memory_space<vmem_shared>>
      tpu.wait_indirect_dma semaphore(%arg27 : memref<!tpu.dma_semaphore, #tpu.memory_space<semaphore_mem>>) src(%dma_wait3A_531 : memref<32x128xf32, #tpu.memory_space<vmem>>) dst(%dma_wait3A_537 : memref<5248x128xf32, #tpu.memory_space<vmem_shared>>)
      %add3A_538 = arith.constant 8 : i32
      %add3A_539 = arith.addi %add3A_525, %add3A_538 : i32
      %lt3A_540 = arith.cmpi slt, %add3A_539, %mul3A_56 : i32
      %convert_element_type3A_541 = arith.extui %lt3A_540 : i1 to i32
      %cond3A_542 = arith.constant 0 : i32
      %cond3A_543 = arith.cmpi ne, %convert_element_type3A_541, %cond3A_542 : i32
      scf.if %cond3A_543 {
        %add3A_566 = arith.constant 8 : i32
        %add3A_567 = arith.addi %add3A_525, %add3A_566 : i32
        %dma_start3A_568 = arith.constant 6 : i32
        %dma_start3A_569 = arith.constant 0 : i32
        %dma_start3A_570 = arith.constant 0 : i32
        %dma_start3A_571 = tpu.memref_slice %arg10[%dma_start3A_568, %dma_start3A_569, %dma_start3A_570] : memref<8x32x128xf32, #tpu.memory_space<vmem>> -> memref<1x32x128xf32, #tpu.memory_space<vmem>>
        %dma_start3A_572 = tpu.memref_squeeze %dma_start3A_571 : memref<1x32x128xf32, #tpu.memory_space<vmem>> -> memref<32x128xf32, #tpu.memory_space<vmem>>
        %dma_start3A_573 = arith.constant 0 : i32
        %dma_start3A_574 = tpu.memref_slice %arg7[%add3A_567, %dma_start3A_573] : memref<644x32xi32, #tpu.memory_space<vmem>> -> memref<1x32xi32, #tpu.memory_space<vmem>>
        %dma_start3A_575 = tpu.memref_squeeze %dma_start3A_574 : memref<1x32xi32, #tpu.memory_space<vmem>> -> memref<32xi32, #tpu.memory_space<vmem>>
        %dma_start3A_576 = arith.constant 0 : i32
        %dma_start3A_577 = arith.constant 0 : i32
        %dma_start3A_578 = tpu.memref_slice %arg2[%dma_start3A_576, %dma_start3A_577] : memref<10240x128xf32, #tpu.memory_space<hbm>> -> memref<10240x128xf32, #tpu.memory_space<hbm>>
        tpu.enqueue_indirect_dma source(%dma_start3A_578 : memref<10240x128xf32, #tpu.memory_space<hbm>>) target(%dma_start3A_572 : memref<32x128xf32, #tpu.memory_space<vmem>>) offsets(%dma_start3A_575 : memref<32xi32, #tpu.memory_space<vmem>>) semaphore(%arg19 : memref<!tpu.dma_semaphore, #tpu.memory_space<semaphore_mem>>)
      } else {
      }
      %mul3A_544 = arith.constant 8 : i32
      %mul3A_545 = arith.muli %mul3A_544, %while3A_177 : i32
      %add3A_546 = arith.constant 7 : i32
      %add3A_547 = arith.addi %mul3A_545, %add3A_546 : i32
      %dma_wait3A_548 = arith.constant 7 : i32
      %dma_wait3A_549 = arith.constant 0 : i32
      %dma_wait3A_550 = arith.constant 0 : i32
      %dma_wait3A_551 = arith.constant 0 : i32
      %dma_wait3A_552 = tpu.memref_slice %arg10[%dma_wait3A_548, %dma_wait3A_550, %dma_wait3A_551] : memref<8x32x128xf32, #tpu.memory_space<vmem>> -> memref<1x32x128xf32, #tpu.memory_space<vmem>>
      %dma_wait3A_553 = tpu.memref_squeeze %dma_wait3A_552 : memref<1x32x128xf32, #tpu.memory_space<vmem>> -> memref<32x128xf32, #tpu.memory_space<vmem>>
      %dma_wait3A_554 = arith.constant 0 : i32
      %dma_wait3A_555 = tpu.memref_slice %arg8[%dma_wait3A_549, %dma_wait3A_554] : memref<644x32xi32, #tpu.memory_space<vmem>> -> memref<1x32xi32, #tpu.memory_space<vmem>>
      %dma_wait3A_556 = tpu.memref_squeeze %dma_wait3A_555 : memref<1x32xi32, #tpu.memory_space<vmem>> -> memref<32xi32, #tpu.memory_space<vmem>>
      %dma_wait3A_557 = arith.constant 0 : i32
      %dma_wait3A_558 = arith.constant 0 : i32
      %dma_wait3A_559 = tpu.memref_slice %arg12[%dma_wait3A_557, %dma_wait3A_558] : memref<5248x128xf32, #tpu.memory_space<vmem_shared>> -> memref<5248x128xf32, #tpu.memory_space<vmem_shared>>
      tpu.wait_indirect_dma semaphore(%arg28 : memref<!tpu.dma_semaphore, #tpu.memory_space<semaphore_mem>>) src(%dma_wait3A_553 : memref<32x128xf32, #tpu.memory_space<vmem>>) dst(%dma_wait3A_559 : memref<5248x128xf32, #tpu.memory_space<vmem_shared>>)
      %add3A_560 = arith.constant 8 : i32
      %add3A_561 = arith.addi %add3A_547, %add3A_560 : i32
      %lt3A_562 = arith.cmpi slt, %add3A_561, %mul3A_56 : i32
      %convert_element_type3A_563 = arith.extui %lt3A_562 : i1 to i32
      %cond3A_564 = arith.constant 0 : i32
      %cond3A_565 = arith.cmpi ne, %convert_element_type3A_563, %cond3A_564 : i32
      scf.if %cond3A_565 {
        %add3A_566 = arith.constant 8 : i32
        %add3A_567 = arith.addi %add3A_547, %add3A_566 : i32
        %dma_start3A_568 = arith.constant 7 : i32
        %dma_start3A_569 = arith.constant 0 : i32
        %dma_start3A_570 = arith.constant 0 : i32
        %dma_start3A_571 = tpu.memref_slice %arg10[%dma_start3A_568, %dma_start3A_569, %dma_start3A_570] : memref<8x32x128xf32, #tpu.memory_space<vmem>> -> memref<1x32x128xf32, #tpu.memory_space<vmem>>
        %dma_start3A_572 = tpu.memref_squeeze %dma_start3A_571 : memref<1x32x128xf32, #tpu.memory_space<vmem>> -> memref<32x128xf32, #tpu.memory_space<vmem>>
        %dma_start3A_573 = arith.constant 0 : i32
        %dma_start3A_574 = tpu.memref_slice %arg7[%add3A_567, %dma_start3A_573] : memref<644x32xi32, #tpu.memory_space<vmem>> -> memref<1x32xi32, #tpu.memory_space<vmem>>
        %dma_start3A_575 = tpu.memref_squeeze %dma_start3A_574 : memref<1x32xi32, #tpu.memory_space<vmem>> -> memref<32xi32, #tpu.memory_space<vmem>>
        %dma_start3A_576 = arith.constant 0 : i32
        %dma_start3A_577 = arith.constant 0 : i32
        %dma_start3A_578 = tpu.memref_slice %arg2[%dma_start3A_576, %dma_start3A_577] : memref<10240x128xf32, #tpu.memory_space<hbm>> -> memref<10240x128xf32, #tpu.memory_space<hbm>>
        tpu.enqueue_indirect_dma source(%dma_start3A_578 : memref<10240x128xf32, #tpu.memory_space<hbm>>) target(%dma_start3A_572 : memref<32x128xf32, #tpu.memory_space<vmem>>) offsets(%dma_start3A_575 : memref<32xi32, #tpu.memory_space<vmem>>) semaphore(%arg20 : memref<!tpu.dma_semaphore, #tpu.memory_space<semaphore_mem>>)
      } else {
      }
    }
    %while3A_170 = arith.constant 1 : i32
    scf.for %while3A_177 = %while3A_168 to %while3A_164 step %while3A_170  : i32 {
      %mul3A_178 = arith.constant 8 : i32
      %mul3A_179 = arith.muli %mul3A_178, %while3A_177 : i32
      %add3A_180 = arith.constant 0 : i32
      %add3A_181 = arith.addi %mul3A_179, %add3A_180 : i32
      %dma_wait3A = arith.constant 0 : i32
      %dma_wait3A_182 = arith.constant 0 : i32
      %dma_wait3A_183 = arith.constant 0 : i32
      %dma_wait3A_184 = arith.constant 0 : i32
      %dma_wait3A_185 = tpu.memref_slice %arg10[%dma_wait3A_182, %dma_wait3A_183, %dma_wait3A_184] : memref<8x32x128xf32, #tpu.memory_space<vmem>> -> memref<1x32x128xf32, #tpu.memory_space<vmem>>
      %dma_wait3A_186 = tpu.memref_squeeze %dma_wait3A_185 : memref<1x32x128xf32, #tpu.memory_space<vmem>> -> memref<32x128xf32, #tpu.memory_space<vmem>>
      %dma_wait3A_187 = arith.constant 0 : i32
      %dma_wait3A_188 = tpu.memref_slice %arg7[%dma_wait3A, %dma_wait3A_187] : memref<644x32xi32, #tpu.memory_space<vmem>> -> memref<1x32xi32, #tpu.memory_space<vmem>>
      %dma_wait3A_189 = tpu.memref_squeeze %dma_wait3A_188 : memref<1x32xi32, #tpu.memory_space<vmem>> -> memref<32xi32, #tpu.memory_space<vmem>>
      %dma_wait3A_190 = arith.constant 0 : i32
      %dma_wait3A_191 = arith.constant 0 : i32
      %dma_wait3A_192 = tpu.memref_slice %arg2[%dma_wait3A_190, %dma_wait3A_191] : memref<10240x128xf32, #tpu.memory_space<hbm>> -> memref<10240x128xf32, #tpu.memory_space<hbm>>
      tpu.wait_indirect_dma semaphore(%arg13 : memref<!tpu.dma_semaphore, #tpu.memory_space<semaphore_mem>>) src(%dma_wait3A_192 : memref<10240x128xf32, #tpu.memory_space<hbm>>) dst(%dma_wait3A_186 : memref<32x128xf32, #tpu.memory_space<vmem>>)
      %dma_start3A_193 = arith.constant 0 : i32
      %dma_start3A_194 = arith.constant 0 : i32
      %dma_start3A_195 = arith.constant 0 : i32
      %dma_start3A_196 = tpu.memref_slice %arg10[%dma_start3A_193, %dma_start3A_194, %dma_start3A_195] : memref<8x32x128xf32, #tpu.memory_space<vmem>> -> memref<1x32x128xf32, #tpu.memory_space<vmem>>
      %dma_start3A_197 = tpu.memref_squeeze %dma_start3A_196 : memref<1x32x128xf32, #tpu.memory_space<vmem>> -> memref<32x128xf32, #tpu.memory_space<vmem>>
      %dma_start3A_198 = arith.constant 0 : i32
      %dma_start3A_199 = tpu.memref_slice %arg8[%add3A_181, %dma_start3A_198] : memref<644x32xi32, #tpu.memory_space<vmem>> -> memref<1x32xi32, #tpu.memory_space<vmem>>
      %dma_start3A_200 = tpu.memref_squeeze %dma_start3A_199 : memref<1x32xi32, #tpu.memory_space<vmem>> -> memref<32xi32, #tpu.memory_space<vmem>>
      %dma_start3A_201 = arith.constant 0 : i32
      %dma_start3A_202 = arith.constant 0 : i32
      %dma_start3A_203 = tpu.memref_slice %arg12[%dma_start3A_201, %dma_start3A_202] : memref<5248x128xf32, #tpu.memory_space<vmem_shared>> -> memref<5248x128xf32, #tpu.memory_space<vmem_shared>>
      tpu.enqueue_indirect_dma source(%dma_start3A_197 : memref<32x128xf32, #tpu.memory_space<vmem>>) target(%dma_start3A_203 : memref<5248x128xf32, #tpu.memory_space<vmem_shared>>) offsets(%dma_start3A_200 : memref<32xi32, #tpu.memory_space<vmem>>) semaphore(%arg21 : memref<!tpu.dma_semaphore, #tpu.memory_space<semaphore_mem>>) {add = true}
      %mul3A_204 = arith.constant 8 : i32
      %mul3A_205 = arith.muli %mul3A_204, %while3A_177 : i32
      %add3A_206 = arith.constant 1 : i32
      %add3A_207 = arith.addi %mul3A_205, %add3A_206 : i32
      %dma_wait3A_208 = arith.constant 0 : i32
      %dma_wait3A_209 = arith.constant 1 : i32
      %dma_wait3A_210 = arith.constant 0 : i32
      %dma_wait3A_211 = arith.constant 0 : i32
      %dma_wait3A_212 = tpu.memref_slice %arg10[%dma_wait3A_209, %dma_wait3A_210, %dma_wait3A_211] : memref<8x32x128xf32, #tpu.memory_space<vmem>> -> memref<1x32x128xf32, #tpu.memory_space<vmem>>
      %dma_wait3A_213 = tpu.memref_squeeze %dma_wait3A_212 : memref<1x32x128xf32, #tpu.memory_space<vmem>> -> memref<32x128xf32, #tpu.memory_space<vmem>>
      %dma_wait3A_214 = arith.constant 0 : i32
      %dma_wait3A_215 = tpu.memref_slice %arg7[%dma_wait3A_208, %dma_wait3A_214] : memref<644x32xi32, #tpu.memory_space<vmem>> -> memref<1x32xi32, #tpu.memory_space<vmem>>
      %dma_wait3A_216 = tpu.memref_squeeze %dma_wait3A_215 : memref<1x32xi32, #tpu.memory_space<vmem>> -> memref<32xi32, #tpu.memory_space<vmem>>
      %dma_wait3A_217 = arith.constant 0 : i32
      %dma_wait3A_218 = arith.constant 0 : i32
      %dma_wait3A_219 = tpu.memref_slice %arg2[%dma_wait3A_217, %dma_wait3A_218] : memref<10240x128xf32, #tpu.memory_space<hbm>> -> memref<10240x128xf32, #tpu.memory_space<hbm>>
      tpu.wait_indirect_dma semaphore(%arg14 : memref<!tpu.dma_semaphore, #tpu.memory_space<semaphore_mem>>) src(%dma_wait3A_219 : memref<10240x128xf32, #tpu.memory_space<hbm>>) dst(%dma_wait3A_213 : memref<32x128xf32, #tpu.memory_space<vmem>>)
      %dma_start3A_220 = arith.constant 1 : i32
      %dma_start3A_221 = arith.constant 0 : i32
      %dma_start3A_222 = arith.constant 0 : i32
      %dma_start3A_223 = tpu.memref_slice %arg10[%dma_start3A_220, %dma_start3A_221, %dma_start3A_222] : memref<8x32x128xf32, #tpu.memory_space<vmem>> -> memref<1x32x128xf32, #tpu.memory_space<vmem>>
      %dma_start3A_224 = tpu.memref_squeeze %dma_start3A_223 : memref<1x32x128xf32, #tpu.memory_space<vmem>> -> memref<32x128xf32, #tpu.memory_space<vmem>>
      %dma_start3A_225 = arith.constant 0 : i32
      %dma_start3A_226 = tpu.memref_slice %arg8[%add3A_207, %dma_start3A_225] : memref<644x32xi32, #tpu.memory_space<vmem>> -> memref<1x32xi32, #tpu.memory_space<vmem>>
      %dma_start3A_227 = tpu.memref_squeeze %dma_start3A_226 : memref<1x32xi32, #tpu.memory_space<vmem>> -> memref<32xi32, #tpu.memory_space<vmem>>
      %dma_start3A_228 = arith.constant 0 : i32
      %dma_start3A_229 = arith.constant 0 : i32
      %dma_start3A_230 = tpu.memref_slice %arg12[%dma_start3A_228, %dma_start3A_229] : memref<5248x128xf32, #tpu.memory_space<vmem_shared>> -> memref<5248x128xf32, #tpu.memory_space<vmem_shared>>
      tpu.enqueue_indirect_dma source(%dma_start3A_224 : memref<32x128xf32, #tpu.memory_space<vmem>>) target(%dma_start3A_230 : memref<5248x128xf32, #tpu.memory_space<vmem_shared>>) offsets(%dma_start3A_227 : memref<32xi32, #tpu.memory_space<vmem>>) semaphore(%arg22 : memref<!tpu.dma_semaphore, #tpu.memory_space<semaphore_mem>>) {add = true}
      %mul3A_231 = arith.constant 8 : i32
      %mul3A_232 = arith.muli %mul3A_231, %while3A_177 : i32
      %add3A_233 = arith.constant 2 : i32
      %add3A_234 = arith.addi %mul3A_232, %add3A_233 : i32
      %dma_wait3A_235 = arith.constant 0 : i32
      %dma_wait3A_236 = arith.constant 2 : i32
      %dma_wait3A_237 = arith.constant 0 : i32
      %dma_wait3A_238 = arith.constant 0 : i32
      %dma_wait3A_239 = tpu.memref_slice %arg10[%dma_wait3A_236, %dma_wait3A_237, %dma_wait3A_238] : memref<8x32x128xf32, #tpu.memory_space<vmem>> -> memref<1x32x128xf32, #tpu.memory_space<vmem>>
      %dma_wait3A_240 = tpu.memref_squeeze %dma_wait3A_239 : memref<1x32x128xf32, #tpu.memory_space<vmem>> -> memref<32x128xf32, #tpu.memory_space<vmem>>
      %dma_wait3A_241 = arith.constant 0 : i32
      %dma_wait3A_242 = tpu.memref_slice %arg7[%dma_wait3A_235, %dma_wait3A_241] : memref<644x32xi32, #tpu.memory_space<vmem>> -> memref<1x32xi32, #tpu.memory_space<vmem>>
      %dma_wait3A_243 = tpu.memref_squeeze %dma_wait3A_242 : memref<1x32xi32, #tpu.memory_space<vmem>> -> memref<32xi32, #tpu.memory_space<vmem>>
      %dma_wait3A_244 = arith.constant 0 : i32
      %dma_wait3A_245 = arith.constant 0 : i32
      %dma_wait3A_246 = tpu.memref_slice %arg2[%dma_wait3A_244, %dma_wait3A_245] : memref<10240x128xf32, #tpu.memory_space<hbm>> -> memref<10240x128xf32, #tpu.memory_space<hbm>>
      tpu.wait_indirect_dma semaphore(%arg15 : memref<!tpu.dma_semaphore, #tpu.memory_space<semaphore_mem>>) src(%dma_wait3A_246 : memref<10240x128xf32, #tpu.memory_space<hbm>>) dst(%dma_wait3A_240 : memref<32x128xf32, #tpu.memory_space<vmem>>)
      %dma_start3A_247 = arith.constant 2 : i32
      %dma_start3A_248 = arith.constant 0 : i32
      %dma_start3A_249 = arith.constant 0 : i32
      %dma_start3A_250 = tpu.memref_slice %arg10[%dma_start3A_247, %dma_start3A_248, %dma_start3A_249] : memref<8x32x128xf32, #tpu.memory_space<vmem>> -> memref<1x32x128xf32, #tpu.memory_space<vmem>>
      %dma_start3A_251 = tpu.memref_squeeze %dma_start3A_250 : memref<1x32x128xf32, #tpu.memory_space<vmem>> -> memref<32x128xf32, #tpu.memory_space<vmem>>
      %dma_start3A_252 = arith.constant 0 : i32
      %dma_start3A_253 = tpu.memref_slice %arg8[%add3A_234, %dma_start3A_252] : memref<644x32xi32, #tpu.memory_space<vmem>> -> memref<1x32xi32, #tpu.memory_space<vmem>>
      %dma_start3A_254 = tpu.memref_squeeze %dma_start3A_253 : memref<1x32xi32, #tpu.memory_space<vmem>> -> memref<32xi32, #tpu.memory_space<vmem>>
      %dma_start3A_255 = arith.constant 0 : i32
      %dma_start3A_256 = arith.constant 0 : i32
      %dma_start3A_257 = tpu.memref_slice %arg12[%dma_start3A_255, %dma_start3A_256] : memref<5248x128xf32, #tpu.memory_space<vmem_shared>> -> memref<5248x128xf32, #tpu.memory_space<vmem_shared>>
      tpu.enqueue_indirect_dma source(%dma_start3A_251 : memref<32x128xf32, #tpu.memory_space<vmem>>) target(%dma_start3A_257 : memref<5248x128xf32, #tpu.memory_space<vmem_shared>>) offsets(%dma_start3A_254 : memref<32xi32, #tpu.memory_space<vmem>>) semaphore(%arg23 : memref<!tpu.dma_semaphore, #tpu.memory_space<semaphore_mem>>) {add = true}
      %mul3A_258 = arith.constant 8 : i32
      %mul3A_259 = arith.muli %mul3A_258, %while3A_177 : i32
      %add3A_260 = arith.constant 3 : i32
      %add3A_261 = arith.addi %mul3A_259, %add3A_260 : i32
      %dma_wait3A_262 = arith.constant 0 : i32
      %dma_wait3A_263 = arith.constant 3 : i32
      %dma_wait3A_264 = arith.constant 0 : i32
      %dma_wait3A_265 = arith.constant 0 : i32
      %dma_wait3A_266 = tpu.memref_slice %arg10[%dma_wait3A_263, %dma_wait3A_264, %dma_wait3A_265] : memref<8x32x128xf32, #tpu.memory_space<vmem>> -> memref<1x32x128xf32, #tpu.memory_space<vmem>>
      %dma_wait3A_267 = tpu.memref_squeeze %dma_wait3A_266 : memref<1x32x128xf32, #tpu.memory_space<vmem>> -> memref<32x128xf32, #tpu.memory_space<vmem>>
      %dma_wait3A_268 = arith.constant 0 : i32
      %dma_wait3A_269 = tpu.memref_slice %arg7[%dma_wait3A_262, %dma_wait3A_268] : memref<644x32xi32, #tpu.memory_space<vmem>> -> memref<1x32xi32, #tpu.memory_space<vmem>>
      %dma_wait3A_270 = tpu.memref_squeeze %dma_wait3A_269 : memref<1x32xi32, #tpu.memory_space<vmem>> -> memref<32xi32, #tpu.memory_space<vmem>>
      %dma_wait3A_271 = arith.constant 0 : i32
      %dma_wait3A_272 = arith.constant 0 : i32
      %dma_wait3A_273 = tpu.memref_slice %arg2[%dma_wait3A_271, %dma_wait3A_272] : memref<10240x128xf32, #tpu.memory_space<hbm>> -> memref<10240x128xf32, #tpu.memory_space<hbm>>
      tpu.wait_indirect_dma semaphore(%arg16 : memref<!tpu.dma_semaphore, #tpu.memory_space<semaphore_mem>>) src(%dma_wait3A_273 : memref<10240x128xf32, #tpu.memory_space<hbm>>) dst(%dma_wait3A_267 : memref<32x128xf32, #tpu.memory_space<vmem>>)
      %dma_start3A_274 = arith.constant 3 : i32
      %dma_start3A_275 = arith.constant 0 : i32
      %dma_start3A_276 = arith.constant 0 : i32
      %dma_start3A_277 = tpu.memref_slice %arg10[%dma_start3A_274, %dma_start3A_275, %dma_start3A_276] : memref<8x32x128xf32, #tpu.memory_space<vmem>> -> memref<1x32x128xf32, #tpu.memory_space<vmem>>
      %dma_start3A_278 = tpu.memref_squeeze %dma_start3A_277 : memref<1x32x128xf32, #tpu.memory_space<vmem>> -> memref<32x128xf32, #tpu.memory_space<vmem>>
      %dma_start3A_279 = arith.constant 0 : i32
      %dma_start3A_280 = tpu.memref_slice %arg8[%add3A_261, %dma_start3A_279] : memref<644x32xi32, #tpu.memory_space<vmem>> -> memref<1x32xi32, #tpu.memory_space<vmem>>
      %dma_start3A_281 = tpu.memref_squeeze %dma_start3A_280 : memref<1x32xi32, #tpu.memory_space<vmem>> -> memref<32xi32, #tpu.memory_space<vmem>>
      %dma_start3A_282 = arith.constant 0 : i32
      %dma_start3A_283 = arith.constant 0 : i32
      %dma_start3A_284 = tpu.memref_slice %arg12[%dma_start3A_282, %dma_start3A_283] : memref<5248x128xf32, #tpu.memory_space<vmem_shared>> -> memref<5248x128xf32, #tpu.memory_space<vmem_shared>>
      tpu.enqueue_indirect_dma source(%dma_start3A_278 : memref<32x128xf32, #tpu.memory_space<vmem>>) target(%dma_start3A_284 : memref<5248x128xf32, #tpu.memory_space<vmem_shared>>) offsets(%dma_start3A_281 : memref<32xi32, #tpu.memory_space<vmem>>) semaphore(%arg24 : memref<!tpu.dma_semaphore, #tpu.memory_space<semaphore_mem>>) {add = true}
      %mul3A_285 = arith.constant 8 : i32
      %mul3A_286 = arith.muli %mul3A_285, %while3A_177 : i32
      %add3A_287 = arith.constant 4 : i32
      %add3A_288 = arith.addi %mul3A_286, %add3A_287 : i32
      %dma_wait3A_289 = arith.constant 0 : i32
      %dma_wait3A_290 = arith.constant 4 : i32
      %dma_wait3A_291 = arith.constant 0 : i32
      %dma_wait3A_292 = arith.constant 0 : i32
      %dma_wait3A_293 = tpu.memref_slice %arg10[%dma_wait3A_290, %dma_wait3A_291, %dma_wait3A_292] : memref<8x32x128xf32, #tpu.memory_space<vmem>> -> memref<1x32x128xf32, #tpu.memory_space<vmem>>
      %dma_wait3A_294 = tpu.memref_squeeze %dma_wait3A_293 : memref<1x32x128xf32, #tpu.memory_space<vmem>> -> memref<32x128xf32, #tpu.memory_space<vmem>>
      %dma_wait3A_295 = arith.constant 0 : i32
      %dma_wait3A_296 = tpu.memref_slice %arg7[%dma_wait3A_289, %dma_wait3A_295] : memref<644x32xi32, #tpu.memory_space<vmem>> -> memref<1x32xi32, #tpu.memory_space<vmem>>
      %dma_wait3A_297 = tpu.memref_squeeze %dma_wait3A_296 : memref<1x32xi32, #tpu.memory_space<vmem>> -> memref<32xi32, #tpu.memory_space<vmem>>
      %dma_wait3A_298 = arith.constant 0 : i32
      %dma_wait3A_299 = arith.constant 0 : i32
      %dma_wait3A_300 = tpu.memref_slice %arg2[%dma_wait3A_298, %dma_wait3A_299] : memref<10240x128xf32, #tpu.memory_space<hbm>> -> memref<10240x128xf32, #tpu.memory_space<hbm>>
      tpu.wait_indirect_dma semaphore(%arg17 : memref<!tpu.dma_semaphore, #tpu.memory_space<semaphore_mem>>) src(%dma_wait3A_300 : memref<10240x128xf32, #tpu.memory_space<hbm>>) dst(%dma_wait3A_294 : memref<32x128xf32, #tpu.memory_space<vmem>>)
      %dma_start3A_301 = arith.constant 4 : i32
      %dma_start3A_302 = arith.constant 0 : i32
      %dma_start3A_303 = arith.constant 0 : i32
      %dma_start3A_304 = tpu.memref_slice %arg10[%dma_start3A_301, %dma_start3A_302, %dma_start3A_303] : memref<8x32x128xf32, #tpu.memory_space<vmem>> -> memref<1x32x128xf32, #tpu.memory_space<vmem>>
      %dma_start3A_305 = tpu.memref_squeeze %dma_start3A_304 : memref<1x32x128xf32, #tpu.memory_space<vmem>> -> memref<32x128xf32, #tpu.memory_space<vmem>>
      %dma_start3A_306 = arith.constant 0 : i32
      %dma_start3A_307 = tpu.memref_slice %arg8[%add3A_288, %dma_start3A_306] : memref<644x32xi32, #tpu.memory_space<vmem>> -> memref<1x32xi32, #tpu.memory_space<vmem>>
      %dma_start3A_308 = tpu.memref_squeeze %dma_start3A_307 : memref<1x32xi32, #tpu.memory_space<vmem>> -> memref<32xi32, #tpu.memory_space<vmem>>
      %dma_start3A_309 = arith.constant 0 : i32
      %dma_start3A_310 = arith.constant 0 : i32
      %dma_start3A_311 = tpu.memref_slice %arg12[%dma_start3A_309, %dma_start3A_310] : memref<5248x128xf32, #tpu.memory_space<vmem_shared>> -> memref<5248x128xf32, #tpu.memory_space<vmem_shared>>
      tpu.enqueue_indirect_dma source(%dma_start3A_305 : memref<32x128xf32, #tpu.memory_space<vmem>>) target(%dma_start3A_311 : memref<5248x128xf32, #tpu.memory_space<vmem_shared>>) offsets(%dma_start3A_308 : memref<32xi32, #tpu.memory_space<vmem>>) semaphore(%arg25 : memref<!tpu.dma_semaphore, #tpu.memory_space<semaphore_mem>>) {add = true}
      %mul3A_312 = arith.constant 8 : i32
      %mul3A_313 = arith.muli %mul3A_312, %while3A_177 : i32
      %add3A_314 = arith.constant 5 : i32
      %add3A_315 = arith.addi %mul3A_313, %add3A_314 : i32
      %dma_wait3A_316 = arith.constant 0 : i32
      %dma_wait3A_317 = arith.constant 5 : i32
      %dma_wait3A_318 = arith.constant 0 : i32
      %dma_wait3A_319 = arith.constant 0 : i32
      %dma_wait3A_320 = tpu.memref_slice %arg10[%dma_wait3A_317, %dma_wait3A_318, %dma_wait3A_319] : memref<8x32x128xf32, #tpu.memory_space<vmem>> -> memref<1x32x128xf32, #tpu.memory_space<vmem>>
      %dma_wait3A_321 = tpu.memref_squeeze %dma_wait3A_320 : memref<1x32x128xf32, #tpu.memory_space<vmem>> -> memref<32x128xf32, #tpu.memory_space<vmem>>
      %dma_wait3A_322 = arith.constant 0 : i32
      %dma_wait3A_323 = tpu.memref_slice %arg7[%dma_wait3A_316, %dma_wait3A_322] : memref<644x32xi32, #tpu.memory_space<vmem>> -> memref<1x32xi32, #tpu.memory_space<vmem>>
      %dma_wait3A_324 = tpu.memref_squeeze %dma_wait3A_323 : memref<1x32xi32, #tpu.memory_space<vmem>> -> memref<32xi32, #tpu.memory_space<vmem>>
      %dma_wait3A_325 = arith.constant 0 : i32
      %dma_wait3A_326 = arith.constant 0 : i32
      %dma_wait3A_327 = tpu.memref_slice %arg2[%dma_wait3A_325, %dma_wait3A_326] : memref<10240x128xf32, #tpu.memory_space<hbm>> -> memref<10240x128xf32, #tpu.memory_space<hbm>>
      tpu.wait_indirect_dma semaphore(%arg18 : memref<!tpu.dma_semaphore, #tpu.memory_space<semaphore_mem>>) src(%dma_wait3A_327 : memref<10240x128xf32, #tpu.memory_space<hbm>>) dst(%dma_wait3A_321 : memref<32x128xf32, #tpu.memory_space<vmem>>)
      %dma_start3A_328 = arith.constant 5 : i32
      %dma_start3A_329 = arith.constant 0 : i32
      %dma_start3A_330 = arith.constant 0 : i32
      %dma_start3A_331 = tpu.memref_slice %arg10[%dma_start3A_328, %dma_start3A_329, %dma_start3A_330] : memref<8x32x128xf32, #tpu.memory_space<vmem>> -> memref<1x32x128xf32, #tpu.memory_space<vmem>>
      %dma_start3A_332 = tpu.memref_squeeze %dma_start3A_331 : memref<1x32x128xf32, #tpu.memory_space<vmem>> -> memref<32x128xf32, #tpu.memory_space<vmem>>
      %dma_start3A_333 = arith.constant 0 : i32
      %dma_start3A_334 = tpu.memref_slice %arg8[%add3A_315, %dma_start3A_333] : memref<644x32xi32, #tpu.memory_space<vmem>> -> memref<1x32xi32, #tpu.memory_space<vmem>>
      %dma_start3A_335 = tpu.memref_squeeze %dma_start3A_334 : memref<1x32xi32, #tpu.memory_space<vmem>> -> memref<32xi32, #tpu.memory_space<vmem>>
      %dma_start3A_336 = arith.constant 0 : i32
      %dma_start3A_337 = arith.constant 0 : i32
      %dma_start3A_338 = tpu.memref_slice %arg12[%dma_start3A_336, %dma_start3A_337] : memref<5248x128xf32, #tpu.memory_space<vmem_shared>> -> memref<5248x128xf32, #tpu.memory_space<vmem_shared>>
      tpu.enqueue_indirect_dma source(%dma_start3A_332 : memref<32x128xf32, #tpu.memory_space<vmem>>) target(%dma_start3A_338 : memref<5248x128xf32, #tpu.memory_space<vmem_shared>>) offsets(%dma_start3A_335 : memref<32xi32, #tpu.memory_space<vmem>>) semaphore(%arg26 : memref<!tpu.dma_semaphore, #tpu.memory_space<semaphore_mem>>) {add = true}
      %mul3A_339 = arith.constant 8 : i32
      %mul3A_340 = arith.muli %mul3A_339, %while3A_177 : i32
      %add3A_341 = arith.constant 6 : i32
      %add3A_342 = arith.addi %mul3A_340, %add3A_341 : i32
      %dma_wait3A_343 = arith.constant 0 : i32
      %dma_wait3A_344 = arith.constant 6 : i32
      %dma_wait3A_345 = arith.constant 0 : i32
      %dma_wait3A_346 = arith.constant 0 : i32
      %dma_wait3A_347 = tpu.memref_slice %arg10[%dma_wait3A_344, %dma_wait3A_345, %dma_wait3A_346] : memref<8x32x128xf32, #tpu.memory_space<vmem>> -> memref<1x32x128xf32, #tpu.memory_space<vmem>>
      %dma_wait3A_348 = tpu.memref_squeeze %dma_wait3A_347 : memref<1x32x128xf32, #tpu.memory_space<vmem>> -> memref<32x128xf32, #tpu.memory_space<vmem>>
      %dma_wait3A_349 = arith.constant 0 : i32
      %dma_wait3A_350 = tpu.memref_slice %arg7[%dma_wait3A_343, %dma_wait3A_349] : memref<644x32xi32, #tpu.memory_space<vmem>> -> memref<1x32xi32, #tpu.memory_space<vmem>>
      %dma_wait3A_351 = tpu.memref_squeeze %dma_wait3A_350 : memref<1x32xi32, #tpu.memory_space<vmem>> -> memref<32xi32, #tpu.memory_space<vmem>>
      %dma_wait3A_352 = arith.constant 0 : i32
      %dma_wait3A_353 = arith.constant 0 : i32
      %dma_wait3A_354 = tpu.memref_slice %arg2[%dma_wait3A_352, %dma_wait3A_353] : memref<10240x128xf32, #tpu.memory_space<hbm>> -> memref<10240x128xf32, #tpu.memory_space<hbm>>
      tpu.wait_indirect_dma semaphore(%arg19 : memref<!tpu.dma_semaphore, #tpu.memory_space<semaphore_mem>>) src(%dma_wait3A_354 : memref<10240x128xf32, #tpu.memory_space<hbm>>) dst(%dma_wait3A_348 : memref<32x128xf32, #tpu.memory_space<vmem>>)
      %dma_start3A_355 = arith.constant 6 : i32
      %dma_start3A_356 = arith.constant 0 : i32
      %dma_start3A_357 = arith.constant 0 : i32
      %dma_start3A_358 = tpu.memref_slice %arg10[%dma_start3A_355, %dma_start3A_356, %dma_start3A_357] : memref<8x32x128xf32, #tpu.memory_space<vmem>> -> memref<1x32x128xf32, #tpu.memory_space<vmem>>
      %dma_start3A_359 = tpu.memref_squeeze %dma_start3A_358 : memref<1x32x128xf32, #tpu.memory_space<vmem>> -> memref<32x128xf32, #tpu.memory_space<vmem>>
      %dma_start3A_360 = arith.constant 0 : i32
      %dma_start3A_361 = tpu.memref_slice %arg8[%add3A_342, %dma_start3A_360] : memref<644x32xi32, #tpu.memory_space<vmem>> -> memref<1x32xi32, #tpu.memory_space<vmem>>
      %dma_start3A_362 = tpu.memref_squeeze %dma_start3A_361 : memref<1x32xi32, #tpu.memory_space<vmem>> -> memref<32xi32, #tpu.memory_space<vmem>>
      %dma_start3A_363 = arith.constant 0 : i32
      %dma_start3A_364 = arith.constant 0 : i32
      %dma_start3A_365 = tpu.memref_slice %arg12[%dma_start3A_363, %dma_start3A_364] : memref<5248x128xf32, #tpu.memory_space<vmem_shared>> -> memref<5248x128xf32, #tpu.memory_space<vmem_shared>>
      tpu.enqueue_indirect_dma source(%dma_start3A_359 : memref<32x128xf32, #tpu.memory_space<vmem>>) target(%dma_start3A_365 : memref<5248x128xf32, #tpu.memory_space<vmem_shared>>) offsets(%dma_start3A_362 : memref<32xi32, #tpu.memory_space<vmem>>) semaphore(%arg27 : memref<!tpu.dma_semaphore, #tpu.memory_space<semaphore_mem>>) {add = true}
      %mul3A_366 = arith.constant 8 : i32
      %mul3A_367 = arith.muli %mul3A_366, %while3A_177 : i32
      %add3A_368 = arith.constant 7 : i32
      %add3A_369 = arith.addi %mul3A_367, %add3A_368 : i32
      %dma_wait3A_370 = arith.constant 0 : i32
      %dma_wait3A_371 = arith.constant 7 : i32
      %dma_wait3A_372 = arith.constant 0 : i32
      %dma_wait3A_373 = arith.constant 0 : i32
      %dma_wait3A_374 = tpu.memref_slice %arg10[%dma_wait3A_371, %dma_wait3A_372, %dma_wait3A_373] : memref<8x32x128xf32, #tpu.memory_space<vmem>> -> memref<1x32x128xf32, #tpu.memory_space<vmem>>
      %dma_wait3A_375 = tpu.memref_squeeze %dma_wait3A_374 : memref<1x32x128xf32, #tpu.memory_space<vmem>> -> memref<32x128xf32, #tpu.memory_space<vmem>>
      %dma_wait3A_376 = arith.constant 0 : i32
      %dma_wait3A_377 = tpu.memref_slice %arg7[%dma_wait3A_370, %dma_wait3A_376] : memref<644x32xi32, #tpu.memory_space<vmem>> -> memref<1x32xi32, #tpu.memory_space<vmem>>
      %dma_wait3A_378 = tpu.memref_squeeze %dma_wait3A_377 : memref<1x32xi32, #tpu.memory_space<vmem>> -> memref<32xi32, #tpu.memory_space<vmem>>
      %dma_wait3A_379 = arith.constant 0 : i32
      %dma_wait3A_380 = arith.constant 0 : i32
      %dma_wait3A_381 = tpu.memref_slice %arg2[%dma_wait3A_379, %dma_wait3A_380] : memref<10240x128xf32, #tpu.memory_space<hbm>> -> memref<10240x128xf32, #tpu.memory_space<hbm>>
      tpu.wait_indirect_dma semaphore(%arg20 : memref<!tpu.dma_semaphore, #tpu.memory_space<semaphore_mem>>) src(%dma_wait3A_381 : memref<10240x128xf32, #tpu.memory_space<hbm>>) dst(%dma_wait3A_375 : memref<32x128xf32, #tpu.memory_space<vmem>>)
      %dma_start3A_382 = arith.constant 7 : i32
      %dma_start3A_383 = arith.constant 0 : i32
      %dma_start3A_384 = arith.constant 0 : i32
      %dma_start3A_385 = tpu.memref_slice %arg10[%dma_start3A_382, %dma_start3A_383, %dma_start3A_384] : memref<8x32x128xf32, #tpu.memory_space<vmem>> -> memref<1x32x128xf32, #tpu.memory_space<vmem>>
      %dma_start3A_386 = tpu.memref_squeeze %dma_start3A_385 : memref<1x32x128xf32, #tpu.memory_space<vmem>> -> memref<32x128xf32, #tpu.memory_space<vmem>>
      %dma_start3A_387 = arith.constant 0 : i32
      %dma_start3A_388 = tpu.memref_slice %arg8[%add3A_369, %dma_start3A_387] : memref<644x32xi32, #tpu.memory_space<vmem>> -> memref<1x32xi32, #tpu.memory_space<vmem>>
      %dma_start3A_389 = tpu.memref_squeeze %dma_start3A_388 : memref<1x32xi32, #tpu.memory_space<vmem>> -> memref<32xi32, #tpu.memory_space<vmem>>
      %dma_start3A_390 = arith.constant 0 : i32
      %dma_start3A_391 = arith.constant 0 : i32
      %dma_start3A_392 = tpu.memref_slice %arg12[%dma_start3A_390, %dma_start3A_391] : memref<5248x128xf32, #tpu.memory_space<vmem_shared>> -> memref<5248x128xf32, #tpu.memory_space<vmem_shared>>
      tpu.enqueue_indirect_dma source(%dma_start3A_386 : memref<32x128xf32, #tpu.memory_space<vmem>>) target(%dma_start3A_392 : memref<5248x128xf32, #tpu.memory_space<vmem_shared>>) offsets(%dma_start3A_389 : memref<32xi32, #tpu.memory_space<vmem>>) semaphore(%arg28 : memref<!tpu.dma_semaphore, #tpu.memory_space<semaphore_mem>>) {add = true}
      %mul3A_393 = arith.constant 8 : i32
      %mul3A_394 = arith.muli %mul3A_393, %while3A_177 : i32
      %add3A_395 = arith.constant 0 : i32
      %add3A_396 = arith.addi %mul3A_394, %add3A_395 : i32
      %dma_wait3A_397 = arith.constant 0 : i32
      %dma_wait3A_398 = arith.constant 0 : i32
      %dma_wait3A_399 = arith.constant 0 : i32
      %dma_wait3A_400 = arith.constant 0 : i32
      %dma_wait3A_401 = tpu.memref_slice %arg10[%dma_wait3A_397, %dma_wait3A_399, %dma_wait3A_400] : memref<8x32x128xf32, #tpu.memory_space<vmem>> -> memref<1x32x128xf32, #tpu.memory_space<vmem>>
      %dma_wait3A_402 = tpu.memref_squeeze %dma_wait3A_401 : memref<1x32x128xf32, #tpu.memory_space<vmem>> -> memref<32x128xf32, #tpu.memory_space<vmem>>
      %dma_wait3A_403 = arith.constant 0 : i32
      %dma_wait3A_404 = tpu.memref_slice %arg8[%dma_wait3A_398, %dma_wait3A_403] : memref<644x32xi32, #tpu.memory_space<vmem>> -> memref<1x32xi32, #tpu.memory_space<vmem>>
      %dma_wait3A_405 = tpu.memref_squeeze %dma_wait3A_404 : memref<1x32xi32, #tpu.memory_space<vmem>> -> memref<32xi32, #tpu.memory_space<vmem>>
      %dma_wait3A_406 = arith.constant 0 : i32
      %dma_wait3A_407 = arith.constant 0 : i32
      %dma_wait3A_408 = tpu.memref_slice %arg12[%dma_wait3A_406, %dma_wait3A_407] : memref<5248x128xf32, #tpu.memory_space<vmem_shared>> -> memref<5248x128xf32, #tpu.memory_space<vmem_shared>>
      tpu.wait_indirect_dma semaphore(%arg21 : memref<!tpu.dma_semaphore, #tpu.memory_space<semaphore_mem>>) src(%dma_wait3A_402 : memref<32x128xf32, #tpu.memory_space<vmem>>) dst(%dma_wait3A_408 : memref<5248x128xf32, #tpu.memory_space<vmem_shared>>)
      %add3A_409 = arith.constant 8 : i32
      %add3A_410 = arith.addi %add3A_396, %add3A_409 : i32
      %lt3A = arith.cmpi slt, %add3A_410, %mul3A_56 : i32
      %convert_element_type3A = arith.extui %lt3A : i1 to i32
      %cond3A = arith.constant 0 : i32
      %cond3A_411 = arith.cmpi ne, %convert_element_type3A, %cond3A : i32
      scf.if %cond3A_411 {
        %add3A_566 = arith.constant 8 : i32
        %add3A_567 = arith.addi %add3A_396, %add3A_566 : i32
        %dma_start3A_568 = arith.constant 0 : i32
        %dma_start3A_569 = arith.constant 0 : i32
        %dma_start3A_570 = arith.constant 0 : i32
        %dma_start3A_571 = tpu.memref_slice %arg10[%dma_start3A_568, %dma_start3A_569, %dma_start3A_570] : memref<8x32x128xf32, #tpu.memory_space<vmem>> -> memref<1x32x128xf32, #tpu.memory_space<vmem>>
        %dma_start3A_572 = tpu.memref_squeeze %dma_start3A_571 : memref<1x32x128xf32, #tpu.memory_space<vmem>> -> memref<32x128xf32, #tpu.memory_space<vmem>>
        %dma_start3A_573 = arith.constant 0 : i32
        %dma_start3A_574 = tpu.memref_slice %arg7[%add3A_567, %dma_start3A_573] : memref<644x32xi32, #tpu.memory_space<vmem>> -> memref<1x32xi32, #tpu.memory_space<vmem>>
        %dma_start3A_575 = tpu.memref_squeeze %dma_start3A_574 : memref<1x32xi32, #tpu.memory_space<vmem>> -> memref<32xi32, #tpu.memory_space<vmem>>
        %dma_start3A_576 = arith.constant 0 : i32
        %dma_start3A_577 = arith.constant 0 : i32
        %dma_start3A_578 = tpu.memref_slice %arg2[%dma_start3A_576, %dma_start3A_577] : memref<10240x128xf32, #tpu.memory_space<hbm>> -> memref<10240x128xf32, #tpu.memory_space<hbm>>
        tpu.enqueue_indirect_dma source(%dma_start3A_578 : memref<10240x128xf32, #tpu.memory_space<hbm>>) target(%dma_start3A_572 : memref<32x128xf32, #tpu.memory_space<vmem>>) offsets(%dma_start3A_575 : memref<32xi32, #tpu.memory_space<vmem>>) semaphore(%arg13 : memref<!tpu.dma_semaphore, #tpu.memory_space<semaphore_mem>>)
      } else {
      }
      %mul3A_412 = arith.constant 8 : i32
      %mul3A_413 = arith.muli %mul3A_412, %while3A_177 : i32
      %add3A_414 = arith.constant 1 : i32
      %add3A_415 = arith.addi %mul3A_413, %add3A_414 : i32
      %dma_wait3A_416 = arith.constant 1 : i32
      %dma_wait3A_417 = arith.constant 0 : i32
      %dma_wait3A_418 = arith.constant 0 : i32
      %dma_wait3A_419 = arith.constant 0 : i32
      %dma_wait3A_420 = tpu.memref_slice %arg10[%dma_wait3A_416, %dma_wait3A_418, %dma_wait3A_419] : memref<8x32x128xf32, #tpu.memory_space<vmem>> -> memref<1x32x128xf32, #tpu.memory_space<vmem>>
      %dma_wait3A_421 = tpu.memref_squeeze %dma_wait3A_420 : memref<1x32x128xf32, #tpu.memory_space<vmem>> -> memref<32x128xf32, #tpu.memory_space<vmem>>
      %dma_wait3A_422 = arith.constant 0 : i32
      %dma_wait3A_423 = tpu.memref_slice %arg8[%dma_wait3A_417, %dma_wait3A_422] : memref<644x32xi32, #tpu.memory_space<vmem>> -> memref<1x32xi32, #tpu.memory_space<vmem>>
      %dma_wait3A_424 = tpu.memref_squeeze %dma_wait3A_423 : memref<1x32xi32, #tpu.memory_space<vmem>> -> memref<32xi32, #tpu.memory_space<vmem>>
      %dma_wait3A_425 = arith.constant 0 : i32
      %dma_wait3A_426 = arith.constant 0 : i32
      %dma_wait3A_427 = tpu.memref_slice %arg12[%dma_wait3A_425, %dma_wait3A_426] : memref<5248x128xf32, #tpu.memory_space<vmem_shared>> -> memref<5248x128xf32, #tpu.memory_space<vmem_shared>>
      tpu.wait_indirect_dma semaphore(%arg22 : memref<!tpu.dma_semaphore, #tpu.memory_space<semaphore_mem>>) src(%dma_wait3A_421 : memref<32x128xf32, #tpu.memory_space<vmem>>) dst(%dma_wait3A_427 : memref<5248x128xf32, #tpu.memory_space<vmem_shared>>)
      %add3A_428 = arith.constant 8 : i32
      %add3A_429 = arith.addi %add3A_415, %add3A_428 : i32
      %lt3A_430 = arith.cmpi slt, %add3A_429, %mul3A_56 : i32
      %convert_element_type3A_431 = arith.extui %lt3A_430 : i1 to i32
      %cond3A_432 = arith.constant 0 : i32
      %cond3A_433 = arith.cmpi ne, %convert_element_type3A_431, %cond3A_432 : i32
      scf.if %cond3A_433 {
        %add3A_566 = arith.constant 8 : i32
        %add3A_567 = arith.addi %add3A_415, %add3A_566 : i32
        %dma_start3A_568 = arith.constant 1 : i32
        %dma_start3A_569 = arith.constant 0 : i32
        %dma_start3A_570 = arith.constant 0 : i32
        %dma_start3A_571 = tpu.memref_slice %arg10[%dma_start3A_568, %dma_start3A_569, %dma_start3A_570] : memref<8x32x128xf32, #tpu.memory_space<vmem>> -> memref<1x32x128xf32, #tpu.memory_space<vmem>>
        %dma_start3A_572 = tpu.memref_squeeze %dma_start3A_571 : memref<1x32x128xf32, #tpu.memory_space<vmem>> -> memref<32x128xf32, #tpu.memory_space<vmem>>
        %dma_start3A_573 = arith.constant 0 : i32
        %dma_start3A_574 = tpu.memref_slice %arg7[%add3A_567, %dma_start3A_573] : memref<644x32xi32, #tpu.memory_space<vmem>> -> memref<1x32xi32, #tpu.memory_space<vmem>>
        %dma_start3A_575 = tpu.memref_squeeze %dma_start3A_574 : memref<1x32xi32, #tpu.memory_space<vmem>> -> memref<32xi32, #tpu.memory_space<vmem>>
        %dma_start3A_576 = arith.constant 0 : i32
        %dma_start3A_577 = arith.constant 0 : i32
        %dma_start3A_578 = tpu.memref_slice %arg2[%dma_start3A_576, %dma_start3A_577] : memref<10240x128xf32, #tpu.memory_space<hbm>> -> memref<10240x128xf32, #tpu.memory_space<hbm>>
        tpu.enqueue_indirect_dma source(%dma_start3A_578 : memref<10240x128xf32, #tpu.memory_space<hbm>>) target(%dma_start3A_572 : memref<32x128xf32, #tpu.memory_space<vmem>>) offsets(%dma_start3A_575 : memref<32xi32, #tpu.memory_space<vmem>>) semaphore(%arg14 : memref<!tpu.dma_semaphore, #tpu.memory_space<semaphore_mem>>)
      } else {
      }
      %mul3A_434 = arith.constant 8 : i32
      %mul3A_435 = arith.muli %mul3A_434, %while3A_177 : i32
      %add3A_436 = arith.constant 2 : i32
      %add3A_437 = arith.addi %mul3A_435, %add3A_436 : i32
      %dma_wait3A_438 = arith.constant 2 : i32
      %dma_wait3A_439 = arith.constant 0 : i32
      %dma_wait3A_440 = arith.constant 0 : i32
      %dma_wait3A_441 = arith.constant 0 : i32
      %dma_wait3A_442 = tpu.memref_slice %arg10[%dma_wait3A_438, %dma_wait3A_440, %dma_wait3A_441] : memref<8x32x128xf32, #tpu.memory_space<vmem>> -> memref<1x32x128xf32, #tpu.memory_space<vmem>>
      %dma_wait3A_443 = tpu.memref_squeeze %dma_wait3A_442 : memref<1x32x128xf32, #tpu.memory_space<vmem>> -> memref<32x128xf32, #tpu.memory_space<vmem>>
      %dma_wait3A_444 = arith.constant 0 : i32
      %dma_wait3A_445 = tpu.memref_slice %arg8[%dma_wait3A_439, %dma_wait3A_444] : memref<644x32xi32, #tpu.memory_space<vmem>> -> memref<1x32xi32, #tpu.memory_space<vmem>>
      %dma_wait3A_446 = tpu.memref_squeeze %dma_wait3A_445 : memref<1x32xi32, #tpu.memory_space<vmem>> -> memref<32xi32, #tpu.memory_space<vmem>>
      %dma_wait3A_447 = arith.constant 0 : i32
      %dma_wait3A_448 = arith.constant 0 : i32
      %dma_wait3A_449 = tpu.memref_slice %arg12[%dma_wait3A_447, %dma_wait3A_448] : memref<5248x128xf32, #tpu.memory_space<vmem_shared>> -> memref<5248x128xf32, #tpu.memory_space<vmem_shared>>
      tpu.wait_indirect_dma semaphore(%arg23 : memref<!tpu.dma_semaphore, #tpu.memory_space<semaphore_mem>>) src(%dma_wait3A_443 : memref<32x128xf32, #tpu.memory_space<vmem>>) dst(%dma_wait3A_449 : memref<5248x128xf32, #tpu.memory_space<vmem_shared>>)
      %add3A_450 = arith.constant 8 : i32
      %add3A_451 = arith.addi %add3A_437, %add3A_450 : i32
      %lt3A_452 = arith.cmpi slt, %add3A_451, %mul3A_56 : i32
      %convert_element_type3A_453 = arith.extui %lt3A_452 : i1 to i32
      %cond3A_454 = arith.constant 0 : i32
      %cond3A_455 = arith.cmpi ne, %convert_element_type3A_453, %cond3A_454 : i32
      scf.if %cond3A_455 {
        %add3A_566 = arith.constant 8 : i32
        %add3A_567 = arith.addi %add3A_437, %add3A_566 : i32
        %dma_start3A_568 = arith.constant 2 : i32
        %dma_start3A_569 = arith.constant 0 : i32
        %dma_start3A_570 = arith.constant 0 : i32
        %dma_start3A_571 = tpu.memref_slice %arg10[%dma_start3A_568, %dma_start3A_569, %dma_start3A_570] : memref<8x32x128xf32, #tpu.memory_space<vmem>> -> memref<1x32x128xf32, #tpu.memory_space<vmem>>
        %dma_start3A_572 = tpu.memref_squeeze %dma_start3A_571 : memref<1x32x128xf32, #tpu.memory_space<vmem>> -> memref<32x128xf32, #tpu.memory_space<vmem>>
        %dma_start3A_573 = arith.constant 0 : i32
        %dma_start3A_574 = tpu.memref_slice %arg7[%add3A_567, %dma_start3A_573] : memref<644x32xi32, #tpu.memory_space<vmem>> -> memref<1x32xi32, #tpu.memory_space<vmem>>
        %dma_start3A_575 = tpu.memref_squeeze %dma_start3A_574 : memref<1x32xi32, #tpu.memory_space<vmem>> -> memref<32xi32, #tpu.memory_space<vmem>>
        %dma_start3A_576 = arith.constant 0 : i32
        %dma_start3A_577 = arith.constant 0 : i32
        %dma_start3A_578 = tpu.memref_slice %arg2[%dma_start3A_576, %dma_start3A_577] : memref<10240x128xf32, #tpu.memory_space<hbm>> -> memref<10240x128xf32, #tpu.memory_space<hbm>>
        tpu.enqueue_indirect_dma source(%dma_start3A_578 : memref<10240x128xf32, #tpu.memory_space<hbm>>) target(%dma_start3A_572 : memref<32x128xf32, #tpu.memory_space<vmem>>) offsets(%dma_start3A_575 : memref<32xi32, #tpu.memory_space<vmem>>) semaphore(%arg15 : memref<!tpu.dma_semaphore, #tpu.memory_space<semaphore_mem>>)
      } else {
      }
      %mul3A_456 = arith.constant 8 : i32
      %mul3A_457 = arith.muli %mul3A_456, %while3A_177 : i32
      %add3A_458 = arith.constant 3 : i32
      %add3A_459 = arith.addi %mul3A_457, %add3A_458 : i32
      %dma_wait3A_460 = arith.constant 3 : i32
      %dma_wait3A_461 = arith.constant 0 : i32
      %dma_wait3A_462 = arith.constant 0 : i32
      %dma_wait3A_463 = arith.constant 0 : i32
      %dma_wait3A_464 = tpu.memref_slice %arg10[%dma_wait3A_460, %dma_wait3A_462, %dma_wait3A_463] : memref<8x32x128xf32, #tpu.memory_space<vmem>> -> memref<1x32x128xf32, #tpu.memory_space<vmem>>
      %dma_wait3A_465 = tpu.memref_squeeze %dma_wait3A_464 : memref<1x32x128xf32, #tpu.memory_space<vmem>> -> memref<32x128xf32, #tpu.memory_space<vmem>>
      %dma_wait3A_466 = arith.constant 0 : i32
      %dma_wait3A_467 = tpu.memref_slice %arg8[%dma_wait3A_461, %dma_wait3A_466] : memref<644x32xi32, #tpu.memory_space<vmem>> -> memref<1x32xi32, #tpu.memory_space<vmem>>
      %dma_wait3A_468 = tpu.memref_squeeze %dma_wait3A_467 : memref<1x32xi32, #tpu.memory_space<vmem>> -> memref<32xi32, #tpu.memory_space<vmem>>
      %dma_wait3A_469 = arith.constant 0 : i32
      %dma_wait3A_470 = arith.constant 0 : i32
      %dma_wait3A_471 = tpu.memref_slice %arg12[%dma_wait3A_469, %dma_wait3A_470] : memref<5248x128xf32, #tpu.memory_space<vmem_shared>> -> memref<5248x128xf32, #tpu.memory_space<vmem_shared>>
      tpu.wait_indirect_dma semaphore(%arg24 : memref<!tpu.dma_semaphore, #tpu.memory_space<semaphore_mem>>) src(%dma_wait3A_465 : memref<32x128xf32, #tpu.memory_space<vmem>>) dst(%dma_wait3A_471 : memref<5248x128xf32, #tpu.memory_space<vmem_shared>>)
      %add3A_472 = arith.constant 8 : i32
      %add3A_473 = arith.addi %add3A_459, %add3A_472 : i32
      %lt3A_474 = arith.cmpi slt, %add3A_473, %mul3A_56 : i32
      %convert_element_type3A_475 = arith.extui %lt3A_474 : i1 to i32
      %cond3A_476 = arith.constant 0 : i32
      %cond3A_477 = arith.cmpi ne, %convert_element_type3A_475, %cond3A_476 : i32
      scf.if %cond3A_477 {
        %add3A_566 = arith.constant 8 : i32
        %add3A_567 = arith.addi %add3A_459, %add3A_566 : i32
        %dma_start3A_568 = arith.constant 3 : i32
        %dma_start3A_569 = arith.constant 0 : i32
        %dma_start3A_570 = arith.constant 0 : i32
        %dma_start3A_571 = tpu.memref_slice %arg10[%dma_start3A_568, %dma_start3A_569, %dma_start3A_570] : memref<8x32x128xf32, #tpu.memory_space<vmem>> -> memref<1x32x128xf32, #tpu.memory_space<vmem>>
        %dma_start3A_572 = tpu.memref_squeeze %dma_start3A_571 : memref<1x32x128xf32, #tpu.memory_space<vmem>> -> memref<32x128xf32, #tpu.memory_space<vmem>>
        %dma_start3A_573 = arith.constant 0 : i32
        %dma_start3A_574 = tpu.memref_slice %arg7[%add3A_567, %dma_start3A_573] : memref<644x32xi32, #tpu.memory_space<vmem>> -> memref<1x32xi32, #tpu.memory_space<vmem>>
        %dma_start3A_575 = tpu.memref_squeeze %dma_start3A_574 : memref<1x32xi32, #tpu.memory_space<vmem>> -> memref<32xi32, #tpu.memory_space<vmem>>
        %dma_start3A_576 = arith.constant 0 : i32
        %dma_start3A_577 = arith.constant 0 : i32
        %dma_start3A_578 = tpu.memref_slice %arg2[%dma_start3A_576, %dma_start3A_577] : memref<10240x128xf32, #tpu.memory_space<hbm>> -> memref<10240x128xf32, #tpu.memory_space<hbm>>
        tpu.enqueue_indirect_dma source(%dma_start3A_578 : memref<10240x128xf32, #tpu.memory_space<hbm>>) target(%dma_start3A_572 : memref<32x128xf32, #tpu.memory_space<vmem>>) offsets(%dma_start3A_575 : memref<32xi32, #tpu.memory_space<vmem>>) semaphore(%arg16 : memref<!tpu.dma_semaphore, #tpu.memory_space<semaphore_mem>>)
      } else {
      }
      %mul3A_478 = arith.constant 8 : i32
      %mul3A_479 = arith.muli %mul3A_478, %while3A_177 : i32
      %add3A_480 = arith.constant 4 : i32
      %add3A_481 = arith.addi %mul3A_479, %add3A_480 : i32
      %dma_wait3A_482 = arith.constant 4 : i32
      %dma_wait3A_483 = arith.constant 0 : i32
      %dma_wait3A_484 = arith.constant 0 : i32
      %dma_wait3A_485 = arith.constant 0 : i32
      %dma_wait3A_486 = tpu.memref_slice %arg10[%dma_wait3A_482, %dma_wait3A_484, %dma_wait3A_485] : memref<8x32x128xf32, #tpu.memory_space<vmem>> -> memref<1x32x128xf32, #tpu.memory_space<vmem>>
      %dma_wait3A_487 = tpu.memref_squeeze %dma_wait3A_486 : memref<1x32x128xf32, #tpu.memory_space<vmem>> -> memref<32x128xf32, #tpu.memory_space<vmem>>
      %dma_wait3A_488 = arith.constant 0 : i32
      %dma_wait3A_489 = tpu.memref_slice %arg8[%dma_wait3A_483, %dma_wait3A_488] : memref<644x32xi32, #tpu.memory_space<vmem>> -> memref<1x32xi32, #tpu.memory_space<vmem>>
      %dma_wait3A_490 = tpu.memref_squeeze %dma_wait3A_489 : memref<1x32xi32, #tpu.memory_space<vmem>> -> memref<32xi32, #tpu.memory_space<vmem>>
      %dma_wait3A_491 = arith.constant 0 : i32
      %dma_wait3A_492 = arith.constant 0 : i32
      %dma_wait3A_493 = tpu.memref_slice %arg12[%dma_wait3A_491, %dma_wait3A_492] : memref<5248x128xf32, #tpu.memory_space<vmem_shared>> -> memref<5248x128xf32, #tpu.memory_space<vmem_shared>>
      tpu.wait_indirect_dma semaphore(%arg25 : memref<!tpu.dma_semaphore, #tpu.memory_space<semaphore_mem>>) src(%dma_wait3A_487 : memref<32x128xf32, #tpu.memory_space<vmem>>) dst(%dma_wait3A_493 : memref<5248x128xf32, #tpu.memory_space<vmem_shared>>)
      %add3A_494 = arith.constant 8 : i32
      %add3A_495 = arith.addi %add3A_481, %add3A_494 : i32
      %lt3A_496 = arith.cmpi slt, %add3A_495, %mul3A_56 : i32
      %convert_element_type3A_497 = arith.extui %lt3A_496 : i1 to i32
      %cond3A_498 = arith.constant 0 : i32
      %cond3A_499 = arith.cmpi ne, %convert_element_type3A_497, %cond3A_498 : i32
      scf.if %cond3A_499 {
        %add3A_566 = arith.constant 8 : i32
        %add3A_567 = arith.addi %add3A_481, %add3A_566 : i32
        %dma_start3A_568 = arith.constant 4 : i32
        %dma_start3A_569 = arith.constant 0 : i32
        %dma_start3A_570 = arith.constant 0 : i32
        %dma_start3A_571 = tpu.memref_slice %arg10[%dma_start3A_568, %dma_start3A_569, %dma_start3A_570] : memref<8x32x128xf32, #tpu.memory_space<vmem>> -> memref<1x32x128xf32, #tpu.memory_space<vmem>>
        %dma_start3A_572 = tpu.memref_squeeze %dma_start3A_571 : memref<1x32x128xf32, #tpu.memory_space<vmem>> -> memref<32x128xf32, #tpu.memory_space<vmem>>
        %dma_start3A_573 = arith.constant 0 : i32
        %dma_start3A_574 = tpu.memref_slice %arg7[%add3A_567, %dma_start3A_573] : memref<644x32xi32, #tpu.memory_space<vmem>> -> memref<1x32xi32, #tpu.memory_space<vmem>>
        %dma_start3A_575 = tpu.memref_squeeze %dma_start3A_574 : memref<1x32xi32, #tpu.memory_space<vmem>> -> memref<32xi32, #tpu.memory_space<vmem>>
        %dma_start3A_576 = arith.constant 0 : i32
        %dma_start3A_577 = arith.constant 0 : i32
        %dma_start3A_578 = tpu.memref_slice %arg2[%dma_start3A_576, %dma_start3A_577] : memref<10240x128xf32, #tpu.memory_space<hbm>> -> memref<10240x128xf32, #tpu.memory_space<hbm>>
        tpu.enqueue_indirect_dma source(%dma_start3A_578 : memref<10240x128xf32, #tpu.memory_space<hbm>>) target(%dma_start3A_572 : memref<32x128xf32, #tpu.memory_space<vmem>>) offsets(%dma_start3A_575 : memref<32xi32, #tpu.memory_space<vmem>>) semaphore(%arg17 : memref<!tpu.dma_semaphore, #tpu.memory_space<semaphore_mem>>)
      } else {
      }
      %mul3A_500 = arith.constant 8 : i32
      %mul3A_501 = arith.muli %mul3A_500, %while3A_177 : i32
      %add3A_502 = arith.constant 5 : i32
      %add3A_503 = arith.addi %mul3A_501, %add3A_502 : i32
      %dma_wait3A_504 = arith.constant 5 : i32
      %dma_wait3A_505 = arith.constant 0 : i32
      %dma_wait3A_506 = arith.constant 0 : i32
      %dma_wait3A_507 = arith.constant 0 : i32
      %dma_wait3A_508 = tpu.memref_slice %arg10[%dma_wait3A_504, %dma_wait3A_506, %dma_wait3A_507] : memref<8x32x128xf32, #tpu.memory_space<vmem>> -> memref<1x32x128xf32, #tpu.memory_space<vmem>>
      %dma_wait3A_509 = tpu.memref_squeeze %dma_wait3A_508 : memref<1x32x128xf32, #tpu.memory_space<vmem>> -> memref<32x128xf32, #tpu.memory_space<vmem>>
      %dma_wait3A_510 = arith.constant 0 : i32
      %dma_wait3A_511 = tpu.memref_slice %arg8[%dma_wait3A_505, %dma_wait3A_510] : memref<644x32xi32, #tpu.memory_space<vmem>> -> memref<1x32xi32, #tpu.memory_space<vmem>>
      %dma_wait3A_512 = tpu.memref_squeeze %dma_wait3A_511 : memref<1x32xi32, #tpu.memory_space<vmem>> -> memref<32xi32, #tpu.memory_space<vmem>>
      %dma_wait3A_513 = arith.constant 0 : i32
      %dma_wait3A_514 = arith.constant 0 : i32
      %dma_wait3A_515 = tpu.memref_slice %arg12[%dma_wait3A_513, %dma_wait3A_514] : memref<5248x128xf32, #tpu.memory_space<vmem_shared>> -> memref<5248x128xf32, #tpu.memory_space<vmem_shared>>
      tpu.wait_indirect_dma semaphore(%arg26 : memref<!tpu.dma_semaphore, #tpu.memory_space<semaphore_mem>>) src(%dma_wait3A_509 : memref<32x128xf32, #tpu.memory_space<vmem>>) dst(%dma_wait3A_515 : memref<5248x128xf32, #tpu.memory_space<vmem_shared>>)
      %add3A_516 = arith.constant 8 : i32
      %add3A_517 = arith.addi %add3A_503, %add3A_516 : i32
      %lt3A_518 = arith.cmpi slt, %add3A_517, %mul3A_56 : i32
      %convert_element_type3A_519 = arith.extui %lt3A_518 : i1 to i32
      %cond3A_520 = arith.constant 0 : i32
      %cond3A_521 = arith.cmpi ne, %convert_element_type3A_519, %cond3A_520 : i32
      scf.if %cond3A_521 {
        %add3A_566 = arith.constant 8 : i32
        %add3A_567 = arith.addi %add3A_503, %add3A_566 : i32
        %dma_start3A_568 = arith.constant 5 : i32
        %dma_start3A_569 = arith.constant 0 : i32
        %dma_start3A_570 = arith.constant 0 : i32
        %dma_start3A_571 = tpu.memref_slice %arg10[%dma_start3A_568, %dma_start3A_569, %dma_start3A_570] : memref<8x32x128xf32, #tpu.memory_space<vmem>> -> memref<1x32x128xf32, #tpu.memory_space<vmem>>
        %dma_start3A_572 = tpu.memref_squeeze %dma_start3A_571 : memref<1x32x128xf32, #tpu.memory_space<vmem>> -> memref<32x128xf32, #tpu.memory_space<vmem>>
        %dma_start3A_573 = arith.constant 0 : i32
        %dma_start3A_574 = tpu.memref_slice %arg7[%add3A_567, %dma_start3A_573] : memref<644x32xi32, #tpu.memory_space<vmem>> -> memref<1x32xi32, #tpu.memory_space<vmem>>
        %dma_start3A_575 = tpu.memref_squeeze %dma_start3A_574 : memref<1x32xi32, #tpu.memory_space<vmem>> -> memref<32xi32, #tpu.memory_space<vmem>>
        %dma_start3A_576 = arith.constant 0 : i32
        %dma_start3A_577 = arith.constant 0 : i32
        %dma_start3A_578 = tpu.memref_slice %arg2[%dma_start3A_576, %dma_start3A_577] : memref<10240x128xf32, #tpu.memory_space<hbm>> -> memref<10240x128xf32, #tpu.memory_space<hbm>>
        tpu.enqueue_indirect_dma source(%dma_start3A_578 : memref<10240x128xf32, #tpu.memory_space<hbm>>) target(%dma_start3A_572 : memref<32x128xf32, #tpu.memory_space<vmem>>) offsets(%dma_start3A_575 : memref<32xi32, #tpu.memory_space<vmem>>) semaphore(%arg18 : memref<!tpu.dma_semaphore, #tpu.memory_space<semaphore_mem>>)
      } else {
      }
      %mul3A_522 = arith.constant 8 : i32
      %mul3A_523 = arith.muli %mul3A_522, %while3A_177 : i32
      %add3A_524 = arith.constant 6 : i32
      %add3A_525 = arith.addi %mul3A_523, %add3A_524 : i32
      %dma_wait3A_526 = arith.constant 6 : i32
      %dma_wait3A_527 = arith.constant 0 : i32
      %dma_wait3A_528 = arith.constant 0 : i32
      %dma_wait3A_529 = arith.constant 0 : i32
      %dma_wait3A_530 = tpu.memref_slice %arg10[%dma_wait3A_526, %dma_wait3A_528, %dma_wait3A_529] : memref<8x32x128xf32, #tpu.memory_space<vmem>> -> memref<1x32x128xf32, #tpu.memory_space<vmem>>
      %dma_wait3A_531 = tpu.memref_squeeze %dma_wait3A_530 : memref<1x32x128xf32, #tpu.memory_space<vmem>> -> memref<32x128xf32, #tpu.memory_space<vmem>>
      %dma_wait3A_532 = arith.constant 0 : i32
      %dma_wait3A_533 = tpu.memref_slice %arg8[%dma_wait3A_527, %dma_wait3A_532] : memref<644x32xi32, #tpu.memory_space<vmem>> -> memref<1x32xi32, #tpu.memory_space<vmem>>
      %dma_wait3A_534 = tpu.memref_squeeze %dma_wait3A_533 : memref<1x32xi32, #tpu.memory_space<vmem>> -> memref<32xi32, #tpu.memory_space<vmem>>
      %dma_wait3A_535 = arith.constant 0 : i32
      %dma_wait3A_536 = arith.constant 0 : i32
      %dma_wait3A_537 = tpu.memref_slice %arg12[%dma_wait3A_535, %dma_wait3A_536] : memref<5248x128xf32, #tpu.memory_space<vmem_shared>> -> memref<5248x128xf32, #tpu.memory_space<vmem_shared>>
      tpu.wait_indirect_dma semaphore(%arg27 : memref<!tpu.dma_semaphore, #tpu.memory_space<semaphore_mem>>) src(%dma_wait3A_531 : memref<32x128xf32, #tpu.memory_space<vmem>>) dst(%dma_wait3A_537 : memref<5248x128xf32, #tpu.memory_space<vmem_shared>>)
      %add3A_538 = arith.constant 8 : i32
      %add3A_539 = arith.addi %add3A_525, %add3A_538 : i32
      %lt3A_540 = arith.cmpi slt, %add3A_539, %mul3A_56 : i32
      %convert_element_type3A_541 = arith.extui %lt3A_540 : i1 to i32
      %cond3A_542 = arith.constant 0 : i32
      %cond3A_543 = arith.cmpi ne, %convert_element_type3A_541, %cond3A_542 : i32
      scf.if %cond3A_543 {
        %add3A_566 = arith.constant 8 : i32
        %add3A_567 = arith.addi %add3A_525, %add3A_566 : i32
        %dma_start3A_568 = arith.constant 6 : i32
        %dma_start3A_569 = arith.constant 0 : i32
        %dma_start3A_570 = arith.constant 0 : i32
        %dma_start3A_571 = tpu.memref_slice %arg10[%dma_start3A_568, %dma_start3A_569, %dma_start3A_570] : memref<8x32x128xf32, #tpu.memory_space<vmem>> -> memref<1x32x128xf32, #tpu.memory_space<vmem>>
        %dma_start3A_572 = tpu.memref_squeeze %dma_start3A_571 : memref<1x32x128xf32, #tpu.memory_space<vmem>> -> memref<32x128xf32, #tpu.memory_space<vmem>>
        %dma_start3A_573 = arith.constant 0 : i32
        %dma_start3A_574 = tpu.memref_slice %arg7[%add3A_567, %dma_start3A_573] : memref<644x32xi32, #tpu.memory_space<vmem>> -> memref<1x32xi32, #tpu.memory_space<vmem>>
        %dma_start3A_575 = tpu.memref_squeeze %dma_start3A_574 : memref<1x32xi32, #tpu.memory_space<vmem>> -> memref<32xi32, #tpu.memory_space<vmem>>
        %dma_start3A_576 = arith.constant 0 : i32
        %dma_start3A_577 = arith.constant 0 : i32
        %dma_start3A_578 = tpu.memref_slice %arg2[%dma_start3A_576, %dma_start3A_577] : memref<10240x128xf32, #tpu.memory_space<hbm>> -> memref<10240x128xf32, #tpu.memory_space<hbm>>
        tpu.enqueue_indirect_dma source(%dma_start3A_578 : memref<10240x128xf32, #tpu.memory_space<hbm>>) target(%dma_start3A_572 : memref<32x128xf32, #tpu.memory_space<vmem>>) offsets(%dma_start3A_575 : memref<32xi32, #tpu.memory_space<vmem>>) semaphore(%arg19 : memref<!tpu.dma_semaphore, #tpu.memory_space<semaphore_mem>>)
      } else {
      }
      %mul3A_544 = arith.constant 8 : i32
      %mul3A_545 = arith.muli %mul3A_544, %while3A_177 : i32
      %add3A_546 = arith.constant 7 : i32
      %add3A_547 = arith.addi %mul3A_545, %add3A_546 : i32
      %dma_wait3A_548 = arith.constant 7 : i32
      %dma_wait3A_549 = arith.constant 0 : i32
      %dma_wait3A_550 = arith.constant 0 : i32
      %dma_wait3A_551 = arith.constant 0 : i32
      %dma_wait3A_552 = tpu.memref_slice %arg10[%dma_wait3A_548, %dma_wait3A_550, %dma_wait3A_551] : memref<8x32x128xf32, #tpu.memory_space<vmem>> -> memref<1x32x128xf32, #tpu.memory_space<vmem>>
      %dma_wait3A_553 = tpu.memref_squeeze %dma_wait3A_552 : memref<1x32x128xf32, #tpu.memory_space<vmem>> -> memref<32x128xf32, #tpu.memory_space<vmem>>
      %dma_wait3A_554 = arith.constant 0 : i32
      %dma_wait3A_555 = tpu.memref_slice %arg8[%dma_wait3A_549, %dma_wait3A_554] : memref<644x32xi32, #tpu.memory_space<vmem>> -> memref<1x32xi32, #tpu.memory_space<vmem>>
      %dma_wait3A_556 = tpu.memref_squeeze %dma_wait3A_555 : memref<1x32xi32, #tpu.memory_space<vmem>> -> memref<32xi32, #tpu.memory_space<vmem>>
      %dma_wait3A_557 = arith.constant 0 : i32
      %dma_wait3A_558 = arith.constant 0 : i32
      %dma_wait3A_559 = tpu.memref_slice %arg12[%dma_wait3A_557, %dma_wait3A_558] : memref<5248x128xf32, #tpu.memory_space<vmem_shared>> -> memref<5248x128xf32, #tpu.memory_space<vmem_shared>>
      tpu.wait_indirect_dma semaphore(%arg28 : memref<!tpu.dma_semaphore, #tpu.memory_space<semaphore_mem>>) src(%dma_wait3A_553 : memref<32x128xf32, #tpu.memory_space<vmem>>) dst(%dma_wait3A_559 : memref<5248x128xf32, #tpu.memory_space<vmem_shared>>)
      %add3A_560 = arith.constant 8 : i32
      %add3A_561 = arith.addi %add3A_547, %add3A_560 : i32
      %lt3A_562 = arith.cmpi slt, %add3A_561, %mul3A_56 : i32
      %convert_element_type3A_563 = arith.extui %lt3A_562 : i1 to i32
      %cond3A_564 = arith.constant 0 : i32
      %cond3A_565 = arith.cmpi ne, %convert_element_type3A_563, %cond3A_564 : i32
      scf.if %cond3A_565 {
        %add3A_566 = arith.constant 8 : i32
        %add3A_567 = arith.addi %add3A_547, %add3A_566 : i32
        %dma_start3A_568 = arith.constant 7 : i32
        %dma_start3A_569 = arith.constant 0 : i32
        %dma_start3A_570 = arith.constant 0 : i32
        %dma_start3A_571 = tpu.memref_slice %arg10[%dma_start3A_568, %dma_start3A_569, %dma_start3A_570] : memref<8x32x128xf32, #tpu.memory_space<vmem>> -> memref<1x32x128xf32, #tpu.memory_space<vmem>>
        %dma_start3A_572 = tpu.memref_squeeze %dma_start3A_571 : memref<1x32x128xf32, #tpu.memory_space<vmem>> -> memref<32x128xf32, #tpu.memory_space<vmem>>
        %dma_start3A_573 = arith.constant 0 : i32
        %dma_start3A_574 = tpu.memref_slice %arg7[%add3A_567, %dma_start3A_573] : memref<644x32xi32, #tpu.memory_space<vmem>> -> memref<1x32xi32, #tpu.memory_space<vmem>>
        %dma_start3A_575 = tpu.memref_squeeze %dma_start3A_574 : memref<1x32xi32, #tpu.memory_space<vmem>> -> memref<32xi32, #tpu.memory_space<vmem>>
        %dma_start3A_576 = arith.constant 0 : i32
        %dma_start3A_577 = arith.constant 0 : i32
        %dma_start3A_578 = tpu.memref_slice %arg2[%dma_start3A_576, %dma_start3A_577] : memref<10240x128xf32, #tpu.memory_space<hbm>> -> memref<10240x128xf32, #tpu.memory_space<hbm>>
        tpu.enqueue_indirect_dma source(%dma_start3A_578 : memref<10240x128xf32, #tpu.memory_space<hbm>>) target(%dma_start3A_572 : memref<32x128xf32, #tpu.memory_space<vmem>>) offsets(%dma_start3A_575 : memref<32xi32, #tpu.memory_space<vmem>>) semaphore(%arg20 : memref<!tpu.dma_semaphore, #tpu.memory_space<semaphore_mem>>)
      } else {
      }
    }
    %barrier3A_171 = arith.constant 0 : index
    tpu.barrier barrier_id(%barrier3A_171)
    %mul3A_172 = arith.constant 320 : i32
    %mul3A_173 = arith.muli %arg1, %mul3A_172 : i32
    %mul3A_174 = arith.constant 5120 : i32
    %mul3A_175 = arith.muli %arg0, %mul3A_174 : i32
    %add3A_176 = arith.addi %mul3A_175, %mul3A_173 : i32
    "tpu.region"() ({
      %run_scoped3A = tpu.sem_alloc : memref<!tpu.dma_semaphore, #tpu.memory_space<semaphore_mem>>
      %dma_start3A_177 = arith.constant 0 : i32
      %dma_start3A_178 = tpu.memref_slice %arg6[%add3A_176, %dma_start3A_177] : memref<10240x128xf32, #tpu.memory_space<hbm>> -> memref<320x128xf32, #tpu.memory_space<hbm>>
      %dma_start3A_179 = arith.constant 0 : i32
      %dma_start3A_180 = tpu.memref_slice %arg12[%mul3A_173, %dma_start3A_179] : memref<5248x128xf32, #tpu.memory_space<vmem_shared>> -> memref<320x128xf32, #tpu.memory_space<vmem_shared>>
      tpu.enqueue_dma source(%dma_start3A_180 : memref<320x128xf32, #tpu.memory_space<vmem_shared>>) target(%dma_start3A_178 : memref<320x128xf32, #tpu.memory_space<hbm>>) target_semaphore(%run_scoped3A : memref<!tpu.dma_semaphore, #tpu.memory_space<semaphore_mem>>)
      %dma_wait3A = arith.constant 0 : i32
      %dma_wait3A_181 = tpu.memref_slice %arg6[%add3A_176, %dma_wait3A] : memref<10240x128xf32, #tpu.memory_space<hbm>> -> memref<320x128xf32, #tpu.memory_space<hbm>>
      %dma_wait3A_182 = arith.constant 0 : i32
      %dma_wait3A_183 = tpu.memref_slice %arg12[%mul3A_173, %dma_wait3A_182] : memref<5248x128xf32, #tpu.memory_space<vmem_shared>> -> memref<320x128xf32, #tpu.memory_space<vmem_shared>>
      tpu.wait_dma2 semaphore(%run_scoped3A : memref<!tpu.dma_semaphore, #tpu.memory_space<semaphore_mem>>) src(%dma_wait3A_183 : memref<320x128xf32, #tpu.memory_space<vmem_shared>>) dst(%dma_wait3A_181 : memref<320x128xf32, #tpu.memory_space<hbm>>)
      tpu.yield
    }) : () -> ()
    return
  }
}

#map = affine_map<(d0, d1) -> (0, 0)>
#map1 = affine_map<(d0, d1) -> (0, 0, 0, 0)>
#map2 = affine_map<(d0, d1) -> (0, 0, 0)>
module attributes {stable_mosaic.version = 14 : i64} {
  func.func @_sc_gs_body(%arg0: i32, %arg1: i32, %arg2: memref<10240x128xf32, #tpu.memory_space<hbm>>, %arg3: memref<2x16x644x32xi32, #tpu.memory_space<hbm>>, %arg4: memref<2x16x644x32xi32, #tpu.memory_space<hbm>>, %arg5: memref<2x16x16xi32, #tpu.memory_space<hbm>>, %arg6: memref<10240x128xf32, #tpu.memory_space<hbm>>, %arg7: memref<644x32xi32, #tpu.memory_space<vmem>>, %arg8: memref<644x32xi32, #tpu.memory_space<vmem>>, %arg9: memref<16xi32, #tpu.memory_space<vmem>>, %arg10: memref<8x32x128xf32, #tpu.memory_space<vmem>>, %arg11: memref<64x128xf32, #tpu.memory_space<vmem>>, %arg12: memref<5248x128xf32, #tpu.memory_space<vmem_shared>>, %arg13: memref<!tpu.dma_semaphore, #tpu.memory_space<semaphore_mem>>, %arg14: memref<!tpu.dma_semaphore, #tpu.memory_space<semaphore_mem>>, %arg15: memref<!tpu.dma_semaphore, #tpu.memory_space<semaphore_mem>>, %arg16: memref<!tpu.dma_semaphore, #tpu.memory_space<semaphore_mem>>, %arg17: memref<!tpu.dma_semaphore, #tpu.memory_space<semaphore_mem>>, %arg18: memref<!tpu.dma_semaphore, #tpu.memory_space<semaphore_mem>>, %arg19: memref<!tpu.dma_semaphore, #tpu.memory_space<semaphore_mem>>, %arg20: memref<!tpu.dma_semaphore, #tpu.memory_space<semaphore_mem>>, %arg21: memref<!tpu.dma_semaphore, #tpu.memory_space<semaphore_mem>>, %arg22: memref<!tpu.dma_semaphore, #tpu.memory_space<semaphore_mem>>, %arg23: memref<!tpu.dma_semaphore, #tpu.memory_space<semaphore_mem>>, %arg24: memref<!tpu.dma_semaphore, #tpu.memory_space<semaphore_mem>>, %arg25: memref<!tpu.dma_semaphore, #tpu.memory_space<semaphore_mem>>, %arg26: memref<!tpu.dma_semaphore, #tpu.memory_space<semaphore_mem>>, %arg27: memref<!tpu.dma_semaphore, #tpu.memory_space<semaphore_mem>>, %arg28: memref<!tpu.dma_semaphore, #tpu.memory_space<semaphore_mem>>) attributes {dimension_semantics = [#tpu.dimension_semantics<core_parallel>, #tpu.dimension_semantics<subcore_parallel>], iteration_bounds = array<i64: 2, 16>, scalar_prefetch = 0 : i64, scratch_operands = 22 : i64, tpu.core_type = #tpu.core_type<sc_vector_subcore>, window_params = [{transform_indices = #map}, {transform_indices = #map1}, {transform_indices = #map1}, {transform_indices = #map2}, {transform_indices = #map}]} {
    %broadcast_in_dim3A = arith.constant 0.000000e+00 : f32
    %broadcast_in_dim3A_0 = vector.broadcast %broadcast_in_dim3A : f32 to vector<16xf32>
    %scan3A = arith.constant 0 : i32
    %scan3A_1 = arith.constant 0 : i32
    %scan3A_2 = arith.constant 64 : i32
    %scan3A_3 = arith.addi %scan3A_1, %scan3A_2 : i32
    %scan3A_4 = arith.constant 1 : i32
    scf.for %scan3A_177 = %scan3A_1 to %scan3A_3 step %scan3A_4  : i32 {
      %swap3A = arith.index_cast %scan3A_177 : i32 to index
      %swap3A_178 = arith.constant 0 : index
      %swap3A_179 = tpu.vector_load %arg11[%swap3A, %swap3A_178] {strides = array<i32>} : memref<64x128xf32, #tpu.memory_space<vmem>>, vector<1x16xf32>,
      %swap3A_180 = vector.shape_cast %swap3A_179 : vector<1x16xf32> to vector<16xf32>
      %swap3A_181 = vector.shape_cast %broadcast_in_dim3A_0 : vector<16xf32> to vector<1x16xf32>
      tpu.vector_store %arg11[%swap3A, %swap3A_178], %swap3A_181 {strides = array<i32>} : memref<64x128xf32, #tpu.memory_space<vmem>>, vector<1x16xf32>,
      %swap3A_182 = arith.index_cast %scan3A_177 : i32 to index
      %swap3A_183 = arith.constant 16 : index
      %swap3A_184 = tpu.vector_load %arg11[%swap3A_182, %swap3A_183] {strides = array<i32>} : memref<64x128xf32, #tpu.memory_space<vmem>>, vector<1x16xf32>,
      %swap3A_185 = vector.shape_cast %swap3A_184 : vector<1x16xf32> to vector<16xf32>
      %swap3A_186 = vector.shape_cast %broadcast_in_dim3A_0 : vector<16xf32> to vector<1x16xf32>
      tpu.vector_store %arg11[%swap3A_182, %swap3A_183], %swap3A_186 {strides = array<i32>} : memref<64x128xf32, #tpu.memory_space<vmem>>, vector<1x16xf32>,
      %swap3A_187 = arith.index_cast %scan3A_177 : i32 to index
      %swap3A_188 = arith.constant 32 : index
      %swap3A_189 = tpu.vector_load %arg11[%swap3A_187, %swap3A_188] {strides = array<i32>} : memref<64x128xf32, #tpu.memory_space<vmem>>, vector<1x16xf32>,
      %swap3A_190 = vector.shape_cast %swap3A_189 : vector<1x16xf32> to vector<16xf32>
      %swap3A_191 = vector.shape_cast %broadcast_in_dim3A_0 : vector<16xf32> to vector<1x16xf32>
      tpu.vector_store %arg11[%swap3A_187, %swap3A_188], %swap3A_191 {strides = array<i32>} : memref<64x128xf32, #tpu.memory_space<vmem>>, vector<1x16xf32>,
      %swap3A_192 = arith.index_cast %scan3A_177 : i32 to index
      %swap3A_193 = arith.constant 48 : index
      %swap3A_194 = tpu.vector_load %arg11[%swap3A_192, %swap3A_193] {strides = array<i32>} : memref<64x128xf32, #tpu.memory_space<vmem>>, vector<1x16xf32>,
      %swap3A_195 = vector.shape_cast %swap3A_194 : vector<1x16xf32> to vector<16xf32>
      %swap3A_196 = vector.shape_cast %broadcast_in_dim3A_0 : vector<16xf32> to vector<1x16xf32>
      tpu.vector_store %arg11[%swap3A_192, %swap3A_193], %swap3A_196 {strides = array<i32>} : memref<64x128xf32, #tpu.memory_space<vmem>>, vector<1x16xf32>,
      %swap3A_197 = arith.index_cast %scan3A_177 : i32 to index
      %swap3A_198 = arith.constant 64 : index
      %swap3A_199 = tpu.vector_load %arg11[%swap3A_197, %swap3A_198] {strides = array<i32>} : memref<64x128xf32, #tpu.memory_space<vmem>>, vector<1x16xf32>,
      %swap3A_200 = vector.shape_cast %swap3A_199 : vector<1x16xf32> to vector<16xf32>
      %swap3A_201 = vector.shape_cast %broadcast_in_dim3A_0 : vector<16xf32> to vector<1x16xf32>
      tpu.vector_store %arg11[%swap3A_197, %swap3A_198], %swap3A_201 {strides = array<i32>} : memref<64x128xf32, #tpu.memory_space<vmem>>, vector<1x16xf32>,
      %swap3A_202 = arith.index_cast %scan3A_177 : i32 to index
      %swap3A_203 = arith.constant 80 : index
      %swap3A_204 = tpu.vector_load %arg11[%swap3A_202, %swap3A_203] {strides = array<i32>} : memref<64x128xf32, #tpu.memory_space<vmem>>, vector<1x16xf32>,
      %swap3A_205 = vector.shape_cast %swap3A_204 : vector<1x16xf32> to vector<16xf32>
      %swap3A_206 = vector.shape_cast %broadcast_in_dim3A_0 : vector<16xf32> to vector<1x16xf32>
      tpu.vector_store %arg11[%swap3A_202, %swap3A_203], %swap3A_206 {strides = array<i32>} : memref<64x128xf32, #tpu.memory_space<vmem>>, vector<1x16xf32>,
      %swap3A_207 = arith.index_cast %scan3A_177 : i32 to index
      %swap3A_208 = arith.constant 96 : index
      %swap3A_209 = tpu.vector_load %arg11[%swap3A_207, %swap3A_208] {strides = array<i32>} : memref<64x128xf32, #tpu.memory_space<vmem>>, vector<1x16xf32>,
      %swap3A_210 = vector.shape_cast %swap3A_209 : vector<1x16xf32> to vector<16xf32>
      %swap3A_211 = vector.shape_cast %broadcast_in_dim3A_0 : vector<16xf32> to vector<1x16xf32>
      tpu.vector_store %arg11[%swap3A_207, %swap3A_208], %swap3A_211 {strides = array<i32>} : memref<64x128xf32, #tpu.memory_space<vmem>>, vector<1x16xf32>,
      %swap3A_212 = arith.index_cast %scan3A_177 : i32 to index
      %swap3A_213 = arith.constant 112 : index
      %swap3A_214 = tpu.vector_load %arg11[%swap3A_212, %swap3A_213] {strides = array<i32>} : memref<64x128xf32, #tpu.memory_space<vmem>>, vector<1x16xf32>,
      %swap3A_215 = vector.shape_cast %swap3A_214 : vector<1x16xf32> to vector<16xf32>
      %swap3A_216 = vector.shape_cast %broadcast_in_dim3A_0 : vector<16xf32> to vector<1x16xf32>
      tpu.vector_store %arg11[%swap3A_212, %swap3A_213], %swap3A_216 {strides = array<i32>} : memref<64x128xf32, #tpu.memory_space<vmem>>, vector<1x16xf32>,
    }
    %scan3A_5 = arith.constant 64 : i32
    "tpu.region"() ({
      %run_scoped3A = tpu.sem_alloc : memref<!tpu.dma_semaphore, #tpu.memory_space<semaphore_mem>>
      %dma_start3A_177 = arith.constant 0 : i32
      %dma_start3A_178 = arith.constant 0 : i32
      %dma_start3A_179 = tpu.memref_slice %arg3[%arg0, %arg1, %dma_start3A_177, %dma_start3A_178] : memref<2x16x644x32xi32, #tpu.memory_space<hbm>> -> memref<1x1x644x32xi32, #tpu.memory_space<hbm>>
      %dma_start3A_180 = tpu.memref_squeeze %dma_start3A_179 : memref<1x1x644x32xi32, #tpu.memory_space<hbm>> -> memref<644x32xi32, #tpu.memory_space<hbm>>
      %dma_start3A_181 = arith.constant 0 : i32
      %dma_start3A_182 = arith.constant 0 : i32
      %dma_start3A_183 = tpu.memref_slice %arg3[%arg0, %arg1, %dma_start3A_181, %dma_start3A_182] : memref<2x16x644x32xi32, #tpu.memory_space<hbm>> -> memref<1x1x644x32xi32, #tpu.memory_space<hbm>>
      %dma_start3A_184 = tpu.memref_squeeze %dma_start3A_183 : memref<1x1x644x32xi32, #tpu.memory_space<hbm>> -> memref<644x32xi32, #tpu.memory_space<hbm>>
      tpu.enqueue_dma source(%dma_start3A_184 : memref<644x32xi32, #tpu.memory_space<hbm>>) target(%arg7 : memref<644x32xi32, #tpu.memory_space<vmem>>) target_semaphore(%run_scoped3A : memref<!tpu.dma_semaphore, #tpu.memory_space<semaphore_mem>>)
      %dma_wait3A = arith.constant 0 : i32
      %dma_wait3A_185 = arith.constant 0 : i32
      %dma_wait3A_186 = tpu.memref_slice %arg3[%arg0, %arg1, %dma_wait3A, %dma_wait3A_185] : memref<2x16x644x32xi32, #tpu.memory_space<hbm>> -> memref<1x1x644x32xi32, #tpu.memory_space<hbm>>
      %dma_wait3A_187 = tpu.memref_squeeze %dma_wait3A_186 : memref<1x1x644x32xi32, #tpu.memory_space<hbm>> -> memref<644x32xi32, #tpu.memory_space<hbm>>
      %dma_wait3A_188 = arith.constant 0 : i32
      %dma_wait3A_189 = arith.constant 0 : i32
      %dma_wait3A_190 = tpu.memref_slice %arg3[%arg0, %arg1, %dma_wait3A_188, %dma_wait3A_189] : memref<2x16x644x32xi32, #tpu.memory_space<hbm>> -> memref<1x1x644x32xi32, #tpu.memory_space<hbm>>
      %dma_wait3A_191 = tpu.memref_squeeze %dma_wait3A_190 : memref<1x1x644x32xi32, #tpu.memory_space<hbm>> -> memref<644x32xi32, #tpu.memory_space<hbm>>
      tpu.wait_dma2 semaphore(%run_scoped3A : memref<!tpu.dma_semaphore, #tpu.memory_space<semaphore_mem>>) src(%dma_wait3A_191 : memref<644x32xi32, #tpu.memory_space<hbm>>) dst(%arg7 : memref<644x32xi32, #tpu.memory_space<vmem>>)
      tpu.yield
    }) : () -> ()
    "tpu.region"() ({
      %run_scoped3A = tpu.sem_alloc : memref<!tpu.dma_semaphore, #tpu.memory_space<semaphore_mem>>
      %dma_start3A_177 = arith.constant 0 : i32
      %dma_start3A_178 = arith.constant 0 : i32
      %dma_start3A_179 = tpu.memref_slice %arg4[%arg0, %arg1, %dma_start3A_177, %dma_start3A_178] : memref<2x16x644x32xi32, #tpu.memory_space<hbm>> -> memref<1x1x644x32xi32, #tpu.memory_space<hbm>>
      %dma_start3A_180 = tpu.memref_squeeze %dma_start3A_179 : memref<1x1x644x32xi32, #tpu.memory_space<hbm>> -> memref<644x32xi32, #tpu.memory_space<hbm>>
      %dma_start3A_181 = arith.constant 0 : i32
      %dma_start3A_182 = arith.constant 0 : i32
      %dma_start3A_183 = tpu.memref_slice %arg4[%arg0, %arg1, %dma_start3A_181, %dma_start3A_182] : memref<2x16x644x32xi32, #tpu.memory_space<hbm>> -> memref<1x1x644x32xi32, #tpu.memory_space<hbm>>
      %dma_start3A_184 = tpu.memref_squeeze %dma_start3A_183 : memref<1x1x644x32xi32, #tpu.memory_space<hbm>> -> memref<644x32xi32, #tpu.memory_space<hbm>>
      tpu.enqueue_dma source(%dma_start3A_184 : memref<644x32xi32, #tpu.memory_space<hbm>>) target(%arg8 : memref<644x32xi32, #tpu.memory_space<vmem>>) target_semaphore(%run_scoped3A : memref<!tpu.dma_semaphore, #tpu.memory_space<semaphore_mem>>)
      %dma_wait3A = arith.constant 0 : i32
      %dma_wait3A_185 = arith.constant 0 : i32
      %dma_wait3A_186 = tpu.memref_slice %arg4[%arg0, %arg1, %dma_wait3A, %dma_wait3A_185] : memref<2x16x644x32xi32, #tpu.memory_space<hbm>> -> memref<1x1x644x32xi32, #tpu.memory_space<hbm>>
      %dma_wait3A_187 = tpu.memref_squeeze %dma_wait3A_186 : memref<1x1x644x32xi32, #tpu.memory_space<hbm>> -> memref<644x32xi32, #tpu.memory_space<hbm>>
      %dma_wait3A_188 = arith.constant 0 : i32
      %dma_wait3A_189 = arith.constant 0 : i32
      %dma_wait3A_190 = tpu.memref_slice %arg4[%arg0, %arg1, %dma_wait3A_188, %dma_wait3A_189] : memref<2x16x644x32xi32, #tpu.memory_space<hbm>> -> memref<1x1x644x32xi32, #tpu.memory_space<hbm>>
      %dma_wait3A_191 = tpu.memref_squeeze %dma_wait3A_190 : memref<1x1x644x32xi32, #tpu.memory_space<hbm>> -> memref<644x32xi32, #tpu.memory_space<hbm>>
      tpu.wait_dma2 semaphore(%run_scoped3A : memref<!tpu.dma_semaphore, #tpu.memory_space<semaphore_mem>>) src(%dma_wait3A_191 : memref<644x32xi32, #tpu.memory_space<hbm>>) dst(%arg8 : memref<644x32xi32, #tpu.memory_space<vmem>>)
      tpu.yield
    }) : () -> ()
    "tpu.region"() ({
      %run_scoped3A = tpu.sem_alloc : memref<!tpu.dma_semaphore, #tpu.memory_space<semaphore_mem>>
      %dma_start3A_177 = arith.constant 0 : i32
      %dma_start3A_178 = tpu.memref_slice %arg5[%arg0, %arg1, %dma_start3A_177] : memref<2x16x16xi32, #tpu.memory_space<hbm>> -> memref<1x1x16xi32, #tpu.memory_space<hbm>>
      %dma_start3A_179 = tpu.memref_squeeze %dma_start3A_178 : memref<1x1x16xi32, #tpu.memory_space<hbm>> -> memref<16xi32, #tpu.memory_space<hbm>>
      %dma_start3A_180 = arith.constant 0 : i32
      %dma_start3A_181 = tpu.memref_slice %arg5[%arg0, %arg1, %dma_start3A_180] : memref<2x16x16xi32, #tpu.memory_space<hbm>> -> memref<1x1x16xi32, #tpu.memory_space<hbm>>
      %dma_start3A_182 = tpu.memref_squeeze %dma_start3A_181 : memref<1x1x16xi32, #tpu.memory_space<hbm>> -> memref<16xi32, #tpu.memory_space<hbm>>
      tpu.enqueue_dma source(%dma_start3A_182 : memref<16xi32, #tpu.memory_space<hbm>>) target(%arg9 : memref<16xi32, #tpu.memory_space<vmem>>) target_semaphore(%run_scoped3A : memref<!tpu.dma_semaphore, #tpu.memory_space<semaphore_mem>>)
      %dma_wait3A = arith.constant 0 : i32
      %dma_wait3A_183 = tpu.memref_slice %arg5[%arg0, %arg1, %dma_wait3A] : memref<2x16x16xi32, #tpu.memory_space<hbm>> -> memref<1x1x16xi32, #tpu.memory_space<hbm>>
      %dma_wait3A_184 = tpu.memref_squeeze %dma_wait3A_183 : memref<1x1x16xi32, #tpu.memory_space<hbm>> -> memref<16xi32, #tpu.memory_space<hbm>>
      %dma_wait3A_185 = arith.constant 0 : i32
      %dma_wait3A_186 = tpu.memref_slice %arg5[%arg0, %arg1, %dma_wait3A_185] : memref<2x16x16xi32, #tpu.memory_space<hbm>> -> memref<1x1x16xi32, #tpu.memory_space<hbm>>
      %dma_wait3A_187 = tpu.memref_squeeze %dma_wait3A_186 : memref<1x1x16xi32, #tpu.memory_space<hbm>> -> memref<16xi32, #tpu.memory_space<hbm>>
      tpu.wait_dma2 semaphore(%run_scoped3A : memref<!tpu.dma_semaphore, #tpu.memory_space<semaphore_mem>>) src(%dma_wait3A_187 : memref<16xi32, #tpu.memory_space<hbm>>) dst(%arg9 : memref<16xi32, #tpu.memory_space<vmem>>)
      tpu.yield
    }) : () -> ()
    %get3A = arith.constant 0 : index
    %get3A_6 = tpu.vector_load %arg9[%get3A] {strides = array<i32>} : memref<16xi32, #tpu.memory_space<vmem>>, vector<16xi32>,
    %get3A_7 = vector.shape_cast %get3A_6 : vector<16xi32> to vector<16xi32>
    %slice3A = vector.extract_strided_slice %get3A_7 {offsets = [0], sizes = [1], strides = [1]} : vector<16xi32> to vector<1xi32>
    %squeeze3A = vector.extract %slice3A[0] : i32 from vector<1xi32>
    %add3A = arith.constant 32 : i32
    %add3A_8 = arith.addi %squeeze3A, %add3A : i32
    %sub3A = arith.constant 1 : i32
    %sub3A_9 = arith.subi %add3A_8, %sub3A : i32
    %jit3A = arith.constant 32 : i32
    %div3A = arith.divsi %sub3A_9, %jit3A : i32
    %sign3A = arith.constant 0 : i32
    %sign3A_10 = arith.cmpi sgt, %sub3A_9, %sign3A : i32
    %sign3A_11 = arith.extui %sign3A_10 : i1 to i32
    %sign3A_12 = arith.constant 0 : i32
    %sign3A_13 = arith.cmpi slt, %sub3A_9, %sign3A_12 : i32
    %sign3A_14 = arith.extui %sign3A_13 : i1 to i32
    %sign3A_15 = arith.subi %sign3A_11, %sign3A_14 : i32
    %sign3A_16 = arith.constant 0 : i32
    %sign3A_17 = arith.cmpi sgt, %jit3A, %sign3A_16 : i32
    %sign3A_18 = arith.extui %sign3A_17 : i1 to i32
    %sign3A_19 = arith.constant 0 : i32
    %sign3A_20 = arith.cmpi slt, %jit3A, %sign3A_19 : i32
    %sign3A_21 = arith.extui %sign3A_20 : i1 to i32
    %sign3A_22 = arith.subi %sign3A_18, %sign3A_21 : i32
    %ne3A = arith.cmpi ne, %sign3A_15, %sign3A_22 : i32
    %rem3A = arith.remsi %sub3A_9, %jit3A : i32
    %ne3A_23 = arith.constant 0 : i32
    %ne3A_24 = arith.cmpi ne, %rem3A, %ne3A_23 : i32
    %and3A = arith.andi %ne3A, %ne3A_24 : i1
    %sub3A_25 = arith.constant 1 : i32
    %sub3A_26 = arith.subi %div3A, %sub3A_25 : i32
    %select_n3A = arith.select %and3A, %sub3A_26, %div3A : i32
    %max3A = arith.constant 8 : i32
    %max3A_27 = arith.maxsi %select_n3A, %max3A : i32
    %add3A_28 = arith.constant 8 : i32
    %add3A_29 = arith.addi %max3A_27, %add3A_28 : i32
    %sub3A_30 = arith.constant 1 : i32
    %sub3A_31 = arith.subi %add3A_29, %sub3A_30 : i32
    %jit3A_32 = arith.constant 8 : i32
    %div3A_33 = arith.divsi %sub3A_31, %jit3A_32 : i32
    %sign3A_34 = arith.constant 0 : i32
    %sign3A_35 = arith.cmpi sgt, %sub3A_31, %sign3A_34 : i32
    %sign3A_36 = arith.extui %sign3A_35 : i1 to i32
    %sign3A_37 = arith.constant 0 : i32
    %sign3A_38 = arith.cmpi slt, %sub3A_31, %sign3A_37 : i32
    %sign3A_39 = arith.extui %sign3A_38 : i1 to i32
    %sign3A_40 = arith.subi %sign3A_36, %sign3A_39 : i32
    %sign3A_41 = arith.constant 0 : i32
    %sign3A_42 = arith.cmpi sgt, %jit3A_32, %sign3A_41 : i32
    %sign3A_43 = arith.extui %sign3A_42 : i1 to i32
    %sign3A_44 = arith.constant 0 : i32
    %sign3A_45 = arith.cmpi slt, %jit3A_32, %sign3A_44 : i32
    %sign3A_46 = arith.extui %sign3A_45 : i1 to i32
    %sign3A_47 = arith.subi %sign3A_43, %sign3A_46 : i32
    %ne3A_48 = arith.cmpi ne, %sign3A_40, %sign3A_47 : i32
    %rem3A_49 = arith.remsi %sub3A_31, %jit3A_32 : i32
    %ne3A_50 = arith.constant 0 : i32
    %ne3A_51 = arith.cmpi ne, %rem3A_49, %ne3A_50 : i32
    %and3A_52 = arith.andi %ne3A_48, %ne3A_51 : i1
    %sub3A_53 = arith.constant 1 : i32
    %sub3A_54 = arith.subi %div3A_33, %sub3A_53 : i32
    %select_n3A_55 = arith.select %and3A_52, %sub3A_54, %div3A_33 : i32
    %mul3A = arith.constant 8 : i32
    %mul3A_56 = arith.muli %select_n3A_55, %mul3A : i32
    %dma_start3A = arith.constant 0 : i32
    %dma_start3A_57 = arith.constant 0 : i32
    %dma_start3A_58 = arith.constant 0 : i32
    %dma_start3A_59 = arith.constant 0 : i32
    %dma_start3A_60 = tpu.memref_slice %arg10[%dma_start3A_57, %dma_start3A_58, %dma_start3A_59] : memref<8x32x128xf32, #tpu.memory_space<vmem>> -> memref<1x32x128xf32, #tpu.memory_space<vmem>>
    %dma_start3A_61 = tpu.memref_squeeze %dma_start3A_60 : memref<1x32x128xf32, #tpu.memory_space<vmem>> -> memref<32x128xf32, #tpu.memory_space<vmem>>
    %dma_start3A_62 = arith.constant 0 : i32
    %dma_start3A_63 = tpu.memref_slice %arg7[%dma_start3A, %dma_start3A_62] : memref<644x32xi32, #tpu.memory_space<vmem>> -> memref<1x32xi32, #tpu.memory_space<vmem>>
    %dma_start3A_64 = tpu.memref_squeeze %dma_start3A_63 : memref<1x32xi32, #tpu.memory_space<vmem>> -> memref<32xi32, #tpu.memory_space<vmem>>
    %dma_start3A_65 = arith.constant 0 : i32
    %dma_start3A_66 = arith.constant 0 : i32
    %dma_start3A_67 = tpu.memref_slice %arg2[%dma_start3A_65, %dma_start3A_66] : memref<10240x128xf32, #tpu.memory_space<hbm>> -> memref<10240x128xf32, #tpu.memory_space<hbm>>
    tpu.enqueue_indirect_dma source(%dma_start3A_67 : memref<10240x128xf32, #tpu.memory_space<hbm>>) target(%dma_start3A_61 : memref<32x128xf32, #tpu.memory_space<vmem>>) offsets(%dma_start3A_64 : memref<32xi32, #tpu.memory_space<vmem>>) semaphore(%arg13 : memref<!tpu.dma_semaphore, #tpu.memory_space<semaphore_mem>>)
    %dma_start3A_68 = arith.constant 1 : i32
    %dma_start3A_69 = arith.constant 1 : i32
    %dma_start3A_70 = arith.constant 0 : i32
    %dma_start3A_71 = arith.constant 0 : i32
    %dma_start3A_72 = tpu.memref_slice %arg10[%dma_start3A_69, %dma_start3A_70, %dma_start3A_71] : memref<8x32x128xf32, #tpu.memory_space<vmem>> -> memref<1x32x128xf32, #tpu.memory_space<vmem>>
    %dma_start3A_73 = tpu.memref_squeeze %dma_start3A_72 : memref<1x32x128xf32, #tpu.memory_space<vmem>> -> memref<32x128xf32, #tpu.memory_space<vmem>>
    %dma_start3A_74 = arith.constant 0 : i32
    %dma_start3A_75 = tpu.memref_slice %arg7[%dma_start3A_68, %dma_start3A_74] : memref<644x32xi32, #tpu.memory_space<vmem>> -> memref<1x32xi32, #tpu.memory_space<vmem>>
    %dma_start3A_76 = tpu.memref_squeeze %dma_start3A_75 : memref<1x32xi32, #tpu.memory_space<vmem>> -> memref<32xi32, #tpu.memory_space<vmem>>
    %dma_start3A_77 = arith.constant 0 : i32
    %dma_start3A_78 = arith.constant 0 : i32
    %dma_start3A_79 = tpu.memref_slice %arg2[%dma_start3A_77, %dma_start3A_78] : memref<10240x128xf32, #tpu.memory_space<hbm>> -> memref<10240x128xf32, #tpu.memory_space<hbm>>
    tpu.enqueue_indirect_dma source(%dma_start3A_79 : memref<10240x128xf32, #tpu.memory_space<hbm>>) target(%dma_start3A_73 : memref<32x128xf32, #tpu.memory_space<vmem>>) offsets(%dma_start3A_76 : memref<32xi32, #tpu.memory_space<vmem>>) semaphore(%arg14 : memref<!tpu.dma_semaphore, #tpu.memory_space<semaphore_mem>>)
    %dma_start3A_80 = arith.constant 2 : i32
    %dma_start3A_81 = arith.constant 2 : i32
    %dma_start3A_82 = arith.constant 0 : i32
    %dma_start3A_83 = arith.constant 0 : i32
    %dma_start3A_84 = tpu.memref_slice %arg10[%dma_start3A_81, %dma_start3A_82, %dma_start3A_83] : memref<8x32x128xf32, #tpu.memory_space<vmem>> -> memref<1x32x128xf32, #tpu.memory_space<vmem>>
    %dma_start3A_85 = tpu.memref_squeeze %dma_start3A_84 : memref<1x32x128xf32, #tpu.memory_space<vmem>> -> memref<32x128xf32, #tpu.memory_space<vmem>>
    %dma_start3A_86 = arith.constant 0 : i32
    %dma_start3A_87 = tpu.memref_slice %arg7[%dma_start3A_80, %dma_start3A_86] : memref<644x32xi32, #tpu.memory_space<vmem>> -> memref<1x32xi32, #tpu.memory_space<vmem>>
    %dma_start3A_88 = tpu.memref_squeeze %dma_start3A_87 : memref<1x32xi32, #tpu.memory_space<vmem>> -> memref<32xi32, #tpu.memory_space<vmem>>
    %dma_start3A_89 = arith.constant 0 : i32
    %dma_start3A_90 = arith.constant 0 : i32
    %dma_start3A_91 = tpu.memref_slice %arg2[%dma_start3A_89, %dma_start3A_90] : memref<10240x128xf32, #tpu.memory_space<hbm>> -> memref<10240x128xf32, #tpu.memory_space<hbm>>
    tpu.enqueue_indirect_dma source(%dma_start3A_91 : memref<10240x128xf32, #tpu.memory_space<hbm>>) target(%dma_start3A_85 : memref<32x128xf32, #tpu.memory_space<vmem>>) offsets(%dma_start3A_88 : memref<32xi32, #tpu.memory_space<vmem>>) semaphore(%arg15 : memref<!tpu.dma_semaphore, #tpu.memory_space<semaphore_mem>>)
    %dma_start3A_92 = arith.constant 3 : i32
    %dma_start3A_93 = arith.constant 3 : i32
    %dma_start3A_94 = arith.constant 0 : i32
    %dma_start3A_95 = arith.constant 0 : i32
    %dma_start3A_96 = tpu.memref_slice %arg10[%dma_start3A_93, %dma_start3A_94, %dma_start3A_95] : memref<8x32x128xf32, #tpu.memory_space<vmem>> -> memref<1x32x128xf32, #tpu.memory_space<vmem>>
    %dma_start3A_97 = tpu.memref_squeeze %dma_start3A_96 : memref<1x32x128xf32, #tpu.memory_space<vmem>> -> memref<32x128xf32, #tpu.memory_space<vmem>>
    %dma_start3A_98 = arith.constant 0 : i32
    %dma_start3A_99 = tpu.memref_slice %arg7[%dma_start3A_92, %dma_start3A_98] : memref<644x32xi32, #tpu.memory_space<vmem>> -> memref<1x32xi32, #tpu.memory_space<vmem>>
    %dma_start3A_100 = tpu.memref_squeeze %dma_start3A_99 : memref<1x32xi32, #tpu.memory_space<vmem>> -> memref<32xi32, #tpu.memory_space<vmem>>
    %dma_start3A_101 = arith.constant 0 : i32
    %dma_start3A_102 = arith.constant 0 : i32
    %dma_start3A_103 = tpu.memref_slice %arg2[%dma_start3A_101, %dma_start3A_102] : memref<10240x128xf32, #tpu.memory_space<hbm>> -> memref<10240x128xf32, #tpu.memory_space<hbm>>
    tpu.enqueue_indirect_dma source(%dma_start3A_103 : memref<10240x128xf32, #tpu.memory_space<hbm>>) target(%dma_start3A_97 : memref<32x128xf32, #tpu.memory_space<vmem>>) offsets(%dma_start3A_100 : memref<32xi32, #tpu.memory_space<vmem>>) semaphore(%arg16 : memref<!tpu.dma_semaphore, #tpu.memory_space<semaphore_mem>>)
    %dma_start3A_104 = arith.constant 4 : i32
    %dma_start3A_105 = arith.constant 4 : i32
    %dma_start3A_106 = arith.constant 0 : i32
    %dma_start3A_107 = arith.constant 0 : i32
    %dma_start3A_108 = tpu.memref_slice %arg10[%dma_start3A_105, %dma_start3A_106, %dma_start3A_107] : memref<8x32x128xf32, #tpu.memory_space<vmem>> -> memref<1x32x128xf32, #tpu.memory_space<vmem>>
    %dma_start3A_109 = tpu.memref_squeeze %dma_start3A_108 : memref<1x32x128xf32, #tpu.memory_space<vmem>> -> memref<32x128xf32, #tpu.memory_space<vmem>>
    %dma_start3A_110 = arith.constant 0 : i32
    %dma_start3A_111 = tpu.memref_slice %arg7[%dma_start3A_104, %dma_start3A_110] : memref<644x32xi32, #tpu.memory_space<vmem>> -> memref<1x32xi32, #tpu.memory_space<vmem>>
    %dma_start3A_112 = tpu.memref_squeeze %dma_start3A_111 : memref<1x32xi32, #tpu.memory_space<vmem>> -> memref<32xi32, #tpu.memory_space<vmem>>
    %dma_start3A_113 = arith.constant 0 : i32
    %dma_start3A_114 = arith.constant 0 : i32
    %dma_start3A_115 = tpu.memref_slice %arg2[%dma_start3A_113, %dma_start3A_114] : memref<10240x128xf32, #tpu.memory_space<hbm>> -> memref<10240x128xf32, #tpu.memory_space<hbm>>
    tpu.enqueue_indirect_dma source(%dma_start3A_115 : memref<10240x128xf32, #tpu.memory_space<hbm>>) target(%dma_start3A_109 : memref<32x128xf32, #tpu.memory_space<vmem>>) offsets(%dma_start3A_112 : memref<32xi32, #tpu.memory_space<vmem>>) semaphore(%arg17 : memref<!tpu.dma_semaphore, #tpu.memory_space<semaphore_mem>>)
    %dma_start3A_116 = arith.constant 5 : i32
    %dma_start3A_117 = arith.constant 5 : i32
    %dma_start3A_118 = arith.constant 0 : i32
    %dma_start3A_119 = arith.constant 0 : i32
    %dma_start3A_120 = tpu.memref_slice %arg10[%dma_start3A_117, %dma_start3A_118, %dma_start3A_119] : memref<8x32x128xf32, #tpu.memory_space<vmem>> -> memref<1x32x128xf32, #tpu.memory_space<vmem>>
    %dma_start3A_121 = tpu.memref_squeeze %dma_start3A_120 : memref<1x32x128xf32, #tpu.memory_space<vmem>> -> memref<32x128xf32, #tpu.memory_space<vmem>>
    %dma_start3A_122 = arith.constant 0 : i32
    %dma_start3A_123 = tpu.memref_slice %arg7[%dma_start3A_116, %dma_start3A_122] : memref<644x32xi32, #tpu.memory_space<vmem>> -> memref<1x32xi32, #tpu.memory_space<vmem>>
    %dma_start3A_124 = tpu.memref_squeeze %dma_start3A_123 : memref<1x32xi32, #tpu.memory_space<vmem>> -> memref<32xi32, #tpu.memory_space<vmem>>
    %dma_start3A_125 = arith.constant 0 : i32
    %dma_start3A_126 = arith.constant 0 : i32
    %dma_start3A_127 = tpu.memref_slice %arg2[%dma_start3A_125, %dma_start3A_126] : memref<10240x128xf32, #tpu.memory_space<hbm>> -> memref<10240x128xf32, #tpu.memory_space<hbm>>
    tpu.enqueue_indirect_dma source(%dma_start3A_127 : memref<10240x128xf32, #tpu.memory_space<hbm>>) target(%dma_start3A_121 : memref<32x128xf32, #tpu.memory_space<vmem>>) offsets(%dma_start3A_124 : memref<32xi32, #tpu.memory_space<vmem>>) semaphore(%arg18 : memref<!tpu.dma_semaphore, #tpu.memory_space<semaphore_mem>>)
    %dma_start3A_128 = arith.constant 6 : i32
    %dma_start3A_129 = arith.constant 6 : i32
    %dma_start3A_130 = arith.constant 0 : i32
    %dma_start3A_131 = arith.constant 0 : i32
    %dma_start3A_132 = tpu.memref_slice %arg10[%dma_start3A_129, %dma_start3A_130, %dma_start3A_131] : memref<8x32x128xf32, #tpu.memory_space<vmem>> -> memref<1x32x128xf32, #tpu.memory_space<vmem>>
    %dma_start3A_133 = tpu.memref_squeeze %dma_start3A_132 : memref<1x32x128xf32, #tpu.memory_space<vmem>> -> memref<32x128xf32, #tpu.memory_space<vmem>>
    %dma_start3A_134 = arith.constant 0 : i32
    %dma_start3A_135 = tpu.memref_slice %arg7[%dma_start3A_128, %dma_start3A_134] : memref<644x32xi32, #tpu.memory_space<vmem>> -> memref<1x32xi32, #tpu.memory_space<vmem>>
    %dma_start3A_136 = tpu.memref_squeeze %dma_start3A_135 : memref<1x32xi32, #tpu.memory_space<vmem>> -> memref<32xi32, #tpu.memory_space<vmem>>
    %dma_start3A_137 = arith.constant 0 : i32
    %dma_start3A_138 = arith.constant 0 : i32
    %dma_start3A_139 = tpu.memref_slice %arg2[%dma_start3A_137, %dma_start3A_138] : memref<10240x128xf32, #tpu.memory_space<hbm>> -> memref<10240x128xf32, #tpu.memory_space<hbm>>
    tpu.enqueue_indirect_dma source(%dma_start3A_139 : memref<10240x128xf32, #tpu.memory_space<hbm>>) target(%dma_start3A_133 : memref<32x128xf32, #tpu.memory_space<vmem>>) offsets(%dma_start3A_136 : memref<32xi32, #tpu.memory_space<vmem>>) semaphore(%arg19 : memref<!tpu.dma_semaphore, #tpu.memory_space<semaphore_mem>>)
    %dma_start3A_140 = arith.constant 7 : i32
    %dma_start3A_141 = arith.constant 7 : i32
    %dma_start3A_142 = arith.constant 0 : i32
    %dma_start3A_143 = arith.constant 0 : i32
    %dma_start3A_144 = tpu.memref_slice %arg10[%dma_start3A_141, %dma_start3A_142, %dma_start3A_143] : memref<8x32x128xf32, #tpu.memory_space<vmem>> -> memref<1x32x128xf32, #tpu.memory_space<vmem>>
    %dma_start3A_145 = tpu.memref_squeeze %dma_start3A_144 : memref<1x32x128xf32, #tpu.memory_space<vmem>> -> memref<32x128xf32, #tpu.memory_space<vmem>>
    %dma_start3A_146 = arith.constant 0 : i32
    %dma_start3A_147 = tpu.memref_slice %arg7[%dma_start3A_140, %dma_start3A_146] : memref<644x32xi32, #tpu.memory_space<vmem>> -> memref<1x32xi32, #tpu.memory_space<vmem>>
    %dma_start3A_148 = tpu.memref_squeeze %dma_start3A_147 : memref<1x32xi32, #tpu.memory_space<vmem>> -> memref<32xi32, #tpu.memory_space<vmem>>
    %dma_start3A_149 = arith.constant 0 : i32
    %dma_start3A_150 = arith.constant 0 : i32
    %dma_start3A_151 = tpu.memref_slice %arg2[%dma_start3A_149, %dma_start3A_150] : memref<10240x128xf32, #tpu.memory_space<hbm>> -> memref<10240x128xf32, #tpu.memory_space<hbm>>
    tpu.enqueue_indirect_dma source(%dma_start3A_151 : memref<10240x128xf32, #tpu.memory_space<hbm>>) target(%dma_start3A_145 : memref<32x128xf32, #tpu.memory_space<vmem>>) offsets(%dma_start3A_148 : memref<32xi32, #tpu.memory_space<vmem>>) semaphore(%arg20 : memref<!tpu.dma_semaphore, #tpu.memory_space<semaphore_mem>>)
    %mul3A_152 = arith.constant 328 : i32
    %mul3A_153 = arith.muli %arg1, %mul3A_152 : i32
    %scan3A_154 = arith.constant 0 : i32
    %scan3A_155 = arith.constant 0 : i32
    %scan3A_156 = arith.constant 5 : i32
    %scan3A_157 = arith.addi %scan3A_155, %scan3A_156 : i32
    %scan3A_158 = arith.constant 1 : i32
    scf.for %scan3A_177 = %scan3A_155 to %scan3A_157 step %scan3A_158  : i32 {
      %mul3A_178 = arith.constant 64 : i32
      %mul3A_179 = arith.muli %scan3A_177, %mul3A_178 : i32
      %add3A_180 = arith.addi %mul3A_153, %mul3A_179 : i32
      "tpu.region"() ({
        %run_scoped3A = tpu.sem_alloc : memref<!tpu.dma_semaphore, #tpu.memory_space<semaphore_mem>>
        %dma_start3A_181 = arith.constant 0 : i32
        %dma_start3A_182 = tpu.memref_slice %arg12[%add3A_180, %dma_start3A_181] : memref<5248x128xf32, #tpu.memory_space<vmem_shared>> -> memref<64x128xf32, #tpu.memory_space<vmem_shared>>
        %dma_start3A_183 = arith.constant 0 : i32
        %dma_start3A_184 = tpu.memref_slice %arg12[%add3A_180, %dma_start3A_183] : memref<5248x128xf32, #tpu.memory_space<vmem_shared>> -> memref<64x128xf32, #tpu.memory_space<vmem_shared>>
        tpu.enqueue_dma source(%arg11 : memref<64x128xf32, #tpu.memory_space<vmem>>) target(%dma_start3A_184 : memref<64x128xf32, #tpu.memory_space<vmem_shared>>) target_semaphore(%run_scoped3A : memref<!tpu.dma_semaphore, #tpu.memory_space<semaphore_mem>>)
        %dma_wait3A = arith.constant 0 : i32
        %dma_wait3A_185 = tpu.memref_slice %arg12[%add3A_180, %dma_wait3A] : memref<5248x128xf32, #tpu.memory_space<vmem_shared>> -> memref<64x128xf32, #tpu.memory_space<vmem_shared>>
        %dma_wait3A_186 = arith.constant 0 : i32
        %dma_wait3A_187 = tpu.memref_slice %arg12[%add3A_180, %dma_wait3A_186] : memref<5248x128xf32, #tpu.memory_space<vmem_shared>> -> memref<64x128xf32, #tpu.memory_space<vmem_shared>>
        tpu.wait_dma2 semaphore(%run_scoped3A : memref<!tpu.dma_semaphore, #tpu.memory_space<semaphore_mem>>) src(%arg11 : memref<64x128xf32, #tpu.memory_space<vmem>>) dst(%dma_wait3A_187 : memref<64x128xf32, #tpu.memory_space<vmem_shared>>)
        tpu.yield
      }) : () -> ()
    }
    %scan3A_159 = arith.constant 5 : i32
    %add3A_160 = arith.constant 320 : i32
    %add3A_161 = arith.addi %mul3A_153, %add3A_160 : i32
    "tpu.region"() ({
      %run_scoped3A = tpu.sem_alloc : memref<!tpu.dma_semaphore, #tpu.memory_space<semaphore_mem>>
      %dma_start3A_177 = arith.constant 0 : i32
      %dma_start3A_178 = arith.constant 0 : i32
      %dma_start3A_179 = tpu.memref_slice %arg11[%dma_start3A_177, %dma_start3A_178] : memref<64x128xf32, #tpu.memory_space<vmem>> -> memref<8x128xf32, #tpu.memory_space<vmem>>
      %dma_start3A_180 = arith.constant 0 : i32
      %dma_start3A_181 = tpu.memref_slice %arg12[%add3A_161, %dma_start3A_180] : memref<5248x128xf32, #tpu.memory_space<vmem_shared>> -> memref<8x128xf32, #tpu.memory_space<vmem_shared>>
      %dma_start3A_182 = arith.constant 0 : i32
      %dma_start3A_183 = tpu.memref_slice %arg12[%add3A_161, %dma_start3A_182] : memref<5248x128xf32, #tpu.memory_space<vmem_shared>> -> memref<8x128xf32, #tpu.memory_space<vmem_shared>>
      %dma_start3A_184 = arith.constant 0 : i32
      %dma_start3A_185 = arith.constant 0 : i32
      %dma_start3A_186 = tpu.memref_slice %arg11[%dma_start3A_184, %dma_start3A_185] : memref<64x128xf32, #tpu.memory_space<vmem>> -> memref<8x128xf32, #tpu.memory_space<vmem>>
      tpu.enqueue_dma source(%dma_start3A_186 : memref<8x128xf32, #tpu.memory_space<vmem>>) target(%dma_start3A_183 : memref<8x128xf32, #tpu.memory_space<vmem_shared>>) target_semaphore(%run_scoped3A : memref<!tpu.dma_semaphore, #tpu.memory_space<semaphore_mem>>)
      %dma_wait3A = arith.constant 0 : i32
      %dma_wait3A_187 = arith.constant 0 : i32
      %dma_wait3A_188 = tpu.memref_slice %arg11[%dma_wait3A, %dma_wait3A_187] : memref<64x128xf32, #tpu.memory_space<vmem>> -> memref<8x128xf32, #tpu.memory_space<vmem>>
      %dma_wait3A_189 = arith.constant 0 : i32
      %dma_wait3A_190 = tpu.memref_slice %arg12[%add3A_161, %dma_wait3A_189] : memref<5248x128xf32, #tpu.memory_space<vmem_shared>> -> memref<8x128xf32, #tpu.memory_space<vmem_shared>>
      %dma_wait3A_191 = arith.constant 0 : i32
      %dma_wait3A_192 = tpu.memref_slice %arg12[%add3A_161, %dma_wait3A_191] : memref<5248x128xf32, #tpu.memory_space<vmem_shared>> -> memref<8x128xf32, #tpu.memory_space<vmem_shared>>
      %dma_wait3A_193 = arith.constant 0 : i32
      %dma_wait3A_194 = arith.constant 0 : i32
      %dma_wait3A_195 = tpu.memref_slice %arg11[%dma_wait3A_193, %dma_wait3A_194] : memref<64x128xf32, #tpu.memory_space<vmem>> -> memref<8x128xf32, #tpu.memory_space<vmem>>
      tpu.wait_dma2 semaphore(%run_scoped3A : memref<!tpu.dma_semaphore, #tpu.memory_space<semaphore_mem>>) src(%dma_wait3A_195 : memref<8x128xf32, #tpu.memory_space<vmem>>) dst(%dma_wait3A_192 : memref<8x128xf32, #tpu.memory_space<vmem_shared>>)
      tpu.yield
    }) : () -> ()
    %barrier3A = arith.constant 0 : index
    tpu.barrier barrier_id(%barrier3A)
    %while3A = arith.constant 0 : i32
    %while3A_162 = arith.constant 0 : i32
    %while3A_163 = arith.subi %select_n3A_55, %while3A_162 : i32
    %while3A_164 = arith.addi %while3A_162, %while3A_163 : i32
    %while3A_165 = arith.constant 1 : i32
    %while3A_166 = arith.divsi %while3A_163, %while3A_165 : i32
    %while3A_167 = arith.muli %while3A_166, %while3A_165 : i32
    %while3A_168 = arith.addi %while3A_162, %while3A_167 : i32
    %while3A_169 = arith.constant 1 : i32
    scf.for %while3A_177 = %while3A_162 to %while3A_168 step %while3A_169  : i32 {
      %mul3A_178 = arith.constant 8 : i32
      %mul3A_179 = arith.muli %mul3A_178, %while3A_177 : i32
      %add3A_180 = arith.constant 0 : i32
      %add3A_181 = arith.addi %mul3A_179, %add3A_180 : i32
      %dma_wait3A = arith.constant 0 : i32
      %dma_wait3A_182 = arith.constant 0 : i32
      %dma_wait3A_183 = arith.constant 0 : i32
      %dma_wait3A_184 = arith.constant 0 : i32
      %dma_wait3A_185 = tpu.memref_slice %arg10[%dma_wait3A_182, %dma_wait3A_183, %dma_wait3A_184] : memref<8x32x128xf32, #tpu.memory_space<vmem>> -> memref<1x32x128xf32, #tpu.memory_space<vmem>>
      %dma_wait3A_186 = tpu.memref_squeeze %dma_wait3A_185 : memref<1x32x128xf32, #tpu.memory_space<vmem>> -> memref<32x128xf32, #tpu.memory_space<vmem>>
      %dma_wait3A_187 = arith.constant 0 : i32
      %dma_wait3A_188 = tpu.memref_slice %arg7[%dma_wait3A, %dma_wait3A_187] : memref<644x32xi32, #tpu.memory_space<vmem>> -> memref<1x32xi32, #tpu.memory_space<vmem>>
      %dma_wait3A_189 = tpu.memref_squeeze %dma_wait3A_188 : memref<1x32xi32, #tpu.memory_space<vmem>> -> memref<32xi32, #tpu.memory_space<vmem>>
      %dma_wait3A_190 = arith.constant 0 : i32
      %dma_wait3A_191 = arith.constant 0 : i32
      %dma_wait3A_192 = tpu.memref_slice %arg2[%dma_wait3A_190, %dma_wait3A_191] : memref<10240x128xf32, #tpu.memory_space<hbm>> -> memref<10240x128xf32, #tpu.memory_space<hbm>>
      tpu.wait_indirect_dma semaphore(%arg13 : memref<!tpu.dma_semaphore, #tpu.memory_space<semaphore_mem>>) src(%dma_wait3A_192 : memref<10240x128xf32, #tpu.memory_space<hbm>>) dst(%dma_wait3A_186 : memref<32x128xf32, #tpu.memory_space<vmem>>)
      %dma_start3A_193 = arith.constant 0 : i32
      %dma_start3A_194 = arith.constant 0 : i32
      %dma_start3A_195 = arith.constant 0 : i32
      %dma_start3A_196 = tpu.memref_slice %arg10[%dma_start3A_193, %dma_start3A_194, %dma_start3A_195] : memref<8x32x128xf32, #tpu.memory_space<vmem>> -> memref<1x32x128xf32, #tpu.memory_space<vmem>>
      %dma_start3A_197 = tpu.memref_squeeze %dma_start3A_196 : memref<1x32x128xf32, #tpu.memory_space<vmem>> -> memref<32x128xf32, #tpu.memory_space<vmem>>
      %dma_start3A_198 = arith.constant 0 : i32
      %dma_start3A_199 = tpu.memref_slice %arg8[%add3A_181, %dma_start3A_198] : memref<644x32xi32, #tpu.memory_space<vmem>> -> memref<1x32xi32, #tpu.memory_space<vmem>>
      %dma_start3A_200 = tpu.memref_squeeze %dma_start3A_199 : memref<1x32xi32, #tpu.memory_space<vmem>> -> memref<32xi32, #tpu.memory_space<vmem>>
      %dma_start3A_201 = arith.constant 0 : i32
      %dma_start3A_202 = arith.constant 0 : i32
      %dma_start3A_203 = tpu.memref_slice %arg12[%dma_start3A_201, %dma_start3A_202] : memref<5248x128xf32, #tpu.memory_space<vmem_shared>> -> memref<5248x128xf32, #tpu.memory_space<vmem_shared>>
      tpu.enqueue_indirect_dma source(%dma_start3A_197 : memref<32x128xf32, #tpu.memory_space<vmem>>) target(%dma_start3A_203 : memref<5248x128xf32, #tpu.memory_space<vmem_shared>>) offsets(%dma_start3A_200 : memref<32xi32, #tpu.memory_space<vmem>>) semaphore(%arg21 : memref<!tpu.dma_semaphore, #tpu.memory_space<semaphore_mem>>) {add = true}
      %mul3A_204 = arith.constant 8 : i32
      %mul3A_205 = arith.muli %mul3A_204, %while3A_177 : i32
      %add3A_206 = arith.constant 1 : i32
      %add3A_207 = arith.addi %mul3A_205, %add3A_206 : i32
      %dma_wait3A_208 = arith.constant 0 : i32
      %dma_wait3A_209 = arith.constant 1 : i32
      %dma_wait3A_210 = arith.constant 0 : i32
      %dma_wait3A_211 = arith.constant 0 : i32
      %dma_wait3A_212 = tpu.memref_slice %arg10[%dma_wait3A_209, %dma_wait3A_210, %dma_wait3A_211] : memref<8x32x128xf32, #tpu.memory_space<vmem>> -> memref<1x32x128xf32, #tpu.memory_space<vmem>>
      %dma_wait3A_213 = tpu.memref_squeeze %dma_wait3A_212 : memref<1x32x128xf32, #tpu.memory_space<vmem>> -> memref<32x128xf32, #tpu.memory_space<vmem>>
      %dma_wait3A_214 = arith.constant 0 : i32
      %dma_wait3A_215 = tpu.memref_slice %arg7[%dma_wait3A_208, %dma_wait3A_214] : memref<644x32xi32, #tpu.memory_space<vmem>> -> memref<1x32xi32, #tpu.memory_space<vmem>>
      %dma_wait3A_216 = tpu.memref_squeeze %dma_wait3A_215 : memref<1x32xi32, #tpu.memory_space<vmem>> -> memref<32xi32, #tpu.memory_space<vmem>>
      %dma_wait3A_217 = arith.constant 0 : i32
      %dma_wait3A_218 = arith.constant 0 : i32
      %dma_wait3A_219 = tpu.memref_slice %arg2[%dma_wait3A_217, %dma_wait3A_218] : memref<10240x128xf32, #tpu.memory_space<hbm>> -> memref<10240x128xf32, #tpu.memory_space<hbm>>
      tpu.wait_indirect_dma semaphore(%arg14 : memref<!tpu.dma_semaphore, #tpu.memory_space<semaphore_mem>>) src(%dma_wait3A_219 : memref<10240x128xf32, #tpu.memory_space<hbm>>) dst(%dma_wait3A_213 : memref<32x128xf32, #tpu.memory_space<vmem>>)
      %dma_start3A_220 = arith.constant 1 : i32
      %dma_start3A_221 = arith.constant 0 : i32
      %dma_start3A_222 = arith.constant 0 : i32
      %dma_start3A_223 = tpu.memref_slice %arg10[%dma_start3A_220, %dma_start3A_221, %dma_start3A_222] : memref<8x32x128xf32, #tpu.memory_space<vmem>> -> memref<1x32x128xf32, #tpu.memory_space<vmem>>
      %dma_start3A_224 = tpu.memref_squeeze %dma_start3A_223 : memref<1x32x128xf32, #tpu.memory_space<vmem>> -> memref<32x128xf32, #tpu.memory_space<vmem>>
      %dma_start3A_225 = arith.constant 0 : i32
      %dma_start3A_226 = tpu.memref_slice %arg8[%add3A_207, %dma_start3A_225] : memref<644x32xi32, #tpu.memory_space<vmem>> -> memref<1x32xi32, #tpu.memory_space<vmem>>
      %dma_start3A_227 = tpu.memref_squeeze %dma_start3A_226 : memref<1x32xi32, #tpu.memory_space<vmem>> -> memref<32xi32, #tpu.memory_space<vmem>>
      %dma_start3A_228 = arith.constant 0 : i32
      %dma_start3A_229 = arith.constant 0 : i32
      %dma_start3A_230 = tpu.memref_slice %arg12[%dma_start3A_228, %dma_start3A_229] : memref<5248x128xf32, #tpu.memory_space<vmem_shared>> -> memref<5248x128xf32, #tpu.memory_space<vmem_shared>>
      tpu.enqueue_indirect_dma source(%dma_start3A_224 : memref<32x128xf32, #tpu.memory_space<vmem>>) target(%dma_start3A_230 : memref<5248x128xf32, #tpu.memory_space<vmem_shared>>) offsets(%dma_start3A_227 : memref<32xi32, #tpu.memory_space<vmem>>) semaphore(%arg22 : memref<!tpu.dma_semaphore, #tpu.memory_space<semaphore_mem>>) {add = true}
      %mul3A_231 = arith.constant 8 : i32
      %mul3A_232 = arith.muli %mul3A_231, %while3A_177 : i32
      %add3A_233 = arith.constant 2 : i32
      %add3A_234 = arith.addi %mul3A_232, %add3A_233 : i32
      %dma_wait3A_235 = arith.constant 0 : i32
      %dma_wait3A_236 = arith.constant 2 : i32
      %dma_wait3A_237 = arith.constant 0 : i32
      %dma_wait3A_238 = arith.constant 0 : i32
      %dma_wait3A_239 = tpu.memref_slice %arg10[%dma_wait3A_236, %dma_wait3A_237, %dma_wait3A_238] : memref<8x32x128xf32, #tpu.memory_space<vmem>> -> memref<1x32x128xf32, #tpu.memory_space<vmem>>
      %dma_wait3A_240 = tpu.memref_squeeze %dma_wait3A_239 : memref<1x32x128xf32, #tpu.memory_space<vmem>> -> memref<32x128xf32, #tpu.memory_space<vmem>>
      %dma_wait3A_241 = arith.constant 0 : i32
      %dma_wait3A_242 = tpu.memref_slice %arg7[%dma_wait3A_235, %dma_wait3A_241] : memref<644x32xi32, #tpu.memory_space<vmem>> -> memref<1x32xi32, #tpu.memory_space<vmem>>
      %dma_wait3A_243 = tpu.memref_squeeze %dma_wait3A_242 : memref<1x32xi32, #tpu.memory_space<vmem>> -> memref<32xi32, #tpu.memory_space<vmem>>
      %dma_wait3A_244 = arith.constant 0 : i32
      %dma_wait3A_245 = arith.constant 0 : i32
      %dma_wait3A_246 = tpu.memref_slice %arg2[%dma_wait3A_244, %dma_wait3A_245] : memref<10240x128xf32, #tpu.memory_space<hbm>> -> memref<10240x128xf32, #tpu.memory_space<hbm>>
      tpu.wait_indirect_dma semaphore(%arg15 : memref<!tpu.dma_semaphore, #tpu.memory_space<semaphore_mem>>) src(%dma_wait3A_246 : memref<10240x128xf32, #tpu.memory_space<hbm>>) dst(%dma_wait3A_240 : memref<32x128xf32, #tpu.memory_space<vmem>>)
      %dma_start3A_247 = arith.constant 2 : i32
      %dma_start3A_248 = arith.constant 0 : i32
      %dma_start3A_249 = arith.constant 0 : i32
      %dma_start3A_250 = tpu.memref_slice %arg10[%dma_start3A_247, %dma_start3A_248, %dma_start3A_249] : memref<8x32x128xf32, #tpu.memory_space<vmem>> -> memref<1x32x128xf32, #tpu.memory_space<vmem>>
      %dma_start3A_251 = tpu.memref_squeeze %dma_start3A_250 : memref<1x32x128xf32, #tpu.memory_space<vmem>> -> memref<32x128xf32, #tpu.memory_space<vmem>>
      %dma_start3A_252 = arith.constant 0 : i32
      %dma_start3A_253 = tpu.memref_slice %arg8[%add3A_234, %dma_start3A_252] : memref<644x32xi32, #tpu.memory_space<vmem>> -> memref<1x32xi32, #tpu.memory_space<vmem>>
      %dma_start3A_254 = tpu.memref_squeeze %dma_start3A_253 : memref<1x32xi32, #tpu.memory_space<vmem>> -> memref<32xi32, #tpu.memory_space<vmem>>
      %dma_start3A_255 = arith.constant 0 : i32
      %dma_start3A_256 = arith.constant 0 : i32
      %dma_start3A_257 = tpu.memref_slice %arg12[%dma_start3A_255, %dma_start3A_256] : memref<5248x128xf32, #tpu.memory_space<vmem_shared>> -> memref<5248x128xf32, #tpu.memory_space<vmem_shared>>
      tpu.enqueue_indirect_dma source(%dma_start3A_251 : memref<32x128xf32, #tpu.memory_space<vmem>>) target(%dma_start3A_257 : memref<5248x128xf32, #tpu.memory_space<vmem_shared>>) offsets(%dma_start3A_254 : memref<32xi32, #tpu.memory_space<vmem>>) semaphore(%arg23 : memref<!tpu.dma_semaphore, #tpu.memory_space<semaphore_mem>>) {add = true}
      %mul3A_258 = arith.constant 8 : i32
      %mul3A_259 = arith.muli %mul3A_258, %while3A_177 : i32
      %add3A_260 = arith.constant 3 : i32
      %add3A_261 = arith.addi %mul3A_259, %add3A_260 : i32
      %dma_wait3A_262 = arith.constant 0 : i32
      %dma_wait3A_263 = arith.constant 3 : i32
      %dma_wait3A_264 = arith.constant 0 : i32
      %dma_wait3A_265 = arith.constant 0 : i32
      %dma_wait3A_266 = tpu.memref_slice %arg10[%dma_wait3A_263, %dma_wait3A_264, %dma_wait3A_265] : memref<8x32x128xf32, #tpu.memory_space<vmem>> -> memref<1x32x128xf32, #tpu.memory_space<vmem>>
      %dma_wait3A_267 = tpu.memref_squeeze %dma_wait3A_266 : memref<1x32x128xf32, #tpu.memory_space<vmem>> -> memref<32x128xf32, #tpu.memory_space<vmem>>
      %dma_wait3A_268 = arith.constant 0 : i32
      %dma_wait3A_269 = tpu.memref_slice %arg7[%dma_wait3A_262, %dma_wait3A_268] : memref<644x32xi32, #tpu.memory_space<vmem>> -> memref<1x32xi32, #tpu.memory_space<vmem>>
      %dma_wait3A_270 = tpu.memref_squeeze %dma_wait3A_269 : memref<1x32xi32, #tpu.memory_space<vmem>> -> memref<32xi32, #tpu.memory_space<vmem>>
      %dma_wait3A_271 = arith.constant 0 : i32
      %dma_wait3A_272 = arith.constant 0 : i32
      %dma_wait3A_273 = tpu.memref_slice %arg2[%dma_wait3A_271, %dma_wait3A_272] : memref<10240x128xf32, #tpu.memory_space<hbm>> -> memref<10240x128xf32, #tpu.memory_space<hbm>>
      tpu.wait_indirect_dma semaphore(%arg16 : memref<!tpu.dma_semaphore, #tpu.memory_space<semaphore_mem>>) src(%dma_wait3A_273 : memref<10240x128xf32, #tpu.memory_space<hbm>>) dst(%dma_wait3A_267 : memref<32x128xf32, #tpu.memory_space<vmem>>)
      %dma_start3A_274 = arith.constant 3 : i32
      %dma_start3A_275 = arith.constant 0 : i32
      %dma_start3A_276 = arith.constant 0 : i32
      %dma_start3A_277 = tpu.memref_slice %arg10[%dma_start3A_274, %dma_start3A_275, %dma_start3A_276] : memref<8x32x128xf32, #tpu.memory_space<vmem>> -> memref<1x32x128xf32, #tpu.memory_space<vmem>>
      %dma_start3A_278 = tpu.memref_squeeze %dma_start3A_277 : memref<1x32x128xf32, #tpu.memory_space<vmem>> -> memref<32x128xf32, #tpu.memory_space<vmem>>
      %dma_start3A_279 = arith.constant 0 : i32
      %dma_start3A_280 = tpu.memref_slice %arg8[%add3A_261, %dma_start3A_279] : memref<644x32xi32, #tpu.memory_space<vmem>> -> memref<1x32xi32, #tpu.memory_space<vmem>>
      %dma_start3A_281 = tpu.memref_squeeze %dma_start3A_280 : memref<1x32xi32, #tpu.memory_space<vmem>> -> memref<32xi32, #tpu.memory_space<vmem>>
      %dma_start3A_282 = arith.constant 0 : i32
      %dma_start3A_283 = arith.constant 0 : i32
      %dma_start3A_284 = tpu.memref_slice %arg12[%dma_start3A_282, %dma_start3A_283] : memref<5248x128xf32, #tpu.memory_space<vmem_shared>> -> memref<5248x128xf32, #tpu.memory_space<vmem_shared>>
      tpu.enqueue_indirect_dma source(%dma_start3A_278 : memref<32x128xf32, #tpu.memory_space<vmem>>) target(%dma_start3A_284 : memref<5248x128xf32, #tpu.memory_space<vmem_shared>>) offsets(%dma_start3A_281 : memref<32xi32, #tpu.memory_space<vmem>>) semaphore(%arg24 : memref<!tpu.dma_semaphore, #tpu.memory_space<semaphore_mem>>) {add = true}
      %mul3A_285 = arith.constant 8 : i32
      %mul3A_286 = arith.muli %mul3A_285, %while3A_177 : i32
      %add3A_287 = arith.constant 4 : i32
      %add3A_288 = arith.addi %mul3A_286, %add3A_287 : i32
      %dma_wait3A_289 = arith.constant 0 : i32
      %dma_wait3A_290 = arith.constant 4 : i32
      %dma_wait3A_291 = arith.constant 0 : i32
      %dma_wait3A_292 = arith.constant 0 : i32
      %dma_wait3A_293 = tpu.memref_slice %arg10[%dma_wait3A_290, %dma_wait3A_291, %dma_wait3A_292] : memref<8x32x128xf32, #tpu.memory_space<vmem>> -> memref<1x32x128xf32, #tpu.memory_space<vmem>>
      %dma_wait3A_294 = tpu.memref_squeeze %dma_wait3A_293 : memref<1x32x128xf32, #tpu.memory_space<vmem>> -> memref<32x128xf32, #tpu.memory_space<vmem>>
      %dma_wait3A_295 = arith.constant 0 : i32
      %dma_wait3A_296 = tpu.memref_slice %arg7[%dma_wait3A_289, %dma_wait3A_295] : memref<644x32xi32, #tpu.memory_space<vmem>> -> memref<1x32xi32, #tpu.memory_space<vmem>>
      %dma_wait3A_297 = tpu.memref_squeeze %dma_wait3A_296 : memref<1x32xi32, #tpu.memory_space<vmem>> -> memref<32xi32, #tpu.memory_space<vmem>>
      %dma_wait3A_298 = arith.constant 0 : i32
      %dma_wait3A_299 = arith.constant 0 : i32
      %dma_wait3A_300 = tpu.memref_slice %arg2[%dma_wait3A_298, %dma_wait3A_299] : memref<10240x128xf32, #tpu.memory_space<hbm>> -> memref<10240x128xf32, #tpu.memory_space<hbm>>
      tpu.wait_indirect_dma semaphore(%arg17 : memref<!tpu.dma_semaphore, #tpu.memory_space<semaphore_mem>>) src(%dma_wait3A_300 : memref<10240x128xf32, #tpu.memory_space<hbm>>) dst(%dma_wait3A_294 : memref<32x128xf32, #tpu.memory_space<vmem>>)
      %dma_start3A_301 = arith.constant 4 : i32
      %dma_start3A_302 = arith.constant 0 : i32
      %dma_start3A_303 = arith.constant 0 : i32
      %dma_start3A_304 = tpu.memref_slice %arg10[%dma_start3A_301, %dma_start3A_302, %dma_start3A_303] : memref<8x32x128xf32, #tpu.memory_space<vmem>> -> memref<1x32x128xf32, #tpu.memory_space<vmem>>
      %dma_start3A_305 = tpu.memref_squeeze %dma_start3A_304 : memref<1x32x128xf32, #tpu.memory_space<vmem>> -> memref<32x128xf32, #tpu.memory_space<vmem>>
      %dma_start3A_306 = arith.constant 0 : i32
      %dma_start3A_307 = tpu.memref_slice %arg8[%add3A_288, %dma_start3A_306] : memref<644x32xi32, #tpu.memory_space<vmem>> -> memref<1x32xi32, #tpu.memory_space<vmem>>
      %dma_start3A_308 = tpu.memref_squeeze %dma_start3A_307 : memref<1x32xi32, #tpu.memory_space<vmem>> -> memref<32xi32, #tpu.memory_space<vmem>>
      %dma_start3A_309 = arith.constant 0 : i32
      %dma_start3A_310 = arith.constant 0 : i32
      %dma_start3A_311 = tpu.memref_slice %arg12[%dma_start3A_309, %dma_start3A_310] : memref<5248x128xf32, #tpu.memory_space<vmem_shared>> -> memref<5248x128xf32, #tpu.memory_space<vmem_shared>>
      tpu.enqueue_indirect_dma source(%dma_start3A_305 : memref<32x128xf32, #tpu.memory_space<vmem>>) target(%dma_start3A_311 : memref<5248x128xf32, #tpu.memory_space<vmem_shared>>) offsets(%dma_start3A_308 : memref<32xi32, #tpu.memory_space<vmem>>) semaphore(%arg25 : memref<!tpu.dma_semaphore, #tpu.memory_space<semaphore_mem>>) {add = true}
      %mul3A_312 = arith.constant 8 : i32
      %mul3A_313 = arith.muli %mul3A_312, %while3A_177 : i32
      %add3A_314 = arith.constant 5 : i32
      %add3A_315 = arith.addi %mul3A_313, %add3A_314 : i32
      %dma_wait3A_316 = arith.constant 0 : i32
      %dma_wait3A_317 = arith.constant 5 : i32
      %dma_wait3A_318 = arith.constant 0 : i32
      %dma_wait3A_319 = arith.constant 0 : i32
      %dma_wait3A_320 = tpu.memref_slice %arg10[%dma_wait3A_317, %dma_wait3A_318, %dma_wait3A_319] : memref<8x32x128xf32, #tpu.memory_space<vmem>> -> memref<1x32x128xf32, #tpu.memory_space<vmem>>
      %dma_wait3A_321 = tpu.memref_squeeze %dma_wait3A_320 : memref<1x32x128xf32, #tpu.memory_space<vmem>> -> memref<32x128xf32, #tpu.memory_space<vmem>>
      %dma_wait3A_322 = arith.constant 0 : i32
      %dma_wait3A_323 = tpu.memref_slice %arg7[%dma_wait3A_316, %dma_wait3A_322] : memref<644x32xi32, #tpu.memory_space<vmem>> -> memref<1x32xi32, #tpu.memory_space<vmem>>
      %dma_wait3A_324 = tpu.memref_squeeze %dma_wait3A_323 : memref<1x32xi32, #tpu.memory_space<vmem>> -> memref<32xi32, #tpu.memory_space<vmem>>
      %dma_wait3A_325 = arith.constant 0 : i32
      %dma_wait3A_326 = arith.constant 0 : i32
      %dma_wait3A_327 = tpu.memref_slice %arg2[%dma_wait3A_325, %dma_wait3A_326] : memref<10240x128xf32, #tpu.memory_space<hbm>> -> memref<10240x128xf32, #tpu.memory_space<hbm>>
      tpu.wait_indirect_dma semaphore(%arg18 : memref<!tpu.dma_semaphore, #tpu.memory_space<semaphore_mem>>) src(%dma_wait3A_327 : memref<10240x128xf32, #tpu.memory_space<hbm>>) dst(%dma_wait3A_321 : memref<32x128xf32, #tpu.memory_space<vmem>>)
      %dma_start3A_328 = arith.constant 5 : i32
      %dma_start3A_329 = arith.constant 0 : i32
      %dma_start3A_330 = arith.constant 0 : i32
      %dma_start3A_331 = tpu.memref_slice %arg10[%dma_start3A_328, %dma_start3A_329, %dma_start3A_330] : memref<8x32x128xf32, #tpu.memory_space<vmem>> -> memref<1x32x128xf32, #tpu.memory_space<vmem>>
      %dma_start3A_332 = tpu.memref_squeeze %dma_start3A_331 : memref<1x32x128xf32, #tpu.memory_space<vmem>> -> memref<32x128xf32, #tpu.memory_space<vmem>>
      %dma_start3A_333 = arith.constant 0 : i32
      %dma_start3A_334 = tpu.memref_slice %arg8[%add3A_315, %dma_start3A_333] : memref<644x32xi32, #tpu.memory_space<vmem>> -> memref<1x32xi32, #tpu.memory_space<vmem>>
      %dma_start3A_335 = tpu.memref_squeeze %dma_start3A_334 : memref<1x32xi32, #tpu.memory_space<vmem>> -> memref<32xi32, #tpu.memory_space<vmem>>
      %dma_start3A_336 = arith.constant 0 : i32
      %dma_start3A_337 = arith.constant 0 : i32
      %dma_start3A_338 = tpu.memref_slice %arg12[%dma_start3A_336, %dma_start3A_337] : memref<5248x128xf32, #tpu.memory_space<vmem_shared>> -> memref<5248x128xf32, #tpu.memory_space<vmem_shared>>
      tpu.enqueue_indirect_dma source(%dma_start3A_332 : memref<32x128xf32, #tpu.memory_space<vmem>>) target(%dma_start3A_338 : memref<5248x128xf32, #tpu.memory_space<vmem_shared>>) offsets(%dma_start3A_335 : memref<32xi32, #tpu.memory_space<vmem>>) semaphore(%arg26 : memref<!tpu.dma_semaphore, #tpu.memory_space<semaphore_mem>>) {add = true}
      %mul3A_339 = arith.constant 8 : i32
      %mul3A_340 = arith.muli %mul3A_339, %while3A_177 : i32
      %add3A_341 = arith.constant 6 : i32
      %add3A_342 = arith.addi %mul3A_340, %add3A_341 : i32
      %dma_wait3A_343 = arith.constant 0 : i32
      %dma_wait3A_344 = arith.constant 6 : i32
      %dma_wait3A_345 = arith.constant 0 : i32
      %dma_wait3A_346 = arith.constant 0 : i32
      %dma_wait3A_347 = tpu.memref_slice %arg10[%dma_wait3A_344, %dma_wait3A_345, %dma_wait3A_346] : memref<8x32x128xf32, #tpu.memory_space<vmem>> -> memref<1x32x128xf32, #tpu.memory_space<vmem>>
      %dma_wait3A_348 = tpu.memref_squeeze %dma_wait3A_347 : memref<1x32x128xf32, #tpu.memory_space<vmem>> -> memref<32x128xf32, #tpu.memory_space<vmem>>
      %dma_wait3A_349 = arith.constant 0 : i32
      %dma_wait3A_350 = tpu.memref_slice %arg7[%dma_wait3A_343, %dma_wait3A_349] : memref<644x32xi32, #tpu.memory_space<vmem>> -> memref<1x32xi32, #tpu.memory_space<vmem>>
      %dma_wait3A_351 = tpu.memref_squeeze %dma_wait3A_350 : memref<1x32xi32, #tpu.memory_space<vmem>> -> memref<32xi32, #tpu.memory_space<vmem>>
      %dma_wait3A_352 = arith.constant 0 : i32
      %dma_wait3A_353 = arith.constant 0 : i32
      %dma_wait3A_354 = tpu.memref_slice %arg2[%dma_wait3A_352, %dma_wait3A_353] : memref<10240x128xf32, #tpu.memory_space<hbm>> -> memref<10240x128xf32, #tpu.memory_space<hbm>>
      tpu.wait_indirect_dma semaphore(%arg19 : memref<!tpu.dma_semaphore, #tpu.memory_space<semaphore_mem>>) src(%dma_wait3A_354 : memref<10240x128xf32, #tpu.memory_space<hbm>>) dst(%dma_wait3A_348 : memref<32x128xf32, #tpu.memory_space<vmem>>)
      %dma_start3A_355 = arith.constant 6 : i32
      %dma_start3A_356 = arith.constant 0 : i32
      %dma_start3A_357 = arith.constant 0 : i32
      %dma_start3A_358 = tpu.memref_slice %arg10[%dma_start3A_355, %dma_start3A_356, %dma_start3A_357] : memref<8x32x128xf32, #tpu.memory_space<vmem>> -> memref<1x32x128xf32, #tpu.memory_space<vmem>>
      %dma_start3A_359 = tpu.memref_squeeze %dma_start3A_358 : memref<1x32x128xf32, #tpu.memory_space<vmem>> -> memref<32x128xf32, #tpu.memory_space<vmem>>
      %dma_start3A_360 = arith.constant 0 : i32
      %dma_start3A_361 = tpu.memref_slice %arg8[%add3A_342, %dma_start3A_360] : memref<644x32xi32, #tpu.memory_space<vmem>> -> memref<1x32xi32, #tpu.memory_space<vmem>>
      %dma_start3A_362 = tpu.memref_squeeze %dma_start3A_361 : memref<1x32xi32, #tpu.memory_space<vmem>> -> memref<32xi32, #tpu.memory_space<vmem>>
      %dma_start3A_363 = arith.constant 0 : i32
      %dma_start3A_364 = arith.constant 0 : i32
      %dma_start3A_365 = tpu.memref_slice %arg12[%dma_start3A_363, %dma_start3A_364] : memref<5248x128xf32, #tpu.memory_space<vmem_shared>> -> memref<5248x128xf32, #tpu.memory_space<vmem_shared>>
      tpu.enqueue_indirect_dma source(%dma_start3A_359 : memref<32x128xf32, #tpu.memory_space<vmem>>) target(%dma_start3A_365 : memref<5248x128xf32, #tpu.memory_space<vmem_shared>>) offsets(%dma_start3A_362 : memref<32xi32, #tpu.memory_space<vmem>>) semaphore(%arg27 : memref<!tpu.dma_semaphore, #tpu.memory_space<semaphore_mem>>) {add = true}
      %mul3A_366 = arith.constant 8 : i32
      %mul3A_367 = arith.muli %mul3A_366, %while3A_177 : i32
      %add3A_368 = arith.constant 7 : i32
      %add3A_369 = arith.addi %mul3A_367, %add3A_368 : i32
      %dma_wait3A_370 = arith.constant 0 : i32
      %dma_wait3A_371 = arith.constant 7 : i32
      %dma_wait3A_372 = arith.constant 0 : i32
      %dma_wait3A_373 = arith.constant 0 : i32
      %dma_wait3A_374 = tpu.memref_slice %arg10[%dma_wait3A_371, %dma_wait3A_372, %dma_wait3A_373] : memref<8x32x128xf32, #tpu.memory_space<vmem>> -> memref<1x32x128xf32, #tpu.memory_space<vmem>>
      %dma_wait3A_375 = tpu.memref_squeeze %dma_wait3A_374 : memref<1x32x128xf32, #tpu.memory_space<vmem>> -> memref<32x128xf32, #tpu.memory_space<vmem>>
      %dma_wait3A_376 = arith.constant 0 : i32
      %dma_wait3A_377 = tpu.memref_slice %arg7[%dma_wait3A_370, %dma_wait3A_376] : memref<644x32xi32, #tpu.memory_space<vmem>> -> memref<1x32xi32, #tpu.memory_space<vmem>>
      %dma_wait3A_378 = tpu.memref_squeeze %dma_wait3A_377 : memref<1x32xi32, #tpu.memory_space<vmem>> -> memref<32xi32, #tpu.memory_space<vmem>>
      %dma_wait3A_379 = arith.constant 0 : i32
      %dma_wait3A_380 = arith.constant 0 : i32
      %dma_wait3A_381 = tpu.memref_slice %arg2[%dma_wait3A_379, %dma_wait3A_380] : memref<10240x128xf32, #tpu.memory_space<hbm>> -> memref<10240x128xf32, #tpu.memory_space<hbm>>
      tpu.wait_indirect_dma semaphore(%arg20 : memref<!tpu.dma_semaphore, #tpu.memory_space<semaphore_mem>>) src(%dma_wait3A_381 : memref<10240x128xf32, #tpu.memory_space<hbm>>) dst(%dma_wait3A_375 : memref<32x128xf32, #tpu.memory_space<vmem>>)
      %dma_start3A_382 = arith.constant 7 : i32
      %dma_start3A_383 = arith.constant 0 : i32
      %dma_start3A_384 = arith.constant 0 : i32
      %dma_start3A_385 = tpu.memref_slice %arg10[%dma_start3A_382, %dma_start3A_383, %dma_start3A_384] : memref<8x32x128xf32, #tpu.memory_space<vmem>> -> memref<1x32x128xf32, #tpu.memory_space<vmem>>
      %dma_start3A_386 = tpu.memref_squeeze %dma_start3A_385 : memref<1x32x128xf32, #tpu.memory_space<vmem>> -> memref<32x128xf32, #tpu.memory_space<vmem>>
      %dma_start3A_387 = arith.constant 0 : i32
      %dma_start3A_388 = tpu.memref_slice %arg8[%add3A_369, %dma_start3A_387] : memref<644x32xi32, #tpu.memory_space<vmem>> -> memref<1x32xi32, #tpu.memory_space<vmem>>
      %dma_start3A_389 = tpu.memref_squeeze %dma_start3A_388 : memref<1x32xi32, #tpu.memory_space<vmem>> -> memref<32xi32, #tpu.memory_space<vmem>>
      %dma_start3A_390 = arith.constant 0 : i32
      %dma_start3A_391 = arith.constant 0 : i32
      %dma_start3A_392 = tpu.memref_slice %arg12[%dma_start3A_390, %dma_start3A_391] : memref<5248x128xf32, #tpu.memory_space<vmem_shared>> -> memref<5248x128xf32, #tpu.memory_space<vmem_shared>>
      tpu.enqueue_indirect_dma source(%dma_start3A_386 : memref<32x128xf32, #tpu.memory_space<vmem>>) target(%dma_start3A_392 : memref<5248x128xf32, #tpu.memory_space<vmem_shared>>) offsets(%dma_start3A_389 : memref<32xi32, #tpu.memory_space<vmem>>) semaphore(%arg28 : memref<!tpu.dma_semaphore, #tpu.memory_space<semaphore_mem>>) {add = true}
      %mul3A_393 = arith.constant 8 : i32
      %mul3A_394 = arith.muli %mul3A_393, %while3A_177 : i32
      %add3A_395 = arith.constant 0 : i32
      %add3A_396 = arith.addi %mul3A_394, %add3A_395 : i32
      %dma_wait3A_397 = arith.constant 0 : i32
      %dma_wait3A_398 = arith.constant 0 : i32
      %dma_wait3A_399 = arith.constant 0 : i32
      %dma_wait3A_400 = arith.constant 0 : i32
      %dma_wait3A_401 = tpu.memref_slice %arg10[%dma_wait3A_397, %dma_wait3A_399, %dma_wait3A_400] : memref<8x32x128xf32, #tpu.memory_space<vmem>> -> memref<1x32x128xf32, #tpu.memory_space<vmem>>
      %dma_wait3A_402 = tpu.memref_squeeze %dma_wait3A_401 : memref<1x32x128xf32, #tpu.memory_space<vmem>> -> memref<32x128xf32, #tpu.memory_space<vmem>>
      %dma_wait3A_403 = arith.constant 0 : i32
      %dma_wait3A_404 = tpu.memref_slice %arg8[%dma_wait3A_398, %dma_wait3A_403] : memref<644x32xi32, #tpu.memory_space<vmem>> -> memref<1x32xi32, #tpu.memory_space<vmem>>
      %dma_wait3A_405 = tpu.memref_squeeze %dma_wait3A_404 : memref<1x32xi32, #tpu.memory_space<vmem>> -> memref<32xi32, #tpu.memory_space<vmem>>
      %dma_wait3A_406 = arith.constant 0 : i32
      %dma_wait3A_407 = arith.constant 0 : i32
      %dma_wait3A_408 = tpu.memref_slice %arg12[%dma_wait3A_406, %dma_wait3A_407] : memref<5248x128xf32, #tpu.memory_space<vmem_shared>> -> memref<5248x128xf32, #tpu.memory_space<vmem_shared>>
      tpu.wait_indirect_dma semaphore(%arg21 : memref<!tpu.dma_semaphore, #tpu.memory_space<semaphore_mem>>) src(%dma_wait3A_402 : memref<32x128xf32, #tpu.memory_space<vmem>>) dst(%dma_wait3A_408 : memref<5248x128xf32, #tpu.memory_space<vmem_shared>>)
      %add3A_409 = arith.constant 8 : i32
      %add3A_410 = arith.addi %add3A_396, %add3A_409 : i32
      %lt3A = arith.cmpi slt, %add3A_410, %mul3A_56 : i32
      %convert_element_type3A = arith.extui %lt3A : i1 to i32
      %cond3A = arith.constant 0 : i32
      %cond3A_411 = arith.cmpi ne, %convert_element_type3A, %cond3A : i32
      scf.if %cond3A_411 {
        %add3A_566 = arith.constant 8 : i32
        %add3A_567 = arith.addi %add3A_396, %add3A_566 : i32
        %dma_start3A_568 = arith.constant 0 : i32
        %dma_start3A_569 = arith.constant 0 : i32
        %dma_start3A_570 = arith.constant 0 : i32
        %dma_start3A_571 = tpu.memref_slice %arg10[%dma_start3A_568, %dma_start3A_569, %dma_start3A_570] : memref<8x32x128xf32, #tpu.memory_space<vmem>> -> memref<1x32x128xf32, #tpu.memory_space<vmem>>
        %dma_start3A_572 = tpu.memref_squeeze %dma_start3A_571 : memref<1x32x128xf32, #tpu.memory_space<vmem>> -> memref<32x128xf32, #tpu.memory_space<vmem>>
        %dma_start3A_573 = arith.constant 0 : i32
        %dma_start3A_574 = tpu.memref_slice %arg7[%add3A_567, %dma_start3A_573] : memref<644x32xi32, #tpu.memory_space<vmem>> -> memref<1x32xi32, #tpu.memory_space<vmem>>
        %dma_start3A_575 = tpu.memref_squeeze %dma_start3A_574 : memref<1x32xi32, #tpu.memory_space<vmem>> -> memref<32xi32, #tpu.memory_space<vmem>>
        %dma_start3A_576 = arith.constant 0 : i32
        %dma_start3A_577 = arith.constant 0 : i32
        %dma_start3A_578 = tpu.memref_slice %arg2[%dma_start3A_576, %dma_start3A_577] : memref<10240x128xf32, #tpu.memory_space<hbm>> -> memref<10240x128xf32, #tpu.memory_space<hbm>>
        tpu.enqueue_indirect_dma source(%dma_start3A_578 : memref<10240x128xf32, #tpu.memory_space<hbm>>) target(%dma_start3A_572 : memref<32x128xf32, #tpu.memory_space<vmem>>) offsets(%dma_start3A_575 : memref<32xi32, #tpu.memory_space<vmem>>) semaphore(%arg13 : memref<!tpu.dma_semaphore, #tpu.memory_space<semaphore_mem>>)
      } else {
      }
      %mul3A_412 = arith.constant 8 : i32
      %mul3A_413 = arith.muli %mul3A_412, %while3A_177 : i32
      %add3A_414 = arith.constant 1 : i32
      %add3A_415 = arith.addi %mul3A_413, %add3A_414 : i32
      %dma_wait3A_416 = arith.constant 1 : i32
      %dma_wait3A_417 = arith.constant 0 : i32
      %dma_wait3A_418 = arith.constant 0 : i32
      %dma_wait3A_419 = arith.constant 0 : i32
      %dma_wait3A_420 = tpu.memref_slice %arg10[%dma_wait3A_416, %dma_wait3A_418, %dma_wait3A_419] : memref<8x32x128xf32, #tpu.memory_space<vmem>> -> memref<1x32x128xf32, #tpu.memory_space<vmem>>
      %dma_wait3A_421 = tpu.memref_squeeze %dma_wait3A_420 : memref<1x32x128xf32, #tpu.memory_space<vmem>> -> memref<32x128xf32, #tpu.memory_space<vmem>>
      %dma_wait3A_422 = arith.constant 0 : i32
      %dma_wait3A_423 = tpu.memref_slice %arg8[%dma_wait3A_417, %dma_wait3A_422] : memref<644x32xi32, #tpu.memory_space<vmem>> -> memref<1x32xi32, #tpu.memory_space<vmem>>
      %dma_wait3A_424 = tpu.memref_squeeze %dma_wait3A_423 : memref<1x32xi32, #tpu.memory_space<vmem>> -> memref<32xi32, #tpu.memory_space<vmem>>
      %dma_wait3A_425 = arith.constant 0 : i32
      %dma_wait3A_426 = arith.constant 0 : i32
      %dma_wait3A_427 = tpu.memref_slice %arg12[%dma_wait3A_425, %dma_wait3A_426] : memref<5248x128xf32, #tpu.memory_space<vmem_shared>> -> memref<5248x128xf32, #tpu.memory_space<vmem_shared>>
      tpu.wait_indirect_dma semaphore(%arg22 : memref<!tpu.dma_semaphore, #tpu.memory_space<semaphore_mem>>) src(%dma_wait3A_421 : memref<32x128xf32, #tpu.memory_space<vmem>>) dst(%dma_wait3A_427 : memref<5248x128xf32, #tpu.memory_space<vmem_shared>>)
      %add3A_428 = arith.constant 8 : i32
      %add3A_429 = arith.addi %add3A_415, %add3A_428 : i32
      %lt3A_430 = arith.cmpi slt, %add3A_429, %mul3A_56 : i32
      %convert_element_type3A_431 = arith.extui %lt3A_430 : i1 to i32
      %cond3A_432 = arith.constant 0 : i32
      %cond3A_433 = arith.cmpi ne, %convert_element_type3A_431, %cond3A_432 : i32
      scf.if %cond3A_433 {
        %add3A_566 = arith.constant 8 : i32
        %add3A_567 = arith.addi %add3A_415, %add3A_566 : i32
        %dma_start3A_568 = arith.constant 1 : i32
        %dma_start3A_569 = arith.constant 0 : i32
        %dma_start3A_570 = arith.constant 0 : i32
        %dma_start3A_571 = tpu.memref_slice %arg10[%dma_start3A_568, %dma_start3A_569, %dma_start3A_570] : memref<8x32x128xf32, #tpu.memory_space<vmem>> -> memref<1x32x128xf32, #tpu.memory_space<vmem>>
        %dma_start3A_572 = tpu.memref_squeeze %dma_start3A_571 : memref<1x32x128xf32, #tpu.memory_space<vmem>> -> memref<32x128xf32, #tpu.memory_space<vmem>>
        %dma_start3A_573 = arith.constant 0 : i32
        %dma_start3A_574 = tpu.memref_slice %arg7[%add3A_567, %dma_start3A_573] : memref<644x32xi32, #tpu.memory_space<vmem>> -> memref<1x32xi32, #tpu.memory_space<vmem>>
        %dma_start3A_575 = tpu.memref_squeeze %dma_start3A_574 : memref<1x32xi32, #tpu.memory_space<vmem>> -> memref<32xi32, #tpu.memory_space<vmem>>
        %dma_start3A_576 = arith.constant 0 : i32
        %dma_start3A_577 = arith.constant 0 : i32
        %dma_start3A_578 = tpu.memref_slice %arg2[%dma_start3A_576, %dma_start3A_577] : memref<10240x128xf32, #tpu.memory_space<hbm>> -> memref<10240x128xf32, #tpu.memory_space<hbm>>
        tpu.enqueue_indirect_dma source(%dma_start3A_578 : memref<10240x128xf32, #tpu.memory_space<hbm>>) target(%dma_start3A_572 : memref<32x128xf32, #tpu.memory_space<vmem>>) offsets(%dma_start3A_575 : memref<32xi32, #tpu.memory_space<vmem>>) semaphore(%arg14 : memref<!tpu.dma_semaphore, #tpu.memory_space<semaphore_mem>>)
      } else {
      }
      %mul3A_434 = arith.constant 8 : i32
      %mul3A_435 = arith.muli %mul3A_434, %while3A_177 : i32
      %add3A_436 = arith.constant 2 : i32
      %add3A_437 = arith.addi %mul3A_435, %add3A_436 : i32
      %dma_wait3A_438 = arith.constant 2 : i32
      %dma_wait3A_439 = arith.constant 0 : i32
      %dma_wait3A_440 = arith.constant 0 : i32
      %dma_wait3A_441 = arith.constant 0 : i32
      %dma_wait3A_442 = tpu.memref_slice %arg10[%dma_wait3A_438, %dma_wait3A_440, %dma_wait3A_441] : memref<8x32x128xf32, #tpu.memory_space<vmem>> -> memref<1x32x128xf32, #tpu.memory_space<vmem>>
      %dma_wait3A_443 = tpu.memref_squeeze %dma_wait3A_442 : memref<1x32x128xf32, #tpu.memory_space<vmem>> -> memref<32x128xf32, #tpu.memory_space<vmem>>
      %dma_wait3A_444 = arith.constant 0 : i32
      %dma_wait3A_445 = tpu.memref_slice %arg8[%dma_wait3A_439, %dma_wait3A_444] : memref<644x32xi32, #tpu.memory_space<vmem>> -> memref<1x32xi32, #tpu.memory_space<vmem>>
      %dma_wait3A_446 = tpu.memref_squeeze %dma_wait3A_445 : memref<1x32xi32, #tpu.memory_space<vmem>> -> memref<32xi32, #tpu.memory_space<vmem>>
      %dma_wait3A_447 = arith.constant 0 : i32
      %dma_wait3A_448 = arith.constant 0 : i32
      %dma_wait3A_449 = tpu.memref_slice %arg12[%dma_wait3A_447, %dma_wait3A_448] : memref<5248x128xf32, #tpu.memory_space<vmem_shared>> -> memref<5248x128xf32, #tpu.memory_space<vmem_shared>>
      tpu.wait_indirect_dma semaphore(%arg23 : memref<!tpu.dma_semaphore, #tpu.memory_space<semaphore_mem>>) src(%dma_wait3A_443 : memref<32x128xf32, #tpu.memory_space<vmem>>) dst(%dma_wait3A_449 : memref<5248x128xf32, #tpu.memory_space<vmem_shared>>)
      %add3A_450 = arith.constant 8 : i32
      %add3A_451 = arith.addi %add3A_437, %add3A_450 : i32
      %lt3A_452 = arith.cmpi slt, %add3A_451, %mul3A_56 : i32
      %convert_element_type3A_453 = arith.extui %lt3A_452 : i1 to i32
      %cond3A_454 = arith.constant 0 : i32
      %cond3A_455 = arith.cmpi ne, %convert_element_type3A_453, %cond3A_454 : i32
      scf.if %cond3A_455 {
        %add3A_566 = arith.constant 8 : i32
        %add3A_567 = arith.addi %add3A_437, %add3A_566 : i32
        %dma_start3A_568 = arith.constant 2 : i32
        %dma_start3A_569 = arith.constant 0 : i32
        %dma_start3A_570 = arith.constant 0 : i32
        %dma_start3A_571 = tpu.memref_slice %arg10[%dma_start3A_568, %dma_start3A_569, %dma_start3A_570] : memref<8x32x128xf32, #tpu.memory_space<vmem>> -> memref<1x32x128xf32, #tpu.memory_space<vmem>>
        %dma_start3A_572 = tpu.memref_squeeze %dma_start3A_571 : memref<1x32x128xf32, #tpu.memory_space<vmem>> -> memref<32x128xf32, #tpu.memory_space<vmem>>
        %dma_start3A_573 = arith.constant 0 : i32
        %dma_start3A_574 = tpu.memref_slice %arg7[%add3A_567, %dma_start3A_573] : memref<644x32xi32, #tpu.memory_space<vmem>> -> memref<1x32xi32, #tpu.memory_space<vmem>>
        %dma_start3A_575 = tpu.memref_squeeze %dma_start3A_574 : memref<1x32xi32, #tpu.memory_space<vmem>> -> memref<32xi32, #tpu.memory_space<vmem>>
        %dma_start3A_576 = arith.constant 0 : i32
        %dma_start3A_577 = arith.constant 0 : i32
        %dma_start3A_578 = tpu.memref_slice %arg2[%dma_start3A_576, %dma_start3A_577] : memref<10240x128xf32, #tpu.memory_space<hbm>> -> memref<10240x128xf32, #tpu.memory_space<hbm>>
        tpu.enqueue_indirect_dma source(%dma_start3A_578 : memref<10240x128xf32, #tpu.memory_space<hbm>>) target(%dma_start3A_572 : memref<32x128xf32, #tpu.memory_space<vmem>>) offsets(%dma_start3A_575 : memref<32xi32, #tpu.memory_space<vmem>>) semaphore(%arg15 : memref<!tpu.dma_semaphore, #tpu.memory_space<semaphore_mem>>)
      } else {
      }
      %mul3A_456 = arith.constant 8 : i32
      %mul3A_457 = arith.muli %mul3A_456, %while3A_177 : i32
      %add3A_458 = arith.constant 3 : i32
      %add3A_459 = arith.addi %mul3A_457, %add3A_458 : i32
      %dma_wait3A_460 = arith.constant 3 : i32
      %dma_wait3A_461 = arith.constant 0 : i32
      %dma_wait3A_462 = arith.constant 0 : i32
      %dma_wait3A_463 = arith.constant 0 : i32
      %dma_wait3A_464 = tpu.memref_slice %arg10[%dma_wait3A_460, %dma_wait3A_462, %dma_wait3A_463] : memref<8x32x128xf32, #tpu.memory_space<vmem>> -> memref<1x32x128xf32, #tpu.memory_space<vmem>>
      %dma_wait3A_465 = tpu.memref_squeeze %dma_wait3A_464 : memref<1x32x128xf32, #tpu.memory_space<vmem>> -> memref<32x128xf32, #tpu.memory_space<vmem>>
      %dma_wait3A_466 = arith.constant 0 : i32
      %dma_wait3A_467 = tpu.memref_slice %arg8[%dma_wait3A_461, %dma_wait3A_466] : memref<644x32xi32, #tpu.memory_space<vmem>> -> memref<1x32xi32, #tpu.memory_space<vmem>>
      %dma_wait3A_468 = tpu.memref_squeeze %dma_wait3A_467 : memref<1x32xi32, #tpu.memory_space<vmem>> -> memref<32xi32, #tpu.memory_space<vmem>>
      %dma_wait3A_469 = arith.constant 0 : i32
      %dma_wait3A_470 = arith.constant 0 : i32
      %dma_wait3A_471 = tpu.memref_slice %arg12[%dma_wait3A_469, %dma_wait3A_470] : memref<5248x128xf32, #tpu.memory_space<vmem_shared>> -> memref<5248x128xf32, #tpu.memory_space<vmem_shared>>
      tpu.wait_indirect_dma semaphore(%arg24 : memref<!tpu.dma_semaphore, #tpu.memory_space<semaphore_mem>>) src(%dma_wait3A_465 : memref<32x128xf32, #tpu.memory_space<vmem>>) dst(%dma_wait3A_471 : memref<5248x128xf32, #tpu.memory_space<vmem_shared>>)
      %add3A_472 = arith.constant 8 : i32
      %add3A_473 = arith.addi %add3A_459, %add3A_472 : i32
      %lt3A_474 = arith.cmpi slt, %add3A_473, %mul3A_56 : i32
      %convert_element_type3A_475 = arith.extui %lt3A_474 : i1 to i32
      %cond3A_476 = arith.constant 0 : i32
      %cond3A_477 = arith.cmpi ne, %convert_element_type3A_475, %cond3A_476 : i32
      scf.if %cond3A_477 {
        %add3A_566 = arith.constant 8 : i32
        %add3A_567 = arith.addi %add3A_459, %add3A_566 : i32
        %dma_start3A_568 = arith.constant 3 : i32
        %dma_start3A_569 = arith.constant 0 : i32
        %dma_start3A_570 = arith.constant 0 : i32
        %dma_start3A_571 = tpu.memref_slice %arg10[%dma_start3A_568, %dma_start3A_569, %dma_start3A_570] : memref<8x32x128xf32, #tpu.memory_space<vmem>> -> memref<1x32x128xf32, #tpu.memory_space<vmem>>
        %dma_start3A_572 = tpu.memref_squeeze %dma_start3A_571 : memref<1x32x128xf32, #tpu.memory_space<vmem>> -> memref<32x128xf32, #tpu.memory_space<vmem>>
        %dma_start3A_573 = arith.constant 0 : i32
        %dma_start3A_574 = tpu.memref_slice %arg7[%add3A_567, %dma_start3A_573] : memref<644x32xi32, #tpu.memory_space<vmem>> -> memref<1x32xi32, #tpu.memory_space<vmem>>
        %dma_start3A_575 = tpu.memref_squeeze %dma_start3A_574 : memref<1x32xi32, #tpu.memory_space<vmem>> -> memref<32xi32, #tpu.memory_space<vmem>>
        %dma_start3A_576 = arith.constant 0 : i32
        %dma_start3A_577 = arith.constant 0 : i32
        %dma_start3A_578 = tpu.memref_slice %arg2[%dma_start3A_576, %dma_start3A_577] : memref<10240x128xf32, #tpu.memory_space<hbm>> -> memref<10240x128xf32, #tpu.memory_space<hbm>>
        tpu.enqueue_indirect_dma source(%dma_start3A_578 : memref<10240x128xf32, #tpu.memory_space<hbm>>) target(%dma_start3A_572 : memref<32x128xf32, #tpu.memory_space<vmem>>) offsets(%dma_start3A_575 : memref<32xi32, #tpu.memory_space<vmem>>) semaphore(%arg16 : memref<!tpu.dma_semaphore, #tpu.memory_space<semaphore_mem>>)
      } else {
      }
      %mul3A_478 = arith.constant 8 : i32
      %mul3A_479 = arith.muli %mul3A_478, %while3A_177 : i32
      %add3A_480 = arith.constant 4 : i32
      %add3A_481 = arith.addi %mul3A_479, %add3A_480 : i32
      %dma_wait3A_482 = arith.constant 4 : i32
      %dma_wait3A_483 = arith.constant 0 : i32
      %dma_wait3A_484 = arith.constant 0 : i32
      %dma_wait3A_485 = arith.constant 0 : i32
      %dma_wait3A_486 = tpu.memref_slice %arg10[%dma_wait3A_482, %dma_wait3A_484, %dma_wait3A_485] : memref<8x32x128xf32, #tpu.memory_space<vmem>> -> memref<1x32x128xf32, #tpu.memory_space<vmem>>
      %dma_wait3A_487 = tpu.memref_squeeze %dma_wait3A_486 : memref<1x32x128xf32, #tpu.memory_space<vmem>> -> memref<32x128xf32, #tpu.memory_space<vmem>>
      %dma_wait3A_488 = arith.constant 0 : i32
      %dma_wait3A_489 = tpu.memref_slice %arg8[%dma_wait3A_483, %dma_wait3A_488] : memref<644x32xi32, #tpu.memory_space<vmem>> -> memref<1x32xi32, #tpu.memory_space<vmem>>
      %dma_wait3A_490 = tpu.memref_squeeze %dma_wait3A_489 : memref<1x32xi32, #tpu.memory_space<vmem>> -> memref<32xi32, #tpu.memory_space<vmem>>
      %dma_wait3A_491 = arith.constant 0 : i32
      %dma_wait3A_492 = arith.constant 0 : i32
      %dma_wait3A_493 = tpu.memref_slice %arg12[%dma_wait3A_491, %dma_wait3A_492] : memref<5248x128xf32, #tpu.memory_space<vmem_shared>> -> memref<5248x128xf32, #tpu.memory_space<vmem_shared>>
      tpu.wait_indirect_dma semaphore(%arg25 : memref<!tpu.dma_semaphore, #tpu.memory_space<semaphore_mem>>) src(%dma_wait3A_487 : memref<32x128xf32, #tpu.memory_space<vmem>>) dst(%dma_wait3A_493 : memref<5248x128xf32, #tpu.memory_space<vmem_shared>>)
      %add3A_494 = arith.constant 8 : i32
      %add3A_495 = arith.addi %add3A_481, %add3A_494 : i32
      %lt3A_496 = arith.cmpi slt, %add3A_495, %mul3A_56 : i32
      %convert_element_type3A_497 = arith.extui %lt3A_496 : i1 to i32
      %cond3A_498 = arith.constant 0 : i32
      %cond3A_499 = arith.cmpi ne, %convert_element_type3A_497, %cond3A_498 : i32
      scf.if %cond3A_499 {
        %add3A_566 = arith.constant 8 : i32
        %add3A_567 = arith.addi %add3A_481, %add3A_566 : i32
        %dma_start3A_568 = arith.constant 4 : i32
        %dma_start3A_569 = arith.constant 0 : i32
        %dma_start3A_570 = arith.constant 0 : i32
        %dma_start3A_571 = tpu.memref_slice %arg10[%dma_start3A_568, %dma_start3A_569, %dma_start3A_570] : memref<8x32x128xf32, #tpu.memory_space<vmem>> -> memref<1x32x128xf32, #tpu.memory_space<vmem>>
        %dma_start3A_572 = tpu.memref_squeeze %dma_start3A_571 : memref<1x32x128xf32, #tpu.memory_space<vmem>> -> memref<32x128xf32, #tpu.memory_space<vmem>>
        %dma_start3A_573 = arith.constant 0 : i32
        %dma_start3A_574 = tpu.memref_slice %arg7[%add3A_567, %dma_start3A_573] : memref<644x32xi32, #tpu.memory_space<vmem>> -> memref<1x32xi32, #tpu.memory_space<vmem>>
        %dma_start3A_575 = tpu.memref_squeeze %dma_start3A_574 : memref<1x32xi32, #tpu.memory_space<vmem>> -> memref<32xi32, #tpu.memory_space<vmem>>
        %dma_start3A_576 = arith.constant 0 : i32
        %dma_start3A_577 = arith.constant 0 : i32
        %dma_start3A_578 = tpu.memref_slice %arg2[%dma_start3A_576, %dma_start3A_577] : memref<10240x128xf32, #tpu.memory_space<hbm>> -> memref<10240x128xf32, #tpu.memory_space<hbm>>
        tpu.enqueue_indirect_dma source(%dma_start3A_578 : memref<10240x128xf32, #tpu.memory_space<hbm>>) target(%dma_start3A_572 : memref<32x128xf32, #tpu.memory_space<vmem>>) offsets(%dma_start3A_575 : memref<32xi32, #tpu.memory_space<vmem>>) semaphore(%arg17 : memref<!tpu.dma_semaphore, #tpu.memory_space<semaphore_mem>>)
      } else {
      }
      %mul3A_500 = arith.constant 8 : i32
      %mul3A_501 = arith.muli %mul3A_500, %while3A_177 : i32
      %add3A_502 = arith.constant 5 : i32
      %add3A_503 = arith.addi %mul3A_501, %add3A_502 : i32
      %dma_wait3A_504 = arith.constant 5 : i32
      %dma_wait3A_505 = arith.constant 0 : i32
      %dma_wait3A_506 = arith.constant 0 : i32
      %dma_wait3A_507 = arith.constant 0 : i32
      %dma_wait3A_508 = tpu.memref_slice %arg10[%dma_wait3A_504, %dma_wait3A_506, %dma_wait3A_507] : memref<8x32x128xf32, #tpu.memory_space<vmem>> -> memref<1x32x128xf32, #tpu.memory_space<vmem>>
      %dma_wait3A_509 = tpu.memref_squeeze %dma_wait3A_508 : memref<1x32x128xf32, #tpu.memory_space<vmem>> -> memref<32x128xf32, #tpu.memory_space<vmem>>
      %dma_wait3A_510 = arith.constant 0 : i32
      %dma_wait3A_511 = tpu.memref_slice %arg8[%dma_wait3A_505, %dma_wait3A_510] : memref<644x32xi32, #tpu.memory_space<vmem>> -> memref<1x32xi32, #tpu.memory_space<vmem>>
      %dma_wait3A_512 = tpu.memref_squeeze %dma_wait3A_511 : memref<1x32xi32, #tpu.memory_space<vmem>> -> memref<32xi32, #tpu.memory_space<vmem>>
      %dma_wait3A_513 = arith.constant 0 : i32
      %dma_wait3A_514 = arith.constant 0 : i32
      %dma_wait3A_515 = tpu.memref_slice %arg12[%dma_wait3A_513, %dma_wait3A_514] : memref<5248x128xf32, #tpu.memory_space<vmem_shared>> -> memref<5248x128xf32, #tpu.memory_space<vmem_shared>>
      tpu.wait_indirect_dma semaphore(%arg26 : memref<!tpu.dma_semaphore, #tpu.memory_space<semaphore_mem>>) src(%dma_wait3A_509 : memref<32x128xf32, #tpu.memory_space<vmem>>) dst(%dma_wait3A_515 : memref<5248x128xf32, #tpu.memory_space<vmem_shared>>)
      %add3A_516 = arith.constant 8 : i32
      %add3A_517 = arith.addi %add3A_503, %add3A_516 : i32
      %lt3A_518 = arith.cmpi slt, %add3A_517, %mul3A_56 : i32
      %convert_element_type3A_519 = arith.extui %lt3A_518 : i1 to i32
      %cond3A_520 = arith.constant 0 : i32
      %cond3A_521 = arith.cmpi ne, %convert_element_type3A_519, %cond3A_520 : i32
      scf.if %cond3A_521 {
        %add3A_566 = arith.constant 8 : i32
        %add3A_567 = arith.addi %add3A_503, %add3A_566 : i32
        %dma_start3A_568 = arith.constant 5 : i32
        %dma_start3A_569 = arith.constant 0 : i32
        %dma_start3A_570 = arith.constant 0 : i32
        %dma_start3A_571 = tpu.memref_slice %arg10[%dma_start3A_568, %dma_start3A_569, %dma_start3A_570] : memref<8x32x128xf32, #tpu.memory_space<vmem>> -> memref<1x32x128xf32, #tpu.memory_space<vmem>>
        %dma_start3A_572 = tpu.memref_squeeze %dma_start3A_571 : memref<1x32x128xf32, #tpu.memory_space<vmem>> -> memref<32x128xf32, #tpu.memory_space<vmem>>
        %dma_start3A_573 = arith.constant 0 : i32
        %dma_start3A_574 = tpu.memref_slice %arg7[%add3A_567, %dma_start3A_573] : memref<644x32xi32, #tpu.memory_space<vmem>> -> memref<1x32xi32, #tpu.memory_space<vmem>>
        %dma_start3A_575 = tpu.memref_squeeze %dma_start3A_574 : memref<1x32xi32, #tpu.memory_space<vmem>> -> memref<32xi32, #tpu.memory_space<vmem>>
        %dma_start3A_576 = arith.constant 0 : i32
        %dma_start3A_577 = arith.constant 0 : i32
        %dma_start3A_578 = tpu.memref_slice %arg2[%dma_start3A_576, %dma_start3A_577] : memref<10240x128xf32, #tpu.memory_space<hbm>> -> memref<10240x128xf32, #tpu.memory_space<hbm>>
        tpu.enqueue_indirect_dma source(%dma_start3A_578 : memref<10240x128xf32, #tpu.memory_space<hbm>>) target(%dma_start3A_572 : memref<32x128xf32, #tpu.memory_space<vmem>>) offsets(%dma_start3A_575 : memref<32xi32, #tpu.memory_space<vmem>>) semaphore(%arg18 : memref<!tpu.dma_semaphore, #tpu.memory_space<semaphore_mem>>)
      } else {
      }
      %mul3A_522 = arith.constant 8 : i32
      %mul3A_523 = arith.muli %mul3A_522, %while3A_177 : i32
      %add3A_524 = arith.constant 6 : i32
      %add3A_525 = arith.addi %mul3A_523, %add3A_524 : i32
      %dma_wait3A_526 = arith.constant 6 : i32
      %dma_wait3A_527 = arith.constant 0 : i32
      %dma_wait3A_528 = arith.constant 0 : i32
      %dma_wait3A_529 = arith.constant 0 : i32
      %dma_wait3A_530 = tpu.memref_slice %arg10[%dma_wait3A_526, %dma_wait3A_528, %dma_wait3A_529] : memref<8x32x128xf32, #tpu.memory_space<vmem>> -> memref<1x32x128xf32, #tpu.memory_space<vmem>>
      %dma_wait3A_531 = tpu.memref_squeeze %dma_wait3A_530 : memref<1x32x128xf32, #tpu.memory_space<vmem>> -> memref<32x128xf32, #tpu.memory_space<vmem>>
      %dma_wait3A_532 = arith.constant 0 : i32
      %dma_wait3A_533 = tpu.memref_slice %arg8[%dma_wait3A_527, %dma_wait3A_532] : memref<644x32xi32, #tpu.memory_space<vmem>> -> memref<1x32xi32, #tpu.memory_space<vmem>>
      %dma_wait3A_534 = tpu.memref_squeeze %dma_wait3A_533 : memref<1x32xi32, #tpu.memory_space<vmem>> -> memref<32xi32, #tpu.memory_space<vmem>>
      %dma_wait3A_535 = arith.constant 0 : i32
      %dma_wait3A_536 = arith.constant 0 : i32
      %dma_wait3A_537 = tpu.memref_slice %arg12[%dma_wait3A_535, %dma_wait3A_536] : memref<5248x128xf32, #tpu.memory_space<vmem_shared>> -> memref<5248x128xf32, #tpu.memory_space<vmem_shared>>
      tpu.wait_indirect_dma semaphore(%arg27 : memref<!tpu.dma_semaphore, #tpu.memory_space<semaphore_mem>>) src(%dma_wait3A_531 : memref<32x128xf32, #tpu.memory_space<vmem>>) dst(%dma_wait3A_537 : memref<5248x128xf32, #tpu.memory_space<vmem_shared>>)
      %add3A_538 = arith.constant 8 : i32
      %add3A_539 = arith.addi %add3A_525, %add3A_538 : i32
      %lt3A_540 = arith.cmpi slt, %add3A_539, %mul3A_56 : i32
      %convert_element_type3A_541 = arith.extui %lt3A_540 : i1 to i32
      %cond3A_542 = arith.constant 0 : i32
      %cond3A_543 = arith.cmpi ne, %convert_element_type3A_541, %cond3A_542 : i32
      scf.if %cond3A_543 {
        %add3A_566 = arith.constant 8 : i32
        %add3A_567 = arith.addi %add3A_525, %add3A_566 : i32
        %dma_start3A_568 = arith.constant 6 : i32
        %dma_start3A_569 = arith.constant 0 : i32
        %dma_start3A_570 = arith.constant 0 : i32
        %dma_start3A_571 = tpu.memref_slice %arg10[%dma_start3A_568, %dma_start3A_569, %dma_start3A_570] : memref<8x32x128xf32, #tpu.memory_space<vmem>> -> memref<1x32x128xf32, #tpu.memory_space<vmem>>
        %dma_start3A_572 = tpu.memref_squeeze %dma_start3A_571 : memref<1x32x128xf32, #tpu.memory_space<vmem>> -> memref<32x128xf32, #tpu.memory_space<vmem>>
        %dma_start3A_573 = arith.constant 0 : i32
        %dma_start3A_574 = tpu.memref_slice %arg7[%add3A_567, %dma_start3A_573] : memref<644x32xi32, #tpu.memory_space<vmem>> -> memref<1x32xi32, #tpu.memory_space<vmem>>
        %dma_start3A_575 = tpu.memref_squeeze %dma_start3A_574 : memref<1x32xi32, #tpu.memory_space<vmem>> -> memref<32xi32, #tpu.memory_space<vmem>>
        %dma_start3A_576 = arith.constant 0 : i32
        %dma_start3A_577 = arith.constant 0 : i32
        %dma_start3A_578 = tpu.memref_slice %arg2[%dma_start3A_576, %dma_start3A_577] : memref<10240x128xf32, #tpu.memory_space<hbm>> -> memref<10240x128xf32, #tpu.memory_space<hbm>>
        tpu.enqueue_indirect_dma source(%dma_start3A_578 : memref<10240x128xf32, #tpu.memory_space<hbm>>) target(%dma_start3A_572 : memref<32x128xf32, #tpu.memory_space<vmem>>) offsets(%dma_start3A_575 : memref<32xi32, #tpu.memory_space<vmem>>) semaphore(%arg19 : memref<!tpu.dma_semaphore, #tpu.memory_space<semaphore_mem>>)
      } else {
      }
      %mul3A_544 = arith.constant 8 : i32
      %mul3A_545 = arith.muli %mul3A_544, %while3A_177 : i32
      %add3A_546 = arith.constant 7 : i32
      %add3A_547 = arith.addi %mul3A_545, %add3A_546 : i32
      %dma_wait3A_548 = arith.constant 7 : i32
      %dma_wait3A_549 = arith.constant 0 : i32
      %dma_wait3A_550 = arith.constant 0 : i32
      %dma_wait3A_551 = arith.constant 0 : i32
      %dma_wait3A_552 = tpu.memref_slice %arg10[%dma_wait3A_548, %dma_wait3A_550, %dma_wait3A_551] : memref<8x32x128xf32, #tpu.memory_space<vmem>> -> memref<1x32x128xf32, #tpu.memory_space<vmem>>
      %dma_wait3A_553 = tpu.memref_squeeze %dma_wait3A_552 : memref<1x32x128xf32, #tpu.memory_space<vmem>> -> memref<32x128xf32, #tpu.memory_space<vmem>>
      %dma_wait3A_554 = arith.constant 0 : i32
      %dma_wait3A_555 = tpu.memref_slice %arg8[%dma_wait3A_549, %dma_wait3A_554] : memref<644x32xi32, #tpu.memory_space<vmem>> -> memref<1x32xi32, #tpu.memory_space<vmem>>
      %dma_wait3A_556 = tpu.memref_squeeze %dma_wait3A_555 : memref<1x32xi32, #tpu.memory_space<vmem>> -> memref<32xi32, #tpu.memory_space<vmem>>
      %dma_wait3A_557 = arith.constant 0 : i32
      %dma_wait3A_558 = arith.constant 0 : i32
      %dma_wait3A_559 = tpu.memref_slice %arg12[%dma_wait3A_557, %dma_wait3A_558] : memref<5248x128xf32, #tpu.memory_space<vmem_shared>> -> memref<5248x128xf32, #tpu.memory_space<vmem_shared>>
      tpu.wait_indirect_dma semaphore(%arg28 : memref<!tpu.dma_semaphore, #tpu.memory_space<semaphore_mem>>) src(%dma_wait3A_553 : memref<32x128xf32, #tpu.memory_space<vmem>>) dst(%dma_wait3A_559 : memref<5248x128xf32, #tpu.memory_space<vmem_shared>>)
      %add3A_560 = arith.constant 8 : i32
      %add3A_561 = arith.addi %add3A_547, %add3A_560 : i32
      %lt3A_562 = arith.cmpi slt, %add3A_561, %mul3A_56 : i32
      %convert_element_type3A_563 = arith.extui %lt3A_562 : i1 to i32
      %cond3A_564 = arith.constant 0 : i32
      %cond3A_565 = arith.cmpi ne, %convert_element_type3A_563, %cond3A_564 : i32
      scf.if %cond3A_565 {
        %add3A_566 = arith.constant 8 : i32
        %add3A_567 = arith.addi %add3A_547, %add3A_566 : i32
        %dma_start3A_568 = arith.constant 7 : i32
        %dma_start3A_569 = arith.constant 0 : i32
        %dma_start3A_570 = arith.constant 0 : i32
        %dma_start3A_571 = tpu.memref_slice %arg10[%dma_start3A_568, %dma_start3A_569, %dma_start3A_570] : memref<8x32x128xf32, #tpu.memory_space<vmem>> -> memref<1x32x128xf32, #tpu.memory_space<vmem>>
        %dma_start3A_572 = tpu.memref_squeeze %dma_start3A_571 : memref<1x32x128xf32, #tpu.memory_space<vmem>> -> memref<32x128xf32, #tpu.memory_space<vmem>>
        %dma_start3A_573 = arith.constant 0 : i32
        %dma_start3A_574 = tpu.memref_slice %arg7[%add3A_567, %dma_start3A_573] : memref<644x32xi32, #tpu.memory_space<vmem>> -> memref<1x32xi32, #tpu.memory_space<vmem>>
        %dma_start3A_575 = tpu.memref_squeeze %dma_start3A_574 : memref<1x32xi32, #tpu.memory_space<vmem>> -> memref<32xi32, #tpu.memory_space<vmem>>
        %dma_start3A_576 = arith.constant 0 : i32
        %dma_start3A_577 = arith.constant 0 : i32
        %dma_start3A_578 = tpu.memref_slice %arg2[%dma_start3A_576, %dma_start3A_577] : memref<10240x128xf32, #tpu.memory_space<hbm>> -> memref<10240x128xf32, #tpu.memory_space<hbm>>
        tpu.enqueue_indirect_dma source(%dma_start3A_578 : memref<10240x128xf32, #tpu.memory_space<hbm>>) target(%dma_start3A_572 : memref<32x128xf32, #tpu.memory_space<vmem>>) offsets(%dma_start3A_575 : memref<32xi32, #tpu.memory_space<vmem>>) semaphore(%arg20 : memref<!tpu.dma_semaphore, #tpu.memory_space<semaphore_mem>>)
      } else {
      }
    }
    %while3A_170 = arith.constant 1 : i32
    scf.for %while3A_177 = %while3A_168 to %while3A_164 step %while3A_170  : i32 {
      %mul3A_178 = arith.constant 8 : i32
      %mul3A_179 = arith.muli %mul3A_178, %while3A_177 : i32
      %add3A_180 = arith.constant 0 : i32
      %add3A_181 = arith.addi %mul3A_179, %add3A_180 : i32
      %dma_wait3A = arith.constant 0 : i32
      %dma_wait3A_182 = arith.constant 0 : i32
      %dma_wait3A_183 = arith.constant 0 : i32
      %dma_wait3A_184 = arith.constant 0 : i32
      %dma_wait3A_185 = tpu.memref_slice %arg10[%dma_wait3A_182, %dma_wait3A_183, %dma_wait3A_184] : memref<8x32x128xf32, #tpu.memory_space<vmem>> -> memref<1x32x128xf32, #tpu.memory_space<vmem>>
      %dma_wait3A_186 = tpu.memref_squeeze %dma_wait3A_185 : memref<1x32x128xf32, #tpu.memory_space<vmem>> -> memref<32x128xf32, #tpu.memory_space<vmem>>
      %dma_wait3A_187 = arith.constant 0 : i32
      %dma_wait3A_188 = tpu.memref_slice %arg7[%dma_wait3A, %dma_wait3A_187] : memref<644x32xi32, #tpu.memory_space<vmem>> -> memref<1x32xi32, #tpu.memory_space<vmem>>
      %dma_wait3A_189 = tpu.memref_squeeze %dma_wait3A_188 : memref<1x32xi32, #tpu.memory_space<vmem>> -> memref<32xi32, #tpu.memory_space<vmem>>
      %dma_wait3A_190 = arith.constant 0 : i32
      %dma_wait3A_191 = arith.constant 0 : i32
      %dma_wait3A_192 = tpu.memref_slice %arg2[%dma_wait3A_190, %dma_wait3A_191] : memref<10240x128xf32, #tpu.memory_space<hbm>> -> memref<10240x128xf32, #tpu.memory_space<hbm>>
      tpu.wait_indirect_dma semaphore(%arg13 : memref<!tpu.dma_semaphore, #tpu.memory_space<semaphore_mem>>) src(%dma_wait3A_192 : memref<10240x128xf32, #tpu.memory_space<hbm>>) dst(%dma_wait3A_186 : memref<32x128xf32, #tpu.memory_space<vmem>>)
      %dma_start3A_193 = arith.constant 0 : i32
      %dma_start3A_194 = arith.constant 0 : i32
      %dma_start3A_195 = arith.constant 0 : i32
      %dma_start3A_196 = tpu.memref_slice %arg10[%dma_start3A_193, %dma_start3A_194, %dma_start3A_195] : memref<8x32x128xf32, #tpu.memory_space<vmem>> -> memref<1x32x128xf32, #tpu.memory_space<vmem>>
      %dma_start3A_197 = tpu.memref_squeeze %dma_start3A_196 : memref<1x32x128xf32, #tpu.memory_space<vmem>> -> memref<32x128xf32, #tpu.memory_space<vmem>>
      %dma_start3A_198 = arith.constant 0 : i32
      %dma_start3A_199 = tpu.memref_slice %arg8[%add3A_181, %dma_start3A_198] : memref<644x32xi32, #tpu.memory_space<vmem>> -> memref<1x32xi32, #tpu.memory_space<vmem>>
      %dma_start3A_200 = tpu.memref_squeeze %dma_start3A_199 : memref<1x32xi32, #tpu.memory_space<vmem>> -> memref<32xi32, #tpu.memory_space<vmem>>
      %dma_start3A_201 = arith.constant 0 : i32
      %dma_start3A_202 = arith.constant 0 : i32
      %dma_start3A_203 = tpu.memref_slice %arg12[%dma_start3A_201, %dma_start3A_202] : memref<5248x128xf32, #tpu.memory_space<vmem_shared>> -> memref<5248x128xf32, #tpu.memory_space<vmem_shared>>
      tpu.enqueue_indirect_dma source(%dma_start3A_197 : memref<32x128xf32, #tpu.memory_space<vmem>>) target(%dma_start3A_203 : memref<5248x128xf32, #tpu.memory_space<vmem_shared>>) offsets(%dma_start3A_200 : memref<32xi32, #tpu.memory_space<vmem>>) semaphore(%arg21 : memref<!tpu.dma_semaphore, #tpu.memory_space<semaphore_mem>>) {add = true}
      %mul3A_204 = arith.constant 8 : i32
      %mul3A_205 = arith.muli %mul3A_204, %while3A_177 : i32
      %add3A_206 = arith.constant 1 : i32
      %add3A_207 = arith.addi %mul3A_205, %add3A_206 : i32
      %dma_wait3A_208 = arith.constant 0 : i32
      %dma_wait3A_209 = arith.constant 1 : i32
      %dma_wait3A_210 = arith.constant 0 : i32
      %dma_wait3A_211 = arith.constant 0 : i32
      %dma_wait3A_212 = tpu.memref_slice %arg10[%dma_wait3A_209, %dma_wait3A_210, %dma_wait3A_211] : memref<8x32x128xf32, #tpu.memory_space<vmem>> -> memref<1x32x128xf32, #tpu.memory_space<vmem>>
      %dma_wait3A_213 = tpu.memref_squeeze %dma_wait3A_212 : memref<1x32x128xf32, #tpu.memory_space<vmem>> -> memref<32x128xf32, #tpu.memory_space<vmem>>
      %dma_wait3A_214 = arith.constant 0 : i32
      %dma_wait3A_215 = tpu.memref_slice %arg7[%dma_wait3A_208, %dma_wait3A_214] : memref<644x32xi32, #tpu.memory_space<vmem>> -> memref<1x32xi32, #tpu.memory_space<vmem>>
      %dma_wait3A_216 = tpu.memref_squeeze %dma_wait3A_215 : memref<1x32xi32, #tpu.memory_space<vmem>> -> memref<32xi32, #tpu.memory_space<vmem>>
      %dma_wait3A_217 = arith.constant 0 : i32
      %dma_wait3A_218 = arith.constant 0 : i32
      %dma_wait3A_219 = tpu.memref_slice %arg2[%dma_wait3A_217, %dma_wait3A_218] : memref<10240x128xf32, #tpu.memory_space<hbm>> -> memref<10240x128xf32, #tpu.memory_space<hbm>>
      tpu.wait_indirect_dma semaphore(%arg14 : memref<!tpu.dma_semaphore, #tpu.memory_space<semaphore_mem>>) src(%dma_wait3A_219 : memref<10240x128xf32, #tpu.memory_space<hbm>>) dst(%dma_wait3A_213 : memref<32x128xf32, #tpu.memory_space<vmem>>)
      %dma_start3A_220 = arith.constant 1 : i32
      %dma_start3A_221 = arith.constant 0 : i32
      %dma_start3A_222 = arith.constant 0 : i32
      %dma_start3A_223 = tpu.memref_slice %arg10[%dma_start3A_220, %dma_start3A_221, %dma_start3A_222] : memref<8x32x128xf32, #tpu.memory_space<vmem>> -> memref<1x32x128xf32, #tpu.memory_space<vmem>>
      %dma_start3A_224 = tpu.memref_squeeze %dma_start3A_223 : memref<1x32x128xf32, #tpu.memory_space<vmem>> -> memref<32x128xf32, #tpu.memory_space<vmem>>
      %dma_start3A_225 = arith.constant 0 : i32
      %dma_start3A_226 = tpu.memref_slice %arg8[%add3A_207, %dma_start3A_225] : memref<644x32xi32, #tpu.memory_space<vmem>> -> memref<1x32xi32, #tpu.memory_space<vmem>>
      %dma_start3A_227 = tpu.memref_squeeze %dma_start3A_226 : memref<1x32xi32, #tpu.memory_space<vmem>> -> memref<32xi32, #tpu.memory_space<vmem>>
      %dma_start3A_228 = arith.constant 0 : i32
      %dma_start3A_229 = arith.constant 0 : i32
      %dma_start3A_230 = tpu.memref_slice %arg12[%dma_start3A_228, %dma_start3A_229] : memref<5248x128xf32, #tpu.memory_space<vmem_shared>> -> memref<5248x128xf32, #tpu.memory_space<vmem_shared>>
      tpu.enqueue_indirect_dma source(%dma_start3A_224 : memref<32x128xf32, #tpu.memory_space<vmem>>) target(%dma_start3A_230 : memref<5248x128xf32, #tpu.memory_space<vmem_shared>>) offsets(%dma_start3A_227 : memref<32xi32, #tpu.memory_space<vmem>>) semaphore(%arg22 : memref<!tpu.dma_semaphore, #tpu.memory_space<semaphore_mem>>) {add = true}
      %mul3A_231 = arith.constant 8 : i32
      %mul3A_232 = arith.muli %mul3A_231, %while3A_177 : i32
      %add3A_233 = arith.constant 2 : i32
      %add3A_234 = arith.addi %mul3A_232, %add3A_233 : i32
      %dma_wait3A_235 = arith.constant 0 : i32
      %dma_wait3A_236 = arith.constant 2 : i32
      %dma_wait3A_237 = arith.constant 0 : i32
      %dma_wait3A_238 = arith.constant 0 : i32
      %dma_wait3A_239 = tpu.memref_slice %arg10[%dma_wait3A_236, %dma_wait3A_237, %dma_wait3A_238] : memref<8x32x128xf32, #tpu.memory_space<vmem>> -> memref<1x32x128xf32, #tpu.memory_space<vmem>>
      %dma_wait3A_240 = tpu.memref_squeeze %dma_wait3A_239 : memref<1x32x128xf32, #tpu.memory_space<vmem>> -> memref<32x128xf32, #tpu.memory_space<vmem>>
      %dma_wait3A_241 = arith.constant 0 : i32
      %dma_wait3A_242 = tpu.memref_slice %arg7[%dma_wait3A_235, %dma_wait3A_241] : memref<644x32xi32, #tpu.memory_space<vmem>> -> memref<1x32xi32, #tpu.memory_space<vmem>>
      %dma_wait3A_243 = tpu.memref_squeeze %dma_wait3A_242 : memref<1x32xi32, #tpu.memory_space<vmem>> -> memref<32xi32, #tpu.memory_space<vmem>>
      %dma_wait3A_244 = arith.constant 0 : i32
      %dma_wait3A_245 = arith.constant 0 : i32
      %dma_wait3A_246 = tpu.memref_slice %arg2[%dma_wait3A_244, %dma_wait3A_245] : memref<10240x128xf32, #tpu.memory_space<hbm>> -> memref<10240x128xf32, #tpu.memory_space<hbm>>
      tpu.wait_indirect_dma semaphore(%arg15 : memref<!tpu.dma_semaphore, #tpu.memory_space<semaphore_mem>>) src(%dma_wait3A_246 : memref<10240x128xf32, #tpu.memory_space<hbm>>) dst(%dma_wait3A_240 : memref<32x128xf32, #tpu.memory_space<vmem>>)
      %dma_start3A_247 = arith.constant 2 : i32
      %dma_start3A_248 = arith.constant 0 : i32
      %dma_start3A_249 = arith.constant 0 : i32
      %dma_start3A_250 = tpu.memref_slice %arg10[%dma_start3A_247, %dma_start3A_248, %dma_start3A_249] : memref<8x32x128xf32, #tpu.memory_space<vmem>> -> memref<1x32x128xf32, #tpu.memory_space<vmem>>
      %dma_start3A_251 = tpu.memref_squeeze %dma_start3A_250 : memref<1x32x128xf32, #tpu.memory_space<vmem>> -> memref<32x128xf32, #tpu.memory_space<vmem>>
      %dma_start3A_252 = arith.constant 0 : i32
      %dma_start3A_253 = tpu.memref_slice %arg8[%add3A_234, %dma_start3A_252] : memref<644x32xi32, #tpu.memory_space<vmem>> -> memref<1x32xi32, #tpu.memory_space<vmem>>
      %dma_start3A_254 = tpu.memref_squeeze %dma_start3A_253 : memref<1x32xi32, #tpu.memory_space<vmem>> -> memref<32xi32, #tpu.memory_space<vmem>>
      %dma_start3A_255 = arith.constant 0 : i32
      %dma_start3A_256 = arith.constant 0 : i32
      %dma_start3A_257 = tpu.memref_slice %arg12[%dma_start3A_255, %dma_start3A_256] : memref<5248x128xf32, #tpu.memory_space<vmem_shared>> -> memref<5248x128xf32, #tpu.memory_space<vmem_shared>>
      tpu.enqueue_indirect_dma source(%dma_start3A_251 : memref<32x128xf32, #tpu.memory_space<vmem>>) target(%dma_start3A_257 : memref<5248x128xf32, #tpu.memory_space<vmem_shared>>) offsets(%dma_start3A_254 : memref<32xi32, #tpu.memory_space<vmem>>) semaphore(%arg23 : memref<!tpu.dma_semaphore, #tpu.memory_space<semaphore_mem>>) {add = true}
      %mul3A_258 = arith.constant 8 : i32
      %mul3A_259 = arith.muli %mul3A_258, %while3A_177 : i32
      %add3A_260 = arith.constant 3 : i32
      %add3A_261 = arith.addi %mul3A_259, %add3A_260 : i32
      %dma_wait3A_262 = arith.constant 0 : i32
      %dma_wait3A_263 = arith.constant 3 : i32
      %dma_wait3A_264 = arith.constant 0 : i32
      %dma_wait3A_265 = arith.constant 0 : i32
      %dma_wait3A_266 = tpu.memref_slice %arg10[%dma_wait3A_263, %dma_wait3A_264, %dma_wait3A_265] : memref<8x32x128xf32, #tpu.memory_space<vmem>> -> memref<1x32x128xf32, #tpu.memory_space<vmem>>
      %dma_wait3A_267 = tpu.memref_squeeze %dma_wait3A_266 : memref<1x32x128xf32, #tpu.memory_space<vmem>> -> memref<32x128xf32, #tpu.memory_space<vmem>>
      %dma_wait3A_268 = arith.constant 0 : i32
      %dma_wait3A_269 = tpu.memref_slice %arg7[%dma_wait3A_262, %dma_wait3A_268] : memref<644x32xi32, #tpu.memory_space<vmem>> -> memref<1x32xi32, #tpu.memory_space<vmem>>
      %dma_wait3A_270 = tpu.memref_squeeze %dma_wait3A_269 : memref<1x32xi32, #tpu.memory_space<vmem>> -> memref<32xi32, #tpu.memory_space<vmem>>
      %dma_wait3A_271 = arith.constant 0 : i32
      %dma_wait3A_272 = arith.constant 0 : i32
      %dma_wait3A_273 = tpu.memref_slice %arg2[%dma_wait3A_271, %dma_wait3A_272] : memref<10240x128xf32, #tpu.memory_space<hbm>> -> memref<10240x128xf32, #tpu.memory_space<hbm>>
      tpu.wait_indirect_dma semaphore(%arg16 : memref<!tpu.dma_semaphore, #tpu.memory_space<semaphore_mem>>) src(%dma_wait3A_273 : memref<10240x128xf32, #tpu.memory_space<hbm>>) dst(%dma_wait3A_267 : memref<32x128xf32, #tpu.memory_space<vmem>>)
      %dma_start3A_274 = arith.constant 3 : i32
      %dma_start3A_275 = arith.constant 0 : i32
      %dma_start3A_276 = arith.constant 0 : i32
      %dma_start3A_277 = tpu.memref_slice %arg10[%dma_start3A_274, %dma_start3A_275, %dma_start3A_276] : memref<8x32x128xf32, #tpu.memory_space<vmem>> -> memref<1x32x128xf32, #tpu.memory_space<vmem>>
      %dma_start3A_278 = tpu.memref_squeeze %dma_start3A_277 : memref<1x32x128xf32, #tpu.memory_space<vmem>> -> memref<32x128xf32, #tpu.memory_space<vmem>>
      %dma_start3A_279 = arith.constant 0 : i32
      %dma_start3A_280 = tpu.memref_slice %arg8[%add3A_261, %dma_start3A_279] : memref<644x32xi32, #tpu.memory_space<vmem>> -> memref<1x32xi32, #tpu.memory_space<vmem>>
      %dma_start3A_281 = tpu.memref_squeeze %dma_start3A_280 : memref<1x32xi32, #tpu.memory_space<vmem>> -> memref<32xi32, #tpu.memory_space<vmem>>
      %dma_start3A_282 = arith.constant 0 : i32
      %dma_start3A_283 = arith.constant 0 : i32
      %dma_start3A_284 = tpu.memref_slice %arg12[%dma_start3A_282, %dma_start3A_283] : memref<5248x128xf32, #tpu.memory_space<vmem_shared>> -> memref<5248x128xf32, #tpu.memory_space<vmem_shared>>
      tpu.enqueue_indirect_dma source(%dma_start3A_278 : memref<32x128xf32, #tpu.memory_space<vmem>>) target(%dma_start3A_284 : memref<5248x128xf32, #tpu.memory_space<vmem_shared>>) offsets(%dma_start3A_281 : memref<32xi32, #tpu.memory_space<vmem>>) semaphore(%arg24 : memref<!tpu.dma_semaphore, #tpu.memory_space<semaphore_mem>>) {add = true}
      %mul3A_285 = arith.constant 8 : i32
      %mul3A_286 = arith.muli %mul3A_285, %while3A_177 : i32
      %add3A_287 = arith.constant 4 : i32
      %add3A_288 = arith.addi %mul3A_286, %add3A_287 : i32
      %dma_wait3A_289 = arith.constant 0 : i32
      %dma_wait3A_290 = arith.constant 4 : i32
      %dma_wait3A_291 = arith.constant 0 : i32
      %dma_wait3A_292 = arith.constant 0 : i32
      %dma_wait3A_293 = tpu.memref_slice %arg10[%dma_wait3A_290, %dma_wait3A_291, %dma_wait3A_292] : memref<8x32x128xf32, #tpu.memory_space<vmem>> -> memref<1x32x128xf32, #tpu.memory_space<vmem>>
      %dma_wait3A_294 = tpu.memref_squeeze %dma_wait3A_293 : memref<1x32x128xf32, #tpu.memory_space<vmem>> -> memref<32x128xf32, #tpu.memory_space<vmem>>
      %dma_wait3A_295 = arith.constant 0 : i32
      %dma_wait3A_296 = tpu.memref_slice %arg7[%dma_wait3A_289, %dma_wait3A_295] : memref<644x32xi32, #tpu.memory_space<vmem>> -> memref<1x32xi32, #tpu.memory_space<vmem>>
      %dma_wait3A_297 = tpu.memref_squeeze %dma_wait3A_296 : memref<1x32xi32, #tpu.memory_space<vmem>> -> memref<32xi32, #tpu.memory_space<vmem>>
      %dma_wait3A_298 = arith.constant 0 : i32
      %dma_wait3A_299 = arith.constant 0 : i32
      %dma_wait3A_300 = tpu.memref_slice %arg2[%dma_wait3A_298, %dma_wait3A_299] : memref<10240x128xf32, #tpu.memory_space<hbm>> -> memref<10240x128xf32, #tpu.memory_space<hbm>>
      tpu.wait_indirect_dma semaphore(%arg17 : memref<!tpu.dma_semaphore, #tpu.memory_space<semaphore_mem>>) src(%dma_wait3A_300 : memref<10240x128xf32, #tpu.memory_space<hbm>>) dst(%dma_wait3A_294 : memref<32x128xf32, #tpu.memory_space<vmem>>)
      %dma_start3A_301 = arith.constant 4 : i32
      %dma_start3A_302 = arith.constant 0 : i32
      %dma_start3A_303 = arith.constant 0 : i32
      %dma_start3A_304 = tpu.memref_slice %arg10[%dma_start3A_301, %dma_start3A_302, %dma_start3A_303] : memref<8x32x128xf32, #tpu.memory_space<vmem>> -> memref<1x32x128xf32, #tpu.memory_space<vmem>>
      %dma_start3A_305 = tpu.memref_squeeze %dma_start3A_304 : memref<1x32x128xf32, #tpu.memory_space<vmem>> -> memref<32x128xf32, #tpu.memory_space<vmem>>
      %dma_start3A_306 = arith.constant 0 : i32
      %dma_start3A_307 = tpu.memref_slice %arg8[%add3A_288, %dma_start3A_306] : memref<644x32xi32, #tpu.memory_space<vmem>> -> memref<1x32xi32, #tpu.memory_space<vmem>>
      %dma_start3A_308 = tpu.memref_squeeze %dma_start3A_307 : memref<1x32xi32, #tpu.memory_space<vmem>> -> memref<32xi32, #tpu.memory_space<vmem>>
      %dma_start3A_309 = arith.constant 0 : i32
      %dma_start3A_310 = arith.constant 0 : i32
      %dma_start3A_311 = tpu.memref_slice %arg12[%dma_start3A_309, %dma_start3A_310] : memref<5248x128xf32, #tpu.memory_space<vmem_shared>> -> memref<5248x128xf32, #tpu.memory_space<vmem_shared>>
      tpu.enqueue_indirect_dma source(%dma_start3A_305 : memref<32x128xf32, #tpu.memory_space<vmem>>) target(%dma_start3A_311 : memref<5248x128xf32, #tpu.memory_space<vmem_shared>>) offsets(%dma_start3A_308 : memref<32xi32, #tpu.memory_space<vmem>>) semaphore(%arg25 : memref<!tpu.dma_semaphore, #tpu.memory_space<semaphore_mem>>) {add = true}
      %mul3A_312 = arith.constant 8 : i32
      %mul3A_313 = arith.muli %mul3A_312, %while3A_177 : i32
      %add3A_314 = arith.constant 5 : i32
      %add3A_315 = arith.addi %mul3A_313, %add3A_314 : i32
      %dma_wait3A_316 = arith.constant 0 : i32
      %dma_wait3A_317 = arith.constant 5 : i32
      %dma_wait3A_318 = arith.constant 0 : i32
      %dma_wait3A_319 = arith.constant 0 : i32
      %dma_wait3A_320 = tpu.memref_slice %arg10[%dma_wait3A_317, %dma_wait3A_318, %dma_wait3A_319] : memref<8x32x128xf32, #tpu.memory_space<vmem>> -> memref<1x32x128xf32, #tpu.memory_space<vmem>>
      %dma_wait3A_321 = tpu.memref_squeeze %dma_wait3A_320 : memref<1x32x128xf32, #tpu.memory_space<vmem>> -> memref<32x128xf32, #tpu.memory_space<vmem>>
      %dma_wait3A_322 = arith.constant 0 : i32
      %dma_wait3A_323 = tpu.memref_slice %arg7[%dma_wait3A_316, %dma_wait3A_322] : memref<644x32xi32, #tpu.memory_space<vmem>> -> memref<1x32xi32, #tpu.memory_space<vmem>>
      %dma_wait3A_324 = tpu.memref_squeeze %dma_wait3A_323 : memref<1x32xi32, #tpu.memory_space<vmem>> -> memref<32xi32, #tpu.memory_space<vmem>>
      %dma_wait3A_325 = arith.constant 0 : i32
      %dma_wait3A_326 = arith.constant 0 : i32
      %dma_wait3A_327 = tpu.memref_slice %arg2[%dma_wait3A_325, %dma_wait3A_326] : memref<10240x128xf32, #tpu.memory_space<hbm>> -> memref<10240x128xf32, #tpu.memory_space<hbm>>
      tpu.wait_indirect_dma semaphore(%arg18 : memref<!tpu.dma_semaphore, #tpu.memory_space<semaphore_mem>>) src(%dma_wait3A_327 : memref<10240x128xf32, #tpu.memory_space<hbm>>) dst(%dma_wait3A_321 : memref<32x128xf32, #tpu.memory_space<vmem>>)
      %dma_start3A_328 = arith.constant 5 : i32
      %dma_start3A_329 = arith.constant 0 : i32
      %dma_start3A_330 = arith.constant 0 : i32
      %dma_start3A_331 = tpu.memref_slice %arg10[%dma_start3A_328, %dma_start3A_329, %dma_start3A_330] : memref<8x32x128xf32, #tpu.memory_space<vmem>> -> memref<1x32x128xf32, #tpu.memory_space<vmem>>
      %dma_start3A_332 = tpu.memref_squeeze %dma_start3A_331 : memref<1x32x128xf32, #tpu.memory_space<vmem>> -> memref<32x128xf32, #tpu.memory_space<vmem>>
      %dma_start3A_333 = arith.constant 0 : i32
      %dma_start3A_334 = tpu.memref_slice %arg8[%add3A_315, %dma_start3A_333] : memref<644x32xi32, #tpu.memory_space<vmem>> -> memref<1x32xi32, #tpu.memory_space<vmem>>
      %dma_start3A_335 = tpu.memref_squeeze %dma_start3A_334 : memref<1x32xi32, #tpu.memory_space<vmem>> -> memref<32xi32, #tpu.memory_space<vmem>>
      %dma_start3A_336 = arith.constant 0 : i32
      %dma_start3A_337 = arith.constant 0 : i32
      %dma_start3A_338 = tpu.memref_slice %arg12[%dma_start3A_336, %dma_start3A_337] : memref<5248x128xf32, #tpu.memory_space<vmem_shared>> -> memref<5248x128xf32, #tpu.memory_space<vmem_shared>>
      tpu.enqueue_indirect_dma source(%dma_start3A_332 : memref<32x128xf32, #tpu.memory_space<vmem>>) target(%dma_start3A_338 : memref<5248x128xf32, #tpu.memory_space<vmem_shared>>) offsets(%dma_start3A_335 : memref<32xi32, #tpu.memory_space<vmem>>) semaphore(%arg26 : memref<!tpu.dma_semaphore, #tpu.memory_space<semaphore_mem>>) {add = true}
      %mul3A_339 = arith.constant 8 : i32
      %mul3A_340 = arith.muli %mul3A_339, %while3A_177 : i32
      %add3A_341 = arith.constant 6 : i32
      %add3A_342 = arith.addi %mul3A_340, %add3A_341 : i32
      %dma_wait3A_343 = arith.constant 0 : i32
      %dma_wait3A_344 = arith.constant 6 : i32
      %dma_wait3A_345 = arith.constant 0 : i32
      %dma_wait3A_346 = arith.constant 0 : i32
      %dma_wait3A_347 = tpu.memref_slice %arg10[%dma_wait3A_344, %dma_wait3A_345, %dma_wait3A_346] : memref<8x32x128xf32, #tpu.memory_space<vmem>> -> memref<1x32x128xf32, #tpu.memory_space<vmem>>
      %dma_wait3A_348 = tpu.memref_squeeze %dma_wait3A_347 : memref<1x32x128xf32, #tpu.memory_space<vmem>> -> memref<32x128xf32, #tpu.memory_space<vmem>>
      %dma_wait3A_349 = arith.constant 0 : i32
      %dma_wait3A_350 = tpu.memref_slice %arg7[%dma_wait3A_343, %dma_wait3A_349] : memref<644x32xi32, #tpu.memory_space<vmem>> -> memref<1x32xi32, #tpu.memory_space<vmem>>
      %dma_wait3A_351 = tpu.memref_squeeze %dma_wait3A_350 : memref<1x32xi32, #tpu.memory_space<vmem>> -> memref<32xi32, #tpu.memory_space<vmem>>
      %dma_wait3A_352 = arith.constant 0 : i32
      %dma_wait3A_353 = arith.constant 0 : i32
      %dma_wait3A_354 = tpu.memref_slice %arg2[%dma_wait3A_352, %dma_wait3A_353] : memref<10240x128xf32, #tpu.memory_space<hbm>> -> memref<10240x128xf32, #tpu.memory_space<hbm>>
      tpu.wait_indirect_dma semaphore(%arg19 : memref<!tpu.dma_semaphore, #tpu.memory_space<semaphore_mem>>) src(%dma_wait3A_354 : memref<10240x128xf32, #tpu.memory_space<hbm>>) dst(%dma_wait3A_348 : memref<32x128xf32, #tpu.memory_space<vmem>>)
      %dma_start3A_355 = arith.constant 6 : i32
      %dma_start3A_356 = arith.constant 0 : i32
      %dma_start3A_357 = arith.constant 0 : i32
      %dma_start3A_358 = tpu.memref_slice %arg10[%dma_start3A_355, %dma_start3A_356, %dma_start3A_357] : memref<8x32x128xf32, #tpu.memory_space<vmem>> -> memref<1x32x128xf32, #tpu.memory_space<vmem>>
      %dma_start3A_359 = tpu.memref_squeeze %dma_start3A_358 : memref<1x32x128xf32, #tpu.memory_space<vmem>> -> memref<32x128xf32, #tpu.memory_space<vmem>>
      %dma_start3A_360 = arith.constant 0 : i32
      %dma_start3A_361 = tpu.memref_slice %arg8[%add3A_342, %dma_start3A_360] : memref<644x32xi32, #tpu.memory_space<vmem>> -> memref<1x32xi32, #tpu.memory_space<vmem>>
      %dma_start3A_362 = tpu.memref_squeeze %dma_start3A_361 : memref<1x32xi32, #tpu.memory_space<vmem>> -> memref<32xi32, #tpu.memory_space<vmem>>
      %dma_start3A_363 = arith.constant 0 : i32
      %dma_start3A_364 = arith.constant 0 : i32
      %dma_start3A_365 = tpu.memref_slice %arg12[%dma_start3A_363, %dma_start3A_364] : memref<5248x128xf32, #tpu.memory_space<vmem_shared>> -> memref<5248x128xf32, #tpu.memory_space<vmem_shared>>
      tpu.enqueue_indirect_dma source(%dma_start3A_359 : memref<32x128xf32, #tpu.memory_space<vmem>>) target(%dma_start3A_365 : memref<5248x128xf32, #tpu.memory_space<vmem_shared>>) offsets(%dma_start3A_362 : memref<32xi32, #tpu.memory_space<vmem>>) semaphore(%arg27 : memref<!tpu.dma_semaphore, #tpu.memory_space<semaphore_mem>>) {add = true}
      %mul3A_366 = arith.constant 8 : i32
      %mul3A_367 = arith.muli %mul3A_366, %while3A_177 : i32
      %add3A_368 = arith.constant 7 : i32
      %add3A_369 = arith.addi %mul3A_367, %add3A_368 : i32
      %dma_wait3A_370 = arith.constant 0 : i32
      %dma_wait3A_371 = arith.constant 7 : i32
      %dma_wait3A_372 = arith.constant 0 : i32
      %dma_wait3A_373 = arith.constant 0 : i32
      %dma_wait3A_374 = tpu.memref_slice %arg10[%dma_wait3A_371, %dma_wait3A_372, %dma_wait3A_373] : memref<8x32x128xf32, #tpu.memory_space<vmem>> -> memref<1x32x128xf32, #tpu.memory_space<vmem>>
      %dma_wait3A_375 = tpu.memref_squeeze %dma_wait3A_374 : memref<1x32x128xf32, #tpu.memory_space<vmem>> -> memref<32x128xf32, #tpu.memory_space<vmem>>
      %dma_wait3A_376 = arith.constant 0 : i32
      %dma_wait3A_377 = tpu.memref_slice %arg7[%dma_wait3A_370, %dma_wait3A_376] : memref<644x32xi32, #tpu.memory_space<vmem>> -> memref<1x32xi32, #tpu.memory_space<vmem>>
      %dma_wait3A_378 = tpu.memref_squeeze %dma_wait3A_377 : memref<1x32xi32, #tpu.memory_space<vmem>> -> memref<32xi32, #tpu.memory_space<vmem>>
      %dma_wait3A_379 = arith.constant 0 : i32
      %dma_wait3A_380 = arith.constant 0 : i32
      %dma_wait3A_381 = tpu.memref_slice %arg2[%dma_wait3A_379, %dma_wait3A_380] : memref<10240x128xf32, #tpu.memory_space<hbm>> -> memref<10240x128xf32, #tpu.memory_space<hbm>>
      tpu.wait_indirect_dma semaphore(%arg20 : memref<!tpu.dma_semaphore, #tpu.memory_space<semaphore_mem>>) src(%dma_wait3A_381 : memref<10240x128xf32, #tpu.memory_space<hbm>>) dst(%dma_wait3A_375 : memref<32x128xf32, #tpu.memory_space<vmem>>)
      %dma_start3A_382 = arith.constant 7 : i32
      %dma_start3A_383 = arith.constant 0 : i32
      %dma_start3A_384 = arith.constant 0 : i32
      %dma_start3A_385 = tpu.memref_slice %arg10[%dma_start3A_382, %dma_start3A_383, %dma_start3A_384] : memref<8x32x128xf32, #tpu.memory_space<vmem>> -> memref<1x32x128xf32, #tpu.memory_space<vmem>>
      %dma_start3A_386 = tpu.memref_squeeze %dma_start3A_385 : memref<1x32x128xf32, #tpu.memory_space<vmem>> -> memref<32x128xf32, #tpu.memory_space<vmem>>
      %dma_start3A_387 = arith.constant 0 : i32
      %dma_start3A_388 = tpu.memref_slice %arg8[%add3A_369, %dma_start3A_387] : memref<644x32xi32, #tpu.memory_space<vmem>> -> memref<1x32xi32, #tpu.memory_space<vmem>>
      %dma_start3A_389 = tpu.memref_squeeze %dma_start3A_388 : memref<1x32xi32, #tpu.memory_space<vmem>> -> memref<32xi32, #tpu.memory_space<vmem>>
      %dma_start3A_390 = arith.constant 0 : i32
      %dma_start3A_391 = arith.constant 0 : i32
      %dma_start3A_392 = tpu.memref_slice %arg12[%dma_start3A_390, %dma_start3A_391] : memref<5248x128xf32, #tpu.memory_space<vmem_shared>> -> memref<5248x128xf32, #tpu.memory_space<vmem_shared>>
      tpu.enqueue_indirect_dma source(%dma_start3A_386 : memref<32x128xf32, #tpu.memory_space<vmem>>) target(%dma_start3A_392 : memref<5248x128xf32, #tpu.memory_space<vmem_shared>>) offsets(%dma_start3A_389 : memref<32xi32, #tpu.memory_space<vmem>>) semaphore(%arg28 : memref<!tpu.dma_semaphore, #tpu.memory_space<semaphore_mem>>) {add = true}
      %mul3A_393 = arith.constant 8 : i32
      %mul3A_394 = arith.muli %mul3A_393, %while3A_177 : i32
      %add3A_395 = arith.constant 0 : i32
      %add3A_396 = arith.addi %mul3A_394, %add3A_395 : i32
      %dma_wait3A_397 = arith.constant 0 : i32
      %dma_wait3A_398 = arith.constant 0 : i32
      %dma_wait3A_399 = arith.constant 0 : i32
      %dma_wait3A_400 = arith.constant 0 : i32
      %dma_wait3A_401 = tpu.memref_slice %arg10[%dma_wait3A_397, %dma_wait3A_399, %dma_wait3A_400] : memref<8x32x128xf32, #tpu.memory_space<vmem>> -> memref<1x32x128xf32, #tpu.memory_space<vmem>>
      %dma_wait3A_402 = tpu.memref_squeeze %dma_wait3A_401 : memref<1x32x128xf32, #tpu.memory_space<vmem>> -> memref<32x128xf32, #tpu.memory_space<vmem>>
      %dma_wait3A_403 = arith.constant 0 : i32
      %dma_wait3A_404 = tpu.memref_slice %arg8[%dma_wait3A_398, %dma_wait3A_403] : memref<644x32xi32, #tpu.memory_space<vmem>> -> memref<1x32xi32, #tpu.memory_space<vmem>>
      %dma_wait3A_405 = tpu.memref_squeeze %dma_wait3A_404 : memref<1x32xi32, #tpu.memory_space<vmem>> -> memref<32xi32, #tpu.memory_space<vmem>>
      %dma_wait3A_406 = arith.constant 0 : i32
      %dma_wait3A_407 = arith.constant 0 : i32
      %dma_wait3A_408 = tpu.memref_slice %arg12[%dma_wait3A_406, %dma_wait3A_407] : memref<5248x128xf32, #tpu.memory_space<vmem_shared>> -> memref<5248x128xf32, #tpu.memory_space<vmem_shared>>
      tpu.wait_indirect_dma semaphore(%arg21 : memref<!tpu.dma_semaphore, #tpu.memory_space<semaphore_mem>>) src(%dma_wait3A_402 : memref<32x128xf32, #tpu.memory_space<vmem>>) dst(%dma_wait3A_408 : memref<5248x128xf32, #tpu.memory_space<vmem_shared>>)
      %add3A_409 = arith.constant 8 : i32
      %add3A_410 = arith.addi %add3A_396, %add3A_409 : i32
      %lt3A = arith.cmpi slt, %add3A_410, %mul3A_56 : i32
      %convert_element_type3A = arith.extui %lt3A : i1 to i32
      %cond3A = arith.constant 0 : i32
      %cond3A_411 = arith.cmpi ne, %convert_element_type3A, %cond3A : i32
      scf.if %cond3A_411 {
        %add3A_566 = arith.constant 8 : i32
        %add3A_567 = arith.addi %add3A_396, %add3A_566 : i32
        %dma_start3A_568 = arith.constant 0 : i32
        %dma_start3A_569 = arith.constant 0 : i32
        %dma_start3A_570 = arith.constant 0 : i32
        %dma_start3A_571 = tpu.memref_slice %arg10[%dma_start3A_568, %dma_start3A_569, %dma_start3A_570] : memref<8x32x128xf32, #tpu.memory_space<vmem>> -> memref<1x32x128xf32, #tpu.memory_space<vmem>>
        %dma_start3A_572 = tpu.memref_squeeze %dma_start3A_571 : memref<1x32x128xf32, #tpu.memory_space<vmem>> -> memref<32x128xf32, #tpu.memory_space<vmem>>
        %dma_start3A_573 = arith.constant 0 : i32
        %dma_start3A_574 = tpu.memref_slice %arg7[%add3A_567, %dma_start3A_573] : memref<644x32xi32, #tpu.memory_space<vmem>> -> memref<1x32xi32, #tpu.memory_space<vmem>>
        %dma_start3A_575 = tpu.memref_squeeze %dma_start3A_574 : memref<1x32xi32, #tpu.memory_space<vmem>> -> memref<32xi32, #tpu.memory_space<vmem>>
        %dma_start3A_576 = arith.constant 0 : i32
        %dma_start3A_577 = arith.constant 0 : i32
        %dma_start3A_578 = tpu.memref_slice %arg2[%dma_start3A_576, %dma_start3A_577] : memref<10240x128xf32, #tpu.memory_space<hbm>> -> memref<10240x128xf32, #tpu.memory_space<hbm>>
        tpu.enqueue_indirect_dma source(%dma_start3A_578 : memref<10240x128xf32, #tpu.memory_space<hbm>>) target(%dma_start3A_572 : memref<32x128xf32, #tpu.memory_space<vmem>>) offsets(%dma_start3A_575 : memref<32xi32, #tpu.memory_space<vmem>>) semaphore(%arg13 : memref<!tpu.dma_semaphore, #tpu.memory_space<semaphore_mem>>)
      } else {
      }
      %mul3A_412 = arith.constant 8 : i32
      %mul3A_413 = arith.muli %mul3A_412, %while3A_177 : i32
      %add3A_414 = arith.constant 1 : i32
      %add3A_415 = arith.addi %mul3A_413, %add3A_414 : i32
      %dma_wait3A_416 = arith.constant 1 : i32
      %dma_wait3A_417 = arith.constant 0 : i32
      %dma_wait3A_418 = arith.constant 0 : i32
      %dma_wait3A_419 = arith.constant 0 : i32
      %dma_wait3A_420 = tpu.memref_slice %arg10[%dma_wait3A_416, %dma_wait3A_418, %dma_wait3A_419] : memref<8x32x128xf32, #tpu.memory_space<vmem>> -> memref<1x32x128xf32, #tpu.memory_space<vmem>>
      %dma_wait3A_421 = tpu.memref_squeeze %dma_wait3A_420 : memref<1x32x128xf32, #tpu.memory_space<vmem>> -> memref<32x128xf32, #tpu.memory_space<vmem>>
      %dma_wait3A_422 = arith.constant 0 : i32
      %dma_wait3A_423 = tpu.memref_slice %arg8[%dma_wait3A_417, %dma_wait3A_422] : memref<644x32xi32, #tpu.memory_space<vmem>> -> memref<1x32xi32, #tpu.memory_space<vmem>>
      %dma_wait3A_424 = tpu.memref_squeeze %dma_wait3A_423 : memref<1x32xi32, #tpu.memory_space<vmem>> -> memref<32xi32, #tpu.memory_space<vmem>>
      %dma_wait3A_425 = arith.constant 0 : i32
      %dma_wait3A_426 = arith.constant 0 : i32
      %dma_wait3A_427 = tpu.memref_slice %arg12[%dma_wait3A_425, %dma_wait3A_426] : memref<5248x128xf32, #tpu.memory_space<vmem_shared>> -> memref<5248x128xf32, #tpu.memory_space<vmem_shared>>
      tpu.wait_indirect_dma semaphore(%arg22 : memref<!tpu.dma_semaphore, #tpu.memory_space<semaphore_mem>>) src(%dma_wait3A_421 : memref<32x128xf32, #tpu.memory_space<vmem>>) dst(%dma_wait3A_427 : memref<5248x128xf32, #tpu.memory_space<vmem_shared>>)
      %add3A_428 = arith.constant 8 : i32
      %add3A_429 = arith.addi %add3A_415, %add3A_428 : i32
      %lt3A_430 = arith.cmpi slt, %add3A_429, %mul3A_56 : i32
      %convert_element_type3A_431 = arith.extui %lt3A_430 : i1 to i32
      %cond3A_432 = arith.constant 0 : i32
      %cond3A_433 = arith.cmpi ne, %convert_element_type3A_431, %cond3A_432 : i32
      scf.if %cond3A_433 {
        %add3A_566 = arith.constant 8 : i32
        %add3A_567 = arith.addi %add3A_415, %add3A_566 : i32
        %dma_start3A_568 = arith.constant 1 : i32
        %dma_start3A_569 = arith.constant 0 : i32
        %dma_start3A_570 = arith.constant 0 : i32
        %dma_start3A_571 = tpu.memref_slice %arg10[%dma_start3A_568, %dma_start3A_569, %dma_start3A_570] : memref<8x32x128xf32, #tpu.memory_space<vmem>> -> memref<1x32x128xf32, #tpu.memory_space<vmem>>
        %dma_start3A_572 = tpu.memref_squeeze %dma_start3A_571 : memref<1x32x128xf32, #tpu.memory_space<vmem>> -> memref<32x128xf32, #tpu.memory_space<vmem>>
        %dma_start3A_573 = arith.constant 0 : i32
        %dma_start3A_574 = tpu.memref_slice %arg7[%add3A_567, %dma_start3A_573] : memref<644x32xi32, #tpu.memory_space<vmem>> -> memref<1x32xi32, #tpu.memory_space<vmem>>
        %dma_start3A_575 = tpu.memref_squeeze %dma_start3A_574 : memref<1x32xi32, #tpu.memory_space<vmem>> -> memref<32xi32, #tpu.memory_space<vmem>>
        %dma_start3A_576 = arith.constant 0 : i32
        %dma_start3A_577 = arith.constant 0 : i32
        %dma_start3A_578 = tpu.memref_slice %arg2[%dma_start3A_576, %dma_start3A_577] : memref<10240x128xf32, #tpu.memory_space<hbm>> -> memref<10240x128xf32, #tpu.memory_space<hbm>>
        tpu.enqueue_indirect_dma source(%dma_start3A_578 : memref<10240x128xf32, #tpu.memory_space<hbm>>) target(%dma_start3A_572 : memref<32x128xf32, #tpu.memory_space<vmem>>) offsets(%dma_start3A_575 : memref<32xi32, #tpu.memory_space<vmem>>) semaphore(%arg14 : memref<!tpu.dma_semaphore, #tpu.memory_space<semaphore_mem>>)
      } else {
      }
      %mul3A_434 = arith.constant 8 : i32
      %mul3A_435 = arith.muli %mul3A_434, %while3A_177 : i32
      %add3A_436 = arith.constant 2 : i32
      %add3A_437 = arith.addi %mul3A_435, %add3A_436 : i32
      %dma_wait3A_438 = arith.constant 2 : i32
      %dma_wait3A_439 = arith.constant 0 : i32
      %dma_wait3A_440 = arith.constant 0 : i32
      %dma_wait3A_441 = arith.constant 0 : i32
      %dma_wait3A_442 = tpu.memref_slice %arg10[%dma_wait3A_438, %dma_wait3A_440, %dma_wait3A_441] : memref<8x32x128xf32, #tpu.memory_space<vmem>> -> memref<1x32x128xf32, #tpu.memory_space<vmem>>
      %dma_wait3A_443 = tpu.memref_squeeze %dma_wait3A_442 : memref<1x32x128xf32, #tpu.memory_space<vmem>> -> memref<32x128xf32, #tpu.memory_space<vmem>>
      %dma_wait3A_444 = arith.constant 0 : i32
      %dma_wait3A_445 = tpu.memref_slice %arg8[%dma_wait3A_439, %dma_wait3A_444] : memref<644x32xi32, #tpu.memory_space<vmem>> -> memref<1x32xi32, #tpu.memory_space<vmem>>
      %dma_wait3A_446 = tpu.memref_squeeze %dma_wait3A_445 : memref<1x32xi32, #tpu.memory_space<vmem>> -> memref<32xi32, #tpu.memory_space<vmem>>
      %dma_wait3A_447 = arith.constant 0 : i32
      %dma_wait3A_448 = arith.constant 0 : i32
      %dma_wait3A_449 = tpu.memref_slice %arg12[%dma_wait3A_447, %dma_wait3A_448] : memref<5248x128xf32, #tpu.memory_space<vmem_shared>> -> memref<5248x128xf32, #tpu.memory_space<vmem_shared>>
      tpu.wait_indirect_dma semaphore(%arg23 : memref<!tpu.dma_semaphore, #tpu.memory_space<semaphore_mem>>) src(%dma_wait3A_443 : memref<32x128xf32, #tpu.memory_space<vmem>>) dst(%dma_wait3A_449 : memref<5248x128xf32, #tpu.memory_space<vmem_shared>>)
      %add3A_450 = arith.constant 8 : i32
      %add3A_451 = arith.addi %add3A_437, %add3A_450 : i32
      %lt3A_452 = arith.cmpi slt, %add3A_451, %mul3A_56 : i32
      %convert_element_type3A_453 = arith.extui %lt3A_452 : i1 to i32
      %cond3A_454 = arith.constant 0 : i32
      %cond3A_455 = arith.cmpi ne, %convert_element_type3A_453, %cond3A_454 : i32
      scf.if %cond3A_455 {
        %add3A_566 = arith.constant 8 : i32
        %add3A_567 = arith.addi %add3A_437, %add3A_566 : i32
        %dma_start3A_568 = arith.constant 2 : i32
        %dma_start3A_569 = arith.constant 0 : i32
        %dma_start3A_570 = arith.constant 0 : i32
        %dma_start3A_571 = tpu.memref_slice %arg10[%dma_start3A_568, %dma_start3A_569, %dma_start3A_570] : memref<8x32x128xf32, #tpu.memory_space<vmem>> -> memref<1x32x128xf32, #tpu.memory_space<vmem>>
        %dma_start3A_572 = tpu.memref_squeeze %dma_start3A_571 : memref<1x32x128xf32, #tpu.memory_space<vmem>> -> memref<32x128xf32, #tpu.memory_space<vmem>>
        %dma_start3A_573 = arith.constant 0 : i32
        %dma_start3A_574 = tpu.memref_slice %arg7[%add3A_567, %dma_start3A_573] : memref<644x32xi32, #tpu.memory_space<vmem>> -> memref<1x32xi32, #tpu.memory_space<vmem>>
        %dma_start3A_575 = tpu.memref_squeeze %dma_start3A_574 : memref<1x32xi32, #tpu.memory_space<vmem>> -> memref<32xi32, #tpu.memory_space<vmem>>
        %dma_start3A_576 = arith.constant 0 : i32
        %dma_start3A_577 = arith.constant 0 : i32
        %dma_start3A_578 = tpu.memref_slice %arg2[%dma_start3A_576, %dma_start3A_577] : memref<10240x128xf32, #tpu.memory_space<hbm>> -> memref<10240x128xf32, #tpu.memory_space<hbm>>
        tpu.enqueue_indirect_dma source(%dma_start3A_578 : memref<10240x128xf32, #tpu.memory_space<hbm>>) target(%dma_start3A_572 : memref<32x128xf32, #tpu.memory_space<vmem>>) offsets(%dma_start3A_575 : memref<32xi32, #tpu.memory_space<vmem>>) semaphore(%arg15 : memref<!tpu.dma_semaphore, #tpu.memory_space<semaphore_mem>>)
      } else {
      }
      %mul3A_456 = arith.constant 8 : i32
      %mul3A_457 = arith.muli %mul3A_456, %while3A_177 : i32
      %add3A_458 = arith.constant 3 : i32
      %add3A_459 = arith.addi %mul3A_457, %add3A_458 : i32
      %dma_wait3A_460 = arith.constant 3 : i32
      %dma_wait3A_461 = arith.constant 0 : i32
      %dma_wait3A_462 = arith.constant 0 : i32
      %dma_wait3A_463 = arith.constant 0 : i32
      %dma_wait3A_464 = tpu.memref_slice %arg10[%dma_wait3A_460, %dma_wait3A_462, %dma_wait3A_463] : memref<8x32x128xf32, #tpu.memory_space<vmem>> -> memref<1x32x128xf32, #tpu.memory_space<vmem>>
      %dma_wait3A_465 = tpu.memref_squeeze %dma_wait3A_464 : memref<1x32x128xf32, #tpu.memory_space<vmem>> -> memref<32x128xf32, #tpu.memory_space<vmem>>
      %dma_wait3A_466 = arith.constant 0 : i32
      %dma_wait3A_467 = tpu.memref_slice %arg8[%dma_wait3A_461, %dma_wait3A_466] : memref<644x32xi32, #tpu.memory_space<vmem>> -> memref<1x32xi32, #tpu.memory_space<vmem>>
      %dma_wait3A_468 = tpu.memref_squeeze %dma_wait3A_467 : memref<1x32xi32, #tpu.memory_space<vmem>> -> memref<32xi32, #tpu.memory_space<vmem>>
      %dma_wait3A_469 = arith.constant 0 : i32
      %dma_wait3A_470 = arith.constant 0 : i32
      %dma_wait3A_471 = tpu.memref_slice %arg12[%dma_wait3A_469, %dma_wait3A_470] : memref<5248x128xf32, #tpu.memory_space<vmem_shared>> -> memref<5248x128xf32, #tpu.memory_space<vmem_shared>>
      tpu.wait_indirect_dma semaphore(%arg24 : memref<!tpu.dma_semaphore, #tpu.memory_space<semaphore_mem>>) src(%dma_wait3A_465 : memref<32x128xf32, #tpu.memory_space<vmem>>) dst(%dma_wait3A_471 : memref<5248x128xf32, #tpu.memory_space<vmem_shared>>)
      %add3A_472 = arith.constant 8 : i32
      %add3A_473 = arith.addi %add3A_459, %add3A_472 : i32
      %lt3A_474 = arith.cmpi slt, %add3A_473, %mul3A_56 : i32
      %convert_element_type3A_475 = arith.extui %lt3A_474 : i1 to i32
      %cond3A_476 = arith.constant 0 : i32
      %cond3A_477 = arith.cmpi ne, %convert_element_type3A_475, %cond3A_476 : i32
      scf.if %cond3A_477 {
        %add3A_566 = arith.constant 8 : i32
        %add3A_567 = arith.addi %add3A_459, %add3A_566 : i32
        %dma_start3A_568 = arith.constant 3 : i32
        %dma_start3A_569 = arith.constant 0 : i32
        %dma_start3A_570 = arith.constant 0 : i32
        %dma_start3A_571 = tpu.memref_slice %arg10[%dma_start3A_568, %dma_start3A_569, %dma_start3A_570] : memref<8x32x128xf32, #tpu.memory_space<vmem>> -> memref<1x32x128xf32, #tpu.memory_space<vmem>>
        %dma_start3A_572 = tpu.memref_squeeze %dma_start3A_571 : memref<1x32x128xf32, #tpu.memory_space<vmem>> -> memref<32x128xf32, #tpu.memory_space<vmem>>
        %dma_start3A_573 = arith.constant 0 : i32
        %dma_start3A_574 = tpu.memref_slice %arg7[%add3A_567, %dma_start3A_573] : memref<644x32xi32, #tpu.memory_space<vmem>> -> memref<1x32xi32, #tpu.memory_space<vmem>>
        %dma_start3A_575 = tpu.memref_squeeze %dma_start3A_574 : memref<1x32xi32, #tpu.memory_space<vmem>> -> memref<32xi32, #tpu.memory_space<vmem>>
        %dma_start3A_576 = arith.constant 0 : i32
        %dma_start3A_577 = arith.constant 0 : i32
        %dma_start3A_578 = tpu.memref_slice %arg2[%dma_start3A_576, %dma_start3A_577] : memref<10240x128xf32, #tpu.memory_space<hbm>> -> memref<10240x128xf32, #tpu.memory_space<hbm>>
        tpu.enqueue_indirect_dma source(%dma_start3A_578 : memref<10240x128xf32, #tpu.memory_space<hbm>>) target(%dma_start3A_572 : memref<32x128xf32, #tpu.memory_space<vmem>>) offsets(%dma_start3A_575 : memref<32xi32, #tpu.memory_space<vmem>>) semaphore(%arg16 : memref<!tpu.dma_semaphore, #tpu.memory_space<semaphore_mem>>)
      } else {
      }
      %mul3A_478 = arith.constant 8 : i32
      %mul3A_479 = arith.muli %mul3A_478, %while3A_177 : i32
      %add3A_480 = arith.constant 4 : i32
      %add3A_481 = arith.addi %mul3A_479, %add3A_480 : i32
      %dma_wait3A_482 = arith.constant 4 : i32
      %dma_wait3A_483 = arith.constant 0 : i32
      %dma_wait3A_484 = arith.constant 0 : i32
      %dma_wait3A_485 = arith.constant 0 : i32
      %dma_wait3A_486 = tpu.memref_slice %arg10[%dma_wait3A_482, %dma_wait3A_484, %dma_wait3A_485] : memref<8x32x128xf32, #tpu.memory_space<vmem>> -> memref<1x32x128xf32, #tpu.memory_space<vmem>>
      %dma_wait3A_487 = tpu.memref_squeeze %dma_wait3A_486 : memref<1x32x128xf32, #tpu.memory_space<vmem>> -> memref<32x128xf32, #tpu.memory_space<vmem>>
      %dma_wait3A_488 = arith.constant 0 : i32
      %dma_wait3A_489 = tpu.memref_slice %arg8[%dma_wait3A_483, %dma_wait3A_488] : memref<644x32xi32, #tpu.memory_space<vmem>> -> memref<1x32xi32, #tpu.memory_space<vmem>>
      %dma_wait3A_490 = tpu.memref_squeeze %dma_wait3A_489 : memref<1x32xi32, #tpu.memory_space<vmem>> -> memref<32xi32, #tpu.memory_space<vmem>>
      %dma_wait3A_491 = arith.constant 0 : i32
      %dma_wait3A_492 = arith.constant 0 : i32
      %dma_wait3A_493 = tpu.memref_slice %arg12[%dma_wait3A_491, %dma_wait3A_492] : memref<5248x128xf32, #tpu.memory_space<vmem_shared>> -> memref<5248x128xf32, #tpu.memory_space<vmem_shared>>
      tpu.wait_indirect_dma semaphore(%arg25 : memref<!tpu.dma_semaphore, #tpu.memory_space<semaphore_mem>>) src(%dma_wait3A_487 : memref<32x128xf32, #tpu.memory_space<vmem>>) dst(%dma_wait3A_493 : memref<5248x128xf32, #tpu.memory_space<vmem_shared>>)
      %add3A_494 = arith.constant 8 : i32
      %add3A_495 = arith.addi %add3A_481, %add3A_494 : i32
      %lt3A_496 = arith.cmpi slt, %add3A_495, %mul3A_56 : i32
      %convert_element_type3A_497 = arith.extui %lt3A_496 : i1 to i32
      %cond3A_498 = arith.constant 0 : i32
      %cond3A_499 = arith.cmpi ne, %convert_element_type3A_497, %cond3A_498 : i32
      scf.if %cond3A_499 {
        %add3A_566 = arith.constant 8 : i32
        %add3A_567 = arith.addi %add3A_481, %add3A_566 : i32
        %dma_start3A_568 = arith.constant 4 : i32
        %dma_start3A_569 = arith.constant 0 : i32
        %dma_start3A_570 = arith.constant 0 : i32
        %dma_start3A_571 = tpu.memref_slice %arg10[%dma_start3A_568, %dma_start3A_569, %dma_start3A_570] : memref<8x32x128xf32, #tpu.memory_space<vmem>> -> memref<1x32x128xf32, #tpu.memory_space<vmem>>
        %dma_start3A_572 = tpu.memref_squeeze %dma_start3A_571 : memref<1x32x128xf32, #tpu.memory_space<vmem>> -> memref<32x128xf32, #tpu.memory_space<vmem>>
        %dma_start3A_573 = arith.constant 0 : i32
        %dma_start3A_574 = tpu.memref_slice %arg7[%add3A_567, %dma_start3A_573] : memref<644x32xi32, #tpu.memory_space<vmem>> -> memref<1x32xi32, #tpu.memory_space<vmem>>
        %dma_start3A_575 = tpu.memref_squeeze %dma_start3A_574 : memref<1x32xi32, #tpu.memory_space<vmem>> -> memref<32xi32, #tpu.memory_space<vmem>>
        %dma_start3A_576 = arith.constant 0 : i32
        %dma_start3A_577 = arith.constant 0 : i32
        %dma_start3A_578 = tpu.memref_slice %arg2[%dma_start3A_576, %dma_start3A_577] : memref<10240x128xf32, #tpu.memory_space<hbm>> -> memref<10240x128xf32, #tpu.memory_space<hbm>>
        tpu.enqueue_indirect_dma source(%dma_start3A_578 : memref<10240x128xf32, #tpu.memory_space<hbm>>) target(%dma_start3A_572 : memref<32x128xf32, #tpu.memory_space<vmem>>) offsets(%dma_start3A_575 : memref<32xi32, #tpu.memory_space<vmem>>) semaphore(%arg17 : memref<!tpu.dma_semaphore, #tpu.memory_space<semaphore_mem>>)
      } else {
      }
      %mul3A_500 = arith.constant 8 : i32
      %mul3A_501 = arith.muli %mul3A_500, %while3A_177 : i32
      %add3A_502 = arith.constant 5 : i32
      %add3A_503 = arith.addi %mul3A_501, %add3A_502 : i32
      %dma_wait3A_504 = arith.constant 5 : i32
      %dma_wait3A_505 = arith.constant 0 : i32
      %dma_wait3A_506 = arith.constant 0 : i32
      %dma_wait3A_507 = arith.constant 0 : i32
      %dma_wait3A_508 = tpu.memref_slice %arg10[%dma_wait3A_504, %dma_wait3A_506, %dma_wait3A_507] : memref<8x32x128xf32, #tpu.memory_space<vmem>> -> memref<1x32x128xf32, #tpu.memory_space<vmem>>
      %dma_wait3A_509 = tpu.memref_squeeze %dma_wait3A_508 : memref<1x32x128xf32, #tpu.memory_space<vmem>> -> memref<32x128xf32, #tpu.memory_space<vmem>>
      %dma_wait3A_510 = arith.constant 0 : i32
      %dma_wait3A_511 = tpu.memref_slice %arg8[%dma_wait3A_505, %dma_wait3A_510] : memref<644x32xi32, #tpu.memory_space<vmem>> -> memref<1x32xi32, #tpu.memory_space<vmem>>
      %dma_wait3A_512 = tpu.memref_squeeze %dma_wait3A_511 : memref<1x32xi32, #tpu.memory_space<vmem>> -> memref<32xi32, #tpu.memory_space<vmem>>
      %dma_wait3A_513 = arith.constant 0 : i32
      %dma_wait3A_514 = arith.constant 0 : i32
      %dma_wait3A_515 = tpu.memref_slice %arg12[%dma_wait3A_513, %dma_wait3A_514] : memref<5248x128xf32, #tpu.memory_space<vmem_shared>> -> memref<5248x128xf32, #tpu.memory_space<vmem_shared>>
      tpu.wait_indirect_dma semaphore(%arg26 : memref<!tpu.dma_semaphore, #tpu.memory_space<semaphore_mem>>) src(%dma_wait3A_509 : memref<32x128xf32, #tpu.memory_space<vmem>>) dst(%dma_wait3A_515 : memref<5248x128xf32, #tpu.memory_space<vmem_shared>>)
      %add3A_516 = arith.constant 8 : i32
      %add3A_517 = arith.addi %add3A_503, %add3A_516 : i32
      %lt3A_518 = arith.cmpi slt, %add3A_517, %mul3A_56 : i32
      %convert_element_type3A_519 = arith.extui %lt3A_518 : i1 to i32
      %cond3A_520 = arith.constant 0 : i32
      %cond3A_521 = arith.cmpi ne, %convert_element_type3A_519, %cond3A_520 : i32
      scf.if %cond3A_521 {
        %add3A_566 = arith.constant 8 : i32
        %add3A_567 = arith.addi %add3A_503, %add3A_566 : i32
        %dma_start3A_568 = arith.constant 5 : i32
        %dma_start3A_569 = arith.constant 0 : i32
        %dma_start3A_570 = arith.constant 0 : i32
        %dma_start3A_571 = tpu.memref_slice %arg10[%dma_start3A_568, %dma_start3A_569, %dma_start3A_570] : memref<8x32x128xf32, #tpu.memory_space<vmem>> -> memref<1x32x128xf32, #tpu.memory_space<vmem>>
        %dma_start3A_572 = tpu.memref_squeeze %dma_start3A_571 : memref<1x32x128xf32, #tpu.memory_space<vmem>> -> memref<32x128xf32, #tpu.memory_space<vmem>>
        %dma_start3A_573 = arith.constant 0 : i32
        %dma_start3A_574 = tpu.memref_slice %arg7[%add3A_567, %dma_start3A_573] : memref<644x32xi32, #tpu.memory_space<vmem>> -> memref<1x32xi32, #tpu.memory_space<vmem>>
        %dma_start3A_575 = tpu.memref_squeeze %dma_start3A_574 : memref<1x32xi32, #tpu.memory_space<vmem>> -> memref<32xi32, #tpu.memory_space<vmem>>
        %dma_start3A_576 = arith.constant 0 : i32
        %dma_start3A_577 = arith.constant 0 : i32
        %dma_start3A_578 = tpu.memref_slice %arg2[%dma_start3A_576, %dma_start3A_577] : memref<10240x128xf32, #tpu.memory_space<hbm>> -> memref<10240x128xf32, #tpu.memory_space<hbm>>
        tpu.enqueue_indirect_dma source(%dma_start3A_578 : memref<10240x128xf32, #tpu.memory_space<hbm>>) target(%dma_start3A_572 : memref<32x128xf32, #tpu.memory_space<vmem>>) offsets(%dma_start3A_575 : memref<32xi32, #tpu.memory_space<vmem>>) semaphore(%arg18 : memref<!tpu.dma_semaphore, #tpu.memory_space<semaphore_mem>>)
      } else {
      }
      %mul3A_522 = arith.constant 8 : i32
      %mul3A_523 = arith.muli %mul3A_522, %while3A_177 : i32
      %add3A_524 = arith.constant 6 : i32
      %add3A_525 = arith.addi %mul3A_523, %add3A_524 : i32
      %dma_wait3A_526 = arith.constant 6 : i32
      %dma_wait3A_527 = arith.constant 0 : i32
      %dma_wait3A_528 = arith.constant 0 : i32
      %dma_wait3A_529 = arith.constant 0 : i32
      %dma_wait3A_530 = tpu.memref_slice %arg10[%dma_wait3A_526, %dma_wait3A_528, %dma_wait3A_529] : memref<8x32x128xf32, #tpu.memory_space<vmem>> -> memref<1x32x128xf32, #tpu.memory_space<vmem>>
      %dma_wait3A_531 = tpu.memref_squeeze %dma_wait3A_530 : memref<1x32x128xf32, #tpu.memory_space<vmem>> -> memref<32x128xf32, #tpu.memory_space<vmem>>
      %dma_wait3A_532 = arith.constant 0 : i32
      %dma_wait3A_533 = tpu.memref_slice %arg8[%dma_wait3A_527, %dma_wait3A_532] : memref<644x32xi32, #tpu.memory_space<vmem>> -> memref<1x32xi32, #tpu.memory_space<vmem>>
      %dma_wait3A_534 = tpu.memref_squeeze %dma_wait3A_533 : memref<1x32xi32, #tpu.memory_space<vmem>> -> memref<32xi32, #tpu.memory_space<vmem>>
      %dma_wait3A_535 = arith.constant 0 : i32
      %dma_wait3A_536 = arith.constant 0 : i32
      %dma_wait3A_537 = tpu.memref_slice %arg12[%dma_wait3A_535, %dma_wait3A_536] : memref<5248x128xf32, #tpu.memory_space<vmem_shared>> -> memref<5248x128xf32, #tpu.memory_space<vmem_shared>>
      tpu.wait_indirect_dma semaphore(%arg27 : memref<!tpu.dma_semaphore, #tpu.memory_space<semaphore_mem>>) src(%dma_wait3A_531 : memref<32x128xf32, #tpu.memory_space<vmem>>) dst(%dma_wait3A_537 : memref<5248x128xf32, #tpu.memory_space<vmem_shared>>)
      %add3A_538 = arith.constant 8 : i32
      %add3A_539 = arith.addi %add3A_525, %add3A_538 : i32
      %lt3A_540 = arith.cmpi slt, %add3A_539, %mul3A_56 : i32
      %convert_element_type3A_541 = arith.extui %lt3A_540 : i1 to i32
      %cond3A_542 = arith.constant 0 : i32
      %cond3A_543 = arith.cmpi ne, %convert_element_type3A_541, %cond3A_542 : i32
      scf.if %cond3A_543 {
        %add3A_566 = arith.constant 8 : i32
        %add3A_567 = arith.addi %add3A_525, %add3A_566 : i32
        %dma_start3A_568 = arith.constant 6 : i32
        %dma_start3A_569 = arith.constant 0 : i32
        %dma_start3A_570 = arith.constant 0 : i32
        %dma_start3A_571 = tpu.memref_slice %arg10[%dma_start3A_568, %dma_start3A_569, %dma_start3A_570] : memref<8x32x128xf32, #tpu.memory_space<vmem>> -> memref<1x32x128xf32, #tpu.memory_space<vmem>>
        %dma_start3A_572 = tpu.memref_squeeze %dma_start3A_571 : memref<1x32x128xf32, #tpu.memory_space<vmem>> -> memref<32x128xf32, #tpu.memory_space<vmem>>
        %dma_start3A_573 = arith.constant 0 : i32
        %dma_start3A_574 = tpu.memref_slice %arg7[%add3A_567, %dma_start3A_573] : memref<644x32xi32, #tpu.memory_space<vmem>> -> memref<1x32xi32, #tpu.memory_space<vmem>>
        %dma_start3A_575 = tpu.memref_squeeze %dma_start3A_574 : memref<1x32xi32, #tpu.memory_space<vmem>> -> memref<32xi32, #tpu.memory_space<vmem>>
        %dma_start3A_576 = arith.constant 0 : i32
        %dma_start3A_577 = arith.constant 0 : i32
        %dma_start3A_578 = tpu.memref_slice %arg2[%dma_start3A_576, %dma_start3A_577] : memref<10240x128xf32, #tpu.memory_space<hbm>> -> memref<10240x128xf32, #tpu.memory_space<hbm>>
        tpu.enqueue_indirect_dma source(%dma_start3A_578 : memref<10240x128xf32, #tpu.memory_space<hbm>>) target(%dma_start3A_572 : memref<32x128xf32, #tpu.memory_space<vmem>>) offsets(%dma_start3A_575 : memref<32xi32, #tpu.memory_space<vmem>>) semaphore(%arg19 : memref<!tpu.dma_semaphore, #tpu.memory_space<semaphore_mem>>)
      } else {
      }
      %mul3A_544 = arith.constant 8 : i32
      %mul3A_545 = arith.muli %mul3A_544, %while3A_177 : i32
      %add3A_546 = arith.constant 7 : i32
      %add3A_547 = arith.addi %mul3A_545, %add3A_546 : i32
      %dma_wait3A_548 = arith.constant 7 : i32
      %dma_wait3A_549 = arith.constant 0 : i32
      %dma_wait3A_550 = arith.constant 0 : i32
      %dma_wait3A_551 = arith.constant 0 : i32
      %dma_wait3A_552 = tpu.memref_slice %arg10[%dma_wait3A_548, %dma_wait3A_550, %dma_wait3A_551] : memref<8x32x128xf32, #tpu.memory_space<vmem>> -> memref<1x32x128xf32, #tpu.memory_space<vmem>>
      %dma_wait3A_553 = tpu.memref_squeeze %dma_wait3A_552 : memref<1x32x128xf32, #tpu.memory_space<vmem>> -> memref<32x128xf32, #tpu.memory_space<vmem>>
      %dma_wait3A_554 = arith.constant 0 : i32
      %dma_wait3A_555 = tpu.memref_slice %arg8[%dma_wait3A_549, %dma_wait3A_554] : memref<644x32xi32, #tpu.memory_space<vmem>> -> memref<1x32xi32, #tpu.memory_space<vmem>>
      %dma_wait3A_556 = tpu.memref_squeeze %dma_wait3A_555 : memref<1x32xi32, #tpu.memory_space<vmem>> -> memref<32xi32, #tpu.memory_space<vmem>>
      %dma_wait3A_557 = arith.constant 0 : i32
      %dma_wait3A_558 = arith.constant 0 : i32
      %dma_wait3A_559 = tpu.memref_slice %arg12[%dma_wait3A_557, %dma_wait3A_558] : memref<5248x128xf32, #tpu.memory_space<vmem_shared>> -> memref<5248x128xf32, #tpu.memory_space<vmem_shared>>
      tpu.wait_indirect_dma semaphore(%arg28 : memref<!tpu.dma_semaphore, #tpu.memory_space<semaphore_mem>>) src(%dma_wait3A_553 : memref<32x128xf32, #tpu.memory_space<vmem>>) dst(%dma_wait3A_559 : memref<5248x128xf32, #tpu.memory_space<vmem_shared>>)
      %add3A_560 = arith.constant 8 : i32
      %add3A_561 = arith.addi %add3A_547, %add3A_560 : i32
      %lt3A_562 = arith.cmpi slt, %add3A_561, %mul3A_56 : i32
      %convert_element_type3A_563 = arith.extui %lt3A_562 : i1 to i32
      %cond3A_564 = arith.constant 0 : i32
      %cond3A_565 = arith.cmpi ne, %convert_element_type3A_563, %cond3A_564 : i32
      scf.if %cond3A_565 {
        %add3A_566 = arith.constant 8 : i32
        %add3A_567 = arith.addi %add3A_547, %add3A_566 : i32
        %dma_start3A_568 = arith.constant 7 : i32
        %dma_start3A_569 = arith.constant 0 : i32
        %dma_start3A_570 = arith.constant 0 : i32
        %dma_start3A_571 = tpu.memref_slice %arg10[%dma_start3A_568, %dma_start3A_569, %dma_start3A_570] : memref<8x32x128xf32, #tpu.memory_space<vmem>> -> memref<1x32x128xf32, #tpu.memory_space<vmem>>
        %dma_start3A_572 = tpu.memref_squeeze %dma_start3A_571 : memref<1x32x128xf32, #tpu.memory_space<vmem>> -> memref<32x128xf32, #tpu.memory_space<vmem>>
        %dma_start3A_573 = arith.constant 0 : i32
        %dma_start3A_574 = tpu.memref_slice %arg7[%add3A_567, %dma_start3A_573] : memref<644x32xi32, #tpu.memory_space<vmem>> -> memref<1x32xi32, #tpu.memory_space<vmem>>
        %dma_start3A_575 = tpu.memref_squeeze %dma_start3A_574 : memref<1x32xi32, #tpu.memory_space<vmem>> -> memref<32xi32, #tpu.memory_space<vmem>>
        %dma_start3A_576 = arith.constant 0 : i32
        %dma_start3A_577 = arith.constant 0 : i32
        %dma_start3A_578 = tpu.memref_slice %arg2[%dma_start3A_576, %dma_start3A_577] : memref<10240x128xf32, #tpu.memory_space<hbm>> -> memref<10240x128xf32, #tpu.memory_space<hbm>>
        tpu.enqueue_indirect_dma source(%dma_start3A_578 : memref<10240x128xf32, #tpu.memory_space<hbm>>) target(%dma_start3A_572 : memref<32x128xf32, #tpu.memory_space<vmem>>) offsets(%dma_start3A_575 : memref<32xi32, #tpu.memory_space<vmem>>) semaphore(%arg20 : memref<!tpu.dma_semaphore, #tpu.memory_space<semaphore_mem>>)
      } else {
      }
    }
    %barrier3A_171 = arith.constant 0 : index
    tpu.barrier barrier_id(%barrier3A_171)
    %mul3A_172 = arith.constant 320 : i32
    %mul3A_173 = arith.muli %arg1, %mul3A_172 : i32
    %mul3A_174 = arith.constant 5120 : i32
    %mul3A_175 = arith.muli %arg0, %mul3A_174 : i32
    %add3A_176 = arith.addi %mul3A_175, %mul3A_173 : i32
    "tpu.region"() ({
      %run_scoped3A = tpu.sem_alloc : memref<!tpu.dma_semaphore, #tpu.memory_space<semaphore_mem>>
      %dma_start3A_177 = arith.constant 0 : i32
      %dma_start3A_178 = tpu.memref_slice %arg6[%add3A_176, %dma_start3A_177] : memref<10240x128xf32, #tpu.memory_space<hbm>> -> memref<320x128xf32, #tpu.memory_space<hbm>>
      %dma_start3A_179 = arith.constant 0 : i32
      %dma_start3A_180 = tpu.memref_slice %arg12[%mul3A_173, %dma_start3A_179] : memref<5248x128xf32, #tpu.memory_space<vmem_shared>> -> memref<320x128xf32, #tpu.memory_space<vmem_shared>>
      tpu.enqueue_dma source(%dma_start3A_180 : memref<320x128xf32, #tpu.memory_space<vmem_shared>>) target(%dma_start3A_178 : memref<320x128xf32, #tpu.memory_space<hbm>>) target_semaphore(%run_scoped3A : memref<!tpu.dma_semaphore, #tpu.memory_space<semaphore_mem>>)
      %dma_wait3A = arith.constant 0 : i32
      %dma_wait3A_181 = tpu.memref_slice %arg6[%add3A_176, %dma_wait3A] : memref<10240x128xf32, #tpu.memory_space<hbm>> -> memref<320x128xf32, #tpu.memory_space<hbm>>
      %dma_wait3A_182 = arith.constant 0 : i32
      %dma_wait3A_183 = tpu.memref_slice %arg12[%mul3A_173, %dma_wait3A_182] : memref<5248x128xf32, #tpu.memory_space<vmem_shared>> -> memref<320x128xf32, #tpu.memory_space<vmem_shared>>
      tpu.wait_dma2 semaphore(%run_scoped3A : memref<!tpu.dma_semaphore, #tpu.memory_space<semaphore_mem>>) src(%dma_wait3A_183 : memref<320x128xf32, #tpu.memory_space<vmem_shared>>) dst(%dma_wait3A_181 : memref<320x128xf32, #tpu.memory_space<hbm>>)
      tpu.yield
    }) : () -> ()
    return
  }
}

module attributes {stable_mosaic.version = 14 : i64} {
  func.func @_tc_in_body(%arg0: i32, %arg1: memref<1024x128xf32, #tpu.memory_space<vmem>>, %arg2: memref<128x128xf32, #tpu.memory_space<vmem>>, %arg3: memref<1x128xf32, #tpu.memory_space<vmem>>, %arg4: memref<1x128xf32, #tpu.memory_space<vmem>>, %arg5: memref<1x128xf32, #tpu.memory_space<vmem>>, %arg6: memref<1024x128xf32, #tpu.memory_space<vmem>>, %arg7: memref<1024x128xf32, #tpu.memory_space<vmem>>) attributes {dimension_semantics = [#tpu.dimension_semantics<arbitrary>], iteration_bounds = array<i64: 10>, scalar_prefetch = 0 : i64, scratch_operands = 0 : i64, tpu.core_type = #tpu.core_type<tc>, window_params = [{transform_indices = @transform_0, window_bounds = array<i64: 1024, 128>}, {pipeline_mode = #tpu.pipeline_mode<synchronous>, transform_indices = @transform_1, window_bounds = array<i64: 128, 128>}, {pipeline_mode = #tpu.pipeline_mode<synchronous>, transform_indices = @transform_2, window_bounds = array<i64: 1, 128>}, {pipeline_mode = #tpu.pipeline_mode<synchronous>, transform_indices = @transform_3, window_bounds = array<i64: 1, 128>}, {pipeline_mode = #tpu.pipeline_mode<synchronous>, transform_indices = @transform_4, window_bounds = array<i64: 1, 128>}, {transform_indices = @transform_5, window_bounds = array<i64: 1024, 128>}, {transform_indices = @transform_6, window_bounds = array<i64: 1024, 128>}]} {
    %get3A = arith.constant 0 : index
    %get3A_0 = arith.constant 0 : index
    %get3A_1 = vector.load %arg1[%get3A, %get3A_0] : memref<1024x128xf32, #tpu.memory_space<vmem>>, vector<1024x128xf32>
    %get3A_2 = arith.constant 0 : index
    %get3A_3 = arith.constant 0 : index
    %get3A_4 = vector.load %arg2[%get3A_2, %get3A_3] : memref<128x128xf32, #tpu.memory_space<vmem>>, vector<128x128xf32>
    %dot_general3A = arith.constant dense<0.000000e+00> : vector<1024x128xf32>
    %dot_general3A_5 = tpu.matmul %get3A_1, %get3A_4, %dot_general3A {dimension_numbers = #tpu.dot_dimension_numbers<[1], [0], [0], [1], [0, 0, 1, 1], [], []>, precision = #tpu.contract_precision<fp32>, transpose_lhs_hint = false} : vector<1024x128xf32>, vector<128x128xf32>, vector<1024x128xf32> -> vector<1024x128xf32>
    %get3A_6 = arith.constant 0 : index
    %get3A_7 = arith.constant 0 : index
    %get3A_8 = vector.load %arg3[%get3A_6, %get3A_7] : memref<1x128xf32, #tpu.memory_space<vmem>>, vector<1x128xf32>
    %add3A = vector.broadcast %get3A_8 : vector<1x128xf32> to vector<1024x128xf32>
    %add3A_9 = arith.addf %dot_general3A_5, %add3A : vector<1024x128xf32>
    %integer_pow3A = arith.mulf %add3A_9, %add3A_9 : vector<1024x128xf32>
    %integer_pow3A_10 = arith.mulf %add3A_9, %integer_pow3A : vector<1024x128xf32>
    %mul3A = arith.constant 4.471500e-02 : f32
    %mul3A_11 = vector.broadcast %mul3A : f32 to vector<1024x128xf32>
    %mul3A_12 = arith.mulf %mul3A_11, %integer_pow3A_10 : vector<1024x128xf32>
    %add3A_13 = arith.addf %add3A_9, %mul3A_12 : vector<1024x128xf32>
    %mul3A_14 = arith.constant 0.797884583 : f32
    %mul3A_15 = vector.broadcast %mul3A_14 : f32 to vector<1024x128xf32>
    %mul3A_16 = arith.mulf %mul3A_15, %add3A_13 : vector<1024x128xf32>
    %tanh3A = math.tanh %mul3A_16 : vector<1024x128xf32>
    %add3A_17 = arith.constant 1.000000e+00 : f32
    %add3A_18 = vector.broadcast %add3A_17 : f32 to vector<1024x128xf32>
    %add3A_19 = arith.addf %add3A_18, %tanh3A : vector<1024x128xf32>
    %mul3A_20 = arith.constant 5.000000e-01 : f32
    %mul3A_21 = vector.broadcast %mul3A_20 : f32 to vector<1024x128xf32>
    %mul3A_22 = arith.mulf %mul3A_21, %add3A_19 : vector<1024x128xf32>
    %mul3A_23 = arith.mulf %add3A_9, %mul3A_22 : vector<1024x128xf32>
    %swap3A = arith.constant 0 : index
    %swap3A_24 = arith.constant 0 : index
    %swap3A_25 = vector.load %arg6[%swap3A, %swap3A_24] : memref<1024x128xf32, #tpu.memory_space<vmem>>, vector<1024x128xf32>
    tpu.vector_store %arg6[%swap3A, %swap3A_24], %mul3A_23 {strides = array<i32>} : memref<1024x128xf32, #tpu.memory_space<vmem>>, vector<1024x128xf32>,
    %get3A_26 = arith.constant 0 : index
    %get3A_27 = arith.constant 0 : index
    %get3A_28 = vector.load %arg4[%get3A_26, %get3A_27] : memref<1x128xf32, #tpu.memory_space<vmem>>, vector<1x128xf32>
    %get3A_29 = arith.constant 0 : index
    %get3A_30 = arith.constant 0 : index
    %get3A_31 = vector.load %arg5[%get3A_29, %get3A_30] : memref<1x128xf32, #tpu.memory_space<vmem>>, vector<1x128xf32>
    %reduce_sum3A = arith.constant dense<0.000000e+00> : vector<1024xf32>
    %reduce_sum3A_32 = vector.multi_reduction <add>, %mul3A_23, %reduce_sum3A [1] : vector<1024x128xf32> to vector<1024xf32>
    %broadcast_in_dim3A = vector.shape_cast %reduce_sum3A_32 : vector<1024xf32> to vector<1024x1xf32>
    %div3A = arith.constant 1.280000e+02 : f32
    %div3A_33 = vector.broadcast %div3A : f32 to vector<1024x1xf32>
    %div3A_34 = arith.divf %broadcast_in_dim3A, %div3A_33 : vector<1024x1xf32>
    %sub3A = vector.broadcast %div3A_34 : vector<1024x1xf32> to vector<1024x128xf32>
    %sub3A_35 = arith.subf %mul3A_23, %sub3A : vector<1024x128xf32>
    %integer_pow3A_36 = arith.mulf %sub3A_35, %sub3A_35 : vector<1024x128xf32>
    %reduce_sum3A_37 = arith.constant dense<0.000000e+00> : vector<1024xf32>
    %reduce_sum3A_38 = vector.multi_reduction <add>, %integer_pow3A_36, %reduce_sum3A_37 [1] : vector<1024x128xf32> to vector<1024xf32>
    %broadcast_in_dim3A_39 = vector.shape_cast %reduce_sum3A_38 : vector<1024xf32> to vector<1024x1xf32>
    %div3A_40 = arith.constant 1.280000e+02 : f32
    %div3A_41 = vector.broadcast %div3A_40 : f32 to vector<1024x1xf32>
    %div3A_42 = arith.divf %broadcast_in_dim3A_39, %div3A_41 : vector<1024x1xf32>
    %sub3A_43 = vector.broadcast %div3A_34 : vector<1024x1xf32> to vector<1024x128xf32>
    %sub3A_44 = arith.subf %mul3A_23, %sub3A_43 : vector<1024x128xf32>
    %add3A_45 = arith.constant 9.99999974E-6 : f32
    %add3A_46 = vector.broadcast %add3A_45 : f32 to vector<1024x1xf32>
    %add3A_47 = arith.addf %div3A_42, %add3A_46 : vector<1024x1xf32>
    %rsqrt3A = math.rsqrt %add3A_47 : vector<1024x1xf32>
    %mul3A_48 = vector.broadcast %rsqrt3A : vector<1024x1xf32> to vector<1024x128xf32>
    %mul3A_49 = arith.mulf %sub3A_44, %mul3A_48 : vector<1024x128xf32>
    %mul3A_50 = vector.broadcast %get3A_28 : vector<1x128xf32> to vector<1024x128xf32>
    %mul3A_51 = arith.mulf %mul3A_49, %mul3A_50 : vector<1024x128xf32>
    %add3A_52 = vector.broadcast %get3A_31 : vector<1x128xf32> to vector<1024x128xf32>
    %add3A_53 = arith.addf %mul3A_51, %add3A_52 : vector<1024x128xf32>
    %swap3A_54 = arith.constant 0 : index
    %swap3A_55 = arith.constant 0 : index
    %swap3A_56 = vector.load %arg7[%swap3A_54, %swap3A_55] : memref<1024x128xf32, #tpu.memory_space<vmem>>, vector<1024x128xf32>
    tpu.vector_store %arg7[%swap3A_54, %swap3A_55], %add3A_53 {strides = array<i32>} : memref<1024x128xf32, #tpu.memory_space<vmem>>, vector<1024x128xf32>,
    return
  }
  func.func @transform_0(%arg0: i32) -> (i32, i32) {
    %c0_i32 = arith.constant 0 : i32
    %c0_i32_0 = arith.constant 0 : i32
    return %arg0, %c0_i32 : i32, i32
  }
  func.func @transform_1(%arg0: i32) -> (i32, i32) {
    %c0_i32 = arith.constant 0 : i32
    %c0_i32_0 = arith.constant 0 : i32
    %c0_i32_1 = arith.constant 0 : i32
    return %c0_i32, %c0_i32_0 : i32, i32
  }
  func.func @transform_2(%arg0: i32) -> (i32, i32) {
    %c0_i32 = arith.constant 0 : i32
    %c0_i32_0 = arith.constant 0 : i32
    %c0_i32_1 = arith.constant 0 : i32
    return %c0_i32, %c0_i32_0 : i32, i32
  }
  func.func @transform_3(%arg0: i32) -> (i32, i32) {
    %c0_i32 = arith.constant 0 : i32
    %c0_i32_0 = arith.constant 0 : i32
    %c0_i32_1 = arith.constant 0 : i32
    return %c0_i32, %c0_i32_0 : i32, i32
  }
  func.func @transform_4(%arg0: i32) -> (i32, i32) {
    %c0_i32 = arith.constant 0 : i32
    %c0_i32_0 = arith.constant 0 : i32
    %c0_i32_1 = arith.constant 0 : i32
    return %c0_i32, %c0_i32_0 : i32, i32
  }
  func.func @transform_5(%arg0: i32) -> (i32, i32) {
    %c0_i32 = arith.constant 0 : i32
    %c0_i32_0 = arith.constant 0 : i32
    return %arg0, %c0_i32 : i32, i32
  }
  func.func @transform_6(%arg0: i32) -> (i32, i32) {
    %c0_i32 = arith.constant 0 : i32
    %c0_i32_0 = arith.constant 0 : i32
    return %arg0, %c0_i32 : i32, i32
  }
}

module attributes {stable_mosaic.version = 14 : i64} {
  func.func @_tc_deg_body(%arg0: i32, %arg1: memref<1x16x48x128xf32, #tpu.memory_space<vmem>>, %arg2: memref<1x40x128xf32, #tpu.memory_space<vmem>>) attributes {dimension_semantics = [#tpu.dimension_semantics<arbitrary>], iteration_bounds = array<i64: 2>, scalar_prefetch = 0 : i64, scratch_operands = 0 : i64, tpu.core_type = #tpu.core_type<tc>, window_params = [{transform_indices = @transform_0, window_bounds = array<i64: 1, 16, 48, 128>}, {transform_indices = @transform_1, window_bounds = array<i64: 1, 40, 128>}]} {
    %get3A = arith.constant 0 : index
    %get3A_0 = arith.constant 0 : index
    %get3A_1 = arith.constant 0 : index
    %get3A_2 = arith.constant 0 : index
    %get3A_3 = vector.load %arg1[%get3A, %get3A_0, %get3A_1, %get3A_2] : memref<1x16x48x128xf32, #tpu.memory_space<vmem>>, vector<1x16x48x128xf32>
    %get3A_4 = vector.shape_cast %get3A_3 : vector<1x16x48x128xf32> to vector<16x48x128xf32>
    %reduce_sum3A = arith.constant dense<0.000000e+00> : vector<48x128xf32>
    %reduce_sum3A_5 = vector.multi_reduction <add>, %get3A_4, %reduce_sum3A [0] : vector<16x48x128xf32> to vector<48x128xf32>
    %slice3A = vector.extract_strided_slice %reduce_sum3A_5 {offsets = [0, 0], sizes = [40, 128], strides = [1, 1]} : vector<48x128xf32> to vector<40x128xf32>
    %swap3A = arith.constant 0 : index
    %swap3A_6 = arith.constant 0 : index
    %swap3A_7 = arith.constant 0 : index
    %swap3A_8 = vector.load %arg2[%swap3A, %swap3A_6, %swap3A_7] : memref<1x40x128xf32, #tpu.memory_space<vmem>>, vector<1x40x128xf32>
    %swap3A_9 = vector.shape_cast %swap3A_8 : vector<1x40x128xf32> to vector<40x128xf32>
    %swap3A_10 = vector.shape_cast %slice3A : vector<40x128xf32> to vector<1x40x128xf32>
    tpu.vector_store %arg2[%swap3A, %swap3A_6, %swap3A_7], %swap3A_10 {strides = array<i32>} : memref<1x40x128xf32, #tpu.memory_space<vmem>>, vector<1x40x128xf32>,
    return
  }
  func.func @transform_0(%arg0: i32) -> (i32, i32, i32, i32) {
    %c0_i32 = arith.constant 0 : i32
    %c0_i32_0 = arith.constant 0 : i32
    %c0_i32_1 = arith.constant 0 : i32
    %c0_i32_2 = arith.constant 0 : i32
    return %arg0, %c0_i32, %c0_i32_0, %c0_i32_1 : i32, i32, i32, i32
  }
  func.func @transform_1(%arg0: i32) -> (i32, i32, i32) {
    %c0_i32 = arith.constant 0 : i32
    %c0_i32_0 = arith.constant 0 : i32
    %c0_i32_1 = arith.constant 0 : i32
    return %arg0, %c0_i32, %c0_i32_0 : i32, i32, i32
  }
}

module attributes {stable_mosaic.version = 14 : i64} {
  func.func @_tc_blk_body(%arg0: i32, %arg1: memref<1024x128xf32, #tpu.memory_space<vmem>>, %arg2: memref<1024x128xf32, #tpu.memory_space<vmem>>, %arg3: memref<1024x128xf32, #tpu.memory_space<vmem>>, %arg4: memref<1024x1xf32, #tpu.memory_space<vmem>>, %arg5: memref<128x128xf32, #tpu.memory_space<vmem>>, %arg6: memref<128x128xf32, #tpu.memory_space<vmem>>, %arg7: memref<1x128xf32, #tpu.memory_space<vmem>>, %arg8: memref<128x128xf32, #tpu.memory_space<vmem>>, %arg9: memref<1x128xf32, #tpu.memory_space<vmem>>, %arg10: memref<1x128xf32, #tpu.memory_space<vmem>>, %arg11: memref<1x128xf32, #tpu.memory_space<vmem>>, %arg12: memref<1024x128xf32, #tpu.memory_space<vmem>>, %arg13: memref<1024x128xf32, #tpu.memory_space<vmem>>) attributes {dimension_semantics = [#tpu.dimension_semantics<arbitrary>], iteration_bounds = array<i64: 10>, scalar_prefetch = 0 : i64, scratch_operands = 0 : i64, tpu.core_type = #tpu.core_type<tc>, window_params = [{transform_indices = @transform_0, window_bounds = array<i64: 1024, 128>}, {transform_indices = @transform_1, window_bounds = array<i64: 1024, 128>}, {transform_indices = @transform_2, window_bounds = array<i64: 1024, 128>}, {transform_indices = @transform_3, window_bounds = array<i64: 1024, 1>}, {pipeline_mode = #tpu.pipeline_mode<synchronous>, transform_indices = @transform_4, window_bounds = array<i64: 128, 128>}, {pipeline_mode = #tpu.pipeline_mode<synchronous>, transform_indices = @transform_5, window_bounds = array<i64: 128, 128>}, {pipeline_mode = #tpu.pipeline_mode<synchronous>, transform_indices = @transform_6, window_bounds = array<i64: 1, 128>}, {pipeline_mode = #tpu.pipeline_mode<synchronous>, transform_indices = @transform_7, window_bounds = array<i64: 128, 128>}, {pipeline_mode = #tpu.pipeline_mode<synchronous>, transform_indices = @transform_8, window_bounds = array<i64: 1, 128>}, {pipeline_mode = #tpu.pipeline_mode<synchronous>, transform_indices = @transform_9, window_bounds = array<i64: 1, 128>}, {pipeline_mode = #tpu.pipeline_mode<synchronous>, transform_indices = @transform_10, window_bounds = array<i64: 1, 128>}, {transform_indices = @transform_11, window_bounds = array<i64: 1024, 128>}, {transform_indices = @transform_12, window_bounds = array<i64: 1024, 128>}]} {
    %get3A = arith.constant 0 : index
    %get3A_0 = arith.constant 0 : index
    %get3A_1 = vector.load %arg4[%get3A, %get3A_0] : memref<1024x1xf32, #tpu.memory_space<vmem>>, vector<1024x1xf32>
    %max3A = arith.constant 1.000000e+00 : f32
    %max3A_2 = vector.broadcast %max3A : f32 to vector<1024x1xf32>
    %max3A_3 = arith.maximumf %get3A_1, %max3A_2 : vector<1024x1xf32>
    %get3A_4 = arith.constant 0 : index
    %get3A_5 = arith.constant 0 : index
    %get3A_6 = vector.load %arg3[%get3A_4, %get3A_5] : memref<1024x128xf32, #tpu.memory_space<vmem>>, vector<1024x128xf32>
    %div3A = vector.broadcast %max3A_3 : vector<1024x1xf32> to vector<1024x128xf32>
    %div3A_7 = arith.divf %get3A_6, %div3A : vector<1024x128xf32>
    %get3A_8 = arith.constant 0 : index
    %get3A_9 = arith.constant 0 : index
    %get3A_10 = vector.load %arg2[%get3A_8, %get3A_9] : memref<1024x128xf32, #tpu.memory_space<vmem>>, vector<1024x128xf32>
    %get3A_11 = arith.constant 0 : index
    %get3A_12 = arith.constant 0 : index
    %get3A_13 = vector.load %arg1[%get3A_11, %get3A_12] : memref<1024x128xf32, #tpu.memory_space<vmem>>, vector<1024x128xf32>
    %get3A_14 = arith.constant 0 : index
    %get3A_15 = arith.constant 0 : index
    %get3A_16 = vector.load %arg5[%get3A_14, %get3A_15] : memref<128x128xf32, #tpu.memory_space<vmem>>, vector<128x128xf32>
    %dot_general3A = arith.constant dense<0.000000e+00> : vector<1024x128xf32>
    %dot_general3A_17 = tpu.matmul %get3A_10, %get3A_16, %dot_general3A {dimension_numbers = #tpu.dot_dimension_numbers<[1], [0], [0], [1], [0, 0, 1, 1], [], []>, precision = #tpu.contract_precision<fp32>, transpose_lhs_hint = false} : vector<1024x128xf32>, vector<128x128xf32>, vector<1024x128xf32> -> vector<1024x128xf32>
    %get3A_18 = arith.constant 0 : index
    %get3A_19 = arith.constant 0 : index
    %get3A_20 = vector.load %arg6[%get3A_18, %get3A_19] : memref<128x128xf32, #tpu.memory_space<vmem>>, vector<128x128xf32>
    %dot_general3A_21 = arith.constant dense<0.000000e+00> : vector<1024x128xf32>
    %dot_general3A_22 = tpu.matmul %div3A_7, %get3A_20, %dot_general3A_21 {dimension_numbers = #tpu.dot_dimension_numbers<[1], [0], [0], [1], [0, 0, 1, 1], [], []>, precision = #tpu.contract_precision<fp32>, transpose_lhs_hint = false} : vector<1024x128xf32>, vector<128x128xf32>, vector<1024x128xf32> -> vector<1024x128xf32>
    %add3A = arith.addf %dot_general3A_17, %dot_general3A_22 : vector<1024x128xf32>
    %get3A_23 = arith.constant 0 : index
    %get3A_24 = arith.constant 0 : index
    %get3A_25 = vector.load %arg7[%get3A_23, %get3A_24] : memref<1x128xf32, #tpu.memory_space<vmem>>, vector<1x128xf32>
    %add3A_26 = vector.broadcast %get3A_25 : vector<1x128xf32> to vector<1024x128xf32>
    %add3A_27 = arith.addf %add3A, %add3A_26 : vector<1024x128xf32>
    %integer_pow3A = arith.mulf %add3A_27, %add3A_27 : vector<1024x128xf32>
    %integer_pow3A_28 = arith.mulf %add3A_27, %integer_pow3A : vector<1024x128xf32>
    %mul3A = arith.constant 4.471500e-02 : f32
    %mul3A_29 = vector.broadcast %mul3A : f32 to vector<1024x128xf32>
    %mul3A_30 = arith.mulf %mul3A_29, %integer_pow3A_28 : vector<1024x128xf32>
    %add3A_31 = arith.addf %add3A_27, %mul3A_30 : vector<1024x128xf32>
    %mul3A_32 = arith.constant 0.797884583 : f32
    %mul3A_33 = vector.broadcast %mul3A_32 : f32 to vector<1024x128xf32>
    %mul3A_34 = arith.mulf %mul3A_33, %add3A_31 : vector<1024x128xf32>
    %tanh3A = math.tanh %mul3A_34 : vector<1024x128xf32>
    %add3A_35 = arith.constant 1.000000e+00 : f32
    %add3A_36 = vector.broadcast %add3A_35 : f32 to vector<1024x128xf32>
    %add3A_37 = arith.addf %add3A_36, %tanh3A : vector<1024x128xf32>
    %mul3A_38 = arith.constant 5.000000e-01 : f32
    %mul3A_39 = vector.broadcast %mul3A_38 : f32 to vector<1024x128xf32>
    %mul3A_40 = arith.mulf %mul3A_39, %add3A_37 : vector<1024x128xf32>
    %mul3A_41 = arith.mulf %add3A_27, %mul3A_40 : vector<1024x128xf32>
    %get3A_42 = arith.constant 0 : index
    %get3A_43 = arith.constant 0 : index
    %get3A_44 = vector.load %arg8[%get3A_42, %get3A_43] : memref<128x128xf32, #tpu.memory_space<vmem>>, vector<128x128xf32>
    %dot_general3A_45 = arith.constant dense<0.000000e+00> : vector<1024x128xf32>
    %dot_general3A_46 = tpu.matmul %mul3A_41, %get3A_44, %dot_general3A_45 {dimension_numbers = #tpu.dot_dimension_numbers<[1], [0], [0], [1], [0, 0, 1, 1], [], []>, precision = #tpu.contract_precision<fp32>, transpose_lhs_hint = false} : vector<1024x128xf32>, vector<128x128xf32>, vector<1024x128xf32> -> vector<1024x128xf32>
    %add3A_47 = arith.addf %get3A_13, %dot_general3A_46 : vector<1024x128xf32>
    %get3A_48 = arith.constant 0 : index
    %get3A_49 = arith.constant 0 : index
    %get3A_50 = vector.load %arg9[%get3A_48, %get3A_49] : memref<1x128xf32, #tpu.memory_space<vmem>>, vector<1x128xf32>
    %add3A_51 = vector.broadcast %get3A_50 : vector<1x128xf32> to vector<1024x128xf32>
    %add3A_52 = arith.addf %add3A_47, %add3A_51 : vector<1024x128xf32>
    %swap3A = arith.constant 0 : index
    %swap3A_53 = arith.constant 0 : index
    %swap3A_54 = vector.load %arg12[%swap3A, %swap3A_53] : memref<1024x128xf32, #tpu.memory_space<vmem>>, vector<1024x128xf32>
    tpu.vector_store %arg12[%swap3A, %swap3A_53], %add3A_52 {strides = array<i32>} : memref<1024x128xf32, #tpu.memory_space<vmem>>, vector<1024x128xf32>,
    %get3A_55 = arith.constant 0 : index
    %get3A_56 = arith.constant 0 : index
    %get3A_57 = vector.load %arg10[%get3A_55, %get3A_56] : memref<1x128xf32, #tpu.memory_space<vmem>>, vector<1x128xf32>
    %get3A_58 = arith.constant 0 : index
    %get3A_59 = arith.constant 0 : index
    %get3A_60 = vector.load %arg11[%get3A_58, %get3A_59] : memref<1x128xf32, #tpu.memory_space<vmem>>, vector<1x128xf32>
    %reduce_sum3A = arith.constant dense<0.000000e+00> : vector<1024xf32>
    %reduce_sum3A_61 = vector.multi_reduction <add>, %add3A_52, %reduce_sum3A [1] : vector<1024x128xf32> to vector<1024xf32>
    %broadcast_in_dim3A = vector.shape_cast %reduce_sum3A_61 : vector<1024xf32> to vector<1024x1xf32>
    %div3A_62 = arith.constant 1.280000e+02 : f32
    %div3A_63 = vector.broadcast %div3A_62 : f32 to vector<1024x1xf32>
    %div3A_64 = arith.divf %broadcast_in_dim3A, %div3A_63 : vector<1024x1xf32>
    %sub3A = vector.broadcast %div3A_64 : vector<1024x1xf32> to vector<1024x128xf32>
    %sub3A_65 = arith.subf %add3A_52, %sub3A : vector<1024x128xf32>
    %integer_pow3A_66 = arith.mulf %sub3A_65, %sub3A_65 : vector<1024x128xf32>
    %reduce_sum3A_67 = arith.constant dense<0.000000e+00> : vector<1024xf32>
    %reduce_sum3A_68 = vector.multi_reduction <add>, %integer_pow3A_66, %reduce_sum3A_67 [1] : vector<1024x128xf32> to vector<1024xf32>
    %broadcast_in_dim3A_69 = vector.shape_cast %reduce_sum3A_68 : vector<1024xf32> to vector<1024x1xf32>
    %div3A_70 = arith.constant 1.280000e+02 : f32
    %div3A_71 = vector.broadcast %div3A_70 : f32 to vector<1024x1xf32>
    %div3A_72 = arith.divf %broadcast_in_dim3A_69, %div3A_71 : vector<1024x1xf32>
    %sub3A_73 = vector.broadcast %div3A_64 : vector<1024x1xf32> to vector<1024x128xf32>
    %sub3A_74 = arith.subf %add3A_52, %sub3A_73 : vector<1024x128xf32>
    %add3A_75 = arith.constant 9.99999974E-6 : f32
    %add3A_76 = vector.broadcast %add3A_75 : f32 to vector<1024x1xf32>
    %add3A_77 = arith.addf %div3A_72, %add3A_76 : vector<1024x1xf32>
    %rsqrt3A = math.rsqrt %add3A_77 : vector<1024x1xf32>
    %mul3A_78 = vector.broadcast %rsqrt3A : vector<1024x1xf32> to vector<1024x128xf32>
    %mul3A_79 = arith.mulf %sub3A_74, %mul3A_78 : vector<1024x128xf32>
    %mul3A_80 = vector.broadcast %get3A_57 : vector<1x128xf32> to vector<1024x128xf32>
    %mul3A_81 = arith.mulf %mul3A_79, %mul3A_80 : vector<1024x128xf32>
    %add3A_82 = vector.broadcast %get3A_60 : vector<1x128xf32> to vector<1024x128xf32>
    %add3A_83 = arith.addf %mul3A_81, %add3A_82 : vector<1024x128xf32>
    %swap3A_84 = arith.constant 0 : index
    %swap3A_85 = arith.constant 0 : index
    %swap3A_86 = vector.load %arg13[%swap3A_84, %swap3A_85] : memref<1024x128xf32, #tpu.memory_space<vmem>>, vector<1024x128xf32>
    tpu.vector_store %arg13[%swap3A_84, %swap3A_85], %add3A_83 {strides = array<i32>} : memref<1024x128xf32, #tpu.memory_space<vmem>>, vector<1024x128xf32>,
    return
  }
  func.func @transform_0(%arg0: i32) -> (i32, i32) {
    %c0_i32 = arith.constant 0 : i32
    %c0_i32_0 = arith.constant 0 : i32
    return %arg0, %c0_i32 : i32, i32
  }
  func.func @transform_1(%arg0: i32) -> (i32, i32) {
    %c0_i32 = arith.constant 0 : i32
    %c0_i32_0 = arith.constant 0 : i32
    return %arg0, %c0_i32 : i32, i32
  }
  func.func @transform_2(%arg0: i32) -> (i32, i32) {
    %c0_i32 = arith.constant 0 : i32
    %c0_i32_0 = arith.constant 0 : i32
    return %arg0, %c0_i32 : i32, i32
  }
  func.func @transform_3(%arg0: i32) -> (i32, i32) {
    %c0_i32 = arith.constant 0 : i32
    %c0_i32_0 = arith.constant 0 : i32
    return %arg0, %c0_i32 : i32, i32
  }
  func.func @transform_4(%arg0: i32) -> (i32, i32) {
    %c0_i32 = arith.constant 0 : i32
    %c0_i32_0 = arith.constant 0 : i32
    %c0_i32_1 = arith.constant 0 : i32
    return %c0_i32, %c0_i32_0 : i32, i32
  }
  func.func @transform_5(%arg0: i32) -> (i32, i32) {
    %c0_i32 = arith.constant 0 : i32
    %c0_i32_0 = arith.constant 0 : i32
    %c0_i32_1 = arith.constant 0 : i32
    return %c0_i32, %c0_i32_0 : i32, i32
  }
  func.func @transform_6(%arg0: i32) -> (i32, i32) {
    %c0_i32 = arith.constant 0 : i32
    %c0_i32_0 = arith.constant 0 : i32
    %c0_i32_1 = arith.constant 0 : i32
    return %c0_i32, %c0_i32_0 : i32, i32
  }
  func.func @transform_7(%arg0: i32) -> (i32, i32) {
    %c0_i32 = arith.constant 0 : i32
    %c0_i32_0 = arith.constant 0 : i32
    %c0_i32_1 = arith.constant 0 : i32
    return %c0_i32, %c0_i32_0 : i32, i32
  }
  func.func @transform_8(%arg0: i32) -> (i32, i32) {
    %c0_i32 = arith.constant 0 : i32
    %c0_i32_0 = arith.constant 0 : i32
    %c0_i32_1 = arith.constant 0 : i32
    return %c0_i32, %c0_i32_0 : i32, i32
  }
  func.func @transform_9(%arg0: i32) -> (i32, i32) {
    %c0_i32 = arith.constant 0 : i32
    %c0_i32_0 = arith.constant 0 : i32
    %c0_i32_1 = arith.constant 0 : i32
    return %c0_i32, %c0_i32_0 : i32, i32
  }
  func.func @transform_10(%arg0: i32) -> (i32, i32) {
    %c0_i32 = arith.constant 0 : i32
    %c0_i32_0 = arith.constant 0 : i32
    %c0_i32_1 = arith.constant 0 : i32
    return %c0_i32, %c0_i32_0 : i32, i32
  }
  func.func @transform_11(%arg0: i32) -> (i32, i32) {
    %c0_i32 = arith.constant 0 : i32
    %c0_i32_0 = arith.constant 0 : i32
    return %arg0, %c0_i32 : i32, i32
  }
  func.func @transform_12(%arg0: i32) -> (i32, i32) {
    %c0_i32 = arith.constant 0 : i32
    %c0_i32_0 = arith.constant 0 : i32
    return %arg0, %c0_i32 : i32, i32
  }
}

module attributes {stable_mosaic.version = 14 : i64} {
  func.func @_tc_fin_body(%arg0: i32, %arg1: memref<1024x128xf32, #tpu.memory_space<vmem>>, %arg2: memref<1024x128xf32, #tpu.memory_space<vmem>>, %arg3: memref<1024x128xf32, #tpu.memory_space<vmem>>, %arg4: memref<1024x1xf32, #tpu.memory_space<vmem>>, %arg5: memref<128x128xf32, #tpu.memory_space<vmem>>, %arg6: memref<128x128xf32, #tpu.memory_space<vmem>>, %arg7: memref<1x128xf32, #tpu.memory_space<vmem>>, %arg8: memref<128x128xf32, #tpu.memory_space<vmem>>, %arg9: memref<1x128xf32, #tpu.memory_space<vmem>>, %arg10: memref<1x128xf32, #tpu.memory_space<vmem>>, %arg11: memref<1x128xf32, #tpu.memory_space<vmem>>, %arg12: memref<1x128xf32, #tpu.memory_space<vmem>>, %arg13: memref<1x1xf32, #tpu.memory_space<vmem>>, %arg14: memref<1024x1xf32, #tpu.memory_space<vmem>>) attributes {dimension_semantics = [#tpu.dimension_semantics<arbitrary>], iteration_bounds = array<i64: 10>, scalar_prefetch = 0 : i64, scratch_operands = 0 : i64, tpu.core_type = #tpu.core_type<tc>, window_params = [{transform_indices = @transform_0, window_bounds = array<i64: 1024, 128>}, {transform_indices = @transform_1, window_bounds = array<i64: 1024, 128>}, {transform_indices = @transform_2, window_bounds = array<i64: 1024, 128>}, {transform_indices = @transform_3, window_bounds = array<i64: 1024, 1>}, {pipeline_mode = #tpu.pipeline_mode<synchronous>, transform_indices = @transform_4, window_bounds = array<i64: 128, 128>}, {pipeline_mode = #tpu.pipeline_mode<synchronous>, transform_indices = @transform_5, window_bounds = array<i64: 128, 128>}, {pipeline_mode = #tpu.pipeline_mode<synchronous>, transform_indices = @transform_6, window_bounds = array<i64: 1, 128>}, {pipeline_mode = #tpu.pipeline_mode<synchronous>, transform_indices = @transform_7, window_bounds = array<i64: 128, 128>}, {pipeline_mode = #tpu.pipeline_mode<synchronous>, transform_indices = @transform_8, window_bounds = array<i64: 1, 128>}, {pipeline_mode = #tpu.pipeline_mode<synchronous>, transform_indices = @transform_9, window_bounds = array<i64: 1, 128>}, {pipeline_mode = #tpu.pipeline_mode<synchronous>, transform_indices = @transform_10, window_bounds = array<i64: 1, 128>}, {pipeline_mode = #tpu.pipeline_mode<synchronous>, transform_indices = @transform_11, window_bounds = array<i64: 1, 128>}, {pipeline_mode = #tpu.pipeline_mode<synchronous>, transform_indices = @transform_12, window_bounds = array<i64: 1, 1>}, {transform_indices = @transform_13, window_bounds = array<i64: 1024, 1>}]} {
    %get3A = arith.constant 0 : index
    %get3A_0 = arith.constant 0 : index
    %get3A_1 = vector.load %arg4[%get3A, %get3A_0] : memref<1024x1xf32, #tpu.memory_space<vmem>>, vector<1024x1xf32>
    %max3A = arith.constant 1.000000e+00 : f32
    %max3A_2 = vector.broadcast %max3A : f32 to vector<1024x1xf32>
    %max3A_3 = arith.maximumf %get3A_1, %max3A_2 : vector<1024x1xf32>
    %get3A_4 = arith.constant 0 : index
    %get3A_5 = arith.constant 0 : index
    %get3A_6 = vector.load %arg3[%get3A_4, %get3A_5] : memref<1024x128xf32, #tpu.memory_space<vmem>>, vector<1024x128xf32>
    %div3A = vector.broadcast %max3A_3 : vector<1024x1xf32> to vector<1024x128xf32>
    %div3A_7 = arith.divf %get3A_6, %div3A : vector<1024x128xf32>
    %get3A_8 = arith.constant 0 : index
    %get3A_9 = arith.constant 0 : index
    %get3A_10 = vector.load %arg2[%get3A_8, %get3A_9] : memref<1024x128xf32, #tpu.memory_space<vmem>>, vector<1024x128xf32>
    %get3A_11 = arith.constant 0 : index
    %get3A_12 = arith.constant 0 : index
    %get3A_13 = vector.load %arg1[%get3A_11, %get3A_12] : memref<1024x128xf32, #tpu.memory_space<vmem>>, vector<1024x128xf32>
    %get3A_14 = arith.constant 0 : index
    %get3A_15 = arith.constant 0 : index
    %get3A_16 = vector.load %arg5[%get3A_14, %get3A_15] : memref<128x128xf32, #tpu.memory_space<vmem>>, vector<128x128xf32>
    %dot_general3A = arith.constant dense<0.000000e+00> : vector<1024x128xf32>
    %dot_general3A_17 = tpu.matmul %get3A_10, %get3A_16, %dot_general3A {dimension_numbers = #tpu.dot_dimension_numbers<[1], [0], [0], [1], [0, 0, 1, 1], [], []>, precision = #tpu.contract_precision<fp32>, transpose_lhs_hint = false} : vector<1024x128xf32>, vector<128x128xf32>, vector<1024x128xf32> -> vector<1024x128xf32>
    %get3A_18 = arith.constant 0 : index
    %get3A_19 = arith.constant 0 : index
    %get3A_20 = vector.load %arg6[%get3A_18, %get3A_19] : memref<128x128xf32, #tpu.memory_space<vmem>>, vector<128x128xf32>
    %dot_general3A_21 = arith.constant dense<0.000000e+00> : vector<1024x128xf32>
    %dot_general3A_22 = tpu.matmul %div3A_7, %get3A_20, %dot_general3A_21 {dimension_numbers = #tpu.dot_dimension_numbers<[1], [0], [0], [1], [0, 0, 1, 1], [], []>, precision = #tpu.contract_precision<fp32>, transpose_lhs_hint = false} : vector<1024x128xf32>, vector<128x128xf32>, vector<1024x128xf32> -> vector<1024x128xf32>
    %add3A = arith.addf %dot_general3A_17, %dot_general3A_22 : vector<1024x128xf32>
    %get3A_23 = arith.constant 0 : index
    %get3A_24 = arith.constant 0 : index
    %get3A_25 = vector.load %arg7[%get3A_23, %get3A_24] : memref<1x128xf32, #tpu.memory_space<vmem>>, vector<1x128xf32>
    %add3A_26 = vector.broadcast %get3A_25 : vector<1x128xf32> to vector<1024x128xf32>
    %add3A_27 = arith.addf %add3A, %add3A_26 : vector<1024x128xf32>
    %integer_pow3A = arith.mulf %add3A_27, %add3A_27 : vector<1024x128xf32>
    %integer_pow3A_28 = arith.mulf %add3A_27, %integer_pow3A : vector<1024x128xf32>
    %mul3A = arith.constant 4.471500e-02 : f32
    %mul3A_29 = vector.broadcast %mul3A : f32 to vector<1024x128xf32>
    %mul3A_30 = arith.mulf %mul3A_29, %integer_pow3A_28 : vector<1024x128xf32>
    %add3A_31 = arith.addf %add3A_27, %mul3A_30 : vector<1024x128xf32>
    %mul3A_32 = arith.constant 0.797884583 : f32
    %mul3A_33 = vector.broadcast %mul3A_32 : f32 to vector<1024x128xf32>
    %mul3A_34 = arith.mulf %mul3A_33, %add3A_31 : vector<1024x128xf32>
    %tanh3A = math.tanh %mul3A_34 : vector<1024x128xf32>
    %add3A_35 = arith.constant 1.000000e+00 : f32
    %add3A_36 = vector.broadcast %add3A_35 : f32 to vector<1024x128xf32>
    %add3A_37 = arith.addf %add3A_36, %tanh3A : vector<1024x128xf32>
    %mul3A_38 = arith.constant 5.000000e-01 : f32
    %mul3A_39 = vector.broadcast %mul3A_38 : f32 to vector<1024x128xf32>
    %mul3A_40 = arith.mulf %mul3A_39, %add3A_37 : vector<1024x128xf32>
    %mul3A_41 = arith.mulf %add3A_27, %mul3A_40 : vector<1024x128xf32>
    %get3A_42 = arith.constant 0 : index
    %get3A_43 = arith.constant 0 : index
    %get3A_44 = vector.load %arg8[%get3A_42, %get3A_43] : memref<128x128xf32, #tpu.memory_space<vmem>>, vector<128x128xf32>
    %dot_general3A_45 = arith.constant dense<0.000000e+00> : vector<1024x128xf32>
    %dot_general3A_46 = tpu.matmul %mul3A_41, %get3A_44, %dot_general3A_45 {dimension_numbers = #tpu.dot_dimension_numbers<[1], [0], [0], [1], [0, 0, 1, 1], [], []>, precision = #tpu.contract_precision<fp32>, transpose_lhs_hint = false} : vector<1024x128xf32>, vector<128x128xf32>, vector<1024x128xf32> -> vector<1024x128xf32>
    %add3A_47 = arith.addf %get3A_13, %dot_general3A_46 : vector<1024x128xf32>
    %get3A_48 = arith.constant 0 : index
    %get3A_49 = arith.constant 0 : index
    %get3A_50 = vector.load %arg9[%get3A_48, %get3A_49] : memref<1x128xf32, #tpu.memory_space<vmem>>, vector<1x128xf32>
    %add3A_51 = vector.broadcast %get3A_50 : vector<1x128xf32> to vector<1024x128xf32>
    %add3A_52 = arith.addf %add3A_47, %add3A_51 : vector<1024x128xf32>
    %get3A_53 = arith.constant 0 : index
    %get3A_54 = arith.constant 0 : index
    %get3A_55 = vector.load %arg10[%get3A_53, %get3A_54] : memref<1x128xf32, #tpu.memory_space<vmem>>, vector<1x128xf32>
    %get3A_56 = arith.constant 0 : index
    %get3A_57 = arith.constant 0 : index
    %get3A_58 = vector.load %arg11[%get3A_56, %get3A_57] : memref<1x128xf32, #tpu.memory_space<vmem>>, vector<1x128xf32>
    %reduce_sum3A = arith.constant dense<0.000000e+00> : vector<1024xf32>
    %reduce_sum3A_59 = vector.multi_reduction <add>, %add3A_52, %reduce_sum3A [1] : vector<1024x128xf32> to vector<1024xf32>
    %broadcast_in_dim3A = vector.shape_cast %reduce_sum3A_59 : vector<1024xf32> to vector<1024x1xf32>
    %div3A_60 = arith.constant 1.280000e+02 : f32
    %div3A_61 = vector.broadcast %div3A_60 : f32 to vector<1024x1xf32>
    %div3A_62 = arith.divf %broadcast_in_dim3A, %div3A_61 : vector<1024x1xf32>
    %sub3A = vector.broadcast %div3A_62 : vector<1024x1xf32> to vector<1024x128xf32>
    %sub3A_63 = arith.subf %add3A_52, %sub3A : vector<1024x128xf32>
    %integer_pow3A_64 = arith.mulf %sub3A_63, %sub3A_63 : vector<1024x128xf32>
    %reduce_sum3A_65 = arith.constant dense<0.000000e+00> : vector<1024xf32>
    %reduce_sum3A_66 = vector.multi_reduction <add>, %integer_pow3A_64, %reduce_sum3A_65 [1] : vector<1024x128xf32> to vector<1024xf32>
    %broadcast_in_dim3A_67 = vector.shape_cast %reduce_sum3A_66 : vector<1024xf32> to vector<1024x1xf32>
    %div3A_68 = arith.constant 1.280000e+02 : f32
    %div3A_69 = vector.broadcast %div3A_68 : f32 to vector<1024x1xf32>
    %div3A_70 = arith.divf %broadcast_in_dim3A_67, %div3A_69 : vector<1024x1xf32>
    %sub3A_71 = vector.broadcast %div3A_62 : vector<1024x1xf32> to vector<1024x128xf32>
    %sub3A_72 = arith.subf %add3A_52, %sub3A_71 : vector<1024x128xf32>
    %add3A_73 = arith.constant 9.99999974E-6 : f32
    %add3A_74 = vector.broadcast %add3A_73 : f32 to vector<1024x1xf32>
    %add3A_75 = arith.addf %div3A_70, %add3A_74 : vector<1024x1xf32>
    %rsqrt3A = math.rsqrt %add3A_75 : vector<1024x1xf32>
    %mul3A_76 = vector.broadcast %rsqrt3A : vector<1024x1xf32> to vector<1024x128xf32>
    %mul3A_77 = arith.mulf %sub3A_72, %mul3A_76 : vector<1024x128xf32>
    %mul3A_78 = vector.broadcast %get3A_55 : vector<1x128xf32> to vector<1024x128xf32>
    %mul3A_79 = arith.mulf %mul3A_77, %mul3A_78 : vector<1024x128xf32>
    %add3A_80 = vector.broadcast %get3A_58 : vector<1x128xf32> to vector<1024x128xf32>
    %add3A_81 = arith.addf %mul3A_79, %add3A_80 : vector<1024x128xf32>
    %get3A_82 = arith.constant 0 : index
    %get3A_83 = arith.constant 0 : index
    %get3A_84 = vector.load %arg12[%get3A_82, %get3A_83] : memref<1x128xf32, #tpu.memory_space<vmem>>, vector<1x128xf32>
    %mul3A_85 = vector.broadcast %get3A_84 : vector<1x128xf32> to vector<1024x128xf32>
    %mul3A_86 = arith.mulf %add3A_81, %mul3A_85 : vector<1024x128xf32>
    %reduce_sum3A_87 = arith.constant dense<0.000000e+00> : vector<1024xf32>
    %reduce_sum3A_88 = vector.multi_reduction <add>, %mul3A_86, %reduce_sum3A_87 [1] : vector<1024x128xf32> to vector<1024xf32>
    %broadcast_in_dim3A_89 = vector.shape_cast %reduce_sum3A_88 : vector<1024xf32> to vector<1024x1xf32>
    %get3A_90 = arith.constant 0 : index
    %get3A_91 = arith.constant 0 : index
    %get3A_92 = vector.load %arg13[%get3A_90, %get3A_91] : memref<1x1xf32, #tpu.memory_space<vmem>>, vector<1x1xf32>
    %get3A_93 = vector.extract %get3A_92[0, 0] : f32 from vector<1x1xf32>
    %add3A_94 = vector.broadcast %get3A_93 : f32 to vector<1024x1xf32>
    %add3A_95 = arith.addf %broadcast_in_dim3A_89, %add3A_94 : vector<1024x1xf32>
    %swap3A = arith.constant 0 : index
    %swap3A_96 = arith.constant 0 : index
    %swap3A_97 = vector.load %arg14[%swap3A, %swap3A_96] : memref<1024x1xf32, #tpu.memory_space<vmem>>, vector<1024x1xf32>
    tpu.vector_store %arg14[%swap3A, %swap3A_96], %add3A_95 {strides = array<i32>} : memref<1024x1xf32, #tpu.memory_space<vmem>>, vector<1024x1xf32>,
    return
  }
  func.func @transform_0(%arg0: i32) -> (i32, i32) {
    %c0_i32 = arith.constant 0 : i32
    %c0_i32_0 = arith.constant 0 : i32
    return %arg0, %c0_i32 : i32, i32
  }
  func.func @transform_1(%arg0: i32) -> (i32, i32) {
    %c0_i32 = arith.constant 0 : i32
    %c0_i32_0 = arith.constant 0 : i32
    return %arg0, %c0_i32 : i32, i32
  }
  func.func @transform_2(%arg0: i32) -> (i32, i32) {
    %c0_i32 = arith.constant 0 : i32
    %c0_i32_0 = arith.constant 0 : i32
    return %arg0, %c0_i32 : i32, i32
  }
  func.func @transform_3(%arg0: i32) -> (i32, i32) {
    %c0_i32 = arith.constant 0 : i32
    %c0_i32_0 = arith.constant 0 : i32
    return %arg0, %c0_i32 : i32, i32
  }
  func.func @transform_4(%arg0: i32) -> (i32, i32) {
    %c0_i32 = arith.constant 0 : i32
    %c0_i32_0 = arith.constant 0 : i32
    %c0_i32_1 = arith.constant 0 : i32
    return %c0_i32, %c0_i32_0 : i32, i32
  }
  func.func @transform_5(%arg0: i32) -> (i32, i32) {
    %c0_i32 = arith.constant 0 : i32
    %c0_i32_0 = arith.constant 0 : i32
    %c0_i32_1 = arith.constant 0 : i32
    return %c0_i32, %c0_i32_0 : i32, i32
  }
  func.func @transform_6(%arg0: i32) -> (i32, i32) {
    %c0_i32 = arith.constant 0 : i32
    %c0_i32_0 = arith.constant 0 : i32
    %c0_i32_1 = arith.constant 0 : i32
    return %c0_i32, %c0_i32_0 : i32, i32
  }
  func.func @transform_7(%arg0: i32) -> (i32, i32) {
    %c0_i32 = arith.constant 0 : i32
    %c0_i32_0 = arith.constant 0 : i32
    %c0_i32_1 = arith.constant 0 : i32
    return %c0_i32, %c0_i32_0 : i32, i32
  }
  func.func @transform_8(%arg0: i32) -> (i32, i32) {
    %c0_i32 = arith.constant 0 : i32
    %c0_i32_0 = arith.constant 0 : i32
    %c0_i32_1 = arith.constant 0 : i32
    return %c0_i32, %c0_i32_0 : i32, i32
  }
  func.func @transform_9(%arg0: i32) -> (i32, i32) {
    %c0_i32 = arith.constant 0 : i32
    %c0_i32_0 = arith.constant 0 : i32
    %c0_i32_1 = arith.constant 0 : i32
    return %c0_i32, %c0_i32_0 : i32, i32
  }
  func.func @transform_10(%arg0: i32) -> (i32, i32) {
    %c0_i32 = arith.constant 0 : i32
    %c0_i32_0 = arith.constant 0 : i32
    %c0_i32_1 = arith.constant 0 : i32
    return %c0_i32, %c0_i32_0 : i32, i32
  }
  func.func @transform_11(%arg0: i32) -> (i32, i32) {
    %c0_i32 = arith.constant 0 : i32
    %c0_i32_0 = arith.constant 0 : i32
    %c0_i32_1 = arith.constant 0 : i32
    return %c0_i32, %c0_i32_0 : i32, i32
  }
  func.func @transform_12(%arg0: i32) -> (i32, i32) {
    %c0_i32 = arith.constant 0 : i32
    %c0_i32_0 = arith.constant 0 : i32
    %c0_i32_1 = arith.constant 0 : i32
    return %c0_i32, %c0_i32_0 : i32, i32
  }
  func.func @transform_13(%arg0: i32) -> (i32, i32) {
    %c0_i32 = arith.constant 0 : i32
    %c0_i32_0 = arith.constant 0 : i32
    return %arg0, %c0_i32 : i32, i32
  }
}

</mosaic_0001>

<sc_bundles>
// kernel: kernel.12.cloned.1.call-start
scs
__scs_entry_jumppad:
0x0: {  	(pc) =	sbr.rel $0x88, $3  }
0x1: {  	(tag) =	ssettag $0x0;
	lr =	simm.s32 $0x1  }
0x2: {  	[smem:$0x3F93] =	sst lr;
	_ =	strace $0xD0000000  }
0x3: {  	_ = 	snop  }
0x4: {  	_ = 	snop  }
0x5: {  	_ = 	snop  }
0x6: {  	_ = 	snop  }
0x7: {  	_ = 	snop  }
__scs_overlays_trampoline_lowered:
0x8: {  	[smem:$0x3FA2] =	sst s0  }
0x9: {  	[smem:$0x3FA3] =	sst s1  }
0xa: {  	[smem:$0x3FA4] =	sst s2  }
0xb: {  	[smem:$0x3FA5] =	sst s3  }
0xc: {  	[smem:$0x3FA6] =	sst s4  }
0xd: {  	[smem:$0x3FA7] =	sst s5  }
0xe: {  	[smem:$0x3FA8] =	sst s6  }
0xf: {  	[smem:$0x3FA9] =	sst s7  }
0x10: {  	[smem:$0x3FAA] =	sst s8  }
0x11: {  	[smem:$0x3FAB] =	sst s9;
	s0 =	simm.s32 @!p0 $0x0  }
0x12: {  	s1 =	sld [smem:$0x3F91];
	s0 =	simm.s32 @p0 $0x1  }
0x13: {  	[smem:$0x3FAC] =	sst s0;
	s0 =	simm.s32 @!p1 $0x0  }
0x14: {  	s2 =	sld [smem:$0x3F90];
	s0 =	simm.s32 @p1 $0x1  }
0x15: {  	[smem:$0x3FAD] =	sst s0;
	s0 =	simm.s32 @!p2 $0x0  }
0x16: {  	s3 =	sld [smem:$0x3FDB];
	s0 =	simm.s32 @p2 $0x1  }
0x17: {  	s4 =	simm.s32 $0x1BF5;
	[smem:$0x3FAF] =	sst s0  }
0x18: {  	s0 =	sld [smem:$0x3F92];
	_ =	swait.ge [sflag:s4], $0x0  }
0x19: {  	s7 =	sld [smem:$0x3F93]  }
0x1a: {  	s8 =	sadd.s32 $0xFFFFE003, lr  }
0x1b: {  	s9 =	sadd.s32 $0xFFFFFEF7, lr;
	s5 =	simm.s32 $0xFFFFFFFF;
	p2 =	slt.u32 s8, $0xFFFFF086  }
0x1c: {  	p1 =	slt.u32 s9, $0xF7A;
	s5 =	simm.s32 @!p2 $0x0  }
0x1d: {  	s5 =	simm.s32 @p1 $0x1;
	p0 =	seq.s32 s7, s2  }
0x1e: {  	s7 =	smul.u32 @!p0 $0xF7A, s2;
	p2 =	seq.s32 @!p0 s5, $0x0  }
0x1f: {  	s9 =	smul.u32 $0xF7A, s1;
	s8 =	simm.s32 @!p0 $0x1BF5;
	p2 =	por !p2, p0  }
0x20: {  	[sflag:s8] =	ssyncset.s32 @!p0 $0xFFFFF086;
	s6 =	sadd.s32 @!p0 s3, s7;
	s7 =	simm.s32 @!p0 $0x108  }
0x21: {  	s3 =	sadd.s32 s3, s9;
	s6 =	sadd.s32 @!p0 $0x88, s6;
	s7 =	simm.s32 @p2 $0x1082  }
0x22: {  	[simem:s7], [sflag:s8] =	dma.local @!p0 [hbm:s6], $0xF7A  }
0x23: {  	s9 =	sor.u32 $0xD0000000, s2;
	s6 =	simm.s32 $0x108;
	_ =	swait.ge @!p0 [sflag:s8], $0x0  }
0x24: {  	s3 =	sadd.s32 $0x88, s3;
	s6 =	simm.s32 @!p1 $0x1082;
	[sflag:s4] =	ssyncset.s32 $0xFFFFF086  }
0x25: {  	[simem:s6], [sflag:s4] =	dma.local [hbm:s3], $0xF7A  }
0x26: {  	[smem:$0x3F93] =	sst s1;
	(tag) =	ssettag s2;
	_ =	strace s9  }
0x27: {  	s1 =	sld [smem:$0x3FA3]  }
0x28: {  	s2 =	sld [smem:$0x3FA4]  }
0x29: {  	s4 =	sld [smem:$0x3FA6]  }
0x2a: {  	p0 =	seq.s32 s5, $0x0;
	s5 =	sld [smem:$0x3FA7]  }
0x2b: {  	s6 =	sld [smem:$0x3FA8]  }
0x2c: {  	s7 =	sld [smem:$0x3FA9]  }
0x2d: {  	s3 =	simm.s32 $0x108;
	s8 =	sld [smem:$0x3FAA]  }
0x2e: {  	s3 =	simm.s32 @!p0 $0x1082;
	s9 =	sld [smem:$0x3FAB]  }
0x2f: {  	lr =	sadd.s32 s0, s3;
	s0 =	sld [smem:$0x3FA2]  }
0x30: {  	s3 =	sld [smem:$0x3FA5]  }
0x31: {  	[smem:$0x3FAE] =	sst s10  }
0x32: {  	s10 =	sld [smem:$0x3FAC];
	_ =	sdelay $0x3  }
0x33: {  	p0 =	seq.s32 s10, $0x1;
	s10 =	sld [smem:$0x3FAE];
	_ =	sdelay $0x3  }
0x34: {  	[smem:$0x3FAE] =	sst s10  }
0x35: {  	s10 =	sld [smem:$0x3FAD];
	_ =	sdelay $0x3  }
0x36: {  	p1 =	seq.s32 s10, $0x1;
	s10 =	sld [smem:$0x3FAE];
	_ =	sdelay $0x3  }
0x37: {  	[smem:$0x3FAE] =	sst s10  }
0x38: {  	s10 =	sld [smem:$0x3FAF]  }
0x39: {  	_ = 	snop;
	(pc) =	sbr.ind lr, $3  }
0x3a: {  	_ = 	snop  }
0x3b: {  	_ = 	snop  }
0x3c: {  	p2 =	seq.s32 s10, $0x1;
	s10 =	sld [smem:$0x3FAE]  }
0x3d: {  	_ =	shalt  }
0x3e: {  	_ =	shalt  }
0x3f: {  	_ =	shalt  }
0x40: {  	_ =	shalt  }
0x41: {  	_ =	shalt  }
0x42: {  	_ =	shalt  }
0x43: {  	_ =	shalt  }
0x44: {  	_ =	shalt  }
0x45: {  	_ =	shalt  }
0x46: {  	_ =	shalt  }
0x47: {  	_ =	shalt  }
0x48: {  	_ =	shalt  }
0x49: {  	_ =	shalt  }
0x4a: {  	_ =	shalt  }
0x4b: {  	_ =	shalt  }
0x4c: {  	_ =	shalt  }
0x4d: {  	_ =	shalt  }
0x4e: {  	_ =	shalt  }
0x4f: {  	_ =	shalt  }
0x50: {  	_ =	shalt  }
0x51: {  	_ =	shalt  }
0x52: {  	_ =	shalt  }
0x53: {  	_ =	shalt  }
0x54: {  	_ =	shalt  }
0x55: {  	_ =	shalt  }
0x56: {  	_ =	shalt  }
0x57: {  	_ =	shalt  }
0x58: {  	_ =	shalt  }
0x59: {  	_ =	shalt  }
0x5a: {  	_ =	shalt  }
0x5b: {  	_ =	shalt  }
0x5c: {  	_ =	shalt  }
0x5d: {  	_ =	shalt  }
0x5e: {  	_ =	shalt  }
0x5f: {  	_ =	shalt  }
0x60: {  	_ =	shalt  }
0x61: {  	_ =	shalt  }
0x62: {  	_ =	shalt  }
0x63: {  	_ =	shalt  }
0x64: {  	_ =	shalt  }
0x65: {  	_ =	shalt  }
0x66: {  	_ =	shalt  }
0x67: {  	_ =	shalt  }
0x68: {  	_ =	shalt  }
0x69: {  	_ =	shalt  }
0x6a: {  	_ =	shalt  }
0x6b: {  	_ =	shalt  }
0x6c: {  	_ =	shalt  }
0x6d: {  	_ =	shalt  }
0x6e: {  	_ =	shalt  }
0x6f: {  	_ =	shalt  }
0x70: {  	_ =	shalt  }
0x71: {  	_ =	shalt  }
0x72: {  	_ =	shalt  }
0x73: {  	_ =	shalt  }
0x74: {  	_ =	shalt  }
0x75: {  	_ =	shalt  }
0x76: {  	_ =	shalt  }
0x77: {  	_ =	shalt  }
0x78: {  	_ =	shalt  }
0x79: {  	_ =	shalt  }
0x7a: {  	_ =	shalt  }
0x7b: {  	_ =	shalt  }
0x7c: {  	_ =	shalt  }
0x7d: {  	_ =	shalt  }
0x7e: {  	_ =	shalt  }
0x7f: {  	_ =	shalt  }
0x80: {  	_ =	shalt  }
0x81: {  	_ =	shalt  }
0x82: {  	_ =	shalt  }
0x83: {  	_ =	shalt  }
0x84: {  	_ =	shalt  }
0x85: {  	_ =	shalt  }
0x86: {  	_ =	shalt  }
0x87: {  	_ =	shalt  }
.Lfunc_end0:
.L_simem_size_0:
called_computation.1_lowered:
.L_overlay_start_0:
0x88: {  	s2 =	sld [smem:$0x3FD9]  }
0x89: {  	s3 =	sld [smem:$0x3FFE];
	_ =	sdelay $0x1  }
0x8a: {  	s1 =	srdreg.scid  }
0x8b: {  	s0 =	sand.u32 $0x1, s1  }
0x8c: {  	s17 =	sshll.u32 s0, $0xA;
	s2 =	sadd.s32 s3, s2  }
0x8d: {  	s2 =	sadd.s32 s2, s17  }
0x8e: {  	[smem:$0x3FBA] =	sst s2  }
0x8f: {  	_ = 	snop  }
0x90: {  	s2 =	sld [smem:$0x3FD0];
	(tm) =	ssettm $0x1  }
0x91: {  	s18 =	sld [smem:$0x3FFB];
	_ =	sdelay $0x3  }
0x92: {  	_ =	strace s18  }
0x93: {  	s3 =	sld [smem:$0x3FFC];
	_ =	sdelay $0x3  }
0x94: {  	_ =	strace s3  }
0x95: {  	s3 =	sld [smem:$0x3FFD];
	_ =	sdelay $0x3  }
0x96: {  	_ =	strace s3  }
0x97: {  	_ =	strace $0x8FFFFFFF  }
0x98: {  	s19 =	sld [smem:$0x3FDB];
	_ =	sdelay $0x1  }
0x99: {  	s4 =	simm.s32 $_scs_section_size  }
0x9a: {  	s5 =	simm.s32 $_size__tile_overlayer_lowered;
	s6 =	simm.s32 $_tile_overlayer_lowered  }
0x9b: {  	s22 =	simm.s32 $0x1BFF;
	s21 =	sshll.u32 s6, $0x1;
	s3 =	sadd.s32 s4, s19  }
0x9c: {  	s7 =	simm.s32 $0x0;
	s20 =	sshll.u32 s5, $0x1;
	s5 =	sadd.s32 s21, s3  }
0x9d: {  	[timem:s7], [sflag:s22] =	dma.local [hbm:s5], s20  }
0x9e: {  	_ =	swait.ge [sflag:s22], s20  }
0x9f: {  	s4 =	ssub.s32 $0x0, s20;
	[sflag:s22] =	ssyncset.done $0x0  }
0xa0: {  	[sflag:s22] =	ssyncadd.s32 s4;
	_ =	sdelay $0x1  }
0xa1: {  	s23 =	simm.s32 $0x1B8B  }
0xa2: {  	_ =	swait.ge [sflag:s23], $0x1  }
0xa3: {  	[sflag:s23] =	ssyncset.done $0x0  }
0xa4: {  	s25 =	simm.s32 $0x1B8E;
	s24 =	sld [smem:$0x3FFE];
	[sflag:s23] =	ssyncadd.s32 $0xFFFFFFFF  }
0xa5: {  	s26 =	simm.s32 $execute0_lowered;
	[smem:$0x3FD2] =	sst s25  }
0xa6: {  	s5 =	sshll.u32 s26, $0x1;
	_ =	strace $0x80000049;
	[dreg:$0x1] =	wrdreg $0xFFFFFFFF  }
0xa7: {  	s28 =	simm.s32 $_size_execute0_lowered;
	s3 =	sadd.s32 s3, s5;
	[dreg:$0x0] =	wrdreg $0x0  }
0xa8: {  	s5 =	sshll.u32 s28, $0x1;
	[dreg:$0x2] =	wrdreg s3  }
0xa9: {  	[dreg:$0x3] =	wrdreg s5  }
0xaa: {  	[dreg:$0x4] =	wrdreg $0xC0  }
0xab: {  	_ =	task [dreg:s7], $0x5FFFF  }
0xac: {  	[dreg:$0x1] =	wrdreg $0xFFFFFFFF  }
0xad: {  	[dreg:$0x0] =	wrdreg $0x60  }
0xae: {  	[dreg:$0x2] =	wrdreg s24  }
0xaf: {  	[dreg:$0x3] =	wrdreg s2  }
0xb0: {  	[dreg:$0x4] =	wrdreg $0x141100  }
0xb1: {  	[dreg:$0x5] =	wrdreg $0x9  }
0xb2: {  	_ =	task.clear_ibuf [dreg:s7], $0x6FFFF;
	_ =	strace $0x90000049  }
0xb3: {  	s29 =	simm.s32 $0x9;
	_ =	strace $0x8000004B  }
0xb4: {  	_ =	swait.ge [sflag:s29], $0x1  }
0xb5: {  	[sflag:s29] =	ssyncadd.s32 $0xFFFFFFFF  }
0xb6: {  	_ =	strace $0x9000004B  }
0xb7: {  	_ =	sfence  }
0xb8: {  	s30 =	sld [smem:$0x0];
	_ =	sdelay $0x2  }
0xb9: {  	s31 =	sshll.u32 s1, $0xD;
	s1 =	sshrl.u32 s1, $0x2  }
0xba: {  	s3 =	sand.u32 $0x4000, s31;
	s1 =	sadd.s32 s1, s30  }
0xbb: {  	s0 =	sor.u32 s3, s0;
	s1 =	sshll.u32 s1, $0x11  }
0xbc: {  	s0 =	sor.u32 s1, s0  }
0xbd: {  	s0 =	sadd.s32 $0x8F2B, s0  }
0xbe: {  	[sflag:s0] =	ssyncadd.remote.s32 $0x1  }
0xbf: {  	_ =	sfence.sel $0xFFFF  }
0xc0: {  	[dreg:$0x0] =	wrdreg $0xFFFFFFFF;
	(pc) =	sbr.abs _section_cstart, $3  }
0xc1: {  	[dreg:$0x1] =	wrdreg $0xFFFFFFFF  }
0xc2: {  	_ =	task.clear_ibuf [dreg:s7], $0x2FFFF;
	_ =	strace $0x9FFFFFFF  }
0xc3: {  	(tm) =	ssettm $0x7FFFFFFF  }
tec
execute0_lowered:
.L_overlay_start_1:
0x0: {  	(tag) =	ssettag $0x1  }
0x1: {  	s0 =	rddreg [dreg:$0x0]  }
0x2: {  	s1 =	rddreg [dreg:$0x1];
	s3 =	srdreg.scid  }
0x3: {  	s2 =	rddreg [dreg:$0x2];
	s9 =	stileid.u32  }
0x4: {  	s16 =	simm.s32 $0x0;
	s29 =	simm.s32 $0xB110;
	s5 =	smul.u32 $0x5080, s9  }
0x5: {  	s31 =	simm.s32 $0x11110;
	s28 =	simm.s32 $0x1;
	s7 =	smul.u32 $0x1400, s9  }
0x6: {  	s30 =	simm.s32 $0x2;
	s10 =	simm.s32 $0xA;
	s15 =	smul.u32 $0x29000, s9  }
0x7: {  	s11 =	simm.s32 $0xB;
	s3 =	sand.u32 $0x1, s3;
	s19 =	smul.u32 $0x28000, s9  }
0x8: {  	s12 =	simm.s32 $0xC;
	[smem:$0x7FF] =	sst s16;
	s4 =	smul.u32 $0x50800, s3  }
0x9: {  	s18 =	sshll.u32 s9, $0x1;
	s9 =	simm.s32 $0x9;
	s6 =	smul.u32 $0x14000, s3  }
0xa: {  	_ =	strace $0x8000004A;
	s8 =	ssub.s32 $0x2, s3;
	s3 =	sshll.u32 s3, $0x5  }
0xb: {  	s1 =	sadd.s32 s1, s18;
	s18 =	simm.s32 $0x4;
	s13 =	sshrl.u32 s8, $0x1  }
0xc: {  	s1 =	sadd.s32 s3, s1;
	s22 =	sshrl.u32 s19, $0x2;
	s19 =	simm.s32 $0x20  }
0xd: {  	s5 =	sadd.s32 s5, s4;
	s4 =	sadd.s32 $0x45E00, s0;
	s6 =	sadd.s32 s7, s6  }
0xe: {  	s14 =	ssub.s32 s8, s13;
	s7 =	sshrl.u32 s15, $0x2;
	[dreg:$0x7] =	wrdreg s1  }
0xf: {  	s13 =	simm.s32 $0xD;
	s15 =	simm.s32 $0xF;
	s5 =	sshrl.u32 s5, $0x3  }
0x10: {  	s20 =	sadd.s32 s7, s2;
	s23 =	smax.u32 s14, $0x1;
	s7 =	simm.s32 $0x8  }
0x11: {  	s14 =	simm.s32 $0xE;
	s5 =	sadd.s32 s5, s0;
	[dreg:$0xb] =	wrdreg s23  }
0x12: {  	s0 =	sadd.s32 s6, s0;
	s21 =	sadd.s32 $0xA000, s20;
	[dreg:$0x8] =	wrdreg s20  }
0x13: {  	s24 =	sadd.s32 $0x2000, s20;
	s25 =	sadd.s32 $0x4000, s20;
	[dreg:$0x9] =	wrdreg s21  }
0x14: {  	s26 =	sadd.s32 $0x6000, s20;
	s1 =	sadd.s32 $0x8000, s20;
	[dreg:$0xc] =	wrdreg s24  }
0x15: {  	s20 =	simm.s32 $0x11;
	s23 =	simm.s32 $0xF110;
	[dreg:$0xd] =	wrdreg s25  }
0x16: {  	s6 =	simm.s32 $0x7;
	s17 =	sadd.s32 $0x1DA00, s5;
	[dreg:$0xe] =	wrdreg s26  }
0x17: {  	s5 =	sadd.s32 $0x31C00, s5;
	s0 =	sadd.s32 $0x6DE00, s0;
	[dreg:$0xf] =	wrdreg s1  }
0x18: {  	s26 =	simm.s32 $0xA110;
	s21 =	simm.s32 $0xC110;
	[dreg:$0x5] =	wrdreg s17  }
0x19: {  	s24 =	simm.s32 $0x10110;
	s1 =	simm.s32 $0x5;
	[dreg:$0x6] =	wrdreg s5  }
0x1a: {  	s25 =	simm.s32 $0x10;
	[dreg:$0xa] =	wrdreg s0;
	s0 =	sadd.s32 s22, s2  }
0x1b: {  	s17 =	simm.s32 $0xD110;
	s22 =	simm.s32 $0xE110;
	s0 =	sshrl.u32 s0, $0x3  }
0x1c: {  	v0 =	vimm.f32 $0.0e+00;
	s5 =	simm.s32 $0x6;
	[dreg:$0x10] =	wrdreg s0;
	s0 =	simm.s32 $0x3  }
.LBB2_1:
0x1d: {  	[dreg:$0x4] =	wrdreg s16;
	s3 =	simm.s32 $0x0;
	s8 =	simm.s32 $0x200  }
.LBB2_2:
0x1e: {  	p0 =	sne.s32 s8, $0x7E00;
	[tilespmem:s3+$0x12180] =	vst v0  }
0x1f: {  	[tilespmem:s3+$0x12110] =	vst v0  }
0x20: {  	[tilespmem:s3+$0x12120] =	vst v0  }
.Ltmp0:
0x21: {  	[tilespmem:s3+$0x12130] =	vst v0;
	(pc) =	sbr.rel @p0 .LBB2_2-.Ltmp0, $4  }
0x22: {  	[tilespmem:s3+$0x12140] =	vst v0  }
0x23: {  	[tilespmem:s3+$0x12150] =	vst v0  }
0x24: {  	[tilespmem:s3+$0x12160] =	vst v0  }
0x25: {  	[tilespmem:s3+$0x12170] =	vst v0;
	s3 =	sshra.s32 s8, $0x2;
	s8 =	sadd.s32 $0x200, s8  }
0x26: {  	[tilespmem:s3+$0x12180] =	vst v0  }
0x27: {  	[tilespmem:s3+$0x12110] =	vst v0  }
0x28: {  	[tilespmem:s3+$0x12120] =	vst v0  }
0x29: {  	[tilespmem:s3+$0x12130] =	vst v0  }
0x2a: {  	[tilespmem:s3+$0x12140] =	vst v0  }
0x2b: {  	[tilespmem:s3+$0x12150] =	vst v0  }
0x2c: {  	[tilespmem:s3+$0x12160] =	vst v0  }
0x2d: {  	[tilespmem:s3+$0x12170] =	vst v0;
	s3 =	simm.s32 $0x0;
	s8 =	rddreg [dreg:$0x5]  }
0x2e: {  	[tilespmem:s3], [sflag:$0x11] =	stream.linear.gather [hbm4b:s8+s3], $0x5080, $0x38;
	[tilespmem:$0x1E510] =	vst v63  }
0x2f: {  	_ =	swait.ge [sflag:s20], $0x5080  }
0x30: {  	[sflag:s20] =	ssyncset.done $0x0  }
0x31: {  	s16 =	simm.s32 $0x5080;
	s8 =	rddreg [dreg:$0x6];
	[sflag:s20] =	ssyncadd.s32 $0xFFFFAF80  }
0x32: {  	[tilespmem:s16], [sflag:$0x11] =	stream.linear.gather [hbm4b:s8+s3], $0x5080, $0x38;
	[tilespmem:$0x1E510] =	vst v63  }
0x33: {  	_ =	swait.ge [sflag:s20], $0x5080  }
0x34: {  	[sflag:s20] =	ssyncset.done $0x0  }
0x35: {  	s16 =	simm.s32 $0xA100;
	s8 =	rddreg [dreg:$0x7];
	[sflag:s20] =	ssyncadd.s32 $0xFFFFAF80  }
0x36: {  	[tilespmem:s16], [sflag:$0x11] =	stream.linear.gather [hbm4b:s8+s3], $0x10, $0x38;
	[tilespmem:$0x1E510] =	vst v63  }
0x37: {  	_ =	swait.ge [sflag:s20], $0x10  }
0x38: {  	[sflag:s20] =	ssyncset.done $0x0  }
0x39: {  	[sflag:s20] =	ssyncadd.s32 $0xFFFFFFF0  }
0x3a: {  	v1 =	vld [tilespmem:$0xA100];
	[tilespmem:s26], [sflag:$0x1] =	stream.indirect.gather [hbm4b:s4+s19], $0x80, s3, s19, $0xb8  }
0x3b: {  	_ = 	snop  }
0x3c: {  	[tilespmem:s29], [sflag:$0x2] =	stream.indirect.gather [hbm4b:s4+s19], $0x80, s19, s19, $0xb8;
	[tilespmem:$0x1E510] =	vst v63  }
0x3d: {  	s8 =	simm.s32 $0x40  }
0x3e: {  	[tilespmem:s21], [sflag:$0x3] =	stream.indirect.gather [hbm4b:s4+s19], $0x80, s8, s19, $0xb8;
	[tilespmem:$0x1E510] =	vst v63  }
0x3f: {  	s16 =	simm.s32 $0x60  }
0x40: {  	[tilespmem:s17], [sflag:$0x4] =	stream.indirect.gather [hbm4b:s4+s19], $0x80, s16, s19, $0xb8;
	[tilespmem:$0x1E510] =	vst v63  }
0x41: {  	s8 =	simm.s32 $0x80  }
0x42: {  	[tilespmem:s22], [sflag:$0x5] =	stream.indirect.gather [hbm4b:s4+s19], $0x80, s8, s19, $0xb8;
	[tilespmem:$0x1E510] =	vst v63  }
0x43: {  	s16 =	simm.s32 $0xA0  }
0x44: {  	[tilespmem:s23], [sflag:$0x6] =	stream.indirect.gather [hbm4b:s4+s19], $0x80, s16, s19, $0xb8;
	[tilespmem:$0x1E510] =	vst v63  }
0x45: {  	s8 =	simm.s32 $0xC0  }
0x46: {  	[tilespmem:s24], [sflag:$0x7] =	stream.indirect.gather [hbm4b:s4+s19], $0x80, s8, s19, $0xb8;
	[tilespmem:$0x1E510] =	vst v63  }
0x47: {  	s16 =	simm.s32 $0xE0  }
0x48: {  	[tilespmem:s31], [sflag:$0x8] =	stream.indirect.gather [hbm4b:s4+s19], $0x80, s16, s19, $0xb8;
	[tilespmem:$0x1E510] =	vst v63  }
0x49: {  	s8 =	rddreg [dreg:$0x8];
	s16 =	simm.s32 $0x12110  }
0x4a: {  	[spmem:s8] =	stream.linear.scatter [tilespmem:s16], [sflag:$0x11], $0x2000, $0x38;
	[tilespmem:$0x1E510] =	vst v63  }
0x4b: {  	_ =	swait.ge [sflag:s20], $0x2000  }
0x4c: {  	[sflag:s20] =	ssyncset.done $0x0  }
0x4d: {  	s8 =	rddreg [dreg:$0xc];
	[sflag:s20] =	ssyncadd.s32 $0xFFFFE000  }
0x4e: {  	[spmem:s8] =	stream.linear.scatter [tilespmem:s16], [sflag:$0x11], $0x2000, $0x38;
	[tilespmem:$0x1E510] =	vst v63  }
0x4f: {  	_ =	swait.ge [sflag:s20], $0x2000  }
0x50: {  	[sflag:s20] =	ssyncset.done $0x0  }
0x51: {  	s8 =	rddreg [dreg:$0xd];
	[sflag:s20] =	ssyncadd.s32 $0xFFFFE000  }
0x52: {  	[spmem:s8] =	stream.linear.scatter [tilespmem:s16], [sflag:$0x11], $0x2000, $0x38;
	[tilespmem:$0x1E510] =	vst v63  }
0x53: {  	_ =	swait.ge [sflag:s20], $0x2000  }
0x54: {  	[sflag:s20] =	ssyncset.done $0x0  }
0x55: {  	s8 =	rddreg [dreg:$0xe];
	[sflag:s20] =	ssyncadd.s32 $0xFFFFE000  }
0x56: {  	[spmem:s8] =	stream.linear.scatter [tilespmem:s16], [sflag:$0x11], $0x2000, $0x38;
	[tilespmem:$0x1E510] =	vst v63  }
0x57: {  	_ =	swait.ge [sflag:s20], $0x2000  }
0x58: {  	[sflag:s20] =	ssyncset.done $0x0  }
0x59: {  	s8 =	rddreg [dreg:$0xf];
	[sflag:s20] =	ssyncadd.s32 $0xFFFFE000  }
0x5a: {  	[spmem:s8] =	stream.linear.scatter [tilespmem:s16], [sflag:$0x11], $0x2000, $0x38;
	[tilespmem:$0x1E510] =	vst v63  }
0x5b: {  	_ =	swait.ge [sflag:s20], $0x2000  }
0x5c: {  	(v2sf) =	vpush v1, $0x0;
	_ =	sdelay $0xb  }
0x5d: {  	[sflag:s20] =	ssyncset.done $0x0  }
0x5e: {  	s8 =	rddreg [dreg:$0x9];
	[sflag:s20] =	ssyncadd.s32 $0xFFFFE000  }
0x5f: {  	[spmem:s8] =	stream.linear.scatter [tilespmem:s16], [sflag:$0x11], $0x400, $0x38;
	[tilespmem:$0x1E510] =	vst v63  }
0x60: {  	s3 =	spop (v2sf)  }
0x61: {  	_ =	swait.ge [sflag:s20], $0x400  }
0x62: {  	[sflag:s20] =	ssyncset.done $0x0  }
0x63: {  	[sflag:s20] =	ssyncadd.s32 $0xFFFFFC00  }
0x64: {  	[bflag:$0x0] =	sbarrier.arrive $0xFFFF  }
0x65: {  	_ =	swait.ge [sflag:s28], $0x1000  }
0x66: {  	[sflag:s28] =	ssyncset.done $0x0  }
0x67: {  	s20 =	simm.s32 $0x5080;
	[sflag:s28] =	ssyncadd.s32 $0xFFFFF000  }
0x68: {  	[spmem:s2] =	stream.indirect.scatter.add.f32 [tilespmem:s26], [sflag:$0x9], $0x80, s20, s19, $0xb8;
	[tilespmem:$0x1E510] =	vst v63  }
0x69: {  	_ =	swait.ge [sflag:s30], $0x1000  }
0x6a: {  	[sflag:s30] =	ssyncset.done $0x0  }
0x6b: {  	s16 =	simm.s32 $0x50A0;
	[sflag:s30] =	ssyncadd.s32 $0xFFFFF000  }
0x6c: {  	[spmem:s2] =	stream.indirect.scatter.add.f32 [tilespmem:s29], [sflag:$0xA], $0x80, s16, s19, $0xb8;
	[tilespmem:$0x1E510] =	vst v63  }
0x6d: {  	_ =	swait.ge [sflag:s0], $0x1000  }
0x6e: {  	[sflag:s0] =	ssyncset.done $0x0  }
0x6f: {  	s20 =	simm.s32 $0x50C0;
	[sflag:s0] =	ssyncadd.s32 $0xFFFFF000  }
0x70: {  	[spmem:s2] =	stream.indirect.scatter.add.f32 [tilespmem:s21], [sflag:$0xB], $0x80, s20, s19, $0xb8;
	[tilespmem:$0x1E510] =	vst v63  }
0x71: {  	_ =	swait.ge [sflag:s18], $0x1000  }
0x72: {  	[sflag:s18] =	ssyncset.done $0x0  }
0x73: {  	s3 =	sadd.s32 $0x1F, s3;
	s16 =	simm.s32 $0x50E0;
	[sflag:s18] =	ssyncadd.s32 $0xFFFFF000  }
0x74: {  	[spmem:s2] =	stream.indirect.scatter.add.f32 [tilespmem:s17], [sflag:$0xC], $0x80, s16, s19, $0xb8;
	[tilespmem:$0x1E510] =	vst v63  }
0x75: {  	p0 =	slt.s32 s3, $0x1;
	_ =	swait.ge [sflag:s1], $0x1000  }
0x76: {  	s20 =	sand.u32 $0x1F, s3;
	s21 =	simm.s32 $0x5100;
	[sflag:s1] =	ssyncset.done $0x0  }
0x77: {  	p1 =	sne.s32 s20, $0x0;
	s17 =	sshra.s32 s3, $0x1F;
	[sflag:s1] =	ssyncadd.s32 $0xFFFFF000  }
0x78: {  	[spmem:s2] =	stream.indirect.scatter.add.f32 [tilespmem:s22], [sflag:$0xD], $0x80, s21, s19, $0xb8;
	[tilespmem:$0x1E510] =	vst v63  }
0x79: {  	p0 =	por !p0, !p1;
	s8 =	sshrl.u32 s17, $0x1B;
	_ =	swait.ge [sflag:s5], $0x1000  }
0x7a: {  	p0 =	por !p0, !p0;
	s3 =	sadd.s32 s8, s3;
	[sflag:s5] =	ssyncset.done $0x0  }
0x7b: {  	s8 =	simm.s32 $0x1;
	s22 =	simm.s32 $0x5120;
	[sflag:s5] =	ssyncadd.s32 $0xFFFFF000  }
0x7c: {  	[spmem:s2] =	stream.indirect.scatter.add.f32 [tilespmem:s23], [sflag:$0xE], $0x80, s22, s19, $0xb8;
	[tilespmem:$0x1E510] =	vst v63  }
0x7d: {  	s3 =	sshra.s32 s3, $0x5;
	s8 =	simm.s32 @!p0 $0x0;
	_ =	swait.ge [sflag:s6], $0x1000  }
0x7e: {  	s3 =	ssub.s32 s3, s8;
	[sflag:s6] =	ssyncset.done $0x0  }
0x7f: {  	p0 =	sgt.s32 s3, $0x8;
	s23 =	simm.s32 $0x5140;
	[sflag:s6] =	ssyncadd.s32 $0xFFFFF000  }
0x80: {  	[spmem:s2] =	stream.indirect.scatter.add.f32 [tilespmem:s24], [sflag:$0xF], $0x80, s23, s19, $0xb8;
	[tilespmem:$0x1E510] =	vst v63  }
0x81: {  	s3 =	simm.s32 @!p0 $0x8;
	_ =	swait.ge [sflag:s7], $0x1000  }
0x82: {  	s3 =	sadd.s32 $0x7, s3;
	[sflag:s7] =	ssyncset.done $0x0  }
0x83: {  	s8 =	sand.u32 $0x7FFFFFF8, s3;
	s24 =	simm.s32 $0x5160;
	[sflag:s7] =	ssyncadd.s32 $0xFFFFF000  }
0x84: {  	[spmem:s2] =	stream.indirect.scatter.add.f32 [tilespmem:s31], [sflag:$0x10], $0x80, s24, s19, $0xb8;
	[tilespmem:$0x1E510] =	vst v63  }
0x85: {  	p0 =	sle.u32 s8, $0x8;
	_ =	swait.ge [sflag:s9], $0x1000  }
0x86: {  	s3 =	simm.s32 @!p0 $0xA110;
	[sflag:s9] =	ssyncset.done $0x0  }
0x87: {  	s16 =	simm.s32 @!p0 $0x100;
	s20 =	simm.s32 @!p0 $0x20;
	[sflag:s9] =	ssyncadd.s32 $0xFFFFF000  }
0x88: {  	[tilespmem:s3], [sflag:$0x1] =	stream.indirect.gather @!p0 [hbm4b:s4+s20], $0x80, s16, s20, $0xb8;
	[tilespmem:$0x1E510] =	vst v63  }
0x89: {  	p0 =	sle.u32 s8, $0x9;
	_ =	swait.ge [sflag:s10], $0x1000  }
0x8a: {  	s3 =	simm.s32 @!p0 $0xB110;
	[sflag:s10] =	ssyncset.done $0x0  }
0x8b: {  	s16 =	simm.s32 @!p0 $0x120;
	s20 =	simm.s32 @!p0 $0x20;
	[sflag:s10] =	ssyncadd.s32 $0xFFFFF000  }
0x8c: {  	[tilespmem:s3], [sflag:$0x2] =	stream.indirect.gather @!p0 [hbm4b:s4+s20], $0x80, s16, s20, $0xb8;
	[tilespmem:$0x1E510] =	vst v63  }
0x8d: {  	p0 =	sle.u32 s8, $0xA;
	_ =	swait.ge [sflag:s11], $0x1000  }
0x8e: {  	s3 =	simm.s32 @!p0 $0xC110;
	[sflag:s11] =	ssyncset.done $0x0  }
0x8f: {  	s16 =	simm.s32 @!p0 $0x140;
	s20 =	simm.s32 @!p0 $0x20;
	[sflag:s11] =	ssyncadd.s32 $0xFFFFF000  }
0x90: {  	[tilespmem:s3], [sflag:$0x3] =	stream.indirect.gather @!p0 [hbm4b:s4+s20], $0x80, s16, s20, $0xb8;
	[tilespmem:$0x1E510] =	vst v63  }
0x91: {  	p0 =	sle.u32 s8, $0xB;
	_ =	swait.ge [sflag:s12], $0x1000  }
0x92: {  	s3 =	simm.s32 @!p0 $0xD110;
	[sflag:s12] =	ssyncset.done $0x0  }
0x93: {  	s16 =	simm.s32 @!p0 $0x160;
	s20 =	simm.s32 @!p0 $0x20;
	[sflag:s12] =	ssyncadd.s32 $0xFFFFF000  }
0x94: {  	[tilespmem:s3], [sflag:$0x4] =	stream.indirect.gather @!p0 [hbm4b:s4+s20], $0x80, s16, s20, $0xb8;
	[tilespmem:$0x1E510] =	vst v63  }
0x95: {  	p0 =	sle.u32 s8, $0xC;
	_ =	swait.ge [sflag:s13], $0x1000  }
0x96: {  	s3 =	simm.s32 @!p0 $0xE110;
	[sflag:s13] =	ssyncset.done $0x0  }
0x97: {  	s16 =	simm.s32 @!p0 $0x180;
	s20 =	simm.s32 @!p0 $0x20;
	[sflag:s13] =	ssyncadd.s32 $0xFFFFF000  }
0x98: {  	[tilespmem:s3], [sflag:$0x5] =	stream.indirect.gather @!p0 [hbm4b:s4+s20], $0x80, s16, s20, $0xb8;
	[tilespmem:$0x1E510] =	vst v63  }
0x99: {  	p0 =	sle.u32 s8, $0xD;
	_ =	swait.ge [sflag:s14], $0x1000  }
0x9a: {  	s3 =	simm.s32 @!p0 $0xF110;
	[sflag:s14] =	ssyncset.done $0x0  }
0x9b: {  	s16 =	simm.s32 @!p0 $0x1A0;
	s20 =	simm.s32 @!p0 $0x20;
	[sflag:s14] =	ssyncadd.s32 $0xFFFFF000  }
0x9c: {  	[tilespmem:s3], [sflag:$0x6] =	stream.indirect.gather @!p0 [hbm4b:s4+s20], $0x80, s16, s20, $0xb8;
	[tilespmem:$0x1E510] =	vst v63  }
0x9d: {  	p0 =	sle.u32 s8, $0xE;
	_ =	swait.ge [sflag:s15], $0x1000  }
0x9e: {  	s3 =	simm.s32 @!p0 $0x10110;
	[sflag:s15] =	ssyncset.done $0x0  }
0x9f: {  	s16 =	simm.s32 @!p0 $0x1C0;
	s20 =	simm.s32 @!p0 $0x20;
	[sflag:s15] =	ssyncadd.s32 $0xFFFFF000  }
0xa0: {  	[tilespmem:s3], [sflag:$0x7] =	stream.indirect.gather @!p0 [hbm4b:s4+s20], $0x80, s16, s20, $0xb8;
	[tilespmem:$0x1E510] =	vst v63  }
0xa1: {  	p0 =	sne.s32 s8, $0x8  }
.Ltmp1:
0xa2: {  	_ = 	snop;
	(pc) =	sbr.rel @!p0 .LBB2_5-.Ltmp1, $4  }
0xa3: {  	s17 =	simm.s32 $0x11110;
	s22 =	simm.s32 $0xE110;
	p1 =	sle.u32 s8, $0xF  }
0xa4: {  	s21 =	simm.s32 @!p1 $0x20;
	s24 =	simm.s32 $0x8;
	_ =	swait.ge [sflag:s25], $0x1000  }
0xa5: {  	s31 =	simm.s32 $0xF110;
	s3 =	simm.s32 $0x400;
	[sflag:s25] =	ssyncset.done $0x0  }
0xa6: {  	s16 =	simm.s32 @!p1 $0x11110;
	s20 =	simm.s32 @!p1 $0x1E0;
	[sflag:s25] =	ssyncadd.s32 $0xFFFFF000  }
.LBB2_4:
0xa7: {  	[tilespmem:s16], [sflag:$0x8] =	stream.indirect.gather @!p1 [hbm4b:s4+s21], $0x80, s20, s21, $0xb8;
	[tilespmem:$0x1E510] =	vst v63  }
0xa8: {  	s20 =	smov.u32 s24;
	s24 =	sadd.s32 $0x8, s24;
	s16 =	smov.u32 s3  }
0xa9: {  	p0 =	sne.s32 s8, s24;
	_ =	swait.ge [sflag:s28], $0x1000  }
0xaa: {  	s21 =	sshra.s32 s3, $0x2;
	[sflag:s28] =	ssyncset.done $0x0  }
0xab: {  	s23 =	sadd.s32 $0x5080, s21;
	[sflag:s28] =	ssyncadd.s32 $0xFFFFF000  }
0xac: {  	[spmem:s2] =	stream.indirect.scatter.add.f32 [tilespmem:s26], [sflag:$0x9], $0x80, s23, s19, $0xb8;
	[tilespmem:$0x1E510] =	vst v63  }
0xad: {  	_ =	swait.ge [sflag:s30], $0x1000  }
0xae: {  	[sflag:s30] =	ssyncset.done $0x0  }
0xaf: {  	s23 =	sadd.s32 $0x50A0, s21;
	[sflag:s30] =	ssyncadd.s32 $0xFFFFF000  }
0xb0: {  	[spmem:s2] =	stream.indirect.scatter.add.f32 [tilespmem:s29], [sflag:$0xA], $0x80, s23, s19, $0xb8;
	[tilespmem:$0x1E510] =	vst v63  }
0xb1: {  	_ =	swait.ge [sflag:s0], $0x1000  }
0xb2: {  	[sflag:s0] =	ssyncset.done $0x0  }
0xb3: {  	s26 =	simm.s32 $0xC110;
	s23 =	sadd.s32 $0x50C0, s21;
	[sflag:s0] =	ssyncadd.s32 $0xFFFFF000  }
0xb4: {  	[spmem:s2] =	stream.indirect.scatter.add.f32 [tilespmem:s26], [sflag:$0xB], $0x80, s23, s19, $0xb8;
	[tilespmem:$0x1E510] =	vst v63  }
0xb5: {  	_ =	swait.ge [sflag:s18], $0x1000  }
0xb6: {  	[sflag:s18] =	ssyncset.done $0x0  }
0xb7: {  	s23 =	sadd.s32 $0x50E0, s21;
	s26 =	simm.s32 $0xD110;
	[sflag:s18] =	ssyncadd.s32 $0xFFFFF000  }
0xb8: {  	[spmem:s2] =	stream.indirect.scatter.add.f32 [tilespmem:s26], [sflag:$0xC], $0x80, s23, s19, $0xb8;
	[tilespmem:$0x1E510] =	vst v63  }
0xb9: {  	_ =	swait.ge [sflag:s1], $0x1000  }
0xba: {  	[sflag:s1] =	ssyncset.done $0x0  }
0xbb: {  	s23 =	sadd.s32 $0x5100, s21;
	[sflag:s1] =	ssyncadd.s32 $0xFFFFF000  }
0xbc: {  	[spmem:s2] =	stream.indirect.scatter.add.f32 [tilespmem:s22], [sflag:$0xD], $0x80, s23, s19, $0xb8;
	[tilespmem:$0x1E510] =	vst v63  }
0xbd: {  	_ =	swait.ge [sflag:s5], $0x1000  }
0xbe: {  	[sflag:s5] =	ssyncset.done $0x0  }
0xbf: {  	s23 =	sadd.s32 $0x5120, s21;
	[sflag:s5] =	ssyncadd.s32 $0xFFFFF000  }
0xc0: {  	[spmem:s2] =	stream.indirect.scatter.add.f32 [tilespmem:s31], [sflag:$0xE], $0x80, s23, s19, $0xb8;
	[tilespmem:$0x1E510] =	vst v63  }
0xc1: {  	_ =	swait.ge [sflag:s6], $0x1000  }
0xc2: {  	[sflag:s6] =	ssyncset.done $0x0  }
0xc3: {  	s26 =	simm.s32 $0x10110;
	s23 =	sadd.s32 $0x5140, s21;
	[sflag:s6] =	ssyncadd.s32 $0xFFFFF000  }
0xc4: {  	[spmem:s2] =	stream.indirect.scatter.add.f32 [tilespmem:s26], [sflag:$0xF], $0x80, s23, s19, $0xb8;
	[tilespmem:$0x1E510] =	vst v63  }
0xc5: {  	_ =	swait.ge [sflag:s7], $0x1000  }
0xc6: {  	[sflag:s7] =	ssyncset.done $0x0  }
0xc7: {  	s21 =	sadd.s32 $0x5160, s21;
	[sflag:s7] =	ssyncadd.s32 $0xFFFFF000  }
0xc8: {  	[spmem:s2] =	stream.indirect.scatter.add.f32 [tilespmem:s17], [sflag:$0x10], $0x80, s21, s19, $0xb8;
	[tilespmem:$0x1E510] =	vst v63  }
0xc9: {  	p1 =	sge.u32 s24, s8;
	s21 =	sadd.s32 $0x9, s20;
	_ =	swait.ge [sflag:s9], $0x1000  }
0xca: {  	s23 =	sshra.s32 @!p1 s3, $0x2;
	s26 =	simm.s32 @!p1 $0xA110;
	[sflag:s9] =	ssyncset.done $0x0  }
0xcb: {  	s29 =	simm.s32 @!p1 $0x20;
	s23 =	sadd.s32 @!p1 $0x100, s23;
	[sflag:s9] =	ssyncadd.s32 $0xFFFFF000  }
0xcc: {  	[tilespmem:s26], [sflag:$0x1] =	stream.indirect.gather @!p1 [hbm4b:s4+s29], $0x80, s23, s29, $0xb8;
	[tilespmem:$0x1E510] =	vst v63  }
0xcd: {  	p1 =	sge.u32 s21, s8;
	s21 =	sadd.s32 $0xA, s20;
	_ =	swait.ge [sflag:s10], $0x1000  }
0xce: {  	s23 =	sshra.s32 @!p1 s3, $0x2;
	s26 =	simm.s32 @!p1 $0xB110;
	[sflag:s10] =	ssyncset.done $0x0  }
0xcf: {  	s29 =	simm.s32 @!p1 $0x20;
	s23 =	sadd.s32 @!p1 $0x120, s23;
	[sflag:s10] =	ssyncadd.s32 $0xFFFFF000  }
0xd0: {  	[tilespmem:s26], [sflag:$0x2] =	stream.indirect.gather @!p1 [hbm4b:s4+s29], $0x80, s23, s29, $0xb8;
	[tilespmem:$0x1E510] =	vst v63  }
0xd1: {  	p1 =	sge.u32 s21, s8;
	s21 =	sadd.s32 $0xB, s20;
	_ =	swait.ge [sflag:s11], $0x1000  }
0xd2: {  	s23 =	sshra.s32 @!p1 s3, $0x2;
	s26 =	simm.s32 @!p1 $0xC110;
	[sflag:s11] =	ssyncset.done $0x0  }
0xd3: {  	s29 =	simm.s32 @!p1 $0x20;
	s23 =	sadd.s32 @!p1 $0x140, s23;
	[sflag:s11] =	ssyncadd.s32 $0xFFFFF000  }
0xd4: {  	[tilespmem:s26], [sflag:$0x3] =	stream.indirect.gather @!p1 [hbm4b:s4+s29], $0x80, s23, s29, $0xb8;
	[tilespmem:$0x1E510] =	vst v63  }
0xd5: {  	p1 =	sge.u32 s21, s8;
	s21 =	sadd.s32 $0xC, s20;
	_ =	swait.ge [sflag:s12], $0x1000  }
0xd6: {  	s23 =	sshra.s32 @!p1 s3, $0x2;
	s26 =	simm.s32 @!p1 $0xD110;
	[sflag:s12] =	ssyncset.done $0x0  }
0xd7: {  	s29 =	simm.s32 @!p1 $0x20;
	s23 =	sadd.s32 @!p1 $0x160, s23;
	[sflag:s12] =	ssyncadd.s32 $0xFFFFF000  }
0xd8: {  	[tilespmem:s26], [sflag:$0x4] =	stream.indirect.gather @!p1 [hbm4b:s4+s29], $0x80, s23, s29, $0xb8;
	[tilespmem:$0x1E510] =	vst v63  }
0xd9: {  	p1 =	sge.u32 s21, s8;
	s21 =	sadd.s32 $0xD, s20;
	_ =	swait.ge [sflag:s13], $0x1000  }
0xda: {  	s23 =	sshra.s32 @!p1 s3, $0x2;
	s26 =	simm.s32 @!p1 $0xE110;
	[sflag:s13] =	ssyncset.done $0x0  }
0xdb: {  	s29 =	simm.s32 @!p1 $0x20;
	s23 =	sadd.s32 @!p1 $0x180, s23;
	[sflag:s13] =	ssyncadd.s32 $0xFFFFF000  }
0xdc: {  	[tilespmem:s26], [sflag:$0x5] =	stream.indirect.gather @!p1 [hbm4b:s4+s29], $0x80, s23, s29, $0xb8;
	[tilespmem:$0x1E510] =	vst v63  }
0xdd: {  	p1 =	sge.u32 s21, s8;
	s21 =	sadd.s32 $0xE, s20;
	_ =	swait.ge [sflag:s14], $0x1000  }
0xde: {  	s23 =	sshra.s32 @!p1 s3, $0x2;
	s26 =	simm.s32 @!p1 $0xF110;
	[sflag:s14] =	ssyncset.done $0x0  }
0xdf: {  	s29 =	simm.s32 @!p1 $0x20;
	s23 =	sadd.s32 @!p1 $0x1A0, s23;
	[sflag:s14] =	ssyncadd.s32 $0xFFFFF000  }
0xe0: {  	[tilespmem:s26], [sflag:$0x6] =	stream.indirect.gather @!p1 [hbm4b:s4+s29], $0x80, s23, s29, $0xb8;
	[tilespmem:$0x1E510] =	vst v63  }
0xe1: {  	s29 =	simm.s32 $0xB110  }
0xe2: {  	s20 =	sadd.s32 $0xF, s20;
	p1 =	sge.u32 s21, s8;
	_ =	swait.ge [sflag:s15], $0x1000  }
0xe3: {  	s21 =	sshra.s32 @!p1 s3, $0x2;
	s23 =	simm.s32 @!p1 $0x10110;
	[sflag:s15] =	ssyncset.done $0x0  }
0xe4: {  	s26 =	simm.s32 @!p1 $0x20;
	s21 =	sadd.s32 @!p1 $0x1C0, s21;
	[sflag:s15] =	ssyncadd.s32 $0xFFFFF000  }
0xe5: {  	[tilespmem:s23], [sflag:$0x7] =	stream.indirect.gather @!p1 [hbm4b:s4+s26], $0x80, s21, s26, $0xb8;
	[tilespmem:$0x1E510] =	vst v63  }
.Ltmp2:
0xe6: {  	_ = 	snop;
	(pc) =	sbr.rel @p0 .LBB2_4-.Ltmp2, $4  }
0xe7: {  	s26 =	simm.s32 $0xA110  }
0xe8: {  	s3 =	sadd.s32 $0x400, s3;
	p1 =	sge.u32 s20, s8;
	_ =	swait.ge [sflag:s25], $0x1000  }
0xe9: {  	s20 =	sshra.s32 @!p1 s16, $0x2;
	s16 =	simm.s32 @!p1 $0x11110;
	[sflag:s25] =	ssyncset.done $0x0  }
0xea: {  	s21 =	simm.s32 @!p1 $0x20;
	s20 =	sadd.s32 @!p1 $0x1E0, s20;
	[sflag:s25] =	ssyncadd.s32 $0xFFFFF000  }
.LBB2_5:
0xeb: {  	[tilespmem:s16], [sflag:$0x8] =	stream.indirect.gather @!p1 [hbm4b:s4+s21], $0x80, s20, s21, $0xb8;
	[tilespmem:$0x1E510] =	vst v63  }
0xec: {  	s3 =	stileid.u32;
	[bflag:$0x0] =	sbarrier.arrive $0xFFFF  }
0xed: {  	s3 =	sshll.u32 s3, $0x6;
	s8 =	rddreg [dreg:$0xa]  }
0xee: {  	s20 =	simm.s32 $0x11;
	s3 =	sor.u32 $0x1C11, s3;
	s22 =	rddreg [dreg:$0x10]  }
0xef: {  	[hbm:s8], [sflag:s3] =	dma.local [spmem:s22], $0x1400  }
0xf0: {  	_ =	swait.ge [sflag:s20], $0x1400  }
0xf1: {  	s23 =	rddreg [dreg:$0x4]  }
0xf2: {  	s24 =	rddreg [dreg:$0xb];
	s16 =	sadd.s32 $0x1, s23  }
0xf3: {  	p0 =	sne.s32 s16, s24  }
.Ltmp3:
0xf4: {  	_ = 	snop;
	(pc) =	sbr.rel @p0 .LBB2_1-.Ltmp3, $4  }
0xf5: {  	_ = 	snop  }
0xf6: {  	s21 =	simm.s32 $0xC110;
	s17 =	simm.s32 $0xD110  }
0xf7: {  	s31 =	simm.s32 $0x11110;
	s22 =	simm.s32 $0xE110;
	[sflag:s20] =	ssyncset.done $0x0  }
0xf8: {  	[sflag:s20] =	ssyncadd.s32 $0xFFFFEC00;
	s23 =	simm.s32 $0xF110;
	s24 =	simm.s32 $0x10110  }
0xf9: {  	_ =	sfence.sel $0x180000  }
0xfa: {  	[bflag:$0x0] =	sbarrier.arrive $0xFFFF  }
0xfb: {  	_ =	strace $0x9000004A  }
0xfc: {  	s0 =	stileid.u32;
	[bflag:$0x2] =	sbarrier.arrive $0xFFFF  }
0xfd: {  	p0 =	sne.s32 s0, $0x0;
	s0 =	rddreg [dreg:$0x3]  }
0xfe: {  	s0 =	sadd.s32 @!p0 $0x100000, s0  }
0xff: {  	[sflag:s0] =	ssyncadd.tile.s32 @!p0 $0x1;
	_ =	shalt  }
.Lfunc_end2:
_tile_overlayer_lowered:
.L_overlay_start_2:
0x100: {  	(tag) =	ssettag $0x2  }
0x101: {  	s0 =	rddreg [dreg:$0x0];
	s2 =	stileid.u32  }
0x102: {  	s1 =	rddreg [dreg:$0x1];
	p0 =	sne.s32 s2, $0x0  }
0x103: {  	s3 =	rddreg [dreg:$0x2];
	[bflag:$0x3] =	sbarrier.arrive $0xFFFF;
	s2 =	simm.s32 @!p0 $0x1C11  }
0x104: {  	[timem:s3], [sflag:s2] =	dma.local @!p0 [hbm:s0], s1  }
0x105: {  	s0 =	simm.s32 @!p0 $0x11  }
0x106: {  	_ =	swait.ge @!p0 [sflag:s0], s1  }
0x107: {  	s1 =	ssub.s32 @!p0 $0x0, s1;
	[sflag:s0] =	ssyncset.done @!p0 $0x0  }
0x108: {  	[sflag:s0] =	ssyncadd.s32 @!p0 s1  }
0x109: {  	[bflag:$0x3] =	sbarrier.arrive $0xFFFF  }
0x10a: {  	_ =	shalt  }

// kernel: kernel.15.cloned.1.call-start
scs
__scs_entry_jumppad:
0x0: {  	(pc) =	sbr.rel $0x88, $3  }
0x1: {  	(tag) =	ssettag $0x0;
	lr =	simm.s32 $0x1  }
0x2: {  	[smem:$0x3F93] =	sst lr;
	_ =	strace $0xD0000000  }
0x3: {  	_ = 	snop  }
0x4: {  	_ = 	snop  }
0x5: {  	_ = 	snop  }
0x6: {  	_ = 	snop  }
0x7: {  	_ = 	snop  }
__scs_overlays_trampoline_lowered:
0x8: {  	[smem:$0x3FA2] =	sst s0  }
0x9: {  	[smem:$0x3FA3] =	sst s1  }
0xa: {  	[smem:$0x3FA4] =	sst s2  }
0xb: {  	[smem:$0x3FA5] =	sst s3  }
0xc: {  	[smem:$0x3FA6] =	sst s4  }
0xd: {  	[smem:$0x3FA7] =	sst s5  }
0xe: {  	[smem:$0x3FA8] =	sst s6  }
0xf: {  	[smem:$0x3FA9] =	sst s7  }
0x10: {  	[smem:$0x3FAA] =	sst s8  }
0x11: {  	[smem:$0x3FAB] =	sst s9;
	s0 =	simm.s32 @!p0 $0x0  }
0x12: {  	s1 =	sld [smem:$0x3F91];
	s0 =	simm.s32 @p0 $0x1  }
0x13: {  	[smem:$0x3FAC] =	sst s0;
	s0 =	simm.s32 @!p1 $0x0  }
0x14: {  	s2 =	sld [smem:$0x3F90];
	s0 =	simm.s32 @p1 $0x1  }
0x15: {  	[smem:$0x3FAD] =	sst s0;
	s0 =	simm.s32 @!p2 $0x0  }
0x16: {  	s3 =	sld [smem:$0x3FDB];
	s0 =	simm.s32 @p2 $0x1  }
0x17: {  	s4 =	simm.s32 $0x1BF5;
	[smem:$0x3FAF] =	sst s0  }
0x18: {  	s0 =	sld [smem:$0x3F92];
	_ =	swait.ge [sflag:s4], $0x0  }
0x19: {  	s7 =	sld [smem:$0x3F93]  }
0x1a: {  	s8 =	sadd.s32 $0xFFFFE003, lr  }
0x1b: {  	s9 =	sadd.s32 $0xFFFFFEF7, lr;
	s5 =	simm.s32 $0xFFFFFFFF;
	p2 =	slt.u32 s8, $0xFFFFF086  }
0x1c: {  	p1 =	slt.u32 s9, $0xF7A;
	s5 =	simm.s32 @!p2 $0x0  }
0x1d: {  	s5 =	simm.s32 @p1 $0x1;
	p0 =	seq.s32 s7, s2  }
0x1e: {  	s7 =	smul.u32 @!p0 $0xF7A, s2;
	p2 =	seq.s32 @!p0 s5, $0x0  }
0x1f: {  	s9 =	smul.u32 $0xF7A, s1;
	s8 =	simm.s32 @!p0 $0x1BF5;
	p2 =	por !p2, p0  }
0x20: {  	[sflag:s8] =	ssyncset.s32 @!p0 $0xFFFFF086;
	s6 =	sadd.s32 @!p0 s3, s7;
	s7 =	simm.s32 @!p0 $0x108  }
0x21: {  	s3 =	sadd.s32 s3, s9;
	s6 =	sadd.s32 @!p0 $0x88, s6;
	s7 =	simm.s32 @p2 $0x1082  }
0x22: {  	[simem:s7], [sflag:s8] =	dma.local @!p0 [hbm:s6], $0xF7A  }
0x23: {  	s9 =	sor.u32 $0xD0000000, s2;
	s6 =	simm.s32 $0x108;
	_ =	swait.ge @!p0 [sflag:s8], $0x0  }
0x24: {  	s3 =	sadd.s32 $0x88, s3;
	s6 =	simm.s32 @!p1 $0x1082;
	[sflag:s4] =	ssyncset.s32 $0xFFFFF086  }
0x25: {  	[simem:s6], [sflag:s4] =	dma.local [hbm:s3], $0xF7A  }
0x26: {  	[smem:$0x3F93] =	sst s1;
	(tag) =	ssettag s2;
	_ =	strace s9  }
0x27: {  	s1 =	sld [smem:$0x3FA3]  }
0x28: {  	s2 =	sld [smem:$0x3FA4]  }
0x29: {  	s4 =	sld [smem:$0x3FA6]  }
0x2a: {  	p0 =	seq.s32 s5, $0x0;
	s5 =	sld [smem:$0x3FA7]  }
0x2b: {  	s6 =	sld [smem:$0x3FA8]  }
0x2c: {  	s7 =	sld [smem:$0x3FA9]  }
0x2d: {  	s3 =	simm.s32 $0x108;
	s8 =	sld [smem:$0x3FAA]  }
0x2e: {  	s3 =	simm.s32 @!p0 $0x1082;
	s9 =	sld [smem:$0x3FAB]  }
0x2f: {  	lr =	sadd.s32 s0, s3;
	s0 =	sld [smem:$0x3FA2]  }
0x30: {  	s3 =	sld [smem:$0x3FA5]  }
0x31: {  	[smem:$0x3FAE] =	sst s10  }
0x32: {  	s10 =	sld [smem:$0x3FAC];
	_ =	sdelay $0x3  }
0x33: {  	p0 =	seq.s32 s10, $0x1;
	s10 =	sld [smem:$0x3FAE];
	_ =	sdelay $0x3  }
0x34: {  	[smem:$0x3FAE] =	sst s10  }
0x35: {  	s10 =	sld [smem:$0x3FAD];
	_ =	sdelay $0x3  }
0x36: {  	p1 =	seq.s32 s10, $0x1;
	s10 =	sld [smem:$0x3FAE];
	_ =	sdelay $0x3  }
0x37: {  	[smem:$0x3FAE] =	sst s10  }
0x38: {  	s10 =	sld [smem:$0x3FAF]  }
0x39: {  	_ = 	snop;
	(pc) =	sbr.ind lr, $3  }
0x3a: {  	_ = 	snop  }
0x3b: {  	_ = 	snop  }
0x3c: {  	p2 =	seq.s32 s10, $0x1;
	s10 =	sld [smem:$0x3FAE]  }
0x3d: {  	_ =	shalt  }
0x3e: {  	_ =	shalt  }
0x3f: {  	_ =	shalt  }
0x40: {  	_ =	shalt  }
0x41: {  	_ =	shalt  }
0x42: {  	_ =	shalt  }
0x43: {  	_ =	shalt  }
0x44: {  	_ =	shalt  }
0x45: {  	_ =	shalt  }
0x46: {  	_ =	shalt  }
0x47: {  	_ =	shalt  }
0x48: {  	_ =	shalt  }
0x49: {  	_ =	shalt  }
0x4a: {  	_ =	shalt  }
0x4b: {  	_ =	shalt  }
0x4c: {  	_ =	shalt  }
0x4d: {  	_ =	shalt  }
0x4e: {  	_ =	shalt  }
0x4f: {  	_ =	shalt  }
0x50: {  	_ =	shalt  }
0x51: {  	_ =	shalt  }
0x52: {  	_ =	shalt  }
0x53: {  	_ =	shalt  }
0x54: {  	_ =	shalt  }
0x55: {  	_ =	shalt  }
0x56: {  	_ =	shalt  }
0x57: {  	_ =	shalt  }
0x58: {  	_ =	shalt  }
0x59: {  	_ =	shalt  }
0x5a: {  	_ =	shalt  }
0x5b: {  	_ =	shalt  }
0x5c: {  	_ =	shalt  }
0x5d: {  	_ =	shalt  }
0x5e: {  	_ =	shalt  }
0x5f: {  	_ =	shalt  }
0x60: {  	_ =	shalt  }
0x61: {  	_ =	shalt  }
0x62: {  	_ =	shalt  }
0x63: {  	_ =	shalt  }
0x64: {  	_ =	shalt  }
0x65: {  	_ =	shalt  }
0x66: {  	_ =	shalt  }
0x67: {  	_ =	shalt  }
0x68: {  	_ =	shalt  }
0x69: {  	_ =	shalt  }
0x6a: {  	_ =	shalt  }
0x6b: {  	_ =	shalt  }
0x6c: {  	_ =	shalt  }
0x6d: {  	_ =	shalt  }
0x6e: {  	_ =	shalt  }
0x6f: {  	_ =	shalt  }
0x70: {  	_ =	shalt  }
0x71: {  	_ =	shalt  }
0x72: {  	_ =	shalt  }
0x73: {  	_ =	shalt  }
0x74: {  	_ =	shalt  }
0x75: {  	_ =	shalt  }
0x76: {  	_ =	shalt  }
0x77: {  	_ =	shalt  }
0x78: {  	_ =	shalt  }
0x79: {  	_ =	shalt  }
0x7a: {  	_ =	shalt  }
0x7b: {  	_ =	shalt  }
0x7c: {  	_ =	shalt  }
0x7d: {  	_ =	shalt  }
0x7e: {  	_ =	shalt  }
0x7f: {  	_ =	shalt  }
0x80: {  	_ =	shalt  }
0x81: {  	_ =	shalt  }
0x82: {  	_ =	shalt  }
0x83: {  	_ =	shalt  }
0x84: {  	_ =	shalt  }
0x85: {  	_ =	shalt  }
0x86: {  	_ =	shalt  }
0x87: {  	_ =	shalt  }
.Lfunc_end0:
.L_simem_size_0:
called_computation.2_lowered:
.L_overlay_start_0:
0x88: {  	s2 =	sld [smem:$0x3FD9]  }
0x89: {  	s3 =	sld [smem:$0x3FFE];
	_ =	sdelay $0x1  }
0x8a: {  	s1 =	srdreg.scid  }
0x8b: {  	s0 =	sand.u32 $0x1, s1  }
0x8c: {  	s17 =	sshll.u32 s0, $0xA;
	s2 =	sadd.s32 s3, s2  }
0x8d: {  	s2 =	sadd.s32 s2, s17  }
0x8e: {  	[smem:$0x3FBA] =	sst s2  }
0x8f: {  	_ = 	snop  }
0x90: {  	s2 =	sld [smem:$0x3FD0];
	(tm) =	ssettm $0x1  }
0x91: {  	s18 =	sld [smem:$0x3FFB];
	_ =	sdelay $0x3  }
0x92: {  	_ =	strace s18  }
0x93: {  	s3 =	sld [smem:$0x3FFC];
	_ =	sdelay $0x3  }
0x94: {  	_ =	strace s3  }
0x95: {  	s3 =	sld [smem:$0x3FFD];
	_ =	sdelay $0x3  }
0x96: {  	_ =	strace s3  }
0x97: {  	_ =	strace $0x8FFFFFFF  }
0x98: {  	s19 =	sld [smem:$0x3FDB];
	_ =	sdelay $0x1  }
0x99: {  	s4 =	simm.s32 $_scs_section_size  }
0x9a: {  	s5 =	simm.s32 $_size__tile_overlayer_lowered;
	s6 =	simm.s32 $_tile_overlayer_lowered  }
0x9b: {  	s22 =	simm.s32 $0x1BFF;
	s21 =	sshll.u32 s6, $0x1;
	s3 =	sadd.s32 s4, s19  }
0x9c: {  	s7 =	simm.s32 $0x0;
	s20 =	sshll.u32 s5, $0x1;
	s5 =	sadd.s32 s21, s3  }
0x9d: {  	[timem:s7], [sflag:s22] =	dma.local [hbm:s5], s20  }
0x9e: {  	_ =	swait.ge [sflag:s22], s20  }
0x9f: {  	s4 =	ssub.s32 $0x0, s20;
	[sflag:s22] =	ssyncset.done $0x0  }
0xa0: {  	[sflag:s22] =	ssyncadd.s32 s4;
	_ =	sdelay $0x1  }
0xa1: {  	s23 =	simm.s32 $0x1B8B  }
0xa2: {  	_ =	swait.ge [sflag:s23], $0x1  }
0xa3: {  	[sflag:s23] =	ssyncset.done $0x0  }
0xa4: {  	s25 =	simm.s32 $0x1B8E;
	s24 =	sld [smem:$0x3FFE];
	[sflag:s23] =	ssyncadd.s32 $0xFFFFFFFF  }
0xa5: {  	s26 =	simm.s32 $execute0_lowered;
	[smem:$0x3FD2] =	sst s25  }
0xa6: {  	s5 =	sshll.u32 s26, $0x1;
	_ =	strace $0x8000004C;
	[dreg:$0x1] =	wrdreg $0xFFFFFFFF  }
0xa7: {  	s28 =	simm.s32 $_size_execute0_lowered;
	s3 =	sadd.s32 s3, s5;
	[dreg:$0x0] =	wrdreg $0x0  }
0xa8: {  	s5 =	sshll.u32 s28, $0x1;
	[dreg:$0x2] =	wrdreg s3  }
0xa9: {  	[dreg:$0x3] =	wrdreg s5  }
0xaa: {  	[dreg:$0x4] =	wrdreg $0xC0  }
0xab: {  	_ =	task [dreg:s7], $0x5FFFF  }
0xac: {  	[dreg:$0x1] =	wrdreg $0xFFFFFFFF  }
0xad: {  	[dreg:$0x0] =	wrdreg $0x60  }
0xae: {  	[dreg:$0x2] =	wrdreg s24  }
0xaf: {  	[dreg:$0x3] =	wrdreg s2  }
0xb0: {  	[dreg:$0x4] =	wrdreg $0x141100  }
0xb1: {  	[dreg:$0x5] =	wrdreg $0x9  }
0xb2: {  	_ =	task.clear_ibuf [dreg:s7], $0x6FFFF;
	_ =	strace $0x9000004C  }
0xb3: {  	s29 =	simm.s32 $0x9;
	_ =	strace $0x8000004E  }
0xb4: {  	_ =	swait.ge [sflag:s29], $0x1  }
0xb5: {  	[sflag:s29] =	ssyncadd.s32 $0xFFFFFFFF  }
0xb6: {  	_ =	strace $0x9000004E  }
0xb7: {  	_ =	sfence  }
0xb8: {  	s30 =	sld [smem:$0x0];
	_ =	sdelay $0x2  }
0xb9: {  	s31 =	sshll.u32 s1, $0xD;
	s1 =	sshrl.u32 s1, $0x2  }
0xba: {  	s3 =	sand.u32 $0x4000, s31;
	s1 =	sadd.s32 s1, s30  }
0xbb: {  	s0 =	sor.u32 s3, s0;
	s1 =	sshll.u32 s1, $0x11  }
0xbc: {  	s0 =	sor.u32 s1, s0  }
0xbd: {  	s0 =	sadd.s32 $0x8F2B, s0  }
0xbe: {  	[sflag:s0] =	ssyncadd.remote.s32 $0x1  }
0xbf: {  	_ =	sfence.sel $0xFFFF  }
0xc0: {  	[dreg:$0x0] =	wrdreg $0xFFFFFFFF;
	(pc) =	sbr.abs _section_cstart, $3  }
0xc1: {  	[dreg:$0x1] =	wrdreg $0xFFFFFFFF  }
0xc2: {  	_ =	task.clear_ibuf [dreg:s7], $0x2FFFF;
	_ =	strace $0x9FFFFFFF  }
0xc3: {  	(tm) =	ssettm $0x7FFFFFFF  }
tec
execute0_lowered:
.L_overlay_start_1:
0x0: {  	(tag) =	ssettag $0x1  }
0x1: {  	s0 =	rddreg [dreg:$0x0]  }
0x2: {  	s1 =	rddreg [dreg:$0x1];
	s3 =	srdreg.scid  }
0x3: {  	s2 =	rddreg [dreg:$0x2];
	s9 =	stileid.u32  }
0x4: {  	s16 =	simm.s32 $0x0;
	s29 =	simm.s32 $0xB110;
	s5 =	smul.u32 $0x5080, s9  }
0x5: {  	s31 =	simm.s32 $0x11110;
	s28 =	simm.s32 $0x1;
	s7 =	smul.u32 $0x1400, s9  }
0x6: {  	s30 =	simm.s32 $0x2;
	s10 =	simm.s32 $0xA;
	s15 =	smul.u32 $0x29000, s9  }
0x7: {  	s11 =	simm.s32 $0xB;
	s3 =	sand.u32 $0x1, s3;
	s19 =	smul.u32 $0x28000, s9  }
0x8: {  	s12 =	simm.s32 $0xC;
	[smem:$0x7FF] =	sst s16;
	s4 =	smul.u32 $0x50800, s3  }
0x9: {  	s18 =	sshll.u32 s9, $0x1;
	s9 =	simm.s32 $0x9;
	s6 =	smul.u32 $0x14000, s3  }
0xa: {  	_ =	strace $0x8000004D;
	s8 =	ssub.s32 $0x2, s3;
	s3 =	sshll.u32 s3, $0x5  }
0xb: {  	s1 =	sadd.s32 s1, s18;
	s18 =	simm.s32 $0x4;
	s13 =	sshrl.u32 s8, $0x1  }
0xc: {  	s1 =	sadd.s32 s3, s1;
	s22 =	sshrl.u32 s19, $0x2;
	s19 =	simm.s32 $0x20  }
0xd: {  	s5 =	sadd.s32 s5, s4;
	s4 =	sadd.s32 $0x45E00, s0;
	s6 =	sadd.s32 s7, s6  }
0xe: {  	s14 =	ssub.s32 s8, s13;
	s7 =	sshrl.u32 s15, $0x2;
	[dreg:$0x7] =	wrdreg s1  }
0xf: {  	s13 =	simm.s32 $0xD;
	s15 =	simm.s32 $0xF;
	s5 =	sshrl.u32 s5, $0x3  }
0x10: {  	s20 =	sadd.s32 s7, s2;
	s23 =	smax.u32 s14, $0x1;
	s7 =	simm.s32 $0x8  }
0x11: {  	s14 =	simm.s32 $0xE;
	s5 =	sadd.s32 s5, s0;
	[dreg:$0xb] =	wrdreg s23  }
0x12: {  	s0 =	sadd.s32 s6, s0;
	s21 =	sadd.s32 $0xA000, s20;
	[dreg:$0x8] =	wrdreg s20  }
0x13: {  	s24 =	sadd.s32 $0x2000, s20;
	s25 =	sadd.s32 $0x4000, s20;
	[dreg:$0x9] =	wrdreg s21  }
0x14: {  	s26 =	sadd.s32 $0x6000, s20;
	s1 =	sadd.s32 $0x8000, s20;
	[dreg:$0xc] =	wrdreg s24  }
0x15: {  	s20 =	simm.s32 $0x11;
	s23 =	simm.s32 $0xF110;
	[dreg:$0xd] =	wrdreg s25  }
0x16: {  	s6 =	simm.s32 $0x7;
	s17 =	sadd.s32 $0x1DA00, s5;
	[dreg:$0xe] =	wrdreg s26  }
0x17: {  	s5 =	sadd.s32 $0x31C00, s5;
	s0 =	sadd.s32 $0x6DE00, s0;
	[dreg:$0xf] =	wrdreg s1  }
0x18: {  	s26 =	simm.s32 $0xA110;
	s21 =	simm.s32 $0xC110;
	[dreg:$0x5] =	wrdreg s17  }
0x19: {  	s24 =	simm.s32 $0x10110;
	s1 =	simm.s32 $0x5;
	[dreg:$0x6] =	wrdreg s5  }
0x1a: {  	s25 =	simm.s32 $0x10;
	[dreg:$0xa] =	wrdreg s0;
	s0 =	sadd.s32 s22, s2  }
0x1b: {  	s17 =	simm.s32 $0xD110;
	s22 =	simm.s32 $0xE110;
	s0 =	sshrl.u32 s0, $0x3  }
0x1c: {  	v0 =	vimm.f32 $0.0e+00;
	s5 =	simm.s32 $0x6;
	[dreg:$0x10] =	wrdreg s0;
	s0 =	simm.s32 $0x3  }
.LBB2_1:
0x1d: {  	[dreg:$0x4] =	wrdreg s16;
	s3 =	simm.s32 $0x0;
	s8 =	simm.s32 $0x200  }
.LBB2_2:
0x1e: {  	p0 =	sne.s32 s8, $0x7E00;
	[tilespmem:s3+$0x12180] =	vst v0  }
0x1f: {  	[tilespmem:s3+$0x12110] =	vst v0  }
0x20: {  	[tilespmem:s3+$0x12120] =	vst v0  }
.Ltmp0:
0x21: {  	[tilespmem:s3+$0x12130] =	vst v0;
	(pc) =	sbr.rel @p0 .LBB2_2-.Ltmp0, $4  }
0x22: {  	[tilespmem:s3+$0x12140] =	vst v0  }
0x23: {  	[tilespmem:s3+$0x12150] =	vst v0  }
0x24: {  	[tilespmem:s3+$0x12160] =	vst v0  }
0x25: {  	[tilespmem:s3+$0x12170] =	vst v0;
	s3 =	sshra.s32 s8, $0x2;
	s8 =	sadd.s32 $0x200, s8  }
0x26: {  	[tilespmem:s3+$0x12180] =	vst v0  }
0x27: {  	[tilespmem:s3+$0x12110] =	vst v0  }
0x28: {  	[tilespmem:s3+$0x12120] =	vst v0  }
0x29: {  	[tilespmem:s3+$0x12130] =	vst v0  }
0x2a: {  	[tilespmem:s3+$0x12140] =	vst v0  }
0x2b: {  	[tilespmem:s3+$0x12150] =	vst v0  }
0x2c: {  	[tilespmem:s3+$0x12160] =	vst v0  }
0x2d: {  	[tilespmem:s3+$0x12170] =	vst v0;
	s3 =	simm.s32 $0x0;
	s8 =	rddreg [dreg:$0x5]  }
0x2e: {  	[tilespmem:s3], [sflag:$0x11] =	stream.linear.gather [hbm4b:s8+s3], $0x5080, $0x38;
	[tilespmem:$0x1E510] =	vst v63  }
0x2f: {  	_ =	swait.ge [sflag:s20], $0x5080  }
0x30: {  	[sflag:s20] =	ssyncset.done $0x0  }
0x31: {  	s16 =	simm.s32 $0x5080;
	s8 =	rddreg [dreg:$0x6];
	[sflag:s20] =	ssyncadd.s32 $0xFFFFAF80  }
0x32: {  	[tilespmem:s16], [sflag:$0x11] =	stream.linear.gather [hbm4b:s8+s3], $0x5080, $0x38;
	[tilespmem:$0x1E510] =	vst v63  }
0x33: {  	_ =	swait.ge [sflag:s20], $0x5080  }
0x34: {  	[sflag:s20] =	ssyncset.done $0x0  }
0x35: {  	s16 =	simm.s32 $0xA100;
	s8 =	rddreg [dreg:$0x7];
	[sflag:s20] =	ssyncadd.s32 $0xFFFFAF80  }
0x36: {  	[tilespmem:s16], [sflag:$0x11] =	stream.linear.gather [hbm4b:s8+s3], $0x10, $0x38;
	[tilespmem:$0x1E510] =	vst v63  }
0x37: {  	_ =	swait.ge [sflag:s20], $0x10  }
0x38: {  	[sflag:s20] =	ssyncset.done $0x0  }
0x39: {  	[sflag:s20] =	ssyncadd.s32 $0xFFFFFFF0  }
0x3a: {  	v1 =	vld [tilespmem:$0xA100];
	[tilespmem:s26], [sflag:$0x1] =	stream.indirect.gather [hbm4b:s4+s19], $0x80, s3, s19, $0xb8  }
0x3b: {  	_ = 	snop  }
0x3c: {  	[tilespmem:s29], [sflag:$0x2] =	stream.indirect.gather [hbm4b:s4+s19], $0x80, s19, s19, $0xb8;
	[tilespmem:$0x1E510] =	vst v63  }
0x3d: {  	s8 =	simm.s32 $0x40  }
0x3e: {  	[tilespmem:s21], [sflag:$0x3] =	stream.indirect.gather [hbm4b:s4+s19], $0x80, s8, s19, $0xb8;
	[tilespmem:$0x1E510] =	vst v63  }
0x3f: {  	s16 =	simm.s32 $0x60  }
0x40: {  	[tilespmem:s17], [sflag:$0x4] =	stream.indirect.gather [hbm4b:s4+s19], $0x80, s16, s19, $0xb8;
	[tilespmem:$0x1E510] =	vst v63  }
0x41: {  	s8 =	simm.s32 $0x80  }
0x42: {  	[tilespmem:s22], [sflag:$0x5] =	stream.indirect.gather [hbm4b:s4+s19], $0x80, s8, s19, $0xb8;
	[tilespmem:$0x1E510] =	vst v63  }
0x43: {  	s16 =	simm.s32 $0xA0  }
0x44: {  	[tilespmem:s23], [sflag:$0x6] =	stream.indirect.gather [hbm4b:s4+s19], $0x80, s16, s19, $0xb8;
	[tilespmem:$0x1E510] =	vst v63  }
0x45: {  	s8 =	simm.s32 $0xC0  }
0x46: {  	[tilespmem:s24], [sflag:$0x7] =	stream.indirect.gather [hbm4b:s4+s19], $0x80, s8, s19, $0xb8;
	[tilespmem:$0x1E510] =	vst v63  }
0x47: {  	s16 =	simm.s32 $0xE0  }
0x48: {  	[tilespmem:s31], [sflag:$0x8] =	stream.indirect.gather [hbm4b:s4+s19], $0x80, s16, s19, $0xb8;
	[tilespmem:$0x1E510] =	vst v63  }
0x49: {  	s8 =	rddreg [dreg:$0x8];
	s16 =	simm.s32 $0x12110  }
0x4a: {  	[spmem:s8] =	stream.linear.scatter [tilespmem:s16], [sflag:$0x11], $0x2000, $0x38;
	[tilespmem:$0x1E510] =	vst v63  }
0x4b: {  	_ =	swait.ge [sflag:s20], $0x2000  }
0x4c: {  	[sflag:s20] =	ssyncset.done $0x0  }
0x4d: {  	s8 =	rddreg [dreg:$0xc];
	[sflag:s20] =	ssyncadd.s32 $0xFFFFE000  }
0x4e: {  	[spmem:s8] =	stream.linear.scatter [tilespmem:s16], [sflag:$0x11], $0x2000, $0x38;
	[tilespmem:$0x1E510] =	vst v63  }
0x4f: {  	_ =	swait.ge [sflag:s20], $0x2000  }
0x50: {  	[sflag:s20] =	ssyncset.done $0x0  }
0x51: {  	s8 =	rddreg [dreg:$0xd];
	[sflag:s20] =	ssyncadd.s32 $0xFFFFE000  }
0x52: {  	[spmem:s8] =	stream.linear.scatter [tilespmem:s16], [sflag:$0x11], $0x2000, $0x38;
	[tilespmem:$0x1E510] =	vst v63  }
0x53: {  	_ =	swait.ge [sflag:s20], $0x2000  }
0x54: {  	[sflag:s20] =	ssyncset.done $0x0  }
0x55: {  	s8 =	rddreg [dreg:$0xe];
	[sflag:s20] =	ssyncadd.s32 $0xFFFFE000  }
0x56: {  	[spmem:s8] =	stream.linear.scatter [tilespmem:s16], [sflag:$0x11], $0x2000, $0x38;
	[tilespmem:$0x1E510] =	vst v63  }
0x57: {  	_ =	swait.ge [sflag:s20], $0x2000  }
0x58: {  	[sflag:s20] =	ssyncset.done $0x0  }
0x59: {  	s8 =	rddreg [dreg:$0xf];
	[sflag:s20] =	ssyncadd.s32 $0xFFFFE000  }
0x5a: {  	[spmem:s8] =	stream.linear.scatter [tilespmem:s16], [sflag:$0x11], $0x2000, $0x38;
	[tilespmem:$0x1E510] =	vst v63  }
0x5b: {  	_ =	swait.ge [sflag:s20], $0x2000  }
0x5c: {  	(v2sf) =	vpush v1, $0x0;
	_ =	sdelay $0xb  }
0x5d: {  	[sflag:s20] =	ssyncset.done $0x0  }
0x5e: {  	s8 =	rddreg [dreg:$0x9];
	[sflag:s20] =	ssyncadd.s32 $0xFFFFE000  }
0x5f: {  	[spmem:s8] =	stream.linear.scatter [tilespmem:s16], [sflag:$0x11], $0x400, $0x38;
	[tilespmem:$0x1E510] =	vst v63  }
0x60: {  	s3 =	spop (v2sf)  }
0x61: {  	_ =	swait.ge [sflag:s20], $0x400  }
0x62: {  	[sflag:s20] =	ssyncset.done $0x0  }
0x63: {  	[sflag:s20] =	ssyncadd.s32 $0xFFFFFC00  }
0x64: {  	[bflag:$0x0] =	sbarrier.arrive $0xFFFF  }
0x65: {  	_ =	swait.ge [sflag:s28], $0x1000  }
0x66: {  	[sflag:s28] =	ssyncset.done $0x0  }
0x67: {  	s20 =	simm.s32 $0x5080;
	[sflag:s28] =	ssyncadd.s32 $0xFFFFF000  }
0x68: {  	[spmem:s2] =	stream.indirect.scatter.add.f32 [tilespmem:s26], [sflag:$0x9], $0x80, s20, s19, $0xb8;
	[tilespmem:$0x1E510] =	vst v63  }
0x69: {  	_ =	swait.ge [sflag:s30], $0x1000  }
0x6a: {  	[sflag:s30] =	ssyncset.done $0x0  }
0x6b: {  	s16 =	simm.s32 $0x50A0;
	[sflag:s30] =	ssyncadd.s32 $0xFFFFF000  }
0x6c: {  	[spmem:s2] =	stream.indirect.scatter.add.f32 [tilespmem:s29], [sflag:$0xA], $0x80, s16, s19, $0xb8;
	[tilespmem:$0x1E510] =	vst v63  }
0x6d: {  	_ =	swait.ge [sflag:s0], $0x1000  }
0x6e: {  	[sflag:s0] =	ssyncset.done $0x0  }
0x6f: {  	s20 =	simm.s32 $0x50C0;
	[sflag:s0] =	ssyncadd.s32 $0xFFFFF000  }
0x70: {  	[spmem:s2] =	stream.indirect.scatter.add.f32 [tilespmem:s21], [sflag:$0xB], $0x80, s20, s19, $0xb8;
	[tilespmem:$0x1E510] =	vst v63  }
0x71: {  	_ =	swait.ge [sflag:s18], $0x1000  }
0x72: {  	[sflag:s18] =	ssyncset.done $0x0  }
0x73: {  	s3 =	sadd.s32 $0x1F, s3;
	s16 =	simm.s32 $0x50E0;
	[sflag:s18] =	ssyncadd.s32 $0xFFFFF000  }
0x74: {  	[spmem:s2] =	stream.indirect.scatter.add.f32 [tilespmem:s17], [sflag:$0xC], $0x80, s16, s19, $0xb8;
	[tilespmem:$0x1E510] =	vst v63  }
0x75: {  	p0 =	slt.s32 s3, $0x1;
	_ =	swait.ge [sflag:s1], $0x1000  }
0x76: {  	s20 =	sand.u32 $0x1F, s3;
	s21 =	simm.s32 $0x5100;
	[sflag:s1] =	ssyncset.done $0x0  }
0x77: {  	p1 =	sne.s32 s20, $0x0;
	s17 =	sshra.s32 s3, $0x1F;
	[sflag:s1] =	ssyncadd.s32 $0xFFFFF000  }
0x78: {  	[spmem:s2] =	stream.indirect.scatter.add.f32 [tilespmem:s22], [sflag:$0xD], $0x80, s21, s19, $0xb8;
	[tilespmem:$0x1E510] =	vst v63  }
0x79: {  	p0 =	por !p0, !p1;
	s8 =	sshrl.u32 s17, $0x1B;
	_ =	swait.ge [sflag:s5], $0x1000  }
0x7a: {  	p0 =	por !p0, !p0;
	s3 =	sadd.s32 s8, s3;
	[sflag:s5] =	ssyncset.done $0x0  }
0x7b: {  	s8 =	simm.s32 $0x1;
	s22 =	simm.s32 $0x5120;
	[sflag:s5] =	ssyncadd.s32 $0xFFFFF000  }
0x7c: {  	[spmem:s2] =	stream.indirect.scatter.add.f32 [tilespmem:s23], [sflag:$0xE], $0x80, s22, s19, $0xb8;
	[tilespmem:$0x1E510] =	vst v63  }
0x7d: {  	s3 =	sshra.s32 s3, $0x5;
	s8 =	simm.s32 @!p0 $0x0;
	_ =	swait.ge [sflag:s6], $0x1000  }
0x7e: {  	s3 =	ssub.s32 s3, s8;
	[sflag:s6] =	ssyncset.done $0x0  }
0x7f: {  	p0 =	sgt.s32 s3, $0x8;
	s23 =	simm.s32 $0x5140;
	[sflag:s6] =	ssyncadd.s32 $0xFFFFF000  }
0x80: {  	[spmem:s2] =	stream.indirect.scatter.add.f32 [tilespmem:s24], [sflag:$0xF], $0x80, s23, s19, $0xb8;
	[tilespmem:$0x1E510] =	vst v63  }
0x81: {  	s3 =	simm.s32 @!p0 $0x8;
	_ =	swait.ge [sflag:s7], $0x1000  }
0x82: {  	s3 =	sadd.s32 $0x7, s3;
	[sflag:s7] =	ssyncset.done $0x0  }
0x83: {  	s8 =	sand.u32 $0x7FFFFFF8, s3;
	s24 =	simm.s32 $0x5160;
	[sflag:s7] =	ssyncadd.s32 $0xFFFFF000  }
0x84: {  	[spmem:s2] =	stream.indirect.scatter.add.f32 [tilespmem:s31], [sflag:$0x10], $0x80, s24, s19, $0xb8;
	[tilespmem:$0x1E510] =	vst v63  }
0x85: {  	p0 =	sle.u32 s8, $0x8;
	_ =	swait.ge [sflag:s9], $0x1000  }
0x86: {  	s3 =	simm.s32 @!p0 $0xA110;
	[sflag:s9] =	ssyncset.done $0x0  }
0x87: {  	s16 =	simm.s32 @!p0 $0x100;
	s20 =	simm.s32 @!p0 $0x20;
	[sflag:s9] =	ssyncadd.s32 $0xFFFFF000  }
0x88: {  	[tilespmem:s3], [sflag:$0x1] =	stream.indirect.gather @!p0 [hbm4b:s4+s20], $0x80, s16, s20, $0xb8;
	[tilespmem:$0x1E510] =	vst v63  }
0x89: {  	p0 =	sle.u32 s8, $0x9;
	_ =	swait.ge [sflag:s10], $0x1000  }
0x8a: {  	s3 =	simm.s32 @!p0 $0xB110;
	[sflag:s10] =	ssyncset.done $0x0  }
0x8b: {  	s16 =	simm.s32 @!p0 $0x120;
	s20 =	simm.s32 @!p0 $0x20;
	[sflag:s10] =	ssyncadd.s32 $0xFFFFF000  }
0x8c: {  	[tilespmem:s3], [sflag:$0x2] =	stream.indirect.gather @!p0 [hbm4b:s4+s20], $0x80, s16, s20, $0xb8;
	[tilespmem:$0x1E510] =	vst v63  }
0x8d: {  	p0 =	sle.u32 s8, $0xA;
	_ =	swait.ge [sflag:s11], $0x1000  }
0x8e: {  	s3 =	simm.s32 @!p0 $0xC110;
	[sflag:s11] =	ssyncset.done $0x0  }
0x8f: {  	s16 =	simm.s32 @!p0 $0x140;
	s20 =	simm.s32 @!p0 $0x20;
	[sflag:s11] =	ssyncadd.s32 $0xFFFFF000  }
0x90: {  	[tilespmem:s3], [sflag:$0x3] =	stream.indirect.gather @!p0 [hbm4b:s4+s20], $0x80, s16, s20, $0xb8;
	[tilespmem:$0x1E510] =	vst v63  }
0x91: {  	p0 =	sle.u32 s8, $0xB;
	_ =	swait.ge [sflag:s12], $0x1000  }
0x92: {  	s3 =	simm.s32 @!p0 $0xD110;
	[sflag:s12] =	ssyncset.done $0x0  }
0x93: {  	s16 =	simm.s32 @!p0 $0x160;
	s20 =	simm.s32 @!p0 $0x20;
	[sflag:s12] =	ssyncadd.s32 $0xFFFFF000  }
0x94: {  	[tilespmem:s3], [sflag:$0x4] =	stream.indirect.gather @!p0 [hbm4b:s4+s20], $0x80, s16, s20, $0xb8;
	[tilespmem:$0x1E510] =	vst v63  }
0x95: {  	p0 =	sle.u32 s8, $0xC;
	_ =	swait.ge [sflag:s13], $0x1000  }
0x96: {  	s3 =	simm.s32 @!p0 $0xE110;
	[sflag:s13] =	ssyncset.done $0x0  }
0x97: {  	s16 =	simm.s32 @!p0 $0x180;
	s20 =	simm.s32 @!p0 $0x20;
	[sflag:s13] =	ssyncadd.s32 $0xFFFFF000  }
0x98: {  	[tilespmem:s3], [sflag:$0x5] =	stream.indirect.gather @!p0 [hbm4b:s4+s20], $0x80, s16, s20, $0xb8;
	[tilespmem:$0x1E510] =	vst v63  }
0x99: {  	p0 =	sle.u32 s8, $0xD;
	_ =	swait.ge [sflag:s14], $0x1000  }
0x9a: {  	s3 =	simm.s32 @!p0 $0xF110;
	[sflag:s14] =	ssyncset.done $0x0  }
0x9b: {  	s16 =	simm.s32 @!p0 $0x1A0;
	s20 =	simm.s32 @!p0 $0x20;
	[sflag:s14] =	ssyncadd.s32 $0xFFFFF000  }
0x9c: {  	[tilespmem:s3], [sflag:$0x6] =	stream.indirect.gather @!p0 [hbm4b:s4+s20], $0x80, s16, s20, $0xb8;
	[tilespmem:$0x1E510] =	vst v63  }
0x9d: {  	p0 =	sle.u32 s8, $0xE;
	_ =	swait.ge [sflag:s15], $0x1000  }
0x9e: {  	s3 =	simm.s32 @!p0 $0x10110;
	[sflag:s15] =	ssyncset.done $0x0  }
0x9f: {  	s16 =	simm.s32 @!p0 $0x1C0;
	s20 =	simm.s32 @!p0 $0x20;
	[sflag:s15] =	ssyncadd.s32 $0xFFFFF000  }
0xa0: {  	[tilespmem:s3], [sflag:$0x7] =	stream.indirect.gather @!p0 [hbm4b:s4+s20], $0x80, s16, s20, $0xb8;
	[tilespmem:$0x1E510] =	vst v63  }
0xa1: {  	p0 =	sne.s32 s8, $0x8  }
.Ltmp1:
0xa2: {  	_ = 	snop;
	(pc) =	sbr.rel @!p0 .LBB2_5-.Ltmp1, $4  }
0xa3: {  	s17 =	simm.s32 $0x11110;
	s22 =	simm.s32 $0xE110;
	p1 =	sle.u32 s8, $0xF  }
0xa4: {  	s21 =	simm.s32 @!p1 $0x20;
	s24 =	simm.s32 $0x8;
	_ =	swait.ge [sflag:s25], $0x1000  }
0xa5: {  	s31 =	simm.s32 $0xF110;
	s3 =	simm.s32 $0x400;
	[sflag:s25] =	ssyncset.done $0x0  }
0xa6: {  	s16 =	simm.s32 @!p1 $0x11110;
	s20 =	simm.s32 @!p1 $0x1E0;
	[sflag:s25] =	ssyncadd.s32 $0xFFFFF000  }
.LBB2_4:
0xa7: {  	[tilespmem:s16], [sflag:$0x8] =	stream.indirect.gather @!p1 [hbm4b:s4+s21], $0x80, s20, s21, $0xb8;
	[tilespmem:$0x1E510] =	vst v63  }
0xa8: {  	s20 =	smov.u32 s24;
	s24 =	sadd.s32 $0x8, s24;
	s16 =	smov.u32 s3  }
0xa9: {  	p0 =	sne.s32 s8, s24;
	_ =	swait.ge [sflag:s28], $0x1000  }
0xaa: {  	s21 =	sshra.s32 s3, $0x2;
	[sflag:s28] =	ssyncset.done $0x0  }
0xab: {  	s23 =	sadd.s32 $0x5080, s21;
	[sflag:s28] =	ssyncadd.s32 $0xFFFFF000  }
0xac: {  	[spmem:s2] =	stream.indirect.scatter.add.f32 [tilespmem:s26], [sflag:$0x9], $0x80, s23, s19, $0xb8;
	[tilespmem:$0x1E510] =	vst v63  }
0xad: {  	_ =	swait.ge [sflag:s30], $0x1000  }
0xae: {  	[sflag:s30] =	ssyncset.done $0x0  }
0xaf: {  	s23 =	sadd.s32 $0x50A0, s21;
	[sflag:s30] =	ssyncadd.s32 $0xFFFFF000  }
0xb0: {  	[spmem:s2] =	stream.indirect.scatter.add.f32 [tilespmem:s29], [sflag:$0xA], $0x80, s23, s19, $0xb8;
	[tilespmem:$0x1E510] =	vst v63  }
0xb1: {  	_ =	swait.ge [sflag:s0], $0x1000  }
0xb2: {  	[sflag:s0] =	ssyncset.done $0x0  }
0xb3: {  	s26 =	simm.s32 $0xC110;
	s23 =	sadd.s32 $0x50C0, s21;
	[sflag:s0] =	ssyncadd.s32 $0xFFFFF000  }
0xb4: {  	[spmem:s2] =	stream.indirect.scatter.add.f32 [tilespmem:s26], [sflag:$0xB], $0x80, s23, s19, $0xb8;
	[tilespmem:$0x1E510] =	vst v63  }
0xb5: {  	_ =	swait.ge [sflag:s18], $0x1000  }
0xb6: {  	[sflag:s18] =	ssyncset.done $0x0  }
0xb7: {  	s23 =	sadd.s32 $0x50E0, s21;
	s26 =	simm.s32 $0xD110;
	[sflag:s18] =	ssyncadd.s32 $0xFFFFF000  }
0xb8: {  	[spmem:s2] =	stream.indirect.scatter.add.f32 [tilespmem:s26], [sflag:$0xC], $0x80, s23, s19, $0xb8;
	[tilespmem:$0x1E510] =	vst v63  }
0xb9: {  	_ =	swait.ge [sflag:s1], $0x1000  }
0xba: {  	[sflag:s1] =	ssyncset.done $0x0  }
0xbb: {  	s23 =	sadd.s32 $0x5100, s21;
	[sflag:s1] =	ssyncadd.s32 $0xFFFFF000  }
0xbc: {  	[spmem:s2] =	stream.indirect.scatter.add.f32 [tilespmem:s22], [sflag:$0xD], $0x80, s23, s19, $0xb8;
	[tilespmem:$0x1E510] =	vst v63  }
0xbd: {  	_ =	swait.ge [sflag:s5], $0x1000  }
0xbe: {  	[sflag:s5] =	ssyncset.done $0x0  }
0xbf: {  	s23 =	sadd.s32 $0x5120, s21;
	[sflag:s5] =	ssyncadd.s32 $0xFFFFF000  }
0xc0: {  	[spmem:s2] =	stream.indirect.scatter.add.f32 [tilespmem:s31], [sflag:$0xE], $0x80, s23, s19, $0xb8;
	[tilespmem:$0x1E510] =	vst v63  }
0xc1: {  	_ =	swait.ge [sflag:s6], $0x1000  }
0xc2: {  	[sflag:s6] =	ssyncset.done $0x0  }
0xc3: {  	s26 =	simm.s32 $0x10110;
	s23 =	sadd.s32 $0x5140, s21;
	[sflag:s6] =	ssyncadd.s32 $0xFFFFF000  }
0xc4: {  	[spmem:s2] =	stream.indirect.scatter.add.f32 [tilespmem:s26], [sflag:$0xF], $0x80, s23, s19, $0xb8;
	[tilespmem:$0x1E510] =	vst v63  }
0xc5: {  	_ =	swait.ge [sflag:s7], $0x1000  }
0xc6: {  	[sflag:s7] =	ssyncset.done $0x0  }
0xc7: {  	s21 =	sadd.s32 $0x5160, s21;
	[sflag:s7] =	ssyncadd.s32 $0xFFFFF000  }
0xc8: {  	[spmem:s2] =	stream.indirect.scatter.add.f32 [tilespmem:s17], [sflag:$0x10], $0x80, s21, s19, $0xb8;
	[tilespmem:$0x1E510] =	vst v63  }
0xc9: {  	p1 =	sge.u32 s24, s8;
	s21 =	sadd.s32 $0x9, s20;
	_ =	swait.ge [sflag:s9], $0x1000  }
0xca: {  	s23 =	sshra.s32 @!p1 s3, $0x2;
	s26 =	simm.s32 @!p1 $0xA110;
	[sflag:s9] =	ssyncset.done $0x0  }
0xcb: {  	s29 =	simm.s32 @!p1 $0x20;
	s23 =	sadd.s32 @!p1 $0x100, s23;
	[sflag:s9] =	ssyncadd.s32 $0xFFFFF000  }
0xcc: {  	[tilespmem:s26], [sflag:$0x1] =	stream.indirect.gather @!p1 [hbm4b:s4+s29], $0x80, s23, s29, $0xb8;
	[tilespmem:$0x1E510] =	vst v63  }
0xcd: {  	p1 =	sge.u32 s21, s8;
	s21 =	sadd.s32 $0xA, s20;
	_ =	swait.ge [sflag:s10], $0x1000  }
0xce: {  	s23 =	sshra.s32 @!p1 s3, $0x2;
	s26 =	simm.s32 @!p1 $0xB110;
	[sflag:s10] =	ssyncset.done $0x0  }
0xcf: {  	s29 =	simm.s32 @!p1 $0x20;
	s23 =	sadd.s32 @!p1 $0x120, s23;
	[sflag:s10] =	ssyncadd.s32 $0xFFFFF000  }
0xd0: {  	[tilespmem:s26], [sflag:$0x2] =	stream.indirect.gather @!p1 [hbm4b:s4+s29], $0x80, s23, s29, $0xb8;
	[tilespmem:$0x1E510] =	vst v63  }
0xd1: {  	p1 =	sge.u32 s21, s8;
	s21 =	sadd.s32 $0xB, s20;
	_ =	swait.ge [sflag:s11], $0x1000  }
0xd2: {  	s23 =	sshra.s32 @!p1 s3, $0x2;
	s26 =	simm.s32 @!p1 $0xC110;
	[sflag:s11] =	ssyncset.done $0x0  }
0xd3: {  	s29 =	simm.s32 @!p1 $0x20;
	s23 =	sadd.s32 @!p1 $0x140, s23;
	[sflag:s11] =	ssyncadd.s32 $0xFFFFF000  }
0xd4: {  	[tilespmem:s26], [sflag:$0x3] =	stream.indirect.gather @!p1 [hbm4b:s4+s29], $0x80, s23, s29, $0xb8;
	[tilespmem:$0x1E510] =	vst v63  }
0xd5: {  	p1 =	sge.u32 s21, s8;
	s21 =	sadd.s32 $0xC, s20;
	_ =	swait.ge [sflag:s12], $0x1000  }
0xd6: {  	s23 =	sshra.s32 @!p1 s3, $0x2;
	s26 =	simm.s32 @!p1 $0xD110;
	[sflag:s12] =	ssyncset.done $0x0  }
0xd7: {  	s29 =	simm.s32 @!p1 $0x20;
	s23 =	sadd.s32 @!p1 $0x160, s23;
	[sflag:s12] =	ssyncadd.s32 $0xFFFFF000  }
0xd8: {  	[tilespmem:s26], [sflag:$0x4] =	stream.indirect.gather @!p1 [hbm4b:s4+s29], $0x80, s23, s29, $0xb8;
	[tilespmem:$0x1E510] =	vst v63  }
0xd9: {  	p1 =	sge.u32 s21, s8;
	s21 =	sadd.s32 $0xD, s20;
	_ =	swait.ge [sflag:s13], $0x1000  }
0xda: {  	s23 =	sshra.s32 @!p1 s3, $0x2;
	s26 =	simm.s32 @!p1 $0xE110;
	[sflag:s13] =	ssyncset.done $0x0  }
0xdb: {  	s29 =	simm.s32 @!p1 $0x20;
	s23 =	sadd.s32 @!p1 $0x180, s23;
	[sflag:s13] =	ssyncadd.s32 $0xFFFFF000  }
0xdc: {  	[tilespmem:s26], [sflag:$0x5] =	stream.indirect.gather @!p1 [hbm4b:s4+s29], $0x80, s23, s29, $0xb8;
	[tilespmem:$0x1E510] =	vst v63  }
0xdd: {  	p1 =	sge.u32 s21, s8;
	s21 =	sadd.s32 $0xE, s20;
	_ =	swait.ge [sflag:s14], $0x1000  }
0xde: {  	s23 =	sshra.s32 @!p1 s3, $0x2;
	s26 =	simm.s32 @!p1 $0xF110;
	[sflag:s14] =	ssyncset.done $0x0  }
0xdf: {  	s29 =	simm.s32 @!p1 $0x20;
	s23 =	sadd.s32 @!p1 $0x1A0, s23;
	[sflag:s14] =	ssyncadd.s32 $0xFFFFF000  }
0xe0: {  	[tilespmem:s26], [sflag:$0x6] =	stream.indirect.gather @!p1 [hbm4b:s4+s29], $0x80, s23, s29, $0xb8;
	[tilespmem:$0x1E510] =	vst v63  }
0xe1: {  	s29 =	simm.s32 $0xB110  }
0xe2: {  	s20 =	sadd.s32 $0xF, s20;
	p1 =	sge.u32 s21, s8;
	_ =	swait.ge [sflag:s15], $0x1000  }
0xe3: {  	s21 =	sshra.s32 @!p1 s3, $0x2;
	s23 =	simm.s32 @!p1 $0x10110;
	[sflag:s15] =	ssyncset.done $0x0  }
0xe4: {  	s26 =	simm.s32 @!p1 $0x20;
	s21 =	sadd.s32 @!p1 $0x1C0, s21;
	[sflag:s15] =	ssyncadd.s32 $0xFFFFF000  }
0xe5: {  	[tilespmem:s23], [sflag:$0x7] =	stream.indirect.gather @!p1 [hbm4b:s4+s26], $0x80, s21, s26, $0xb8;
	[tilespmem:$0x1E510] =	vst v63  }
.Ltmp2:
0xe6: {  	_ = 	snop;
	(pc) =	sbr.rel @p0 .LBB2_4-.Ltmp2, $4  }
0xe7: {  	s26 =	simm.s32 $0xA110  }
0xe8: {  	s3 =	sadd.s32 $0x400, s3;
	p1 =	sge.u32 s20, s8;
	_ =	swait.ge [sflag:s25], $0x1000  }
0xe9: {  	s20 =	sshra.s32 @!p1 s16, $0x2;
	s16 =	simm.s32 @!p1 $0x11110;
	[sflag:s25] =	ssyncset.done $0x0  }
0xea: {  	s21 =	simm.s32 @!p1 $0x20;
	s20 =	sadd.s32 @!p1 $0x1E0, s20;
	[sflag:s25] =	ssyncadd.s32 $0xFFFFF000  }
.LBB2_5:
0xeb: {  	[tilespmem:s16], [sflag:$0x8] =	stream.indirect.gather @!p1 [hbm4b:s4+s21], $0x80, s20, s21, $0xb8;
	[tilespmem:$0x1E510] =	vst v63  }
0xec: {  	s3 =	stileid.u32;
	[bflag:$0x0] =	sbarrier.arrive $0xFFFF  }
0xed: {  	s3 =	sshll.u32 s3, $0x6;
	s8 =	rddreg [dreg:$0xa]  }
0xee: {  	s20 =	simm.s32 $0x11;
	s3 =	sor.u32 $0x1C11, s3;
	s22 =	rddreg [dreg:$0x10]  }
0xef: {  	[hbm:s8], [sflag:s3] =	dma.local [spmem:s22], $0x1400  }
0xf0: {  	_ =	swait.ge [sflag:s20], $0x1400  }
0xf1: {  	s23 =	rddreg [dreg:$0x4]  }
0xf2: {  	s24 =	rddreg [dreg:$0xb];
	s16 =	sadd.s32 $0x1, s23  }
0xf3: {  	p0 =	sne.s32 s16, s24  }
.Ltmp3:
0xf4: {  	_ = 	snop;
	(pc) =	sbr.rel @p0 .LBB2_1-.Ltmp3, $4  }
0xf5: {  	_ = 	snop  }
0xf6: {  	s21 =	simm.s32 $0xC110;
	s17 =	simm.s32 $0xD110  }
0xf7: {  	s31 =	simm.s32 $0x11110;
	s22 =	simm.s32 $0xE110;
	[sflag:s20] =	ssyncset.done $0x0  }
0xf8: {  	[sflag:s20] =	ssyncadd.s32 $0xFFFFEC00;
	s23 =	simm.s32 $0xF110;
	s24 =	simm.s32 $0x10110  }
0xf9: {  	_ =	sfence.sel $0x180000  }
0xfa: {  	[bflag:$0x0] =	sbarrier.arrive $0xFFFF  }
0xfb: {  	_ =	strace $0x9000004D  }
0xfc: {  	s0 =	stileid.u32;
	[bflag:$0x2] =	sbarrier.arrive $0xFFFF  }
0xfd: {  	p0 =	sne.s32 s0, $0x0;
	s0 =	rddreg [dreg:$0x3]  }
0xfe: {  	s0 =	sadd.s32 @!p0 $0x100000, s0  }
0xff: {  	[sflag:s0] =	ssyncadd.tile.s32 @!p0 $0x1;
	_ =	shalt  }
.Lfunc_end2:
_tile_overlayer_lowered:
.L_overlay_start_2:
0x100: {  	(tag) =	ssettag $0x2  }
0x101: {  	s0 =	rddreg [dreg:$0x0];
	s2 =	stileid.u32  }
0x102: {  	s1 =	rddreg [dreg:$0x1];
	p0 =	sne.s32 s2, $0x0  }
0x103: {  	s3 =	rddreg [dreg:$0x2];
	[bflag:$0x3] =	sbarrier.arrive $0xFFFF;
	s2 =	simm.s32 @!p0 $0x1C11  }
0x104: {  	[timem:s3], [sflag:s2] =	dma.local @!p0 [hbm:s0], s1  }
0x105: {  	s0 =	simm.s32 @!p0 $0x11  }
0x106: {  	_ =	swait.ge @!p0 [sflag:s0], s1  }
0x107: {  	s1 =	ssub.s32 @!p0 $0x0, s1;
	[sflag:s0] =	ssyncset.done @!p0 $0x0  }
0x108: {  	[sflag:s0] =	ssyncadd.s32 @!p0 s1  }
0x109: {  	[bflag:$0x3] =	sbarrier.arrive $0xFFFF  }
0x10a: {  	_ =	shalt  }

// kernel: kernel.9.cloned.1.call-start
scs
__scs_entry_jumppad:
0x0: {  	(pc) =	sbr.rel $0x88, $3  }
0x1: {  	(tag) =	ssettag $0x0;
	lr =	simm.s32 $0x1  }
0x2: {  	[smem:$0x3F93] =	sst lr;
	_ =	strace $0xD0000000  }
0x3: {  	_ = 	snop  }
0x4: {  	_ = 	snop  }
0x5: {  	_ = 	snop  }
0x6: {  	_ = 	snop  }
0x7: {  	_ = 	snop  }
__scs_overlays_trampoline_lowered:
0x8: {  	[smem:$0x3FA2] =	sst s0  }
0x9: {  	[smem:$0x3FA3] =	sst s1  }
0xa: {  	[smem:$0x3FA4] =	sst s2  }
0xb: {  	[smem:$0x3FA5] =	sst s3  }
0xc: {  	[smem:$0x3FA6] =	sst s4  }
0xd: {  	[smem:$0x3FA7] =	sst s5  }
0xe: {  	[smem:$0x3FA8] =	sst s6  }
0xf: {  	[smem:$0x3FA9] =	sst s7  }
0x10: {  	[smem:$0x3FAA] =	sst s8  }
0x11: {  	[smem:$0x3FAB] =	sst s9;
	s0 =	simm.s32 @!p0 $0x0  }
0x12: {  	s1 =	sld [smem:$0x3F91];
	s0 =	simm.s32 @p0 $0x1  }
0x13: {  	[smem:$0x3FAC] =	sst s0;
	s0 =	simm.s32 @!p1 $0x0  }
0x14: {  	s2 =	sld [smem:$0x3F90];
	s0 =	simm.s32 @p1 $0x1  }
0x15: {  	[smem:$0x3FAD] =	sst s0;
	s0 =	simm.s32 @!p2 $0x0  }
0x16: {  	s3 =	sld [smem:$0x3FDB];
	s0 =	simm.s32 @p2 $0x1  }
0x17: {  	s4 =	simm.s32 $0x1BF5;
	[smem:$0x3FAF] =	sst s0  }
0x18: {  	s0 =	sld [smem:$0x3F92];
	_ =	swait.ge [sflag:s4], $0x0  }
0x19: {  	s7 =	sld [smem:$0x3F93]  }
0x1a: {  	s8 =	sadd.s32 $0xFFFFE003, lr  }
0x1b: {  	s9 =	sadd.s32 $0xFFFFFEF7, lr;
	s5 =	simm.s32 $0xFFFFFFFF;
	p2 =	slt.u32 s8, $0xFFFFF086  }
0x1c: {  	p1 =	slt.u32 s9, $0xF7A;
	s5 =	simm.s32 @!p2 $0x0  }
0x1d: {  	s5 =	simm.s32 @p1 $0x1;
	p0 =	seq.s32 s7, s2  }
0x1e: {  	s7 =	smul.u32 @!p0 $0xF7A, s2;
	p2 =	seq.s32 @!p0 s5, $0x0  }
0x1f: {  	s9 =	smul.u32 $0xF7A, s1;
	s8 =	simm.s32 @!p0 $0x1BF5;
	p2 =	por !p2, p0  }
0x20: {  	[sflag:s8] =	ssyncset.s32 @!p0 $0xFFFFF086;
	s6 =	sadd.s32 @!p0 s3, s7;
	s7 =	simm.s32 @!p0 $0x108  }
0x21: {  	s3 =	sadd.s32 s3, s9;
	s6 =	sadd.s32 @!p0 $0x88, s6;
	s7 =	simm.s32 @p2 $0x1082  }
0x22: {  	[simem:s7], [sflag:s8] =	dma.local @!p0 [hbm:s6], $0xF7A  }
0x23: {  	s9 =	sor.u32 $0xD0000000, s2;
	s6 =	simm.s32 $0x108;
	_ =	swait.ge @!p0 [sflag:s8], $0x0  }
0x24: {  	s3 =	sadd.s32 $0x88, s3;
	s6 =	simm.s32 @!p1 $0x1082;
	[sflag:s4] =	ssyncset.s32 $0xFFFFF086  }
0x25: {  	[simem:s6], [sflag:s4] =	dma.local [hbm:s3], $0xF7A  }
0x26: {  	[smem:$0x3F93] =	sst s1;
	(tag) =	ssettag s2;
	_ =	strace s9  }
0x27: {  	s1 =	sld [smem:$0x3FA3]  }
0x28: {  	s2 =	sld [smem:$0x3FA4]  }
0x29: {  	s4 =	sld [smem:$0x3FA6]  }
0x2a: {  	p0 =	seq.s32 s5, $0x0;
	s5 =	sld [smem:$0x3FA7]  }
0x2b: {  	s6 =	sld [smem:$0x3FA8]  }
0x2c: {  	s7 =	sld [smem:$0x3FA9]  }
0x2d: {  	s3 =	simm.s32 $0x108;
	s8 =	sld [smem:$0x3FAA]  }
0x2e: {  	s3 =	simm.s32 @!p0 $0x1082;
	s9 =	sld [smem:$0x3FAB]  }
0x2f: {  	lr =	sadd.s32 s0, s3;
	s0 =	sld [smem:$0x3FA2]  }
0x30: {  	s3 =	sld [smem:$0x3FA5]  }
0x31: {  	[smem:$0x3FAE] =	sst s10  }
0x32: {  	s10 =	sld [smem:$0x3FAC];
	_ =	sdelay $0x3  }
0x33: {  	p0 =	seq.s32 s10, $0x1;
	s10 =	sld [smem:$0x3FAE];
	_ =	sdelay $0x3  }
0x34: {  	[smem:$0x3FAE] =	sst s10  }
0x35: {  	s10 =	sld [smem:$0x3FAD];
	_ =	sdelay $0x3  }
0x36: {  	p1 =	seq.s32 s10, $0x1;
	s10 =	sld [smem:$0x3FAE];
	_ =	sdelay $0x3  }
0x37: {  	[smem:$0x3FAE] =	sst s10  }
0x38: {  	s10 =	sld [smem:$0x3FAF]  }
0x39: {  	_ = 	snop;
	(pc) =	sbr.ind lr, $3  }
0x3a: {  	_ = 	snop  }
0x3b: {  	_ = 	snop  }
0x3c: {  	p2 =	seq.s32 s10, $0x1;
	s10 =	sld [smem:$0x3FAE]  }
0x3d: {  	_ =	shalt  }
0x3e: {  	_ =	shalt  }
0x3f: {  	_ =	shalt  }
0x40: {  	_ =	shalt  }
0x41: {  	_ =	shalt  }
0x42: {  	_ =	shalt  }
0x43: {  	_ =	shalt  }
0x44: {  	_ =	shalt  }
0x45: {  	_ =	shalt  }
0x46: {  	_ =	shalt  }
0x47: {  	_ =	shalt  }
0x48: {  	_ =	shalt  }
0x49: {  	_ =	shalt  }
0x4a: {  	_ =	shalt  }
0x4b: {  	_ =	shalt  }
0x4c: {  	_ =	shalt  }
0x4d: {  	_ =	shalt  }
0x4e: {  	_ =	shalt  }
0x4f: {  	_ =	shalt  }
0x50: {  	_ =	shalt  }
0x51: {  	_ =	shalt  }
0x52: {  	_ =	shalt  }
0x53: {  	_ =	shalt  }
0x54: {  	_ =	shalt  }
0x55: {  	_ =	shalt  }
0x56: {  	_ =	shalt  }
0x57: {  	_ =	shalt  }
0x58: {  	_ =	shalt  }
0x59: {  	_ =	shalt  }
0x5a: {  	_ =	shalt  }
0x5b: {  	_ =	shalt  }
0x5c: {  	_ =	shalt  }
0x5d: {  	_ =	shalt  }
0x5e: {  	_ =	shalt  }
0x5f: {  	_ =	shalt  }
0x60: {  	_ =	shalt  }
0x61: {  	_ =	shalt  }
0x62: {  	_ =	shalt  }
0x63: {  	_ =	shalt  }
0x64: {  	_ =	shalt  }
0x65: {  	_ =	shalt  }
0x66: {  	_ =	shalt  }
0x67: {  	_ =	shalt  }
0x68: {  	_ =	shalt  }
0x69: {  	_ =	shalt  }
0x6a: {  	_ =	shalt  }
0x6b: {  	_ =	shalt  }
0x6c: {  	_ =	shalt  }
0x6d: {  	_ =	shalt  }
0x6e: {  	_ =	shalt  }
0x6f: {  	_ =	shalt  }
0x70: {  	_ =	shalt  }
0x71: {  	_ =	shalt  }
0x72: {  	_ =	shalt  }
0x73: {  	_ =	shalt  }
0x74: {  	_ =	shalt  }
0x75: {  	_ =	shalt  }
0x76: {  	_ =	shalt  }
0x77: {  	_ =	shalt  }
0x78: {  	_ =	shalt  }
0x79: {  	_ =	shalt  }
0x7a: {  	_ =	shalt  }
0x7b: {  	_ =	shalt  }
0x7c: {  	_ =	shalt  }
0x7d: {  	_ =	shalt  }
0x7e: {  	_ =	shalt  }
0x7f: {  	_ =	shalt  }
0x80: {  	_ =	shalt  }
0x81: {  	_ =	shalt  }
0x82: {  	_ =	shalt  }
0x83: {  	_ =	shalt  }
0x84: {  	_ =	shalt  }
0x85: {  	_ =	shalt  }
0x86: {  	_ =	shalt  }
0x87: {  	_ =	shalt  }
.Lfunc_end0:
.L_simem_size_0:
called_computation_lowered:
.L_overlay_start_0:
0x88: {  	s2 =	sld [smem:$0x3FD9]  }
0x89: {  	s3 =	sld [smem:$0x3FFE];
	_ =	sdelay $0x1  }
0x8a: {  	s1 =	srdreg.scid  }
0x8b: {  	s0 =	sand.u32 $0x1, s1  }
0x8c: {  	s17 =	sshll.u32 s0, $0xA;
	s2 =	sadd.s32 s3, s2  }
0x8d: {  	s2 =	sadd.s32 s2, s17  }
0x8e: {  	[smem:$0x3FBA] =	sst s2  }
0x8f: {  	_ = 	snop  }
0x90: {  	s2 =	sld [smem:$0x3FD0];
	(tm) =	ssettm $0x1  }
0x91: {  	s18 =	sld [smem:$0x3FFB];
	_ =	sdelay $0x3  }
0x92: {  	_ =	strace s18  }
0x93: {  	s3 =	sld [smem:$0x3FFC];
	_ =	sdelay $0x3  }
0x94: {  	_ =	strace s3  }
0x95: {  	s3 =	sld [smem:$0x3FFD];
	_ =	sdelay $0x3  }
0x96: {  	_ =	strace s3  }
0x97: {  	_ =	strace $0x8FFFFFFF  }
0x98: {  	s19 =	sld [smem:$0x3FDB];
	_ =	sdelay $0x1  }
0x99: {  	s4 =	simm.s32 $_scs_section_size  }
0x9a: {  	s5 =	simm.s32 $_size__tile_overlayer_lowered;
	s6 =	simm.s32 $_tile_overlayer_lowered  }
0x9b: {  	s22 =	simm.s32 $0x1BFF;
	s21 =	sshll.u32 s6, $0x1;
	s3 =	sadd.s32 s4, s19  }
0x9c: {  	s7 =	simm.s32 $0x0;
	s20 =	sshll.u32 s5, $0x1;
	s5 =	sadd.s32 s21, s3  }
0x9d: {  	[timem:s7], [sflag:s22] =	dma.local [hbm:s5], s20  }
0x9e: {  	_ =	swait.ge [sflag:s22], s20  }
0x9f: {  	s4 =	ssub.s32 $0x0, s20;
	[sflag:s22] =	ssyncset.done $0x0  }
0xa0: {  	[sflag:s22] =	ssyncadd.s32 s4;
	_ =	sdelay $0x1  }
0xa1: {  	s23 =	simm.s32 $0x1B8B  }
0xa2: {  	_ =	swait.ge [sflag:s23], $0x1  }
0xa3: {  	[sflag:s23] =	ssyncset.done $0x0  }
0xa4: {  	s25 =	simm.s32 $0x1B8E;
	s24 =	sld [smem:$0x3FFE];
	[sflag:s23] =	ssyncadd.s32 $0xFFFFFFFF  }
0xa5: {  	s26 =	simm.s32 $execute0_lowered;
	[smem:$0x3FD2] =	sst s25  }
0xa6: {  	s5 =	sshll.u32 s26, $0x1;
	_ =	strace $0x80000046;
	[dreg:$0x1] =	wrdreg $0xFFFFFFFF  }
0xa7: {  	s28 =	simm.s32 $_size_execute0_lowered;
	s3 =	sadd.s32 s3, s5;
	[dreg:$0x0] =	wrdreg $0x0  }
0xa8: {  	s5 =	sshll.u32 s28, $0x1;
	[dreg:$0x2] =	wrdreg s3  }
0xa9: {  	[dreg:$0x3] =	wrdreg s5  }
0xaa: {  	[dreg:$0x4] =	wrdreg $0xC0  }
0xab: {  	_ =	task [dreg:s7], $0x5FFFF  }
0xac: {  	[dreg:$0x1] =	wrdreg $0xFFFFFFFF  }
0xad: {  	[dreg:$0x0] =	wrdreg $0x60  }
0xae: {  	[dreg:$0x2] =	wrdreg s24  }
0xaf: {  	[dreg:$0x3] =	wrdreg s2  }
0xb0: {  	[dreg:$0x4] =	wrdreg $0x9  }
0xb1: {  	_ =	task.clear_ibuf [dreg:s7], $0x5FFFF;
	_ =	strace $0x90000046  }
0xb2: {  	s29 =	simm.s32 $0x9;
	_ =	strace $0x80000048  }
0xb3: {  	_ =	swait.ge [sflag:s29], $0x1  }
0xb4: {  	[sflag:s29] =	ssyncadd.s32 $0xFFFFFFFF  }
0xb5: {  	_ =	strace $0x90000048  }
0xb6: {  	_ =	sfence  }
0xb7: {  	s30 =	sld [smem:$0x0];
	_ =	sdelay $0x2  }
0xb8: {  	s31 =	sshll.u32 s1, $0xD;
	s1 =	sshrl.u32 s1, $0x2  }
0xb9: {  	s3 =	sand.u32 $0x4000, s31;
	s1 =	sadd.s32 s1, s30  }
0xba: {  	s0 =	sor.u32 s3, s0;
	s1 =	sshll.u32 s1, $0x11  }
0xbb: {  	s0 =	sor.u32 s1, s0  }
0xbc: {  	s0 =	sadd.s32 $0x8F2B, s0  }
0xbd: {  	[sflag:s0] =	ssyncadd.remote.s32 $0x1  }
0xbe: {  	_ =	sfence.sel $0xFFFF  }
0xbf: {  	[dreg:$0x0] =	wrdreg $0xFFFFFFFF;
	(pc) =	sbr.abs _section_cstart, $3  }
0xc0: {  	[dreg:$0x1] =	wrdreg $0xFFFFFFFF  }
0xc1: {  	_ =	task.clear_ibuf [dreg:s7], $0x2FFFF;
	_ =	strace $0x9FFFFFFF  }
0xc2: {  	(tm) =	ssettm $0x7FFFFFFF  }
0xc3: {  	_ =	shalt  }
tec
execute0_lowered:
.L_overlay_start_1:
0x0: {  	(tag) =	ssettag $0x1  }
0x1: {  	s0 =	stileid.u32  }
0x2: {  	s1 =	srdreg.scid;
	s4 =	rddreg [dreg:$0x0]  }
0x3: {  	s7 =	rddreg [dreg:$0x1];
	s2 =	simm.s32 $0x0;
	s3 =	smul.u32 $0x9C4, s0  }
0x4: {  	s13 =	simm.s32 $0xECC0;
	s14 =	simm.s32 $0x13D40;
	s8 =	smul.u32 $0x5080, s0  }
0x5: {  	s15 =	simm.s32 $0x15540;
	s5 =	sand.u32 $0x1, s1;
	s10 =	smul.u32 $0x1800, s0  }
0x6: {  	s16 =	simm.s32 $0x0;
	s1 =	rddreg [dreg:$0x2];
	s6 =	smul.u32 $0x50800, s5  }
0x7: {  	[smem:$0x7FF] =	sst s2;
	s30 =	sshll.u32 s0, $0x1;
	s9 =	smul.u32 $0x18000, s5  }
0x8: {  	_ =	strace $0x80000047;
	s26 =	ssub.s32 $0x2, s5;
	s11 =	smul.u32 $0xFFFFEC00, s5  }
0x9: {  	s31 =	sshll.u32 s5, $0x5;
	s7 =	sadd.s32 s7, s30;
	s21 =	sadd.s32 s3, s4  }
0xa: {  	s29 =	sshrl.u32 s26, $0x1;
	s7 =	sadd.s32 s31, s7;
	s6 =	sadd.s32 s8, s6  }
0xb: {  	v1 =	vimm.f32 $0.0e+00;
	v2 =	vlaneseq.u32;
	v6 =	vimm.f32 $1.000000000e+00;
	s23 =	sadd.s32 s10, s9;
	s12 =	ssub.s32 s26, s29;
	s3 =	sadd.s32 $0xDC00, s21  }
0xc: {  	v7 =	vimm.s32 $0x0;
	v3 =	vor.u32 $0x80000000, v2;
	v0 =	vmov s11;
	s10 =	simm.s32 $0x1;
	s11 =	simm.s32 $0x4E20;
	s22 =	sshrl.u32 s6, $0x3  }
0xd: {  	v4 =	vor.u32 $0x80000020, v2;
	v5 =	vor.u32 $0x1400, v2;
	v8 =	vor.u32 $0x1410, v2;
	s25 =	sshrl.u32 s23, $0x3;
	s9 =	smax.u32 s12, $0x1;
	s12 =	simm.s32 $0x9C40  }
0xe: {  	v9 =	vor.u32 $0x1420, v2;
	v10 =	vor.u32 $0x1430, v2;
	v11 =	vor.u32 $0x1440, v2;
	s24 =	sadd.s32 s22, s4;
	s28 =	sadd.s32 s25, s4;
	s4 =	sadd.s32 $0x3E00, s21  }
0xf: {  	v12 =	vor.u32 $0x1450, v2;
	v13 =	vor.u32 $0x1460, v2;
	v14 =	vor.u32 $0x1470, v2;
	s5 =	sadd.s32 $0x1DA00, s24;
	s6 =	sadd.s32 $0x31C00, s24;
	s8 =	sadd.s32 $0x17A00, s28  }
.LBB2_1:
0x10: {  	s17 =	simm.s32 $0x0;
	s18 =	simm.s32 $0x200  }
.LBB2_2:
0x11: {  	p0 =	sne.s32 s18, $0x5E00;
	[tilespmem:s17+$0x13DB0] =	vst v1  }
0x12: {  	[tilespmem:s17+$0x13D40] =	vst v1  }
0x13: {  	[tilespmem:s17+$0x13D50] =	vst v1  }
.Ltmp0:
0x14: {  	[tilespmem:s17+$0x13D60] =	vst v1;
	(pc) =	sbr.rel @p0 .LBB2_2-.Ltmp0, $4  }
0x15: {  	[tilespmem:s17+$0x13D70] =	vst v1  }
0x16: {  	[tilespmem:s17+$0x13D80] =	vst v1  }
0x17: {  	[tilespmem:s17+$0x13D90] =	vst v1  }
0x18: {  	[tilespmem:s17+$0x13DA0] =	vst v1;
	s17 =	sshra.s32 s18, $0x2;
	s18 =	sadd.s32 $0x200, s18  }
0x19: {  	[tilespmem:s17+$0x13DB0] =	vst v1  }
0x1a: {  	[tilespmem:s17+$0x13D40] =	vst v1  }
0x1b: {  	[tilespmem:s17+$0x13D50] =	vst v1  }
0x1c: {  	[tilespmem:s17+$0x13D60] =	vst v1  }
0x1d: {  	[tilespmem:s17+$0x13D70] =	vst v1  }
0x1e: {  	[tilespmem:s17+$0x13D80] =	vst v1  }
0x1f: {  	[tilespmem:s17+$0x13D90] =	vst v1  }
0x20: {  	[tilespmem:s17+$0x13DA0] =	vst v1;
	s17 =	simm.s32 $0x0  }
0x21: {  	[tilespmem:s17], [sflag:$0x1] =	stream.linear.gather [hbm4b:s3+s17], $0x4E20, $0x38;
	[tilespmem:$0x15550] =	vst v63  }
0x22: {  	_ =	swait.ge [sflag:s10], $0x4E20  }
0x23: {  	[sflag:s10] =	ssyncset.done $0x0  }
0x24: {  	[sflag:s10] =	ssyncadd.s32 $0xFFFFB1E0  }
0x25: {  	[tilespmem:s11], [sflag:$0x1] =	stream.linear.gather [hbm4b:s4+s17], $0x4E20, $0x38;
	[tilespmem:$0x15550] =	vst v63  }
0x26: {  	_ =	swait.ge [sflag:s10], $0x4E20  }
0x27: {  	[sflag:s10] =	ssyncset.done $0x0  }
0x28: {  	s19 =	simm.s32 $0x0;
	s18 =	simm.s32 $0x40;
	[sflag:s10] =	ssyncadd.s32 $0xFFFFB1E0  }
.LBB2_4:
0x29: {  	p0 =	sne.s32 s18, $0x13840;
	v15 =	vld [tilespmem:s19+$0x4E20]  }
0x2a: {  	v16 =	vld [tilespmem:s19+$0x0];
	_ =	sdelay $0x3  }
0x2b: {  	v15 =	vadd.s32 v0, v15  }
0x2c: {  	vm0 =	vlt.u32 v15, $0x1400  }
0x2d: {  	v17 =	vsel vm0, v4, v3;
	v18 =	vmpcnt.ones.xlane vm0  }
0x2e: {  	(xrf1) =	vsort.dscd.msk.u32 $0xffff, v17, v16  }
0x2f: {  	(xrf1) =	vsort.dscd.msk.u32 $0xffff, v17, v15;
	(v2sf) =	vpush v18, $0x0;
	_ =	sdelay $0x8  }
0x30: {  	v16 =	vadd.s32 s17, v2;
	_ =	sdelay $0x1  }
0x31: {  	v15 =	vsel vm0, v15, v5  }
.Ltmp1:
0x32: {  	(pc) =	sbr.rel @p0 .LBB2_4-.Ltmp1, $4  }
0x33: {  	_, v17, _ =	vpop (xrf1)  }
0x34: {  	[tilespmem:v16+s12+$0x0] =	vst.idx.msk $0xffff, v17;
	_, v17, _ =	vpop (xrf1)  }
0x35: {  	[tilespmem:v16+s13+$0x0] =	vst.idx.msk $0xffff, v17;
	s20 =	spop (v2sf)  }
0x36: {  	s19 =	sshra.s32 s18, $0x2;
	s18 =	sadd.s32 $0x40, s18;
	[tilespmem:v15+s14+$0x0] =	vst.idx.add.f32.msk $0xffff, v6;
	s17 =	sadd.s32 s17, s20  }
0x37: {  	v15 =	vld [tilespmem:s19+$0x4E20];
	_ =	sdelay $0x4  }
0x38: {  	v15 =	vadd.s32 v0, v15  }
0x39: {  	vm0 =	vlt.u32 v15, $0x1400  }
0x3a: {  	v16 =	vmpcnt.ones.xlane vm0  }
0x3b: {  	v17 =	vld [tilespmem:s19+$0x0]  }
0x3c: {  	(v2sf) =	vpush v16, $0x0;
	_ =	sdelay $0x2  }
0x3d: {  	v45 =	vsel vm0, v4, v3  }
0x3e: {  	(xrf1) =	vsort.dscd.msk.u32 $0xffff, v45, v17  }
0x3f: {  	(xrf1) =	vsort.dscd.msk.u32 $0xffff, v45, v15;
	_ =	sdelay $0x8  }
0x40: {  	v46 =	vadd.s32 s17, v2  }
0x41: {  	s18 =	spop (v2sf)  }
0x42: {  	v15 =	vsel vm0, v15, v5;
	s17 =	sadd.s32 s17, s18  }
0x43: {  	v47 =	vadd.s32 s17, v2  }
0x44: {  	_, v18, _ =	vpop (xrf1);
	s18 =	sadd.s32 $0x10, s17  }
0x45: {  	[tilespmem:v46+s12+$0x0] =	vst.idx.msk $0xffff, v18;
	_, v48, _ =	vpop (xrf1);
	v19 =	vadd.s32 s18, v2  }
0x46: {  	[tilespmem:v46+s13+$0x0] =	vst.idx.msk $0xffff, v48;
	s21 =	sadd.s32 $0x20, s17  }
0x47: {  	[tilespmem:v15+s14+$0x0] =	vst.idx.add.f32.msk $0xffff, v6;
	v15 =	vadd.s32 s21, v2  }
0x48: {  	s22 =	sadd.s32 $0x30, s17;
	[tilespmem:v47+s12+$0x0] =	vst.idx.msk $0xffff, v7  }
0x49: {  	v49 =	vadd.s32 s22, v2;
	[tilespmem:v47+s13+$0x0] =	vst.idx.msk $0xffff, v5  }
0x4a: {  	s23 =	sadd.s32 $0x40, s17;
	[tilespmem:v19+s12+$0x0] =	vst.idx.msk $0xffff, v7  }
0x4b: {  	v50 =	vadd.s32 s23, v2;
	[tilespmem:v19+s13+$0x0] =	vst.idx.msk $0xffff, v8  }
0x4c: {  	s24 =	sadd.s32 $0x50, s17;
	[tilespmem:v15+s12+$0x0] =	vst.idx.msk $0xffff, v7  }
0x4d: {  	[tilespmem:v15+s13+$0x0] =	vst.idx.msk $0xffff, v9;
	v15 =	vadd.s32 s24, v2  }
0x4e: {  	s25 =	sadd.s32 $0x60, s17;
	[tilespmem:v49+s12+$0x0] =	vst.idx.msk $0xffff, v7  }
0x4f: {  	v51 =	vadd.s32 s25, v2;
	[tilespmem:v49+s13+$0x0] =	vst.idx.msk $0xffff, v10  }
0x50: {  	s26 =	sadd.s32 $0x70, s17;
	[tilespmem:v50+s12+$0x0] =	vst.idx.msk $0xffff, v7  }
0x51: {  	v52 =	vadd.s32 s26, v2;
	[tilespmem:v50+s13+$0x0] =	vst.idx.msk $0xffff, v11  }
0x52: {  	s28 =	sadd.s32 $0x80, s17;
	[tilespmem:v15+s12+$0x0] =	vst.idx.msk $0xffff, v7  }
0x53: {  	[tilespmem:v15+s13+$0x0] =	vst.idx.msk $0xffff, v12;
	v15 =	vadd.s32 s28, v2  }
0x54: {  	s29 =	sadd.s32 $0x90, s17;
	[tilespmem:v51+s12+$0x0] =	vst.idx.msk $0xffff, v7  }
0x55: {  	v53 =	vadd.s32 s29, v2;
	[tilespmem:v51+s13+$0x0] =	vst.idx.msk $0xffff, v13  }
0x56: {  	s30 =	sadd.s32 $0xA0, s17;
	[tilespmem:v52+s12+$0x0] =	vst.idx.msk $0xffff, v7  }
0x57: {  	v54 =	vadd.s32 s30, v2;
	[tilespmem:v52+s13+$0x0] =	vst.idx.msk $0xffff, v14  }
0x58: {  	s31 =	sadd.s32 $0xB0, s17;
	[tilespmem:v15+s12+$0x0] =	vst.idx.msk $0xffff, v7  }
0x59: {  	[tilespmem:v15+s13+$0x0] =	vst.idx.msk $0xffff, v5;
	v15 =	vadd.s32 s31, v2  }
0x5a: {  	s19 =	sadd.s32 $0xC0, s17;
	[tilespmem:v53+s12+$0x0] =	vst.idx.msk $0xffff, v7  }
0x5b: {  	v55 =	vadd.s32 s19, v2;
	[tilespmem:v53+s13+$0x0] =	vst.idx.msk $0xffff, v8  }
0x5c: {  	s20 =	sadd.s32 $0xD0, s17;
	[tilespmem:v54+s12+$0x0] =	vst.idx.msk $0xffff, v7  }
0x5d: {  	v56 =	vadd.s32 s20, v2;
	[tilespmem:v54+s13+$0x0] =	vst.idx.msk $0xffff, v9  }
0x5e: {  	s21 =	sadd.s32 $0xE0, s17;
	[tilespmem:v15+s12+$0x0] =	vst.idx.msk $0xffff, v7  }
0x5f: {  	[tilespmem:v15+s13+$0x0] =	vst.idx.msk $0xffff, v10;
	v15 =	vadd.s32 s21, v2  }
0x60: {  	s22 =	sadd.s32 $0xF0, s17;
	[tilespmem:v55+s12+$0x0] =	vst.idx.msk $0xffff, v7  }
0x61: {  	v57 =	vadd.s32 s22, v2;
	[tilespmem:v55+s13+$0x0] =	vst.idx.msk $0xffff, v11  }
0x62: {  	s23 =	sadd.s32 $0x100, s17;
	[tilespmem:v56+s12+$0x0] =	vst.idx.msk $0xffff, v7  }
0x63: {  	v58 =	vadd.s32 s23, v2;
	[tilespmem:v56+s13+$0x0] =	vst.idx.msk $0xffff, v12  }
0x64: {  	s24 =	sadd.s32 $0x110, s17;
	[tilespmem:v15+s12+$0x0] =	vst.idx.msk $0xffff, v7  }
0x65: {  	[tilespmem:v15+s13+$0x0] =	vst.idx.msk $0xffff, v13;
	v15 =	vadd.s32 s24, v2  }
0x66: {  	s25 =	sadd.s32 $0x120, s17;
	[tilespmem:v57+s12+$0x0] =	vst.idx.msk $0xffff, v7  }
0x67: {  	v59 =	vadd.s32 s25, v2;
	[tilespmem:v57+s13+$0x0] =	vst.idx.msk $0xffff, v14  }
0x68: {  	s26 =	sadd.s32 $0x130, s17;
	[tilespmem:v58+s12+$0x0] =	vst.idx.msk $0xffff, v7  }
0x69: {  	v60 =	vadd.s32 s26, v2;
	[tilespmem:v58+s13+$0x0] =	vst.idx.msk $0xffff, v5  }
0x6a: {  	s28 =	sadd.s32 $0x140, s17;
	[tilespmem:v15+s12+$0x0] =	vst.idx.msk $0xffff, v7  }
0x6b: {  	[tilespmem:v15+s13+$0x0] =	vst.idx.msk $0xffff, v8;
	v15 =	vadd.s32 s28, v2  }
0x6c: {  	s29 =	sadd.s32 $0x150, s17;
	[tilespmem:v59+s12+$0x0] =	vst.idx.msk $0xffff, v7  }
0x6d: {  	v61 =	vadd.s32 s29, v2;
	[tilespmem:v59+s13+$0x0] =	vst.idx.msk $0xffff, v9  }
0x6e: {  	s30 =	sadd.s32 $0x160, s17;
	[tilespmem:v60+s12+$0x0] =	vst.idx.msk $0xffff, v7  }
0x6f: {  	v62 =	vadd.s32 s30, v2;
	[tilespmem:v60+s13+$0x0] =	vst.idx.msk $0xffff, v10  }
0x70: {  	s31 =	sadd.s32 $0x170, s17;
	[tilespmem:v15+s12+$0x0] =	vst.idx.msk $0xffff, v7  }
0x71: {  	[tilespmem:v15+s13+$0x0] =	vst.idx.msk $0xffff, v11;
	v15 =	vadd.s32 s31, v2  }
0x72: {  	[tilespmem:v61+s12+$0x0] =	vst.idx.msk $0xffff, v7  }
0x73: {  	[tilespmem:v61+s13+$0x0] =	vst.idx.msk $0xffff, v12  }
0x74: {  	[tilespmem:v62+s12+$0x0] =	vst.idx.msk $0xffff, v7  }
0x75: {  	[tilespmem:v62+s13+$0x0] =	vst.idx.msk $0xffff, v13  }
0x76: {  	[tilespmem:v15+s12+$0x0] =	vst.idx.msk $0xffff, v7  }
0x77: {  	v63 =	vmov s17;
	[tilespmem:v15+s13+$0x0] =	vst.idx.msk $0xffff, v14  }
0x78: {  	[tilespmem:$0x15540] =	vst v63  }
0x79: {  	[hbm4b:s5+s2] =	stream.linear.scatter [tilespmem:s12], [sflag:$0x1], $0x5080, $0x38;
	[tilespmem:$0x15550] =	vst v63  }
0x7a: {  	_ =	swait.ge [sflag:s10], $0x5080  }
0x7b: {  	[sflag:s10] =	ssyncset.done $0x0  }
0x7c: {  	[sflag:s10] =	ssyncadd.s32 $0xFFFFAF80  }
0x7d: {  	[hbm4b:s6+s2] =	stream.linear.scatter [tilespmem:s13], [sflag:$0x1], $0x5080, $0x38;
	[tilespmem:$0x15550] =	vst v63  }
0x7e: {  	_ =	swait.ge [sflag:s10], $0x5080  }
0x7f: {  	[sflag:s10] =	ssyncset.done $0x0  }
0x80: {  	[sflag:s10] =	ssyncadd.s32 $0xFFFFAF80  }
0x81: {  	[hbm4b:s7+s2] =	stream.linear.scatter [tilespmem:s15], [sflag:$0x1], $0x10, $0x38;
	[tilespmem:$0x15550] =	vst v63  }
0x82: {  	s16 =	sadd.s32 $0x1, s16;
	_ =	swait.ge [sflag:s10], $0x10  }
0x83: {  	p0 =	sne.s32 s16, s9;
	[sflag:s10] =	ssyncset.done $0x0  }
.Ltmp2:
0x84: {  	[sflag:s10] =	ssyncadd.s32 $0xFFFFFFF0;
	(pc) =	sbr.rel @p0 .LBB2_1-.Ltmp2, $4  }
0x85: {  	[hbm4b:s8+s2] =	stream.linear.scatter [tilespmem:s14], [sflag:$0x1], $0x1800, $0x38;
	[tilespmem:$0x15550] =	vst v63  }
0x86: {  	_ =	swait.ge [sflag:s10], $0x1800  }
0x87: {  	[sflag:s10] =	ssyncset.done $0x0  }
0x88: {  	[sflag:s10] =	ssyncadd.s32 $0xFFFFE800  }
0x89: {  	_ =	sfence.sel $0x180000  }
0x8a: {  	[bflag:$0x0] =	sbarrier.arrive $0xFFFF  }
0x8b: {  	p0 =	sne.s32 s0, $0x0;
	_ =	strace $0x90000047  }
0x8c: {  	s0 =	sadd.s32 @!p0 $0x100000, s1;
	[bflag:$0x2] =	sbarrier.arrive $0xFFFF  }
0x8d: {  	[sflag:s0] =	ssyncadd.tile.s32 @!p0 $0x1;
	_ =	shalt  }
.Lfunc_end2:
_tile_overlayer_lowered:
.L_overlay_start_2:
0x8e: {  	(tag) =	ssettag $0x2  }
0x8f: {  	s0 =	rddreg [dreg:$0x0];
	s2 =	stileid.u32  }
0x90: {  	s1 =	rddreg [dreg:$0x1];
	p0 =	sne.s32 s2, $0x0  }
0x91: {  	s3 =	rddreg [dreg:$0x2];
	[bflag:$0x3] =	sbarrier.arrive $0xFFFF;
	s2 =	simm.s32 @!p0 $0x1C01  }
0x92: {  	[timem:s3], [sflag:s2] =	dma.local @!p0 [hbm:s0], s1  }
0x93: {  	s0 =	simm.s32 @!p0 $0x1  }
0x94: {  	_ =	swait.ge @!p0 [sflag:s0], s1  }
0x95: {  	s1 =	ssub.s32 @!p0 $0x0, s1;
	[sflag:s0] =	ssyncset.done @!p0 $0x0  }
0x96: {  	[sflag:s0] =	ssyncadd.s32 @!p0 s1  }
0x97: {  	[bflag:$0x3] =	sbarrier.arrive $0xFFFF  }
0x98: {  	_ =	shalt  }

</sc_bundles>
